<compile_context>
chip_gen: v7x
topology: tpu7x:2x2x1
jax: 0.10.2.dev20260603
libtpu: 0.0.44.dev20260713+nightly
codegen_flags: <defaults>
</compile_context>

<pallas_src>
import functools

import jax
import jax.numpy as jnp
from jax import lax
from jax.experimental import pallas as pl
from jax.experimental.pallas import tpu as pltpu
from jax.experimental.pallas import tpu_sc as plsc

BATCH = 2
N = 1024
D = 128
KNN = 128
NLAYERS = 4
BLK = 128
NBLK = N // BLK
NCHUNK = N // 128

_f32 = jnp.float32
_i32 = jnp.int32


def _dgT(a, b, precision=None):
    return lax.dot_general(a, b, (((1,), (1,)), ((), ())),
                           preferred_element_type=_f32, precision=precision)


def _prep_body(wk_ref, wv_ref, wp2_ref, wo_ref, bv_ref, bp2_ref, bo_ref,
               wvwo_ref, wp2wo_ref, misc_ref):
    wo = wo_ref[0]
    wvwo_ref[0] = jnp.dot(wv_ref[0], wo, preferred_element_type=_f32)
    wp2wo_ref[0] = jnp.dot(wp2_ref[0], wo, preferred_element_type=_f32)
    ones = jnp.ones((1, D), _f32)
    wks = _dgT(ones, wk_ref[0])
    w2s = _dgT(ones, wp2_ref[0])
    cvec = lax.dot_general(bv_ref[0] + bp2_ref[0], wo,
                           (((1,), (0,)), ((), ())),
                           preferred_element_type=_f32) + bo_ref[0]
    misc_ref[0] = jnp.concatenate(
        [wks, w2s, cvec, jnp.zeros((5, 128), _f32)], axis=0)


def _prep(params):
    wk = jnp.stack([p['Wk'] for p in params])
    wv = jnp.stack([p['Wv'] for p in params])
    wp2 = jnp.stack([p['Wp2'] for p in params])
    wo = jnp.stack([p['Wo'] for p in params])
    bv = jnp.stack([p['bv'][None, :] for p in params])
    bp2 = jnp.stack([p['bp2'][None, :] for p in params])
    bo = jnp.stack([p['bo'][None, :] for p in params])
    full = pl.BlockSpec((1, D, D), lambda l: (l, 0, 0))
    row = pl.BlockSpec((1, 1, D), lambda l: (l, 0, 0))
    return pl.pallas_call(
        _prep_body,
        grid=(NLAYERS,),
        in_specs=[full, full, full, full, row, row, row],
        out_specs=[full, full, pl.BlockSpec((1, 8, 128), lambda l: (l, 0, 0))],
        out_shape=[
            jax.ShapeDtypeStruct((NLAYERS, D, D), _f32),
            jax.ShapeDtypeStruct((NLAYERS, D, D), _f32),
            jax.ShapeDtypeStruct((NLAYERS, 8, 128), _f32),
        ],
    )(wk, wv, wp2, wo, bv, bp2, bo)


def _sortable(d):
    i = lax.bitcast_convert_type(d, _i32)
    return jnp.where(i >= 0, i, i ^ jnp.int32(0x7FFFFFFF))


def _lane_cumsum(x):
    acc = x
    sh = 1
    while sh < N:
        z = jnp.zeros((BLK, sh), _f32)
        acc = acc + jnp.concatenate([z, acc[:, :-sh]], axis=1)
        sh *= 2
    return acc


def _knn_body(xyz_ref, xyzb_ref, pos_ref, xyzT_ref):
    i = pl.program_id(1)
    xyzf = xyz_ref[0]
    blk = xyzb_ref[0]
    s2 = jnp.sum(blk * blk, axis=1, keepdims=True)
    eye3 = jnp.eye(3, dtype=_f32)
    key_chunks = []
    xt_rows = []
    for hi in range(NCHUNK):
        ch = xyzf[hi * 128:(hi + 1) * 128, :]
        xt = _dgT(eye3, ch, precision=lax.Precision.HIGHEST)
        cross = lax.dot_general(
            blk.astype(jnp.bfloat16), ch.astype(jnp.bfloat16),
            (((1,), (1,)), ((), ())), preferred_element_type=_f32)
        d2 = jnp.sum(xt * xt, axis=0, keepdims=True)
        dist = s2 + d2 - 2.0 * cross
        key_chunks.append(_sortable(dist))
        xt_rows.append(xt)
    keys = jnp.concatenate(key_chunks, axis=1)

    @pl.when(i == 0)
    def _():
        xyzT_ref[0] = jnp.concatenate(
            [jnp.concatenate([xt_rows[hi][c:c + 1, :] for hi in range(NCHUNK)],
                             axis=0) for c in range(3)], axis=0)

    ones_row = jnp.ones((1, N), _f32)
    kf = jnp.float32(KNN)
    lo = jnp.full((BLK, 1), jnp.iinfo(jnp.int32).min, _i32)
    hi_b = jnp.full((BLK, 1), jnp.iinfo(jnp.int32).max, _i32)
    for _ in range(32):
        mid = (lo >> 1) + (hi_b >> 1) + (lo & hi_b & 1)
        ind = (keys <= mid).astype(_f32)
        cnt = _dgT(ind, ones_row)
        pred = cnt >= kf
        hi_b = jnp.where(pred, mid, hi_b)
        lo = jnp.where(pred, lo, mid + 1)
    thr = lo

    sel_lt = (keys < thr).astype(_f32)
    ties = (keys == thr).astype(_f32)
    cnt_lt = _dgT(sel_lt, ones_row)
    need = kf - cnt_lt
    tie_excl = _lane_cumsum(ties) - ties
    sel = sel_lt + ties * (tie_excl < need).astype(_f32)
    rank_excl = _lane_cumsum(sel) - sel
    pos_ref[0] = jnp.where(sel > 0.5, rank_excl.astype(_i32), jnp.int32(-1))


def _knn(xyz):
    return pl.pallas_call(
        _knn_body,
        grid=(BATCH, NBLK),
        in_specs=[pl.BlockSpec((1, N, 3), lambda b, i: (b, 0, 0)),
                  pl.BlockSpec((1, BLK, 3), lambda b, i: (b, i, 0))],
        out_specs=[
            pl.BlockSpec((1, BLK, N), lambda b, i: (b, i, 0)),
            pl.BlockSpec((1, 24, 128), lambda b, i: (b, 0, 0)),
        ],
        out_shape=[
            jax.ShapeDtypeStruct((BATCH, N, N), _i32),
            jax.ShapeDtypeStruct((BATCH, 24, 128), _f32),
        ],
    )(xyz, xyz)


_ROWS = BATCH * N
_NW = 32
_RPW = _ROWS // _NW
_RB = 8


def _sc_compact_body(pos_hbm, idx_hbm, pos_v, idx_v):
    wid = lax.axis_index("s") * 2 + lax.axis_index("c")

    def outer(t, _):
        base = wid * _RPW + t * _RB
        pltpu.sync_copy(pos_hbm.at[pl.ds(base * N, _RB * N)], pos_v)

        def chunk_body(ci, _):
            pv = pos_v[pl.ds(ci * 16, 16)]
            mask = pv >= 0
            pvc = jnp.maximum(pv, 0)
            r = (ci * 16) // N
            jv = lax.iota(_i32, 16) + (ci * 16 - r * N)
            plsc.store_scatter(idx_v, [pvc + r * KNN], jv, mask=mask)
            return 0

        lax.fori_loop(0, _RB * N // 16, chunk_body, 0)
        pltpu.sync_copy(idx_v, idx_hbm.at[pl.ds(base * KNN, _RB * KNN)])
        return 0

    lax.fori_loop(0, _RPW // _RB, outer, 0)


def _sc_compact(pos):
    mesh = plsc.VectorSubcoreMesh(core_axis_name="c", subcore_axis_name="s")
    kern = functools.partial(
        pl.kernel,
        mesh=mesh,
        compiler_params=pltpu.CompilerParams(needs_layout_passes=False),
        out_type=jax.ShapeDtypeStruct((_ROWS * KNN,), _i32),
        scratch_types=[
            pltpu.VMEM((_RB * N,), _i32),
            pltpu.VMEM((_RB * KNN,), _i32),
        ],
    )(_sc_compact_body)
    idx = kern(pos.reshape(_ROWS * N))
    return idx.reshape(BATCH, N, KNN)


def _gather_lane(table_row, idx_lo):
    t = jnp.broadcast_to(table_row, (BLK, 128))
    return jnp.take_along_axis(t, idx_lo, axis=1)


def _layer_body(feat_ref, featb_ref, xyz_ref, xyzT_ref, idx_ref, pos_ref,
                wvwo_ref, wp2wo_ref, misc_ref, wp1_ref, bp1_ref, gamma_ref,
                out_ref):
    featf = feat_ref[0]
    vfo = jnp.dot(featf, wvwo_ref[...], preferred_element_type=_f32)
    wks_row = misc_ref[0:1, :]
    w2s_row = misc_ref[1:2, :]
    cvec = misc_ref[2:3, :]

    idxb = idx_ref[0]
    idx_hi = idxb >> 7
    idx_lo = idxb & 127

    xyzT = xyzT_ref[0]
    ksg = jnp.zeros((BLK, 128), _f32)
    nx = jnp.zeros((BLK, 128), _f32)
    ny = jnp.zeros((BLK, 128), _f32)
    nz = jnp.zeros((BLK, 128), _f32)
    for hi in range(NCHUNK):
        m = (idx_hi == hi)
        ks_row = _dgT(wks_row, featf[hi * 128:(hi + 1) * 128, :])
        ksg = ksg + jnp.where(m, _gather_lane(ks_row, idx_lo), 0.0)
        nx = nx + jnp.where(m, _gather_lane(xyzT[0 + hi:1 + hi, :], idx_lo), 0.0)
        ny = ny + jnp.where(m, _gather_lane(xyzT[8 + hi:9 + hi, :], idx_lo), 0.0)
        nz = nz + jnp.where(m, _gather_lane(xyzT[16 + hi:17 + hi, :], idx_lo), 0.0)

    xyzb = xyz_ref[0]
    bf16 = jnp.bfloat16
    rx = (xyzb[:, 0:1] - nx).astype(bf16)
    ry = (xyzb[:, 1:2] - ny).astype(bf16)
    rz = (xyzb[:, 2:3] - nz).astype(bf16)

    wp1 = wp1_ref[...].astype(bf16)
    bp1b = bp1_ref[...].astype(bf16)
    h = (bp1b[0, :][None, None, :]
         + rz[:, :, None] * wp1[2, :][None, None, :])
    h = h + ry[:, :, None] * wp1[1, :][None, None, :]
    h = h + rx[:, :, None] * wp1[0, :][None, None, :]
    r = jnp.maximum(h, jnp.bfloat16(0.0))
    w2sb = w2s_row.astype(bf16)
    rw = jnp.sum(r * w2sb[0, :][None, None, :], axis=2,
                 dtype=_f32)

    logits = rw - ksg
    m = jnp.max(logits, axis=1, keepdims=True)
    e = jnp.exp(logits - m)
    attn = e / jnp.sum(e, axis=1, keepdims=True)

    gr = jnp.sum(attn.astype(bf16)[:, :, None] * r, axis=1,
                 dtype=_f32)

    posb = pos_ref[0]
    g = jnp.zeros((BLK, D), _f32)
    for hi in range(NCHUNK):
        pc = posb[:, hi * 128:(hi + 1) * 128]
        ac = jnp.where(pc >= 0,
                       jnp.take_along_axis(attn, jnp.maximum(pc, 0), axis=1),
                       0.0)
        g = g + jnp.dot(ac, vfo[hi * 128:(hi + 1) * 128, :],
                        preferred_element_type=_f32)
    g = g + jnp.dot(gr, wp2wo_ref[...], preferred_element_type=_f32) + cvec
    out_ref[0] = featb_ref[0] + gamma_ref[...] * g


def _layer(feat, xyz, xyzT, idx, pos, wvwo, wp2wo, misc, wp1, bp1, gamma):
    return pl.pallas_call(
        _layer_body,
        grid=(BATCH, NBLK),
        in_specs=[
            pl.BlockSpec((1, N, D), lambda b, i: (b, 0, 0)),
            pl.BlockSpec((1, BLK, D), lambda b, i: (b, i, 0)),
            pl.BlockSpec((1, BLK, 3), lambda b, i: (b, i, 0)),
            pl.BlockSpec((1, 24, 128), lambda b, i: (b, 0, 0)),
            pl.BlockSpec((1, BLK, KNN), lambda b, i: (b, i, 0)),
            pl.BlockSpec((1, BLK, N), lambda b, i: (b, i, 0)),
            pl.BlockSpec((D, D), lambda b, i: (0, 0)),
            pl.BlockSpec((D, D), lambda b, i: (0, 0)),
            pl.BlockSpec((8, 128), lambda b, i: (0, 0)),
            pl.BlockSpec((3, 128), lambda b, i: (0, 0)),
            pl.BlockSpec((1, 128), lambda b, i: (0, 0)),
            pl.BlockSpec((1, 1), lambda b, i: (0, 0)),
        ],
        out_specs=pl.BlockSpec((1, BLK, D), lambda b, i: (b, i, 0)),
        out_shape=jax.ShapeDtypeStruct((BATCH, N, D), _f32),
    )(feat, feat, xyz, xyzT, idx, pos, wvwo, wp2wo, misc, wp1, bp1, gamma)


def kernel(xyz, feat, params):
    wvwo, wp2wo, misc = _prep(params)
    pos, xyzT = _knn(xyz)
    idx = _sc_compact(pos)
    for l in range(NLAYERS):
        p = params[l]
        feat = _layer(feat, xyz, xyzT, idx, pos,
                      wvwo[l], wp2wo[l], misc[l],
                      p['Wp1'], p['bp1'][None, :], p['gamma'][None, :])
    return feat

# --- scband reference (transcript-rebuilt; emitter-appended) ---
"""Pipeline reference for scband-transformer-ddpmreg-net-34308198761278 (READ-ONLY COPY).

The authoritative reference and input builder live on the scoring server;
editing this copy changes nothing except your own understanding.
"""

import jax, jax.numpy as jnp
import numpy as np

D_MODEL = 128
NUM_LAYERS = 4
K = 128


def _lin_init(key, fan_in, fan_out):
    s = 1.0 / np.sqrt(fan_in)
    W = jax.random.uniform(key, (fan_in, fan_out), minval=-s, maxval=s, dtype=jnp.float32)
    b = jnp.zeros((fan_out,), dtype=jnp.float32)
    return W, b


def _init_params(key):
    params = []
    for i in range(NUM_LAYERS):
        ks = jax.random.split(jax.random.fold_in(key, i), 6)
        d = D_MODEL
        Wq, bq = _lin_init(ks[0], d, d)
        Wk, bk = _lin_init(ks[1], d, d)
        Wv, bv = _lin_init(ks[2], d, d)
        Wp1, bp1 = _lin_init(ks[3], 3, d)
        Wp2, bp2 = _lin_init(ks[4], d, d)
        Wo, bo = _lin_init(ks[5], d, d)
        gamma = jnp.full((1,), 0.1, dtype=jnp.float32)
        params.append(dict(Wq=Wq, bq=bq, Wk=Wk, bk=bk, Wv=Wv, bv=bv,
                           Wp1=Wp1, bp1=bp1, Wp2=Wp2, bp2=bp2,
                           Wo=Wo, bo=bo, gamma=gamma))
    return params


def square_distance(src, dst):
    # ||src - dst||^2 pairwise: [B, N, M]
    s2 = jnp.sum(src * src, axis=-1)[:, :, None]
    d2 = jnp.sum(dst * dst, axis=-1)[:, None, :]
    cross = jnp.einsum('bnd,bmd->bnm', src, dst)
    return s2 + d2 - 2.0 * cross


def index_points(points, idx):
    # points: [B, N, C], idx: [B, S, K] -> [B, S, K, C]
    return jax.vmap(lambda p, i: p[i])(points, idx)


def _pt_layer(p, xyz, feat, k):
    dist = square_distance(xyz, xyz)
    _, knn_idx = jax.lax.top_k(-dist, k)  # k smallest distances
    neighbor_xyz = index_points(xyz, knn_idx)    # [B, N, K, 3]
    neighbor_feat = index_points(feat, knn_idx)  # [B, N, K, D]
    q = (feat @ p['Wq'] + p['bq'])[:, :, None, :]
    kk = neighbor_feat @ p['Wk'] + p['bk']
    v = neighbor_feat @ p['Wv'] + p['bv']
    rel_pos = xyz[:, :, None, :] - neighbor_xyz
    pos_enc = jax.nn.relu(rel_pos @ p['Wp1'] + p['bp1']) @ p['Wp2'] + p['bp2']
    attn = jax.nn.softmax(jnp.sum(q - kk + pos_enc, axis=-1, keepdims=True), axis=-2)
    agg = jnp.sum(attn * (v + pos_enc), axis=2)
    out = agg @ p['Wo'] + p['bo']
    return feat + p['gamma'] * out


def setup_inputs(seed: int = 0) -> dict:
    key = jax.random.key(seed)
    k1, k2, k3 = jax.random.split(key, 3)
    xyz = jax.random.uniform(k1, (2, 1024, 3), dtype=jnp.float32)
    feat = jax.random.normal(k2, (2, 1024, D_MODEL), dtype=jnp.float32)
    params = _init_params(k3)
    return {"xyz": xyz, "feat": feat, "params": params}


def reference(xyz, feat, params):
    for p in params:
        feat = _pt_layer(p, xyz, feat, K)
    return feat

if __name__ == "__main__":
    import jax
    _d = setup_inputs()
    print(jax.jit(kernel)(*tuple(_d.values())))

</pallas_src>

<mosaic_0001>
#map = affine_map<(d0, d1) -> (0)>
module attributes {stable_mosaic.version = 14 : i64} {
  func.func @_sc_compact_body(%arg0: i32, %arg1: i32, %arg2: memref<2097152xi32, #tpu.memory_space<hbm>>, %arg3: memref<262144xi32, #tpu.memory_space<hbm>>, %arg4: memref<8192xi32, #tpu.memory_space<vmem>>, %arg5: memref<1024xi32, #tpu.memory_space<vmem>>) attributes {dimension_semantics = [#tpu.dimension_semantics<core_parallel>, #tpu.dimension_semantics<subcore_parallel>], iteration_bounds = array<i64: 2, 16>, scalar_prefetch = 0 : i64, scratch_operands = 2 : i64, tpu.core_type = #tpu.core_type<sc_vector_subcore>, window_params = [{transform_indices = #map}, {transform_indices = #map}]} {
    %mul3A = arith.constant 2 : i32
    %mul3A_0 = arith.muli %arg1, %mul3A : i32
    %add3A = arith.addi %mul3A_0, %arg0 : i32
    %scan3A = arith.constant 0 : i32
    %scan3A_1 = arith.constant 0 : i32
    %scan3A_2 = arith.constant 8 : i32
    %scan3A_3 = arith.addi %scan3A_1, %scan3A_2 : i32
    %scan3A_4 = arith.constant 1 : i32
    %scan3A_5 = scf.for %scan3A_7 = %scan3A_1 to %scan3A_3 step %scan3A_4 iter_args(%scan3A_8 = %scan3A) -> (i32)  : i32 {
      %mul3A_9 = arith.constant 64 : i32
      %mul3A_10 = arith.muli %add3A, %mul3A_9 : i32
      %mul3A_11 = arith.constant 8 : i32
      %mul3A_12 = arith.muli %scan3A_7, %mul3A_11 : i32
      %add3A_13 = arith.addi %mul3A_10, %mul3A_12 : i32
      %mul3A_14 = arith.constant 1024 : i32
      %mul3A_15 = arith.muli %add3A_13, %mul3A_14 : i32
      "tpu.region"() ({
        %run_scoped3A = tpu.sem_alloc : memref<!tpu.dma_semaphore, #tpu.memory_space<semaphore_mem>>
        %dma_start3A = tpu.memref_slice %arg2[%mul3A_15] : memref<2097152xi32, #tpu.memory_space<hbm>> -> memref<8192xi32, #tpu.memory_space<hbm>>
        %dma_start3A_26 = tpu.memref_slice %arg2[%mul3A_15] : memref<2097152xi32, #tpu.memory_space<hbm>> -> memref<8192xi32, #tpu.memory_space<hbm>>
        tpu.enqueue_dma source(%dma_start3A_26 : memref<8192xi32, #tpu.memory_space<hbm>>) target(%arg4 : memref<8192xi32, #tpu.memory_space<vmem>>) target_semaphore(%run_scoped3A : memref<!tpu.dma_semaphore, #tpu.memory_space<semaphore_mem>>)
        %dma_wait3A = tpu.memref_slice %arg2[%mul3A_15] : memref<2097152xi32, #tpu.memory_space<hbm>> -> memref<8192xi32, #tpu.memory_space<hbm>>
        %dma_wait3A_27 = tpu.memref_slice %arg2[%mul3A_15] : memref<2097152xi32, #tpu.memory_space<hbm>> -> memref<8192xi32, #tpu.memory_space<hbm>>
        tpu.wait_dma2 semaphore(%run_scoped3A : memref<!tpu.dma_semaphore, #tpu.memory_space<semaphore_mem>>) src(%dma_wait3A_27 : memref<8192xi32, #tpu.memory_space<hbm>>) dst(%arg4 : memref<8192xi32, #tpu.memory_space<vmem>>)
        tpu.yield
      }) : () -> ()
      %scan3A_16 = arith.constant 0 : i32
      %scan3A_17 = arith.constant 0 : i32
      %scan3A_18 = arith.constant 512 : i32
      %scan3A_19 = arith.addi %scan3A_17, %scan3A_18 : i32
      %scan3A_20 = arith.constant 1 : i32
      %scan3A_21 = scf.for %scan3A_26 = %scan3A_17 to %scan3A_19 step %scan3A_20 iter_args(%scan3A_27 = %scan3A_16) -> (i32)  : i32 {
        %mul3A_28 = arith.constant 16 : i32
        %mul3A_29 = arith.muli %scan3A_26, %mul3A_28 : i32
        %get3A = arith.index_cast %mul3A_29 : i32 to index
        %get3A_30 = tpu.vector_load %arg4[%get3A] {strides = array<i32>} : memref<8192xi32, #tpu.memory_space<vmem>>, vector<16xi32>,
        %ge3A = arith.constant 0 : i32
        %ge3A_31 = vector.broadcast %ge3A : i32 to vector<16xi32>
        %ge3A_32 = arith.cmpi sge, %get3A_30, %ge3A_31 : vector<16xi32>
        %max3A = arith.constant 0 : i32
        %max3A_33 = vector.broadcast %max3A : i32 to vector<16xi32>
        %max3A_34 = arith.maxsi %get3A_30, %max3A_33 : vector<16xi32>
        %mul3A_35 = arith.constant 16 : i32
        %mul3A_36 = arith.muli %scan3A_26, %mul3A_35 : i32
        %jit3A = arith.constant 1024 : i32
        %div3A = arith.divsi %mul3A_36, %jit3A : i32
        %sign3A = arith.constant 0 : i32
        %sign3A_37 = arith.cmpi sgt, %mul3A_36, %sign3A : i32
        %sign3A_38 = arith.extui %sign3A_37 : i1 to i32
        %sign3A_39 = arith.constant 0 : i32
        %sign3A_40 = arith.cmpi slt, %mul3A_36, %sign3A_39 : i32
        %sign3A_41 = arith.extui %sign3A_40 : i1 to i32
        %sign3A_42 = arith.subi %sign3A_38, %sign3A_41 : i32
        %sign3A_43 = arith.constant 0 : i32
        %sign3A_44 = arith.cmpi sgt, %jit3A, %sign3A_43 : i32
        %sign3A_45 = arith.extui %sign3A_44 : i1 to i32
        %sign3A_46 = arith.constant 0 : i32
        %sign3A_47 = arith.cmpi slt, %jit3A, %sign3A_46 : i32
        %sign3A_48 = arith.extui %sign3A_47 : i1 to i32
        %sign3A_49 = arith.subi %sign3A_45, %sign3A_48 : i32
        %ne3A = arith.cmpi ne, %sign3A_42, %sign3A_49 : i32
        %rem3A = arith.remsi %mul3A_36, %jit3A : i32
        %ne3A_50 = arith.constant 0 : i32
        %ne3A_51 = arith.cmpi ne, %rem3A, %ne3A_50 : i32
        %and3A = arith.andi %ne3A, %ne3A_51 : i1
        %sub3A = arith.constant 1 : i32
        %sub3A_52 = arith.subi %div3A, %sub3A : i32
        %select_n3A = arith.select %and3A, %sub3A_52, %div3A : i32
        %iota3A = tpu.iota {dimensions = array<i32: 0>} : vector<16xi32>
        %mul3A_53 = arith.constant 16 : i32
        %mul3A_54 = arith.muli %scan3A_26, %mul3A_53 : i32
        %mul3A_55 = arith.constant 1024 : i32
        %mul3A_56 = arith.muli %select_n3A, %mul3A_55 : i32
        %sub3A_57 = arith.subi %mul3A_54, %mul3A_56 : i32
        %add3A_58 = vector.broadcast %sub3A_57 : i32 to vector<16xi32>
        %add3A_59 = arith.addi %iota3A, %add3A_58 : vector<16xi32>
        %mul3A_60 = arith.constant 128 : i32
        %mul3A_61 = arith.muli %select_n3A, %mul3A_60 : i32
        %add3A_62 = vector.broadcast %mul3A_61 : i32 to vector<16xi32>
        %add3A_63 = arith.addi %max3A_34, %add3A_62 : vector<16xi32>
        tpu.vector_store_idx %arg5[%add3A_63], %add3A_59 masked %ge3A_32 : memref<1024xi32, #tpu.memory_space<vmem>>[vector<16xi32>], vector<16xi32>, vector<16xi1>
        %scan3A_64 = arith.constant 0 : i32
        scf.yield %scan3A_64 : i32
      }
      %scan3A_22 = arith.constant 512 : i32
      %mul3A_23 = arith.constant 128 : i32
      %mul3A_24 = arith.muli %add3A_13, %mul3A_23 : i32
      "tpu.region"() ({
        %run_scoped3A = tpu.sem_alloc : memref<!tpu.dma_semaphore, #tpu.memory_space<semaphore_mem>>
        %dma_start3A = tpu.memref_slice %arg3[%mul3A_24] : memref<262144xi32, #tpu.memory_space<hbm>> -> memref<1024xi32, #tpu.memory_space<hbm>>
        %dma_start3A_26 = tpu.memref_slice %arg3[%mul3A_24] : memref<262144xi32, #tpu.memory_space<hbm>> -> memref<1024xi32, #tpu.memory_space<hbm>>
        tpu.enqueue_dma source(%arg5 : memref<1024xi32, #tpu.memory_space<vmem>>) target(%dma_start3A_26 : memref<1024xi32, #tpu.memory_space<hbm>>) target_semaphore(%run_scoped3A : memref<!tpu.dma_semaphore, #tpu.memory_space<semaphore_mem>>)
        %dma_wait3A = tpu.memref_slice %arg3[%mul3A_24] : memref<262144xi32, #tpu.memory_space<hbm>> -> memref<1024xi32, #tpu.memory_space<hbm>>
        %dma_wait3A_27 = tpu.memref_slice %arg3[%mul3A_24] : memref<262144xi32, #tpu.memory_space<hbm>> -> memref<1024xi32, #tpu.memory_space<hbm>>
        tpu.wait_dma2 semaphore(%run_scoped3A : memref<!tpu.dma_semaphore, #tpu.memory_space<semaphore_mem>>) src(%arg5 : memref<1024xi32, #tpu.memory_space<vmem>>) dst(%dma_wait3A_27 : memref<1024xi32, #tpu.memory_space<hbm>>)
        tpu.yield
      }) : () -> ()
      %scan3A_25 = arith.constant 0 : i32
      scf.yield %scan3A_25 : i32
    }
    %scan3A_6 = arith.constant 8 : i32
    return
  }
}

module attributes {stable_mosaic.version = 14 : i64} {
  func.func @_knn_body(%arg0: i32, %arg1: i32, %arg2: memref<1x1024x3xf32, #tpu.memory_space<vmem>>, %arg3: memref<1x128x3xf32, #tpu.memory_space<vmem>>, %arg4: memref<1x128x1024xi32, #tpu.memory_space<vmem>>, %arg5: memref<1x24x128xf32, #tpu.memory_space<vmem>>) attributes {dimension_semantics = [#tpu.dimension_semantics<arbitrary>, #tpu.dimension_semantics<arbitrary>], iteration_bounds = array<i64: 2, 8>, scalar_prefetch = 0 : i64, scratch_operands = 0 : i64, tpu.core_type = #tpu.core_type<tc>, window_params = [{transform_indices = @transform_0, window_bounds = array<i64: 1, 1024, 3>}, {transform_indices = @transform_1, window_bounds = array<i64: 1, 128, 3>}, {transform_indices = @transform_2, window_bounds = array<i64: 1, 128, 1024>}, {transform_indices = @transform_3, window_bounds = array<i64: 1, 24, 128>}]} {
    %get3A = arith.constant 0 : index
    %get3A_0 = arith.constant 0 : index
    %get3A_1 = arith.constant 0 : index
    %get3A_2 = vector.load %arg2[%get3A, %get3A_0, %get3A_1] : memref<1x1024x3xf32, #tpu.memory_space<vmem>>, vector<1x1024x3xf32>
    %get3A_3 = vector.shape_cast %get3A_2 : vector<1x1024x3xf32> to vector<1024x3xf32>
    %get3A_4 = arith.constant 0 : index
    %get3A_5 = arith.constant 0 : index
    %get3A_6 = arith.constant 0 : index
    %get3A_7 = vector.load %arg3[%get3A_4, %get3A_5, %get3A_6] : memref<1x128x3xf32, #tpu.memory_space<vmem>>, vector<1x128x3xf32>
    %get3A_8 = vector.shape_cast %get3A_7 : vector<1x128x3xf32> to vector<128x3xf32>
    %mul3A = arith.mulf %get3A_8, %get3A_8 : vector<128x3xf32>
    %reduce_sum3A = arith.constant dense<0.000000e+00> : vector<128xf32>
    %reduce_sum3A_9 = vector.multi_reduction <add>, %mul3A, %reduce_sum3A [1] : vector<128x3xf32> to vector<128xf32>
    %broadcast_in_dim3A = vector.shape_cast %reduce_sum3A_9 : vector<128xf32> to vector<128x1xf32>
    %iota3A = tpu.iota {dimensions = array<i32: 0>} : vector<3x3xi32>
    %iota3A_10 = tpu.iota {dimensions = array<i32: 1>} : vector<3x3xi32>
    %add3A = arith.constant 0 : i32
    %add3A_11 = vector.broadcast %add3A : i32 to vector<3x3xi32>
    %add3A_12 = arith.addi %iota3A, %add3A_11 : vector<3x3xi32>
    %eq3A = arith.cmpi eq, %add3A_12, %iota3A_10 : vector<3x3xi32>
    %convert_element_type3A = arith.extui %eq3A : vector<3x3xi1> to vector<3x3xi32>
    %convert_element_type3A_13 = arith.sitofp %convert_element_type3A : vector<3x3xi32> to vector<3x3xf32>
    %slice3A = vector.extract_strided_slice %get3A_3 {offsets = [0, 0], sizes = [128, 3], strides = [1, 1]} : vector<1024x3xf32> to vector<128x3xf32>
    %dot_general3A = arith.constant dense<0.000000e+00> : vector<3x128xf32>
    %dot_general3A_14 = tpu.matmul %convert_element_type3A_13, %slice3A, %dot_general3A {dimension_numbers = #tpu.dot_dimension_numbers<[1], [1], [0], [0], [0, 0, 1, 0], [], []>, precision = #tpu.contract_precision<fp32>, transpose_lhs_hint = false} : vector<3x3xf32>, vector<128x3xf32>, vector<3x128xf32> -> vector<3x128xf32>
    %convert_element_type3A_15 = arith.truncf %get3A_8 : vector<128x3xf32> to vector<128x3xbf16>
    %convert_element_type3A_16 = arith.truncf %slice3A : vector<128x3xf32> to vector<128x3xbf16>
    %dot_general3A_17 = arith.constant dense<0.000000e+00> : vector<128x128xf32>
    %dot_general3A_18 = tpu.matmul %convert_element_type3A_15, %convert_element_type3A_16, %dot_general3A_17 {dimension_numbers = #tpu.dot_dimension_numbers<[1], [1], [0], [0], [0, 0, 1, 0], [], []>, transpose_lhs_hint = false} : vector<128x3xbf16>, vector<128x3xbf16>, vector<128x128xf32> -> vector<128x128xf32>
    %mul3A_19 = arith.mulf %dot_general3A_14, %dot_general3A_14 : vector<3x128xf32>
    %reduce_sum3A_20 = arith.constant dense<0.000000e+00> : vector<128xf32>
    %reduce_sum3A_21 = vector.multi_reduction <add>, %mul3A_19, %reduce_sum3A_20 [0] : vector<3x128xf32> to vector<128xf32>
    %broadcast_in_dim3A_22 = vector.shape_cast %reduce_sum3A_21 : vector<128xf32> to vector<1x128xf32>
    %add3A_23 = vector.broadcast %broadcast_in_dim3A : vector<128x1xf32> to vector<128x128xf32>
    %add3A_24 = vector.broadcast %broadcast_in_dim3A_22 : vector<1x128xf32> to vector<128x128xf32>
    %add3A_25 = arith.addf %add3A_23, %add3A_24 : vector<128x128xf32>
    %mul3A_26 = arith.constant 2.000000e+00 : f32
    %mul3A_27 = vector.broadcast %mul3A_26 : f32 to vector<128x128xf32>
    %mul3A_28 = arith.mulf %mul3A_27, %dot_general3A_18 : vector<128x128xf32>
    %sub3A = arith.subf %add3A_25, %mul3A_28 : vector<128x128xf32>
    %bitcast_convert_type3A = tpu.bitcast %sub3A : vector<128x128xf32> -> vector<128x128xi32>
    %ge3A = arith.constant 0 : i32
    %ge3A_29 = vector.broadcast %ge3A : i32 to vector<128x128xi32>
    %ge3A_30 = arith.cmpi sge, %bitcast_convert_type3A, %ge3A_29 : vector<128x128xi32>
    %xor3A = arith.constant 2147483647 : i32
    %xor3A_31 = vector.broadcast %xor3A : i32 to vector<128x128xi32>
    %xor3A_32 = arith.xori %bitcast_convert_type3A, %xor3A_31 : vector<128x128xi32>
    %select_n3A = arith.select %ge3A_30, %bitcast_convert_type3A, %xor3A_32 : vector<128x128xi1>, vector<128x128xi32>
    %slice3A_33 = vector.extract_strided_slice %get3A_3 {offsets = [128, 0], sizes = [128, 3], strides = [1, 1]} : vector<1024x3xf32> to vector<128x3xf32>
    %dot_general3A_34 = arith.constant dense<0.000000e+00> : vector<3x128xf32>
    %dot_general3A_35 = tpu.matmul %convert_element_type3A_13, %slice3A_33, %dot_general3A_34 {dimension_numbers = #tpu.dot_dimension_numbers<[1], [1], [0], [0], [0, 0, 1, 0], [], []>, precision = #tpu.contract_precision<fp32>, transpose_lhs_hint = false} : vector<3x3xf32>, vector<128x3xf32>, vector<3x128xf32> -> vector<3x128xf32>
    %convert_element_type3A_36 = arith.truncf %get3A_8 : vector<128x3xf32> to vector<128x3xbf16>
    %convert_element_type3A_37 = arith.truncf %slice3A_33 : vector<128x3xf32> to vector<128x3xbf16>
    %dot_general3A_38 = arith.constant dense<0.000000e+00> : vector<128x128xf32>
    %dot_general3A_39 = tpu.matmul %convert_element_type3A_36, %convert_element_type3A_37, %dot_general3A_38 {dimension_numbers = #tpu.dot_dimension_numbers<[1], [1], [0], [0], [0, 0, 1, 0], [], []>, transpose_lhs_hint = false} : vector<128x3xbf16>, vector<128x3xbf16>, vector<128x128xf32> -> vector<128x128xf32>
    %mul3A_40 = arith.mulf %dot_general3A_35, %dot_general3A_35 : vector<3x128xf32>
    %reduce_sum3A_41 = arith.constant dense<0.000000e+00> : vector<128xf32>
    %reduce_sum3A_42 = vector.multi_reduction <add>, %mul3A_40, %reduce_sum3A_41 [0] : vector<3x128xf32> to vector<128xf32>
    %broadcast_in_dim3A_43 = vector.shape_cast %reduce_sum3A_42 : vector<128xf32> to vector<1x128xf32>
    %add3A_44 = vector.broadcast %broadcast_in_dim3A : vector<128x1xf32> to vector<128x128xf32>
    %add3A_45 = vector.broadcast %broadcast_in_dim3A_43 : vector<1x128xf32> to vector<128x128xf32>
    %add3A_46 = arith.addf %add3A_44, %add3A_45 : vector<128x128xf32>
    %mul3A_47 = arith.constant 2.000000e+00 : f32
    %mul3A_48 = vector.broadcast %mul3A_47 : f32 to vector<128x128xf32>
    %mul3A_49 = arith.mulf %mul3A_48, %dot_general3A_39 : vector<128x128xf32>
    %sub3A_50 = arith.subf %add3A_46, %mul3A_49 : vector<128x128xf32>
    %bitcast_convert_type3A_51 = tpu.bitcast %sub3A_50 : vector<128x128xf32> -> vector<128x128xi32>
    %ge3A_52 = arith.constant 0 : i32
    %ge3A_53 = vector.broadcast %ge3A_52 : i32 to vector<128x128xi32>
    %ge3A_54 = arith.cmpi sge, %bitcast_convert_type3A_51, %ge3A_53 : vector<128x128xi32>
    %xor3A_55 = arith.constant 2147483647 : i32
    %xor3A_56 = vector.broadcast %xor3A_55 : i32 to vector<128x128xi32>
    %xor3A_57 = arith.xori %bitcast_convert_type3A_51, %xor3A_56 : vector<128x128xi32>
    %select_n3A_58 = arith.select %ge3A_54, %bitcast_convert_type3A_51, %xor3A_57 : vector<128x128xi1>, vector<128x128xi32>
    %slice3A_59 = vector.extract_strided_slice %get3A_3 {offsets = [256, 0], sizes = [128, 3], strides = [1, 1]} : vector<1024x3xf32> to vector<128x3xf32>
    %dot_general3A_60 = arith.constant dense<0.000000e+00> : vector<3x128xf32>
    %dot_general3A_61 = tpu.matmul %convert_element_type3A_13, %slice3A_59, %dot_general3A_60 {dimension_numbers = #tpu.dot_dimension_numbers<[1], [1], [0], [0], [0, 0, 1, 0], [], []>, precision = #tpu.contract_precision<fp32>, transpose_lhs_hint = false} : vector<3x3xf32>, vector<128x3xf32>, vector<3x128xf32> -> vector<3x128xf32>
    %convert_element_type3A_62 = arith.truncf %get3A_8 : vector<128x3xf32> to vector<128x3xbf16>
    %convert_element_type3A_63 = arith.truncf %slice3A_59 : vector<128x3xf32> to vector<128x3xbf16>
    %dot_general3A_64 = arith.constant dense<0.000000e+00> : vector<128x128xf32>
    %dot_general3A_65 = tpu.matmul %convert_element_type3A_62, %convert_element_type3A_63, %dot_general3A_64 {dimension_numbers = #tpu.dot_dimension_numbers<[1], [1], [0], [0], [0, 0, 1, 0], [], []>, transpose_lhs_hint = false} : vector<128x3xbf16>, vector<128x3xbf16>, vector<128x128xf32> -> vector<128x128xf32>
    %mul3A_66 = arith.mulf %dot_general3A_61, %dot_general3A_61 : vector<3x128xf32>
    %reduce_sum3A_67 = arith.constant dense<0.000000e+00> : vector<128xf32>
    %reduce_sum3A_68 = vector.multi_reduction <add>, %mul3A_66, %reduce_sum3A_67 [0] : vector<3x128xf32> to vector<128xf32>
    %broadcast_in_dim3A_69 = vector.shape_cast %reduce_sum3A_68 : vector<128xf32> to vector<1x128xf32>
    %add3A_70 = vector.broadcast %broadcast_in_dim3A : vector<128x1xf32> to vector<128x128xf32>
    %add3A_71 = vector.broadcast %broadcast_in_dim3A_69 : vector<1x128xf32> to vector<128x128xf32>
    %add3A_72 = arith.addf %add3A_70, %add3A_71 : vector<128x128xf32>
    %mul3A_73 = arith.constant 2.000000e+00 : f32
    %mul3A_74 = vector.broadcast %mul3A_73 : f32 to vector<128x128xf32>
    %mul3A_75 = arith.mulf %mul3A_74, %dot_general3A_65 : vector<128x128xf32>
    %sub3A_76 = arith.subf %add3A_72, %mul3A_75 : vector<128x128xf32>
    %bitcast_convert_type3A_77 = tpu.bitcast %sub3A_76 : vector<128x128xf32> -> vector<128x128xi32>
    %ge3A_78 = arith.constant 0 : i32
    %ge3A_79 = vector.broadcast %ge3A_78 : i32 to vector<128x128xi32>
    %ge3A_80 = arith.cmpi sge, %bitcast_convert_type3A_77, %ge3A_79 : vector<128x128xi32>
    %xor3A_81 = arith.constant 2147483647 : i32
    %xor3A_82 = vector.broadcast %xor3A_81 : i32 to vector<128x128xi32>
    %xor3A_83 = arith.xori %bitcast_convert_type3A_77, %xor3A_82 : vector<128x128xi32>
    %select_n3A_84 = arith.select %ge3A_80, %bitcast_convert_type3A_77, %xor3A_83 : vector<128x128xi1>, vector<128x128xi32>
    %slice3A_85 = vector.extract_strided_slice %get3A_3 {offsets = [384, 0], sizes = [128, 3], strides = [1, 1]} : vector<1024x3xf32> to vector<128x3xf32>
    %dot_general3A_86 = arith.constant dense<0.000000e+00> : vector<3x128xf32>
    %dot_general3A_87 = tpu.matmul %convert_element_type3A_13, %slice3A_85, %dot_general3A_86 {dimension_numbers = #tpu.dot_dimension_numbers<[1], [1], [0], [0], [0, 0, 1, 0], [], []>, precision = #tpu.contract_precision<fp32>, transpose_lhs_hint = false} : vector<3x3xf32>, vector<128x3xf32>, vector<3x128xf32> -> vector<3x128xf32>
    %convert_element_type3A_88 = arith.truncf %get3A_8 : vector<128x3xf32> to vector<128x3xbf16>
    %convert_element_type3A_89 = arith.truncf %slice3A_85 : vector<128x3xf32> to vector<128x3xbf16>
    %dot_general3A_90 = arith.constant dense<0.000000e+00> : vector<128x128xf32>
    %dot_general3A_91 = tpu.matmul %convert_element_type3A_88, %convert_element_type3A_89, %dot_general3A_90 {dimension_numbers = #tpu.dot_dimension_numbers<[1], [1], [0], [0], [0, 0, 1, 0], [], []>, transpose_lhs_hint = false} : vector<128x3xbf16>, vector<128x3xbf16>, vector<128x128xf32> -> vector<128x128xf32>
    %mul3A_92 = arith.mulf %dot_general3A_87, %dot_general3A_87 : vector<3x128xf32>
    %reduce_sum3A_93 = arith.constant dense<0.000000e+00> : vector<128xf32>
    %reduce_sum3A_94 = vector.multi_reduction <add>, %mul3A_92, %reduce_sum3A_93 [0] : vector<3x128xf32> to vector<128xf32>
    %broadcast_in_dim3A_95 = vector.shape_cast %reduce_sum3A_94 : vector<128xf32> to vector<1x128xf32>
    %add3A_96 = vector.broadcast %broadcast_in_dim3A : vector<128x1xf32> to vector<128x128xf32>
    %add3A_97 = vector.broadcast %broadcast_in_dim3A_95 : vector<1x128xf32> to vector<128x128xf32>
    %add3A_98 = arith.addf %add3A_96, %add3A_97 : vector<128x128xf32>
    %mul3A_99 = arith.constant 2.000000e+00 : f32
    %mul3A_100 = vector.broadcast %mul3A_99 : f32 to vector<128x128xf32>
    %mul3A_101 = arith.mulf %mul3A_100, %dot_general3A_91 : vector<128x128xf32>
    %sub3A_102 = arith.subf %add3A_98, %mul3A_101 : vector<128x128xf32>
    %bitcast_convert_type3A_103 = tpu.bitcast %sub3A_102 : vector<128x128xf32> -> vector<128x128xi32>
    %ge3A_104 = arith.constant 0 : i32
    %ge3A_105 = vector.broadcast %ge3A_104 : i32 to vector<128x128xi32>
    %ge3A_106 = arith.cmpi sge, %bitcast_convert_type3A_103, %ge3A_105 : vector<128x128xi32>
    %xor3A_107 = arith.constant 2147483647 : i32
    %xor3A_108 = vector.broadcast %xor3A_107 : i32 to vector<128x128xi32>
    %xor3A_109 = arith.xori %bitcast_convert_type3A_103, %xor3A_108 : vector<128x128xi32>
    %select_n3A_110 = arith.select %ge3A_106, %bitcast_convert_type3A_103, %xor3A_109 : vector<128x128xi1>, vector<128x128xi32>
    %slice3A_111 = vector.extract_strided_slice %get3A_3 {offsets = [512, 0], sizes = [128, 3], strides = [1, 1]} : vector<1024x3xf32> to vector<128x3xf32>
    %dot_general3A_112 = arith.constant dense<0.000000e+00> : vector<3x128xf32>
    %dot_general3A_113 = tpu.matmul %convert_element_type3A_13, %slice3A_111, %dot_general3A_112 {dimension_numbers = #tpu.dot_dimension_numbers<[1], [1], [0], [0], [0, 0, 1, 0], [], []>, precision = #tpu.contract_precision<fp32>, transpose_lhs_hint = false} : vector<3x3xf32>, vector<128x3xf32>, vector<3x128xf32> -> vector<3x128xf32>
    %convert_element_type3A_114 = arith.truncf %get3A_8 : vector<128x3xf32> to vector<128x3xbf16>
    %convert_element_type3A_115 = arith.truncf %slice3A_111 : vector<128x3xf32> to vector<128x3xbf16>
    %dot_general3A_116 = arith.constant dense<0.000000e+00> : vector<128x128xf32>
    %dot_general3A_117 = tpu.matmul %convert_element_type3A_114, %convert_element_type3A_115, %dot_general3A_116 {dimension_numbers = #tpu.dot_dimension_numbers<[1], [1], [0], [0], [0, 0, 1, 0], [], []>, transpose_lhs_hint = false} : vector<128x3xbf16>, vector<128x3xbf16>, vector<128x128xf32> -> vector<128x128xf32>
    %mul3A_118 = arith.mulf %dot_general3A_113, %dot_general3A_113 : vector<3x128xf32>
    %reduce_sum3A_119 = arith.constant dense<0.000000e+00> : vector<128xf32>
    %reduce_sum3A_120 = vector.multi_reduction <add>, %mul3A_118, %reduce_sum3A_119 [0] : vector<3x128xf32> to vector<128xf32>
    %broadcast_in_dim3A_121 = vector.shape_cast %reduce_sum3A_120 : vector<128xf32> to vector<1x128xf32>
    %add3A_122 = vector.broadcast %broadcast_in_dim3A : vector<128x1xf32> to vector<128x128xf32>
    %add3A_123 = vector.broadcast %broadcast_in_dim3A_121 : vector<1x128xf32> to vector<128x128xf32>
    %add3A_124 = arith.addf %add3A_122, %add3A_123 : vector<128x128xf32>
    %mul3A_125 = arith.constant 2.000000e+00 : f32
    %mul3A_126 = vector.broadcast %mul3A_125 : f32 to vector<128x128xf32>
    %mul3A_127 = arith.mulf %mul3A_126, %dot_general3A_117 : vector<128x128xf32>
    %sub3A_128 = arith.subf %add3A_124, %mul3A_127 : vector<128x128xf32>
    %bitcast_convert_type3A_129 = tpu.bitcast %sub3A_128 : vector<128x128xf32> -> vector<128x128xi32>
    %ge3A_130 = arith.constant 0 : i32
    %ge3A_131 = vector.broadcast %ge3A_130 : i32 to vector<128x128xi32>
    %ge3A_132 = arith.cmpi sge, %bitcast_convert_type3A_129, %ge3A_131 : vector<128x128xi32>
    %xor3A_133 = arith.constant 2147483647 : i32
    %xor3A_134 = vector.broadcast %xor3A_133 : i32 to vector<128x128xi32>
    %xor3A_135 = arith.xori %bitcast_convert_type3A_129, %xor3A_134 : vector<128x128xi32>
    %select_n3A_136 = arith.select %ge3A_132, %bitcast_convert_type3A_129, %xor3A_135 : vector<128x128xi1>, vector<128x128xi32>
    %slice3A_137 = vector.extract_strided_slice %get3A_3 {offsets = [640, 0], sizes = [128, 3], strides = [1, 1]} : vector<1024x3xf32> to vector<128x3xf32>
    %dot_general3A_138 = arith.constant dense<0.000000e+00> : vector<3x128xf32>
    %dot_general3A_139 = tpu.matmul %convert_element_type3A_13, %slice3A_137, %dot_general3A_138 {dimension_numbers = #tpu.dot_dimension_numbers<[1], [1], [0], [0], [0, 0, 1, 0], [], []>, precision = #tpu.contract_precision<fp32>, transpose_lhs_hint = false} : vector<3x3xf32>, vector<128x3xf32>, vector<3x128xf32> -> vector<3x128xf32>
    %convert_element_type3A_140 = arith.truncf %get3A_8 : vector<128x3xf32> to vector<128x3xbf16>
    %convert_element_type3A_141 = arith.truncf %slice3A_137 : vector<128x3xf32> to vector<128x3xbf16>
    %dot_general3A_142 = arith.constant dense<0.000000e+00> : vector<128x128xf32>
    %dot_general3A_143 = tpu.matmul %convert_element_type3A_140, %convert_element_type3A_141, %dot_general3A_142 {dimension_numbers = #tpu.dot_dimension_numbers<[1], [1], [0], [0], [0, 0, 1, 0], [], []>, transpose_lhs_hint = false} : vector<128x3xbf16>, vector<128x3xbf16>, vector<128x128xf32> -> vector<128x128xf32>
    %mul3A_144 = arith.mulf %dot_general3A_139, %dot_general3A_139 : vector<3x128xf32>
    %reduce_sum3A_145 = arith.constant dense<0.000000e+00> : vector<128xf32>
    %reduce_sum3A_146 = vector.multi_reduction <add>, %mul3A_144, %reduce_sum3A_145 [0] : vector<3x128xf32> to vector<128xf32>
    %broadcast_in_dim3A_147 = vector.shape_cast %reduce_sum3A_146 : vector<128xf32> to vector<1x128xf32>
    %add3A_148 = vector.broadcast %broadcast_in_dim3A : vector<128x1xf32> to vector<128x128xf32>
    %add3A_149 = vector.broadcast %broadcast_in_dim3A_147 : vector<1x128xf32> to vector<128x128xf32>
    %add3A_150 = arith.addf %add3A_148, %add3A_149 : vector<128x128xf32>
    %mul3A_151 = arith.constant 2.000000e+00 : f32
    %mul3A_152 = vector.broadcast %mul3A_151 : f32 to vector<128x128xf32>
    %mul3A_153 = arith.mulf %mul3A_152, %dot_general3A_143 : vector<128x128xf32>
    %sub3A_154 = arith.subf %add3A_150, %mul3A_153 : vector<128x128xf32>
    %bitcast_convert_type3A_155 = tpu.bitcast %sub3A_154 : vector<128x128xf32> -> vector<128x128xi32>
    %ge3A_156 = arith.constant 0 : i32
    %ge3A_157 = vector.broadcast %ge3A_156 : i32 to vector<128x128xi32>
    %ge3A_158 = arith.cmpi sge, %bitcast_convert_type3A_155, %ge3A_157 : vector<128x128xi32>
    %xor3A_159 = arith.constant 2147483647 : i32
    %xor3A_160 = vector.broadcast %xor3A_159 : i32 to vector<128x128xi32>
    %xor3A_161 = arith.xori %bitcast_convert_type3A_155, %xor3A_160 : vector<128x128xi32>
    %select_n3A_162 = arith.select %ge3A_158, %bitcast_convert_type3A_155, %xor3A_161 : vector<128x128xi1>, vector<128x128xi32>
    %slice3A_163 = vector.extract_strided_slice %get3A_3 {offsets = [768, 0], sizes = [128, 3], strides = [1, 1]} : vector<1024x3xf32> to vector<128x3xf32>
    %dot_general3A_164 = arith.constant dense<0.000000e+00> : vector<3x128xf32>
    %dot_general3A_165 = tpu.matmul %convert_element_type3A_13, %slice3A_163, %dot_general3A_164 {dimension_numbers = #tpu.dot_dimension_numbers<[1], [1], [0], [0], [0, 0, 1, 0], [], []>, precision = #tpu.contract_precision<fp32>, transpose_lhs_hint = false} : vector<3x3xf32>, vector<128x3xf32>, vector<3x128xf32> -> vector<3x128xf32>
    %convert_element_type3A_166 = arith.truncf %get3A_8 : vector<128x3xf32> to vector<128x3xbf16>
    %convert_element_type3A_167 = arith.truncf %slice3A_163 : vector<128x3xf32> to vector<128x3xbf16>
    %dot_general3A_168 = arith.constant dense<0.000000e+00> : vector<128x128xf32>
    %dot_general3A_169 = tpu.matmul %convert_element_type3A_166, %convert_element_type3A_167, %dot_general3A_168 {dimension_numbers = #tpu.dot_dimension_numbers<[1], [1], [0], [0], [0, 0, 1, 0], [], []>, transpose_lhs_hint = false} : vector<128x3xbf16>, vector<128x3xbf16>, vector<128x128xf32> -> vector<128x128xf32>
    %mul3A_170 = arith.mulf %dot_general3A_165, %dot_general3A_165 : vector<3x128xf32>
    %reduce_sum3A_171 = arith.constant dense<0.000000e+00> : vector<128xf32>
    %reduce_sum3A_172 = vector.multi_reduction <add>, %mul3A_170, %reduce_sum3A_171 [0] : vector<3x128xf32> to vector<128xf32>
    %broadcast_in_dim3A_173 = vector.shape_cast %reduce_sum3A_172 : vector<128xf32> to vector<1x128xf32>
    %add3A_174 = vector.broadcast %broadcast_in_dim3A : vector<128x1xf32> to vector<128x128xf32>
    %add3A_175 = vector.broadcast %broadcast_in_dim3A_173 : vector<1x128xf32> to vector<128x128xf32>
    %add3A_176 = arith.addf %add3A_174, %add3A_175 : vector<128x128xf32>
    %mul3A_177 = arith.constant 2.000000e+00 : f32
    %mul3A_178 = vector.broadcast %mul3A_177 : f32 to vector<128x128xf32>
    %mul3A_179 = arith.mulf %mul3A_178, %dot_general3A_169 : vector<128x128xf32>
    %sub3A_180 = arith.subf %add3A_176, %mul3A_179 : vector<128x128xf32>
    %bitcast_convert_type3A_181 = tpu.bitcast %sub3A_180 : vector<128x128xf32> -> vector<128x128xi32>
    %ge3A_182 = arith.constant 0 : i32
    %ge3A_183 = vector.broadcast %ge3A_182 : i32 to vector<128x128xi32>
    %ge3A_184 = arith.cmpi sge, %bitcast_convert_type3A_181, %ge3A_183 : vector<128x128xi32>
    %xor3A_185 = arith.constant 2147483647 : i32
    %xor3A_186 = vector.broadcast %xor3A_185 : i32 to vector<128x128xi32>
    %xor3A_187 = arith.xori %bitcast_convert_type3A_181, %xor3A_186 : vector<128x128xi32>
    %select_n3A_188 = arith.select %ge3A_184, %bitcast_convert_type3A_181, %xor3A_187 : vector<128x128xi1>, vector<128x128xi32>
    %slice3A_189 = vector.extract_strided_slice %get3A_3 {offsets = [896, 0], sizes = [128, 3], strides = [1, 1]} : vector<1024x3xf32> to vector<128x3xf32>
    %dot_general3A_190 = arith.constant dense<0.000000e+00> : vector<3x128xf32>
    %dot_general3A_191 = tpu.matmul %convert_element_type3A_13, %slice3A_189, %dot_general3A_190 {dimension_numbers = #tpu.dot_dimension_numbers<[1], [1], [0], [0], [0, 0, 1, 0], [], []>, precision = #tpu.contract_precision<fp32>, transpose_lhs_hint = false} : vector<3x3xf32>, vector<128x3xf32>, vector<3x128xf32> -> vector<3x128xf32>
    %convert_element_type3A_192 = arith.truncf %get3A_8 : vector<128x3xf32> to vector<128x3xbf16>
    %convert_element_type3A_193 = arith.truncf %slice3A_189 : vector<128x3xf32> to vector<128x3xbf16>
    %dot_general3A_194 = arith.constant dense<0.000000e+00> : vector<128x128xf32>
    %dot_general3A_195 = tpu.matmul %convert_element_type3A_192, %convert_element_type3A_193, %dot_general3A_194 {dimension_numbers = #tpu.dot_dimension_numbers<[1], [1], [0], [0], [0, 0, 1, 0], [], []>, transpose_lhs_hint = false} : vector<128x3xbf16>, vector<128x3xbf16>, vector<128x128xf32> -> vector<128x128xf32>
    %mul3A_196 = arith.mulf %dot_general3A_191, %dot_general3A_191 : vector<3x128xf32>
    %reduce_sum3A_197 = arith.constant dense<0.000000e+00> : vector<128xf32>
    %reduce_sum3A_198 = vector.multi_reduction <add>, %mul3A_196, %reduce_sum3A_197 [0] : vector<3x128xf32> to vector<128xf32>
    %broadcast_in_dim3A_199 = vector.shape_cast %reduce_sum3A_198 : vector<128xf32> to vector<1x128xf32>
    %add3A_200 = vector.broadcast %broadcast_in_dim3A : vector<128x1xf32> to vector<128x128xf32>
    %add3A_201 = vector.broadcast %broadcast_in_dim3A_199 : vector<1x128xf32> to vector<128x128xf32>
    %add3A_202 = arith.addf %add3A_200, %add3A_201 : vector<128x128xf32>
    %mul3A_203 = arith.constant 2.000000e+00 : f32
    %mul3A_204 = vector.broadcast %mul3A_203 : f32 to vector<128x128xf32>
    %mul3A_205 = arith.mulf %mul3A_204, %dot_general3A_195 : vector<128x128xf32>
    %sub3A_206 = arith.subf %add3A_202, %mul3A_205 : vector<128x128xf32>
    %bitcast_convert_type3A_207 = tpu.bitcast %sub3A_206 : vector<128x128xf32> -> vector<128x128xi32>
    %ge3A_208 = arith.constant 0 : i32
    %ge3A_209 = vector.broadcast %ge3A_208 : i32 to vector<128x128xi32>
    %ge3A_210 = arith.cmpi sge, %bitcast_convert_type3A_207, %ge3A_209 : vector<128x128xi32>
    %xor3A_211 = arith.constant 2147483647 : i32
    %xor3A_212 = vector.broadcast %xor3A_211 : i32 to vector<128x128xi32>
    %xor3A_213 = arith.xori %bitcast_convert_type3A_207, %xor3A_212 : vector<128x128xi32>
    %select_n3A_214 = arith.select %ge3A_210, %bitcast_convert_type3A_207, %xor3A_213 : vector<128x128xi1>, vector<128x128xi32>
    %concatenate3A = tpu.concatenate %select_n3A, %select_n3A_58, %select_n3A_84, %select_n3A_110, %select_n3A_136, %select_n3A_162, %select_n3A_188, %select_n3A_214 in 1 : vector<128x128xi32>, vector<128x128xi32>, vector<128x128xi32>, vector<128x128xi32>, vector<128x128xi32>, vector<128x128xi32>, vector<128x128xi32>, vector<128x128xi32> -> vector<128x1024xi32>
    %eq3A_215 = arith.constant 0 : i32
    %eq3A_216 = arith.cmpi eq, %arg1, %eq3A_215 : i32
    %convert_element_type3A_217 = arith.extui %eq3A_216 : i1 to i32
    %cond3A = arith.constant 0 : i32
    %cond3A_218 = arith.cmpi ne, %convert_element_type3A_217, %cond3A : i32
    scf.if %cond3A_218 {
      %slice3A_1183 = vector.extract_strided_slice %dot_general3A_14 {offsets = [0, 0], sizes = [1, 128], strides = [1, 1]} : vector<3x128xf32> to vector<1x128xf32>
      %slice3A_1184 = vector.extract_strided_slice %dot_general3A_35 {offsets = [0, 0], sizes = [1, 128], strides = [1, 1]} : vector<3x128xf32> to vector<1x128xf32>
      %slice3A_1185 = vector.extract_strided_slice %dot_general3A_61 {offsets = [0, 0], sizes = [1, 128], strides = [1, 1]} : vector<3x128xf32> to vector<1x128xf32>
      %slice3A_1186 = vector.extract_strided_slice %dot_general3A_87 {offsets = [0, 0], sizes = [1, 128], strides = [1, 1]} : vector<3x128xf32> to vector<1x128xf32>
      %slice3A_1187 = vector.extract_strided_slice %dot_general3A_113 {offsets = [0, 0], sizes = [1, 128], strides = [1, 1]} : vector<3x128xf32> to vector<1x128xf32>
      %slice3A_1188 = vector.extract_strided_slice %dot_general3A_139 {offsets = [0, 0], sizes = [1, 128], strides = [1, 1]} : vector<3x128xf32> to vector<1x128xf32>
      %slice3A_1189 = vector.extract_strided_slice %dot_general3A_165 {offsets = [0, 0], sizes = [1, 128], strides = [1, 1]} : vector<3x128xf32> to vector<1x128xf32>
      %slice3A_1190 = vector.extract_strided_slice %dot_general3A_191 {offsets = [0, 0], sizes = [1, 128], strides = [1, 1]} : vector<3x128xf32> to vector<1x128xf32>
      %concatenate3A_1191 = tpu.concatenate %slice3A_1183, %slice3A_1184, %slice3A_1185, %slice3A_1186, %slice3A_1187, %slice3A_1188, %slice3A_1189, %slice3A_1190 in 0 : vector<1x128xf32>, vector<1x128xf32>, vector<1x128xf32>, vector<1x128xf32>, vector<1x128xf32>, vector<1x128xf32>, vector<1x128xf32>, vector<1x128xf32> -> vector<8x128xf32>
      %slice3A_1192 = vector.extract_strided_slice %dot_general3A_14 {offsets = [1, 0], sizes = [1, 128], strides = [1, 1]} : vector<3x128xf32> to vector<1x128xf32>
      %slice3A_1193 = vector.extract_strided_slice %dot_general3A_35 {offsets = [1, 0], sizes = [1, 128], strides = [1, 1]} : vector<3x128xf32> to vector<1x128xf32>
      %slice3A_1194 = vector.extract_strided_slice %dot_general3A_61 {offsets = [1, 0], sizes = [1, 128], strides = [1, 1]} : vector<3x128xf32> to vector<1x128xf32>
      %slice3A_1195 = vector.extract_strided_slice %dot_general3A_87 {offsets = [1, 0], sizes = [1, 128], strides = [1, 1]} : vector<3x128xf32> to vector<1x128xf32>
      %slice3A_1196 = vector.extract_strided_slice %dot_general3A_113 {offsets = [1, 0], sizes = [1, 128], strides = [1, 1]} : vector<3x128xf32> to vector<1x128xf32>
      %slice3A_1197 = vector.extract_strided_slice %dot_general3A_139 {offsets = [1, 0], sizes = [1, 128], strides = [1, 1]} : vector<3x128xf32> to vector<1x128xf32>
      %slice3A_1198 = vector.extract_strided_slice %dot_general3A_165 {offsets = [1, 0], sizes = [1, 128], strides = [1, 1]} : vector<3x128xf32> to vector<1x128xf32>
      %slice3A_1199 = vector.extract_strided_slice %dot_general3A_191 {offsets = [1, 0], sizes = [1, 128], strides = [1, 1]} : vector<3x128xf32> to vector<1x128xf32>
      %concatenate3A_1200 = tpu.concatenate %slice3A_1192, %slice3A_1193, %slice3A_1194, %slice3A_1195, %slice3A_1196, %slice3A_1197, %slice3A_1198, %slice3A_1199 in 0 : vector<1x128xf32>, vector<1x128xf32>, vector<1x128xf32>, vector<1x128xf32>, vector<1x128xf32>, vector<1x128xf32>, vector<1x128xf32>, vector<1x128xf32> -> vector<8x128xf32>
      %slice3A_1201 = vector.extract_strided_slice %dot_general3A_14 {offsets = [2, 0], sizes = [1, 128], strides = [1, 1]} : vector<3x128xf32> to vector<1x128xf32>
      %slice3A_1202 = vector.extract_strided_slice %dot_general3A_35 {offsets = [2, 0], sizes = [1, 128], strides = [1, 1]} : vector<3x128xf32> to vector<1x128xf32>
      %slice3A_1203 = vector.extract_strided_slice %dot_general3A_61 {offsets = [2, 0], sizes = [1, 128], strides = [1, 1]} : vector<3x128xf32> to vector<1x128xf32>
      %slice3A_1204 = vector.extract_strided_slice %dot_general3A_87 {offsets = [2, 0], sizes = [1, 128], strides = [1, 1]} : vector<3x128xf32> to vector<1x128xf32>
      %slice3A_1205 = vector.extract_strided_slice %dot_general3A_113 {offsets = [2, 0], sizes = [1, 128], strides = [1, 1]} : vector<3x128xf32> to vector<1x128xf32>
      %slice3A_1206 = vector.extract_strided_slice %dot_general3A_139 {offsets = [2, 0], sizes = [1, 128], strides = [1, 1]} : vector<3x128xf32> to vector<1x128xf32>
      %slice3A_1207 = vector.extract_strided_slice %dot_general3A_165 {offsets = [2, 0], sizes = [1, 128], strides = [1, 1]} : vector<3x128xf32> to vector<1x128xf32>
      %slice3A_1208 = vector.extract_strided_slice %dot_general3A_191 {offsets = [2, 0], sizes = [1, 128], strides = [1, 1]} : vector<3x128xf32> to vector<1x128xf32>
      %concatenate3A_1209 = tpu.concatenate %slice3A_1201, %slice3A_1202, %slice3A_1203, %slice3A_1204, %slice3A_1205, %slice3A_1206, %slice3A_1207, %slice3A_1208 in 0 : vector<1x128xf32>, vector<1x128xf32>, vector<1x128xf32>, vector<1x128xf32>, vector<1x128xf32>, vector<1x128xf32>, vector<1x128xf32>, vector<1x128xf32> -> vector<8x128xf32>
      %concatenate3A_1210 = tpu.concatenate %concatenate3A_1191, %concatenate3A_1200, %concatenate3A_1209 in 0 : vector<8x128xf32>, vector<8x128xf32>, vector<8x128xf32> -> vector<24x128xf32>
      %swap3A_1211 = arith.constant 0 : index
      %swap3A_1212 = arith.constant 0 : index
      %swap3A_1213 = arith.constant 0 : index
      %swap3A_1214 = vector.load %arg5[%swap3A_1211, %swap3A_1212, %swap3A_1213] : memref<1x24x128xf32, #tpu.memory_space<vmem>>, vector<1x24x128xf32>
      %swap3A_1215 = vector.shape_cast %swap3A_1214 : vector<1x24x128xf32> to vector<24x128xf32>
      %swap3A_1216 = vector.shape_cast %concatenate3A_1210 : vector<24x128xf32> to vector<1x24x128xf32>
      tpu.vector_store %arg5[%swap3A_1211, %swap3A_1212, %swap3A_1213], %swap3A_1216 {strides = array<i32>} : memref<1x24x128xf32, #tpu.memory_space<vmem>>, vector<1x24x128xf32>,
    } else {
    }
    %broadcast_in_dim3A_219 = arith.constant 1.000000e+00 : f32
    %broadcast_in_dim3A_220 = vector.broadcast %broadcast_in_dim3A_219 : f32 to vector<1x1024xf32>
    %broadcast_in_dim3A_221 = arith.constant -2147483648 : i32
    %broadcast_in_dim3A_222 = vector.broadcast %broadcast_in_dim3A_221 : i32 to vector<128x1xi32>
    %broadcast_in_dim3A_223 = arith.constant 2147483647 : i32
    %broadcast_in_dim3A_224 = vector.broadcast %broadcast_in_dim3A_223 : i32 to vector<128x1xi32>
    %shift_right_arithmetic3A = arith.constant 1 : i32
    %shift_right_arithmetic3A_225 = vector.broadcast %shift_right_arithmetic3A : i32 to vector<128x1xi32>
    %shift_right_arithmetic3A_226 = arith.shrsi %broadcast_in_dim3A_222, %shift_right_arithmetic3A_225 : vector<128x1xi32>
    %shift_right_arithmetic3A_227 = arith.constant 1 : i32
    %shift_right_arithmetic3A_228 = vector.broadcast %shift_right_arithmetic3A_227 : i32 to vector<128x1xi32>
    %shift_right_arithmetic3A_229 = arith.shrsi %broadcast_in_dim3A_224, %shift_right_arithmetic3A_228 : vector<128x1xi32>
    %add3A_230 = arith.addi %shift_right_arithmetic3A_226, %shift_right_arithmetic3A_229 : vector<128x1xi32>
    %and3A = arith.andi %broadcast_in_dim3A_222, %broadcast_in_dim3A_224 : vector<128x1xi32>
    %and3A_231 = arith.constant 1 : i32
    %and3A_232 = vector.broadcast %and3A_231 : i32 to vector<128x1xi32>
    %and3A_233 = arith.andi %and3A, %and3A_232 : vector<128x1xi32>
    %add3A_234 = arith.addi %add3A_230, %and3A_233 : vector<128x1xi32>
    %le3A = vector.broadcast %add3A_234 : vector<128x1xi32> to vector<128x1024xi32>
    %le3A_235 = arith.cmpi sle, %concatenate3A, %le3A : vector<128x1024xi32>
    %convert_element_type3A_236 = arith.extui %le3A_235 : vector<128x1024xi1> to vector<128x1024xi32>
    %convert_element_type3A_237 = arith.sitofp %convert_element_type3A_236 : vector<128x1024xi32> to vector<128x1024xf32>
    %dot_general3A_238 = arith.constant dense<0.000000e+00> : vector<128x1xf32>
    %dot_general3A_239 = tpu.matmul %convert_element_type3A_237, %broadcast_in_dim3A_220, %dot_general3A_238 {dimension_numbers = #tpu.dot_dimension_numbers<[1], [1], [0], [0], [0, 0, 1, 0], [], []>, transpose_lhs_hint = false} : vector<128x1024xf32>, vector<1x1024xf32>, vector<128x1xf32> -> vector<128x1xf32>
    %ge3A_240 = arith.constant 1.280000e+02 : f32
    %ge3A_241 = vector.broadcast %ge3A_240 : f32 to vector<128x1xf32>
    %ge3A_242 = arith.cmpf oge, %dot_general3A_239, %ge3A_241 : vector<128x1xf32>
    %select_n3A_243 = arith.select %ge3A_242, %add3A_234, %broadcast_in_dim3A_224 : vector<128x1xi1>, vector<128x1xi32>
    %add3A_244 = arith.constant 1 : i32
    %add3A_245 = vector.broadcast %add3A_244 : i32 to vector<128x1xi32>
    %add3A_246 = arith.addi %add3A_234, %add3A_245 : vector<128x1xi32>
    %select_n3A_247 = arith.select %ge3A_242, %broadcast_in_dim3A_222, %add3A_246 : vector<128x1xi1>, vector<128x1xi32>
    %shift_right_arithmetic3A_248 = arith.constant 1 : i32
    %shift_right_arithmetic3A_249 = vector.broadcast %shift_right_arithmetic3A_248 : i32 to vector<128x1xi32>
    %shift_right_arithmetic3A_250 = arith.shrsi %select_n3A_247, %shift_right_arithmetic3A_249 : vector<128x1xi32>
    %shift_right_arithmetic3A_251 = arith.constant 1 : i32
    %shift_right_arithmetic3A_252 = vector.broadcast %shift_right_arithmetic3A_251 : i32 to vector<128x1xi32>
    %shift_right_arithmetic3A_253 = arith.shrsi %select_n3A_243, %shift_right_arithmetic3A_252 : vector<128x1xi32>
    %add3A_254 = arith.addi %shift_right_arithmetic3A_250, %shift_right_arithmetic3A_253 : vector<128x1xi32>
    %and3A_255 = arith.andi %select_n3A_247, %select_n3A_243 : vector<128x1xi32>
    %and3A_256 = arith.constant 1 : i32
    %and3A_257 = vector.broadcast %and3A_256 : i32 to vector<128x1xi32>
    %and3A_258 = arith.andi %and3A_255, %and3A_257 : vector<128x1xi32>
    %add3A_259 = arith.addi %add3A_254, %and3A_258 : vector<128x1xi32>
    %le3A_260 = vector.broadcast %add3A_259 : vector<128x1xi32> to vector<128x1024xi32>
    %le3A_261 = arith.cmpi sle, %concatenate3A, %le3A_260 : vector<128x1024xi32>
    %convert_element_type3A_262 = arith.extui %le3A_261 : vector<128x1024xi1> to vector<128x1024xi32>
    %convert_element_type3A_263 = arith.sitofp %convert_element_type3A_262 : vector<128x1024xi32> to vector<128x1024xf32>
    %dot_general3A_264 = arith.constant dense<0.000000e+00> : vector<128x1xf32>
    %dot_general3A_265 = tpu.matmul %convert_element_type3A_263, %broadcast_in_dim3A_220, %dot_general3A_264 {dimension_numbers = #tpu.dot_dimension_numbers<[1], [1], [0], [0], [0, 0, 1, 0], [], []>, transpose_lhs_hint = false} : vector<128x1024xf32>, vector<1x1024xf32>, vector<128x1xf32> -> vector<128x1xf32>
    %ge3A_266 = arith.constant 1.280000e+02 : f32
    %ge3A_267 = vector.broadcast %ge3A_266 : f32 to vector<128x1xf32>
    %ge3A_268 = arith.cmpf oge, %dot_general3A_265, %ge3A_267 : vector<128x1xf32>
    %select_n3A_269 = arith.select %ge3A_268, %add3A_259, %select_n3A_243 : vector<128x1xi1>, vector<128x1xi32>
    %add3A_270 = arith.constant 1 : i32
    %add3A_271 = vector.broadcast %add3A_270 : i32 to vector<128x1xi32>
    %add3A_272 = arith.addi %add3A_259, %add3A_271 : vector<128x1xi32>
    %select_n3A_273 = arith.select %ge3A_268, %select_n3A_247, %add3A_272 : vector<128x1xi1>, vector<128x1xi32>
    %shift_right_arithmetic3A_274 = arith.constant 1 : i32
    %shift_right_arithmetic3A_275 = vector.broadcast %shift_right_arithmetic3A_274 : i32 to vector<128x1xi32>
    %shift_right_arithmetic3A_276 = arith.shrsi %select_n3A_273, %shift_right_arithmetic3A_275 : vector<128x1xi32>
    %shift_right_arithmetic3A_277 = arith.constant 1 : i32
    %shift_right_arithmetic3A_278 = vector.broadcast %shift_right_arithmetic3A_277 : i32 to vector<128x1xi32>
    %shift_right_arithmetic3A_279 = arith.shrsi %select_n3A_269, %shift_right_arithmetic3A_278 : vector<128x1xi32>
    %add3A_280 = arith.addi %shift_right_arithmetic3A_276, %shift_right_arithmetic3A_279 : vector<128x1xi32>
    %and3A_281 = arith.andi %select_n3A_273, %select_n3A_269 : vector<128x1xi32>
    %and3A_282 = arith.constant 1 : i32
    %and3A_283 = vector.broadcast %and3A_282 : i32 to vector<128x1xi32>
    %and3A_284 = arith.andi %and3A_281, %and3A_283 : vector<128x1xi32>
    %add3A_285 = arith.addi %add3A_280, %and3A_284 : vector<128x1xi32>
    %le3A_286 = vector.broadcast %add3A_285 : vector<128x1xi32> to vector<128x1024xi32>
    %le3A_287 = arith.cmpi sle, %concatenate3A, %le3A_286 : vector<128x1024xi32>
    %convert_element_type3A_288 = arith.extui %le3A_287 : vector<128x1024xi1> to vector<128x1024xi32>
    %convert_element_type3A_289 = arith.sitofp %convert_element_type3A_288 : vector<128x1024xi32> to vector<128x1024xf32>
    %dot_general3A_290 = arith.constant dense<0.000000e+00> : vector<128x1xf32>
    %dot_general3A_291 = tpu.matmul %convert_element_type3A_289, %broadcast_in_dim3A_220, %dot_general3A_290 {dimension_numbers = #tpu.dot_dimension_numbers<[1], [1], [0], [0], [0, 0, 1, 0], [], []>, transpose_lhs_hint = false} : vector<128x1024xf32>, vector<1x1024xf32>, vector<128x1xf32> -> vector<128x1xf32>
    %ge3A_292 = arith.constant 1.280000e+02 : f32
    %ge3A_293 = vector.broadcast %ge3A_292 : f32 to vector<128x1xf32>
    %ge3A_294 = arith.cmpf oge, %dot_general3A_291, %ge3A_293 : vector<128x1xf32>
    %select_n3A_295 = arith.select %ge3A_294, %add3A_285, %select_n3A_269 : vector<128x1xi1>, vector<128x1xi32>
    %add3A_296 = arith.constant 1 : i32
    %add3A_297 = vector.broadcast %add3A_296 : i32 to vector<128x1xi32>
    %add3A_298 = arith.addi %add3A_285, %add3A_297 : vector<128x1xi32>
    %select_n3A_299 = arith.select %ge3A_294, %select_n3A_273, %add3A_298 : vector<128x1xi1>, vector<128x1xi32>
    %shift_right_arithmetic3A_300 = arith.constant 1 : i32
    %shift_right_arithmetic3A_301 = vector.broadcast %shift_right_arithmetic3A_300 : i32 to vector<128x1xi32>
    %shift_right_arithmetic3A_302 = arith.shrsi %select_n3A_299, %shift_right_arithmetic3A_301 : vector<128x1xi32>
    %shift_right_arithmetic3A_303 = arith.constant 1 : i32
    %shift_right_arithmetic3A_304 = vector.broadcast %shift_right_arithmetic3A_303 : i32 to vector<128x1xi32>
    %shift_right_arithmetic3A_305 = arith.shrsi %select_n3A_295, %shift_right_arithmetic3A_304 : vector<128x1xi32>
    %add3A_306 = arith.addi %shift_right_arithmetic3A_302, %shift_right_arithmetic3A_305 : vector<128x1xi32>
    %and3A_307 = arith.andi %select_n3A_299, %select_n3A_295 : vector<128x1xi32>
    %and3A_308 = arith.constant 1 : i32
    %and3A_309 = vector.broadcast %and3A_308 : i32 to vector<128x1xi32>
    %and3A_310 = arith.andi %and3A_307, %and3A_309 : vector<128x1xi32>
    %add3A_311 = arith.addi %add3A_306, %and3A_310 : vector<128x1xi32>
    %le3A_312 = vector.broadcast %add3A_311 : vector<128x1xi32> to vector<128x1024xi32>
    %le3A_313 = arith.cmpi sle, %concatenate3A, %le3A_312 : vector<128x1024xi32>
    %convert_element_type3A_314 = arith.extui %le3A_313 : vector<128x1024xi1> to vector<128x1024xi32>
    %convert_element_type3A_315 = arith.sitofp %convert_element_type3A_314 : vector<128x1024xi32> to vector<128x1024xf32>
    %dot_general3A_316 = arith.constant dense<0.000000e+00> : vector<128x1xf32>
    %dot_general3A_317 = tpu.matmul %convert_element_type3A_315, %broadcast_in_dim3A_220, %dot_general3A_316 {dimension_numbers = #tpu.dot_dimension_numbers<[1], [1], [0], [0], [0, 0, 1, 0], [], []>, transpose_lhs_hint = false} : vector<128x1024xf32>, vector<1x1024xf32>, vector<128x1xf32> -> vector<128x1xf32>
    %ge3A_318 = arith.constant 1.280000e+02 : f32
    %ge3A_319 = vector.broadcast %ge3A_318 : f32 to vector<128x1xf32>
    %ge3A_320 = arith.cmpf oge, %dot_general3A_317, %ge3A_319 : vector<128x1xf32>
    %select_n3A_321 = arith.select %ge3A_320, %add3A_311, %select_n3A_295 : vector<128x1xi1>, vector<128x1xi32>
    %add3A_322 = arith.constant 1 : i32
    %add3A_323 = vector.broadcast %add3A_322 : i32 to vector<128x1xi32>
    %add3A_324 = arith.addi %add3A_311, %add3A_323 : vector<128x1xi32>
    %select_n3A_325 = arith.select %ge3A_320, %select_n3A_299, %add3A_324 : vector<128x1xi1>, vector<128x1xi32>
    %shift_right_arithmetic3A_326 = arith.constant 1 : i32
    %shift_right_arithmetic3A_327 = vector.broadcast %shift_right_arithmetic3A_326 : i32 to vector<128x1xi32>
    %shift_right_arithmetic3A_328 = arith.shrsi %select_n3A_325, %shift_right_arithmetic3A_327 : vector<128x1xi32>
    %shift_right_arithmetic3A_329 = arith.constant 1 : i32
    %shift_right_arithmetic3A_330 = vector.broadcast %shift_right_arithmetic3A_329 : i32 to vector<128x1xi32>
    %shift_right_arithmetic3A_331 = arith.shrsi %select_n3A_321, %shift_right_arithmetic3A_330 : vector<128x1xi32>
    %add3A_332 = arith.addi %shift_right_arithmetic3A_328, %shift_right_arithmetic3A_331 : vector<128x1xi32>
    %and3A_333 = arith.andi %select_n3A_325, %select_n3A_321 : vector<128x1xi32>
    %and3A_334 = arith.constant 1 : i32
    %and3A_335 = vector.broadcast %and3A_334 : i32 to vector<128x1xi32>
    %and3A_336 = arith.andi %and3A_333, %and3A_335 : vector<128x1xi32>
    %add3A_337 = arith.addi %add3A_332, %and3A_336 : vector<128x1xi32>
    %le3A_338 = vector.broadcast %add3A_337 : vector<128x1xi32> to vector<128x1024xi32>
    %le3A_339 = arith.cmpi sle, %concatenate3A, %le3A_338 : vector<128x1024xi32>
    %convert_element_type3A_340 = arith.extui %le3A_339 : vector<128x1024xi1> to vector<128x1024xi32>
    %convert_element_type3A_341 = arith.sitofp %convert_element_type3A_340 : vector<128x1024xi32> to vector<128x1024xf32>
    %dot_general3A_342 = arith.constant dense<0.000000e+00> : vector<128x1xf32>
    %dot_general3A_343 = tpu.matmul %convert_element_type3A_341, %broadcast_in_dim3A_220, %dot_general3A_342 {dimension_numbers = #tpu.dot_dimension_numbers<[1], [1], [0], [0], [0, 0, 1, 0], [], []>, transpose_lhs_hint = false} : vector<128x1024xf32>, vector<1x1024xf32>, vector<128x1xf32> -> vector<128x1xf32>
    %ge3A_344 = arith.constant 1.280000e+02 : f32
    %ge3A_345 = vector.broadcast %ge3A_344 : f32 to vector<128x1xf32>
    %ge3A_346 = arith.cmpf oge, %dot_general3A_343, %ge3A_345 : vector<128x1xf32>
    %select_n3A_347 = arith.select %ge3A_346, %add3A_337, %select_n3A_321 : vector<128x1xi1>, vector<128x1xi32>
    %add3A_348 = arith.constant 1 : i32
    %add3A_349 = vector.broadcast %add3A_348 : i32 to vector<128x1xi32>
    %add3A_350 = arith.addi %add3A_337, %add3A_349 : vector<128x1xi32>
    %select_n3A_351 = arith.select %ge3A_346, %select_n3A_325, %add3A_350 : vector<128x1xi1>, vector<128x1xi32>
    %shift_right_arithmetic3A_352 = arith.constant 1 : i32
    %shift_right_arithmetic3A_353 = vector.broadcast %shift_right_arithmetic3A_352 : i32 to vector<128x1xi32>
    %shift_right_arithmetic3A_354 = arith.shrsi %select_n3A_351, %shift_right_arithmetic3A_353 : vector<128x1xi32>
    %shift_right_arithmetic3A_355 = arith.constant 1 : i32
    %shift_right_arithmetic3A_356 = vector.broadcast %shift_right_arithmetic3A_355 : i32 to vector<128x1xi32>
    %shift_right_arithmetic3A_357 = arith.shrsi %select_n3A_347, %shift_right_arithmetic3A_356 : vector<128x1xi32>
    %add3A_358 = arith.addi %shift_right_arithmetic3A_354, %shift_right_arithmetic3A_357 : vector<128x1xi32>
    %and3A_359 = arith.andi %select_n3A_351, %select_n3A_347 : vector<128x1xi32>
    %and3A_360 = arith.constant 1 : i32
    %and3A_361 = vector.broadcast %and3A_360 : i32 to vector<128x1xi32>
    %and3A_362 = arith.andi %and3A_359, %and3A_361 : vector<128x1xi32>
    %add3A_363 = arith.addi %add3A_358, %and3A_362 : vector<128x1xi32>
    %le3A_364 = vector.broadcast %add3A_363 : vector<128x1xi32> to vector<128x1024xi32>
    %le3A_365 = arith.cmpi sle, %concatenate3A, %le3A_364 : vector<128x1024xi32>
    %convert_element_type3A_366 = arith.extui %le3A_365 : vector<128x1024xi1> to vector<128x1024xi32>
    %convert_element_type3A_367 = arith.sitofp %convert_element_type3A_366 : vector<128x1024xi32> to vector<128x1024xf32>
    %dot_general3A_368 = arith.constant dense<0.000000e+00> : vector<128x1xf32>
    %dot_general3A_369 = tpu.matmul %convert_element_type3A_367, %broadcast_in_dim3A_220, %dot_general3A_368 {dimension_numbers = #tpu.dot_dimension_numbers<[1], [1], [0], [0], [0, 0, 1, 0], [], []>, transpose_lhs_hint = false} : vector<128x1024xf32>, vector<1x1024xf32>, vector<128x1xf32> -> vector<128x1xf32>
    %ge3A_370 = arith.constant 1.280000e+02 : f32
    %ge3A_371 = vector.broadcast %ge3A_370 : f32 to vector<128x1xf32>
    %ge3A_372 = arith.cmpf oge, %dot_general3A_369, %ge3A_371 : vector<128x1xf32>
    %select_n3A_373 = arith.select %ge3A_372, %add3A_363, %select_n3A_347 : vector<128x1xi1>, vector<128x1xi32>
    %add3A_374 = arith.constant 1 : i32
    %add3A_375 = vector.broadcast %add3A_374 : i32 to vector<128x1xi32>
    %add3A_376 = arith.addi %add3A_363, %add3A_375 : vector<128x1xi32>
    %select_n3A_377 = arith.select %ge3A_372, %select_n3A_351, %add3A_376 : vector<128x1xi1>, vector<128x1xi32>
    %shift_right_arithmetic3A_378 = arith.constant 1 : i32
    %shift_right_arithmetic3A_379 = vector.broadcast %shift_right_arithmetic3A_378 : i32 to vector<128x1xi32>
    %shift_right_arithmetic3A_380 = arith.shrsi %select_n3A_377, %shift_right_arithmetic3A_379 : vector<128x1xi32>
    %shift_right_arithmetic3A_381 = arith.constant 1 : i32
    %shift_right_arithmetic3A_382 = vector.broadcast %shift_right_arithmetic3A_381 : i32 to vector<128x1xi32>
    %shift_right_arithmetic3A_383 = arith.shrsi %select_n3A_373, %shift_right_arithmetic3A_382 : vector<128x1xi32>
    %add3A_384 = arith.addi %shift_right_arithmetic3A_380, %shift_right_arithmetic3A_383 : vector<128x1xi32>
    %and3A_385 = arith.andi %select_n3A_377, %select_n3A_373 : vector<128x1xi32>
    %and3A_386 = arith.constant 1 : i32
    %and3A_387 = vector.broadcast %and3A_386 : i32 to vector<128x1xi32>
    %and3A_388 = arith.andi %and3A_385, %and3A_387 : vector<128x1xi32>
    %add3A_389 = arith.addi %add3A_384, %and3A_388 : vector<128x1xi32>
    %le3A_390 = vector.broadcast %add3A_389 : vector<128x1xi32> to vector<128x1024xi32>
    %le3A_391 = arith.cmpi sle, %concatenate3A, %le3A_390 : vector<128x1024xi32>
    %convert_element_type3A_392 = arith.extui %le3A_391 : vector<128x1024xi1> to vector<128x1024xi32>
    %convert_element_type3A_393 = arith.sitofp %convert_element_type3A_392 : vector<128x1024xi32> to vector<128x1024xf32>
    %dot_general3A_394 = arith.constant dense<0.000000e+00> : vector<128x1xf32>
    %dot_general3A_395 = tpu.matmul %convert_element_type3A_393, %broadcast_in_dim3A_220, %dot_general3A_394 {dimension_numbers = #tpu.dot_dimension_numbers<[1], [1], [0], [0], [0, 0, 1, 0], [], []>, transpose_lhs_hint = false} : vector<128x1024xf32>, vector<1x1024xf32>, vector<128x1xf32> -> vector<128x1xf32>
    %ge3A_396 = arith.constant 1.280000e+02 : f32
    %ge3A_397 = vector.broadcast %ge3A_396 : f32 to vector<128x1xf32>
    %ge3A_398 = arith.cmpf oge, %dot_general3A_395, %ge3A_397 : vector<128x1xf32>
    %select_n3A_399 = arith.select %ge3A_398, %add3A_389, %select_n3A_373 : vector<128x1xi1>, vector<128x1xi32>
    %add3A_400 = arith.constant 1 : i32
    %add3A_401 = vector.broadcast %add3A_400 : i32 to vector<128x1xi32>
    %add3A_402 = arith.addi %add3A_389, %add3A_401 : vector<128x1xi32>
    %select_n3A_403 = arith.select %ge3A_398, %select_n3A_377, %add3A_402 : vector<128x1xi1>, vector<128x1xi32>
    %shift_right_arithmetic3A_404 = arith.constant 1 : i32
    %shift_right_arithmetic3A_405 = vector.broadcast %shift_right_arithmetic3A_404 : i32 to vector<128x1xi32>
    %shift_right_arithmetic3A_406 = arith.shrsi %select_n3A_403, %shift_right_arithmetic3A_405 : vector<128x1xi32>
    %shift_right_arithmetic3A_407 = arith.constant 1 : i32
    %shift_right_arithmetic3A_408 = vector.broadcast %shift_right_arithmetic3A_407 : i32 to vector<128x1xi32>
    %shift_right_arithmetic3A_409 = arith.shrsi %select_n3A_399, %shift_right_arithmetic3A_408 : vector<128x1xi32>
    %add3A_410 = arith.addi %shift_right_arithmetic3A_406, %shift_right_arithmetic3A_409 : vector<128x1xi32>
    %and3A_411 = arith.andi %select_n3A_403, %select_n3A_399 : vector<128x1xi32>
    %and3A_412 = arith.constant 1 : i32
    %and3A_413 = vector.broadcast %and3A_412 : i32 to vector<128x1xi32>
    %and3A_414 = arith.andi %and3A_411, %and3A_413 : vector<128x1xi32>
    %add3A_415 = arith.addi %add3A_410, %and3A_414 : vector<128x1xi32>
    %le3A_416 = vector.broadcast %add3A_415 : vector<128x1xi32> to vector<128x1024xi32>
    %le3A_417 = arith.cmpi sle, %concatenate3A, %le3A_416 : vector<128x1024xi32>
    %convert_element_type3A_418 = arith.extui %le3A_417 : vector<128x1024xi1> to vector<128x1024xi32>
    %convert_element_type3A_419 = arith.sitofp %convert_element_type3A_418 : vector<128x1024xi32> to vector<128x1024xf32>
    %dot_general3A_420 = arith.constant dense<0.000000e+00> : vector<128x1xf32>
    %dot_general3A_421 = tpu.matmul %convert_element_type3A_419, %broadcast_in_dim3A_220, %dot_general3A_420 {dimension_numbers = #tpu.dot_dimension_numbers<[1], [1], [0], [0], [0, 0, 1, 0], [], []>, transpose_lhs_hint = false} : vector<128x1024xf32>, vector<1x1024xf32>, vector<128x1xf32> -> vector<128x1xf32>
    %ge3A_422 = arith.constant 1.280000e+02 : f32
    %ge3A_423 = vector.broadcast %ge3A_422 : f32 to vector<128x1xf32>
    %ge3A_424 = arith.cmpf oge, %dot_general3A_421, %ge3A_423 : vector<128x1xf32>
    %select_n3A_425 = arith.select %ge3A_424, %add3A_415, %select_n3A_399 : vector<128x1xi1>, vector<128x1xi32>
    %add3A_426 = arith.constant 1 : i32
    %add3A_427 = vector.broadcast %add3A_426 : i32 to vector<128x1xi32>
    %add3A_428 = arith.addi %add3A_415, %add3A_427 : vector<128x1xi32>
    %select_n3A_429 = arith.select %ge3A_424, %select_n3A_403, %add3A_428 : vector<128x1xi1>, vector<128x1xi32>
    %shift_right_arithmetic3A_430 = arith.constant 1 : i32
    %shift_right_arithmetic3A_431 = vector.broadcast %shift_right_arithmetic3A_430 : i32 to vector<128x1xi32>
    %shift_right_arithmetic3A_432 = arith.shrsi %select_n3A_429, %shift_right_arithmetic3A_431 : vector<128x1xi32>
    %shift_right_arithmetic3A_433 = arith.constant 1 : i32
    %shift_right_arithmetic3A_434 = vector.broadcast %shift_right_arithmetic3A_433 : i32 to vector<128x1xi32>
    %shift_right_arithmetic3A_435 = arith.shrsi %select_n3A_425, %shift_right_arithmetic3A_434 : vector<128x1xi32>
    %add3A_436 = arith.addi %shift_right_arithmetic3A_432, %shift_right_arithmetic3A_435 : vector<128x1xi32>
    %and3A_437 = arith.andi %select_n3A_429, %select_n3A_425 : vector<128x1xi32>
    %and3A_438 = arith.constant 1 : i32
    %and3A_439 = vector.broadcast %and3A_438 : i32 to vector<128x1xi32>
    %and3A_440 = arith.andi %and3A_437, %and3A_439 : vector<128x1xi32>
    %add3A_441 = arith.addi %add3A_436, %and3A_440 : vector<128x1xi32>
    %le3A_442 = vector.broadcast %add3A_441 : vector<128x1xi32> to vector<128x1024xi32>
    %le3A_443 = arith.cmpi sle, %concatenate3A, %le3A_442 : vector<128x1024xi32>
    %convert_element_type3A_444 = arith.extui %le3A_443 : vector<128x1024xi1> to vector<128x1024xi32>
    %convert_element_type3A_445 = arith.sitofp %convert_element_type3A_444 : vector<128x1024xi32> to vector<128x1024xf32>
    %dot_general3A_446 = arith.constant dense<0.000000e+00> : vector<128x1xf32>
    %dot_general3A_447 = tpu.matmul %convert_element_type3A_445, %broadcast_in_dim3A_220, %dot_general3A_446 {dimension_numbers = #tpu.dot_dimension_numbers<[1], [1], [0], [0], [0, 0, 1, 0], [], []>, transpose_lhs_hint = false} : vector<128x1024xf32>, vector<1x1024xf32>, vector<128x1xf32> -> vector<128x1xf32>
    %ge3A_448 = arith.constant 1.280000e+02 : f32
    %ge3A_449 = vector.broadcast %ge3A_448 : f32 to vector<128x1xf32>
    %ge3A_450 = arith.cmpf oge, %dot_general3A_447, %ge3A_449 : vector<128x1xf32>
    %select_n3A_451 = arith.select %ge3A_450, %add3A_441, %select_n3A_425 : vector<128x1xi1>, vector<128x1xi32>
    %add3A_452 = arith.constant 1 : i32
    %add3A_453 = vector.broadcast %add3A_452 : i32 to vector<128x1xi32>
    %add3A_454 = arith.addi %add3A_441, %add3A_453 : vector<128x1xi32>
    %select_n3A_455 = arith.select %ge3A_450, %select_n3A_429, %add3A_454 : vector<128x1xi1>, vector<128x1xi32>
    %shift_right_arithmetic3A_456 = arith.constant 1 : i32
    %shift_right_arithmetic3A_457 = vector.broadcast %shift_right_arithmetic3A_456 : i32 to vector<128x1xi32>
    %shift_right_arithmetic3A_458 = arith.shrsi %select_n3A_455, %shift_right_arithmetic3A_457 : vector<128x1xi32>
    %shift_right_arithmetic3A_459 = arith.constant 1 : i32
    %shift_right_arithmetic3A_460 = vector.broadcast %shift_right_arithmetic3A_459 : i32 to vector<128x1xi32>
    %shift_right_arithmetic3A_461 = arith.shrsi %select_n3A_451, %shift_right_arithmetic3A_460 : vector<128x1xi32>
    %add3A_462 = arith.addi %shift_right_arithmetic3A_458, %shift_right_arithmetic3A_461 : vector<128x1xi32>
    %and3A_463 = arith.andi %select_n3A_455, %select_n3A_451 : vector<128x1xi32>
    %and3A_464 = arith.constant 1 : i32
    %and3A_465 = vector.broadcast %and3A_464 : i32 to vector<128x1xi32>
    %and3A_466 = arith.andi %and3A_463, %and3A_465 : vector<128x1xi32>
    %add3A_467 = arith.addi %add3A_462, %and3A_466 : vector<128x1xi32>
    %le3A_468 = vector.broadcast %add3A_467 : vector<128x1xi32> to vector<128x1024xi32>
    %le3A_469 = arith.cmpi sle, %concatenate3A, %le3A_468 : vector<128x1024xi32>
    %convert_element_type3A_470 = arith.extui %le3A_469 : vector<128x1024xi1> to vector<128x1024xi32>
    %convert_element_type3A_471 = arith.sitofp %convert_element_type3A_470 : vector<128x1024xi32> to vector<128x1024xf32>
    %dot_general3A_472 = arith.constant dense<0.000000e+00> : vector<128x1xf32>
    %dot_general3A_473 = tpu.matmul %convert_element_type3A_471, %broadcast_in_dim3A_220, %dot_general3A_472 {dimension_numbers = #tpu.dot_dimension_numbers<[1], [1], [0], [0], [0, 0, 1, 0], [], []>, transpose_lhs_hint = false} : vector<128x1024xf32>, vector<1x1024xf32>, vector<128x1xf32> -> vector<128x1xf32>
    %ge3A_474 = arith.constant 1.280000e+02 : f32
    %ge3A_475 = vector.broadcast %ge3A_474 : f32 to vector<128x1xf32>
    %ge3A_476 = arith.cmpf oge, %dot_general3A_473, %ge3A_475 : vector<128x1xf32>
    %select_n3A_477 = arith.select %ge3A_476, %add3A_467, %select_n3A_451 : vector<128x1xi1>, vector<128x1xi32>
    %add3A_478 = arith.constant 1 : i32
    %add3A_479 = vector.broadcast %add3A_478 : i32 to vector<128x1xi32>
    %add3A_480 = arith.addi %add3A_467, %add3A_479 : vector<128x1xi32>
    %select_n3A_481 = arith.select %ge3A_476, %select_n3A_455, %add3A_480 : vector<128x1xi1>, vector<128x1xi32>
    %shift_right_arithmetic3A_482 = arith.constant 1 : i32
    %shift_right_arithmetic3A_483 = vector.broadcast %shift_right_arithmetic3A_482 : i32 to vector<128x1xi32>
    %shift_right_arithmetic3A_484 = arith.shrsi %select_n3A_481, %shift_right_arithmetic3A_483 : vector<128x1xi32>
    %shift_right_arithmetic3A_485 = arith.constant 1 : i32
    %shift_right_arithmetic3A_486 = vector.broadcast %shift_right_arithmetic3A_485 : i32 to vector<128x1xi32>
    %shift_right_arithmetic3A_487 = arith.shrsi %select_n3A_477, %shift_right_arithmetic3A_486 : vector<128x1xi32>
    %add3A_488 = arith.addi %shift_right_arithmetic3A_484, %shift_right_arithmetic3A_487 : vector<128x1xi32>
    %and3A_489 = arith.andi %select_n3A_481, %select_n3A_477 : vector<128x1xi32>
    %and3A_490 = arith.constant 1 : i32
    %and3A_491 = vector.broadcast %and3A_490 : i32 to vector<128x1xi32>
    %and3A_492 = arith.andi %and3A_489, %and3A_491 : vector<128x1xi32>
    %add3A_493 = arith.addi %add3A_488, %and3A_492 : vector<128x1xi32>
    %le3A_494 = vector.broadcast %add3A_493 : vector<128x1xi32> to vector<128x1024xi32>
    %le3A_495 = arith.cmpi sle, %concatenate3A, %le3A_494 : vector<128x1024xi32>
    %convert_element_type3A_496 = arith.extui %le3A_495 : vector<128x1024xi1> to vector<128x1024xi32>
    %convert_element_type3A_497 = arith.sitofp %convert_element_type3A_496 : vector<128x1024xi32> to vector<128x1024xf32>
    %dot_general3A_498 = arith.constant dense<0.000000e+00> : vector<128x1xf32>
    %dot_general3A_499 = tpu.matmul %convert_element_type3A_497, %broadcast_in_dim3A_220, %dot_general3A_498 {dimension_numbers = #tpu.dot_dimension_numbers<[1], [1], [0], [0], [0, 0, 1, 0], [], []>, transpose_lhs_hint = false} : vector<128x1024xf32>, vector<1x1024xf32>, vector<128x1xf32> -> vector<128x1xf32>
    %ge3A_500 = arith.constant 1.280000e+02 : f32
    %ge3A_501 = vector.broadcast %ge3A_500 : f32 to vector<128x1xf32>
    %ge3A_502 = arith.cmpf oge, %dot_general3A_499, %ge3A_501 : vector<128x1xf32>
    %select_n3A_503 = arith.select %ge3A_502, %add3A_493, %select_n3A_477 : vector<128x1xi1>, vector<128x1xi32>
    %add3A_504 = arith.constant 1 : i32
    %add3A_505 = vector.broadcast %add3A_504 : i32 to vector<128x1xi32>
    %add3A_506 = arith.addi %add3A_493, %add3A_505 : vector<128x1xi32>
    %select_n3A_507 = arith.select %ge3A_502, %select_n3A_481, %add3A_506 : vector<128x1xi1>, vector<128x1xi32>
    %shift_right_arithmetic3A_508 = arith.constant 1 : i32
    %shift_right_arithmetic3A_509 = vector.broadcast %shift_right_arithmetic3A_508 : i32 to vector<128x1xi32>
    %shift_right_arithmetic3A_510 = arith.shrsi %select_n3A_507, %shift_right_arithmetic3A_509 : vector<128x1xi32>
    %shift_right_arithmetic3A_511 = arith.constant 1 : i32
    %shift_right_arithmetic3A_512 = vector.broadcast %shift_right_arithmetic3A_511 : i32 to vector<128x1xi32>
    %shift_right_arithmetic3A_513 = arith.shrsi %select_n3A_503, %shift_right_arithmetic3A_512 : vector<128x1xi32>
    %add3A_514 = arith.addi %shift_right_arithmetic3A_510, %shift_right_arithmetic3A_513 : vector<128x1xi32>
    %and3A_515 = arith.andi %select_n3A_507, %select_n3A_503 : vector<128x1xi32>
    %and3A_516 = arith.constant 1 : i32
    %and3A_517 = vector.broadcast %and3A_516 : i32 to vector<128x1xi32>
    %and3A_518 = arith.andi %and3A_515, %and3A_517 : vector<128x1xi32>
    %add3A_519 = arith.addi %add3A_514, %and3A_518 : vector<128x1xi32>
    %le3A_520 = vector.broadcast %add3A_519 : vector<128x1xi32> to vector<128x1024xi32>
    %le3A_521 = arith.cmpi sle, %concatenate3A, %le3A_520 : vector<128x1024xi32>
    %convert_element_type3A_522 = arith.extui %le3A_521 : vector<128x1024xi1> to vector<128x1024xi32>
    %convert_element_type3A_523 = arith.sitofp %convert_element_type3A_522 : vector<128x1024xi32> to vector<128x1024xf32>
    %dot_general3A_524 = arith.constant dense<0.000000e+00> : vector<128x1xf32>
    %dot_general3A_525 = tpu.matmul %convert_element_type3A_523, %broadcast_in_dim3A_220, %dot_general3A_524 {dimension_numbers = #tpu.dot_dimension_numbers<[1], [1], [0], [0], [0, 0, 1, 0], [], []>, transpose_lhs_hint = false} : vector<128x1024xf32>, vector<1x1024xf32>, vector<128x1xf32> -> vector<128x1xf32>
    %ge3A_526 = arith.constant 1.280000e+02 : f32
    %ge3A_527 = vector.broadcast %ge3A_526 : f32 to vector<128x1xf32>
    %ge3A_528 = arith.cmpf oge, %dot_general3A_525, %ge3A_527 : vector<128x1xf32>
    %select_n3A_529 = arith.select %ge3A_528, %add3A_519, %select_n3A_503 : vector<128x1xi1>, vector<128x1xi32>
    %add3A_530 = arith.constant 1 : i32
    %add3A_531 = vector.broadcast %add3A_530 : i32 to vector<128x1xi32>
    %add3A_532 = arith.addi %add3A_519, %add3A_531 : vector<128x1xi32>
    %select_n3A_533 = arith.select %ge3A_528, %select_n3A_507, %add3A_532 : vector<128x1xi1>, vector<128x1xi32>
    %shift_right_arithmetic3A_534 = arith.constant 1 : i32
    %shift_right_arithmetic3A_535 = vector.broadcast %shift_right_arithmetic3A_534 : i32 to vector<128x1xi32>
    %shift_right_arithmetic3A_536 = arith.shrsi %select_n3A_533, %shift_right_arithmetic3A_535 : vector<128x1xi32>
    %shift_right_arithmetic3A_537 = arith.constant 1 : i32
    %shift_right_arithmetic3A_538 = vector.broadcast %shift_right_arithmetic3A_537 : i32 to vector<128x1xi32>
    %shift_right_arithmetic3A_539 = arith.shrsi %select_n3A_529, %shift_right_arithmetic3A_538 : vector<128x1xi32>
    %add3A_540 = arith.addi %shift_right_arithmetic3A_536, %shift_right_arithmetic3A_539 : vector<128x1xi32>
    %and3A_541 = arith.andi %select_n3A_533, %select_n3A_529 : vector<128x1xi32>
    %and3A_542 = arith.constant 1 : i32
    %and3A_543 = vector.broadcast %and3A_542 : i32 to vector<128x1xi32>
    %and3A_544 = arith.andi %and3A_541, %and3A_543 : vector<128x1xi32>
    %add3A_545 = arith.addi %add3A_540, %and3A_544 : vector<128x1xi32>
    %le3A_546 = vector.broadcast %add3A_545 : vector<128x1xi32> to vector<128x1024xi32>
    %le3A_547 = arith.cmpi sle, %concatenate3A, %le3A_546 : vector<128x1024xi32>
    %convert_element_type3A_548 = arith.extui %le3A_547 : vector<128x1024xi1> to vector<128x1024xi32>
    %convert_element_type3A_549 = arith.sitofp %convert_element_type3A_548 : vector<128x1024xi32> to vector<128x1024xf32>
    %dot_general3A_550 = arith.constant dense<0.000000e+00> : vector<128x1xf32>
    %dot_general3A_551 = tpu.matmul %convert_element_type3A_549, %broadcast_in_dim3A_220, %dot_general3A_550 {dimension_numbers = #tpu.dot_dimension_numbers<[1], [1], [0], [0], [0, 0, 1, 0], [], []>, transpose_lhs_hint = false} : vector<128x1024xf32>, vector<1x1024xf32>, vector<128x1xf32> -> vector<128x1xf32>
    %ge3A_552 = arith.constant 1.280000e+02 : f32
    %ge3A_553 = vector.broadcast %ge3A_552 : f32 to vector<128x1xf32>
    %ge3A_554 = arith.cmpf oge, %dot_general3A_551, %ge3A_553 : vector<128x1xf32>
    %select_n3A_555 = arith.select %ge3A_554, %add3A_545, %select_n3A_529 : vector<128x1xi1>, vector<128x1xi32>
    %add3A_556 = arith.constant 1 : i32
    %add3A_557 = vector.broadcast %add3A_556 : i32 to vector<128x1xi32>
    %add3A_558 = arith.addi %add3A_545, %add3A_557 : vector<128x1xi32>
    %select_n3A_559 = arith.select %ge3A_554, %select_n3A_533, %add3A_558 : vector<128x1xi1>, vector<128x1xi32>
    %shift_right_arithmetic3A_560 = arith.constant 1 : i32
    %shift_right_arithmetic3A_561 = vector.broadcast %shift_right_arithmetic3A_560 : i32 to vector<128x1xi32>
    %shift_right_arithmetic3A_562 = arith.shrsi %select_n3A_559, %shift_right_arithmetic3A_561 : vector<128x1xi32>
    %shift_right_arithmetic3A_563 = arith.constant 1 : i32
    %shift_right_arithmetic3A_564 = vector.broadcast %shift_right_arithmetic3A_563 : i32 to vector<128x1xi32>
    %shift_right_arithmetic3A_565 = arith.shrsi %select_n3A_555, %shift_right_arithmetic3A_564 : vector<128x1xi32>
    %add3A_566 = arith.addi %shift_right_arithmetic3A_562, %shift_right_arithmetic3A_565 : vector<128x1xi32>
    %and3A_567 = arith.andi %select_n3A_559, %select_n3A_555 : vector<128x1xi32>
    %and3A_568 = arith.constant 1 : i32
    %and3A_569 = vector.broadcast %and3A_568 : i32 to vector<128x1xi32>
    %and3A_570 = arith.andi %and3A_567, %and3A_569 : vector<128x1xi32>
    %add3A_571 = arith.addi %add3A_566, %and3A_570 : vector<128x1xi32>
    %le3A_572 = vector.broadcast %add3A_571 : vector<128x1xi32> to vector<128x1024xi32>
    %le3A_573 = arith.cmpi sle, %concatenate3A, %le3A_572 : vector<128x1024xi32>
    %convert_element_type3A_574 = arith.extui %le3A_573 : vector<128x1024xi1> to vector<128x1024xi32>
    %convert_element_type3A_575 = arith.sitofp %convert_element_type3A_574 : vector<128x1024xi32> to vector<128x1024xf32>
    %dot_general3A_576 = arith.constant dense<0.000000e+00> : vector<128x1xf32>
    %dot_general3A_577 = tpu.matmul %convert_element_type3A_575, %broadcast_in_dim3A_220, %dot_general3A_576 {dimension_numbers = #tpu.dot_dimension_numbers<[1], [1], [0], [0], [0, 0, 1, 0], [], []>, transpose_lhs_hint = false} : vector<128x1024xf32>, vector<1x1024xf32>, vector<128x1xf32> -> vector<128x1xf32>
    %ge3A_578 = arith.constant 1.280000e+02 : f32
    %ge3A_579 = vector.broadcast %ge3A_578 : f32 to vector<128x1xf32>
    %ge3A_580 = arith.cmpf oge, %dot_general3A_577, %ge3A_579 : vector<128x1xf32>
    %select_n3A_581 = arith.select %ge3A_580, %add3A_571, %select_n3A_555 : vector<128x1xi1>, vector<128x1xi32>
    %add3A_582 = arith.constant 1 : i32
    %add3A_583 = vector.broadcast %add3A_582 : i32 to vector<128x1xi32>
    %add3A_584 = arith.addi %add3A_571, %add3A_583 : vector<128x1xi32>
    %select_n3A_585 = arith.select %ge3A_580, %select_n3A_559, %add3A_584 : vector<128x1xi1>, vector<128x1xi32>
    %shift_right_arithmetic3A_586 = arith.constant 1 : i32
    %shift_right_arithmetic3A_587 = vector.broadcast %shift_right_arithmetic3A_586 : i32 to vector<128x1xi32>
    %shift_right_arithmetic3A_588 = arith.shrsi %select_n3A_585, %shift_right_arithmetic3A_587 : vector<128x1xi32>
    %shift_right_arithmetic3A_589 = arith.constant 1 : i32
    %shift_right_arithmetic3A_590 = vector.broadcast %shift_right_arithmetic3A_589 : i32 to vector<128x1xi32>
    %shift_right_arithmetic3A_591 = arith.shrsi %select_n3A_581, %shift_right_arithmetic3A_590 : vector<128x1xi32>
    %add3A_592 = arith.addi %shift_right_arithmetic3A_588, %shift_right_arithmetic3A_591 : vector<128x1xi32>
    %and3A_593 = arith.andi %select_n3A_585, %select_n3A_581 : vector<128x1xi32>
    %and3A_594 = arith.constant 1 : i32
    %and3A_595 = vector.broadcast %and3A_594 : i32 to vector<128x1xi32>
    %and3A_596 = arith.andi %and3A_593, %and3A_595 : vector<128x1xi32>
    %add3A_597 = arith.addi %add3A_592, %and3A_596 : vector<128x1xi32>
    %le3A_598 = vector.broadcast %add3A_597 : vector<128x1xi32> to vector<128x1024xi32>
    %le3A_599 = arith.cmpi sle, %concatenate3A, %le3A_598 : vector<128x1024xi32>
    %convert_element_type3A_600 = arith.extui %le3A_599 : vector<128x1024xi1> to vector<128x1024xi32>
    %convert_element_type3A_601 = arith.sitofp %convert_element_type3A_600 : vector<128x1024xi32> to vector<128x1024xf32>
    %dot_general3A_602 = arith.constant dense<0.000000e+00> : vector<128x1xf32>
    %dot_general3A_603 = tpu.matmul %convert_element_type3A_601, %broadcast_in_dim3A_220, %dot_general3A_602 {dimension_numbers = #tpu.dot_dimension_numbers<[1], [1], [0], [0], [0, 0, 1, 0], [], []>, transpose_lhs_hint = false} : vector<128x1024xf32>, vector<1x1024xf32>, vector<128x1xf32> -> vector<128x1xf32>
    %ge3A_604 = arith.constant 1.280000e+02 : f32
    %ge3A_605 = vector.broadcast %ge3A_604 : f32 to vector<128x1xf32>
    %ge3A_606 = arith.cmpf oge, %dot_general3A_603, %ge3A_605 : vector<128x1xf32>
    %select_n3A_607 = arith.select %ge3A_606, %add3A_597, %select_n3A_581 : vector<128x1xi1>, vector<128x1xi32>
    %add3A_608 = arith.constant 1 : i32
    %add3A_609 = vector.broadcast %add3A_608 : i32 to vector<128x1xi32>
    %add3A_610 = arith.addi %add3A_597, %add3A_609 : vector<128x1xi32>
    %select_n3A_611 = arith.select %ge3A_606, %select_n3A_585, %add3A_610 : vector<128x1xi1>, vector<128x1xi32>
    %shift_right_arithmetic3A_612 = arith.constant 1 : i32
    %shift_right_arithmetic3A_613 = vector.broadcast %shift_right_arithmetic3A_612 : i32 to vector<128x1xi32>
    %shift_right_arithmetic3A_614 = arith.shrsi %select_n3A_611, %shift_right_arithmetic3A_613 : vector<128x1xi32>
    %shift_right_arithmetic3A_615 = arith.constant 1 : i32
    %shift_right_arithmetic3A_616 = vector.broadcast %shift_right_arithmetic3A_615 : i32 to vector<128x1xi32>
    %shift_right_arithmetic3A_617 = arith.shrsi %select_n3A_607, %shift_right_arithmetic3A_616 : vector<128x1xi32>
    %add3A_618 = arith.addi %shift_right_arithmetic3A_614, %shift_right_arithmetic3A_617 : vector<128x1xi32>
    %and3A_619 = arith.andi %select_n3A_611, %select_n3A_607 : vector<128x1xi32>
    %and3A_620 = arith.constant 1 : i32
    %and3A_621 = vector.broadcast %and3A_620 : i32 to vector<128x1xi32>
    %and3A_622 = arith.andi %and3A_619, %and3A_621 : vector<128x1xi32>
    %add3A_623 = arith.addi %add3A_618, %and3A_622 : vector<128x1xi32>
    %le3A_624 = vector.broadcast %add3A_623 : vector<128x1xi32> to vector<128x1024xi32>
    %le3A_625 = arith.cmpi sle, %concatenate3A, %le3A_624 : vector<128x1024xi32>
    %convert_element_type3A_626 = arith.extui %le3A_625 : vector<128x1024xi1> to vector<128x1024xi32>
    %convert_element_type3A_627 = arith.sitofp %convert_element_type3A_626 : vector<128x1024xi32> to vector<128x1024xf32>
    %dot_general3A_628 = arith.constant dense<0.000000e+00> : vector<128x1xf32>
    %dot_general3A_629 = tpu.matmul %convert_element_type3A_627, %broadcast_in_dim3A_220, %dot_general3A_628 {dimension_numbers = #tpu.dot_dimension_numbers<[1], [1], [0], [0], [0, 0, 1, 0], [], []>, transpose_lhs_hint = false} : vector<128x1024xf32>, vector<1x1024xf32>, vector<128x1xf32> -> vector<128x1xf32>
    %ge3A_630 = arith.constant 1.280000e+02 : f32
    %ge3A_631 = vector.broadcast %ge3A_630 : f32 to vector<128x1xf32>
    %ge3A_632 = arith.cmpf oge, %dot_general3A_629, %ge3A_631 : vector<128x1xf32>
    %select_n3A_633 = arith.select %ge3A_632, %add3A_623, %select_n3A_607 : vector<128x1xi1>, vector<128x1xi32>
    %add3A_634 = arith.constant 1 : i32
    %add3A_635 = vector.broadcast %add3A_634 : i32 to vector<128x1xi32>
    %add3A_636 = arith.addi %add3A_623, %add3A_635 : vector<128x1xi32>
    %select_n3A_637 = arith.select %ge3A_632, %select_n3A_611, %add3A_636 : vector<128x1xi1>, vector<128x1xi32>
    %shift_right_arithmetic3A_638 = arith.constant 1 : i32
    %shift_right_arithmetic3A_639 = vector.broadcast %shift_right_arithmetic3A_638 : i32 to vector<128x1xi32>
    %shift_right_arithmetic3A_640 = arith.shrsi %select_n3A_637, %shift_right_arithmetic3A_639 : vector<128x1xi32>
    %shift_right_arithmetic3A_641 = arith.constant 1 : i32
    %shift_right_arithmetic3A_642 = vector.broadcast %shift_right_arithmetic3A_641 : i32 to vector<128x1xi32>
    %shift_right_arithmetic3A_643 = arith.shrsi %select_n3A_633, %shift_right_arithmetic3A_642 : vector<128x1xi32>
    %add3A_644 = arith.addi %shift_right_arithmetic3A_640, %shift_right_arithmetic3A_643 : vector<128x1xi32>
    %and3A_645 = arith.andi %select_n3A_637, %select_n3A_633 : vector<128x1xi32>
    %and3A_646 = arith.constant 1 : i32
    %and3A_647 = vector.broadcast %and3A_646 : i32 to vector<128x1xi32>
    %and3A_648 = arith.andi %and3A_645, %and3A_647 : vector<128x1xi32>
    %add3A_649 = arith.addi %add3A_644, %and3A_648 : vector<128x1xi32>
    %le3A_650 = vector.broadcast %add3A_649 : vector<128x1xi32> to vector<128x1024xi32>
    %le3A_651 = arith.cmpi sle, %concatenate3A, %le3A_650 : vector<128x1024xi32>
    %convert_element_type3A_652 = arith.extui %le3A_651 : vector<128x1024xi1> to vector<128x1024xi32>
    %convert_element_type3A_653 = arith.sitofp %convert_element_type3A_652 : vector<128x1024xi32> to vector<128x1024xf32>
    %dot_general3A_654 = arith.constant dense<0.000000e+00> : vector<128x1xf32>
    %dot_general3A_655 = tpu.matmul %convert_element_type3A_653, %broadcast_in_dim3A_220, %dot_general3A_654 {dimension_numbers = #tpu.dot_dimension_numbers<[1], [1], [0], [0], [0, 0, 1, 0], [], []>, transpose_lhs_hint = false} : vector<128x1024xf32>, vector<1x1024xf32>, vector<128x1xf32> -> vector<128x1xf32>
    %ge3A_656 = arith.constant 1.280000e+02 : f32
    %ge3A_657 = vector.broadcast %ge3A_656 : f32 to vector<128x1xf32>
    %ge3A_658 = arith.cmpf oge, %dot_general3A_655, %ge3A_657 : vector<128x1xf32>
    %select_n3A_659 = arith.select %ge3A_658, %add3A_649, %select_n3A_633 : vector<128x1xi1>, vector<128x1xi32>
    %add3A_660 = arith.constant 1 : i32
    %add3A_661 = vector.broadcast %add3A_660 : i32 to vector<128x1xi32>
    %add3A_662 = arith.addi %add3A_649, %add3A_661 : vector<128x1xi32>
    %select_n3A_663 = arith.select %ge3A_658, %select_n3A_637, %add3A_662 : vector<128x1xi1>, vector<128x1xi32>
    %shift_right_arithmetic3A_664 = arith.constant 1 : i32
    %shift_right_arithmetic3A_665 = vector.broadcast %shift_right_arithmetic3A_664 : i32 to vector<128x1xi32>
    %shift_right_arithmetic3A_666 = arith.shrsi %select_n3A_663, %shift_right_arithmetic3A_665 : vector<128x1xi32>
    %shift_right_arithmetic3A_667 = arith.constant 1 : i32
    %shift_right_arithmetic3A_668 = vector.broadcast %shift_right_arithmetic3A_667 : i32 to vector<128x1xi32>
    %shift_right_arithmetic3A_669 = arith.shrsi %select_n3A_659, %shift_right_arithmetic3A_668 : vector<128x1xi32>
    %add3A_670 = arith.addi %shift_right_arithmetic3A_666, %shift_right_arithmetic3A_669 : vector<128x1xi32>
    %and3A_671 = arith.andi %select_n3A_663, %select_n3A_659 : vector<128x1xi32>
    %and3A_672 = arith.constant 1 : i32
    %and3A_673 = vector.broadcast %and3A_672 : i32 to vector<128x1xi32>
    %and3A_674 = arith.andi %and3A_671, %and3A_673 : vector<128x1xi32>
    %add3A_675 = arith.addi %add3A_670, %and3A_674 : vector<128x1xi32>
    %le3A_676 = vector.broadcast %add3A_675 : vector<128x1xi32> to vector<128x1024xi32>
    %le3A_677 = arith.cmpi sle, %concatenate3A, %le3A_676 : vector<128x1024xi32>
    %convert_element_type3A_678 = arith.extui %le3A_677 : vector<128x1024xi1> to vector<128x1024xi32>
    %convert_element_type3A_679 = arith.sitofp %convert_element_type3A_678 : vector<128x1024xi32> to vector<128x1024xf32>
    %dot_general3A_680 = arith.constant dense<0.000000e+00> : vector<128x1xf32>
    %dot_general3A_681 = tpu.matmul %convert_element_type3A_679, %broadcast_in_dim3A_220, %dot_general3A_680 {dimension_numbers = #tpu.dot_dimension_numbers<[1], [1], [0], [0], [0, 0, 1, 0], [], []>, transpose_lhs_hint = false} : vector<128x1024xf32>, vector<1x1024xf32>, vector<128x1xf32> -> vector<128x1xf32>
    %ge3A_682 = arith.constant 1.280000e+02 : f32
    %ge3A_683 = vector.broadcast %ge3A_682 : f32 to vector<128x1xf32>
    %ge3A_684 = arith.cmpf oge, %dot_general3A_681, %ge3A_683 : vector<128x1xf32>
    %select_n3A_685 = arith.select %ge3A_684, %add3A_675, %select_n3A_659 : vector<128x1xi1>, vector<128x1xi32>
    %add3A_686 = arith.constant 1 : i32
    %add3A_687 = vector.broadcast %add3A_686 : i32 to vector<128x1xi32>
    %add3A_688 = arith.addi %add3A_675, %add3A_687 : vector<128x1xi32>
    %select_n3A_689 = arith.select %ge3A_684, %select_n3A_663, %add3A_688 : vector<128x1xi1>, vector<128x1xi32>
    %shift_right_arithmetic3A_690 = arith.constant 1 : i32
    %shift_right_arithmetic3A_691 = vector.broadcast %shift_right_arithmetic3A_690 : i32 to vector<128x1xi32>
    %shift_right_arithmetic3A_692 = arith.shrsi %select_n3A_689, %shift_right_arithmetic3A_691 : vector<128x1xi32>
    %shift_right_arithmetic3A_693 = arith.constant 1 : i32
    %shift_right_arithmetic3A_694 = vector.broadcast %shift_right_arithmetic3A_693 : i32 to vector<128x1xi32>
    %shift_right_arithmetic3A_695 = arith.shrsi %select_n3A_685, %shift_right_arithmetic3A_694 : vector<128x1xi32>
    %add3A_696 = arith.addi %shift_right_arithmetic3A_692, %shift_right_arithmetic3A_695 : vector<128x1xi32>
    %and3A_697 = arith.andi %select_n3A_689, %select_n3A_685 : vector<128x1xi32>
    %and3A_698 = arith.constant 1 : i32
    %and3A_699 = vector.broadcast %and3A_698 : i32 to vector<128x1xi32>
    %and3A_700 = arith.andi %and3A_697, %and3A_699 : vector<128x1xi32>
    %add3A_701 = arith.addi %add3A_696, %and3A_700 : vector<128x1xi32>
    %le3A_702 = vector.broadcast %add3A_701 : vector<128x1xi32> to vector<128x1024xi32>
    %le3A_703 = arith.cmpi sle, %concatenate3A, %le3A_702 : vector<128x1024xi32>
    %convert_element_type3A_704 = arith.extui %le3A_703 : vector<128x1024xi1> to vector<128x1024xi32>
    %convert_element_type3A_705 = arith.sitofp %convert_element_type3A_704 : vector<128x1024xi32> to vector<128x1024xf32>
    %dot_general3A_706 = arith.constant dense<0.000000e+00> : vector<128x1xf32>
    %dot_general3A_707 = tpu.matmul %convert_element_type3A_705, %broadcast_in_dim3A_220, %dot_general3A_706 {dimension_numbers = #tpu.dot_dimension_numbers<[1], [1], [0], [0], [0, 0, 1, 0], [], []>, transpose_lhs_hint = false} : vector<128x1024xf32>, vector<1x1024xf32>, vector<128x1xf32> -> vector<128x1xf32>
    %ge3A_708 = arith.constant 1.280000e+02 : f32
    %ge3A_709 = vector.broadcast %ge3A_708 : f32 to vector<128x1xf32>
    %ge3A_710 = arith.cmpf oge, %dot_general3A_707, %ge3A_709 : vector<128x1xf32>
    %select_n3A_711 = arith.select %ge3A_710, %add3A_701, %select_n3A_685 : vector<128x1xi1>, vector<128x1xi32>
    %add3A_712 = arith.constant 1 : i32
    %add3A_713 = vector.broadcast %add3A_712 : i32 to vector<128x1xi32>
    %add3A_714 = arith.addi %add3A_701, %add3A_713 : vector<128x1xi32>
    %select_n3A_715 = arith.select %ge3A_710, %select_n3A_689, %add3A_714 : vector<128x1xi1>, vector<128x1xi32>
    %shift_right_arithmetic3A_716 = arith.constant 1 : i32
    %shift_right_arithmetic3A_717 = vector.broadcast %shift_right_arithmetic3A_716 : i32 to vector<128x1xi32>
    %shift_right_arithmetic3A_718 = arith.shrsi %select_n3A_715, %shift_right_arithmetic3A_717 : vector<128x1xi32>
    %shift_right_arithmetic3A_719 = arith.constant 1 : i32
    %shift_right_arithmetic3A_720 = vector.broadcast %shift_right_arithmetic3A_719 : i32 to vector<128x1xi32>
    %shift_right_arithmetic3A_721 = arith.shrsi %select_n3A_711, %shift_right_arithmetic3A_720 : vector<128x1xi32>
    %add3A_722 = arith.addi %shift_right_arithmetic3A_718, %shift_right_arithmetic3A_721 : vector<128x1xi32>
    %and3A_723 = arith.andi %select_n3A_715, %select_n3A_711 : vector<128x1xi32>
    %and3A_724 = arith.constant 1 : i32
    %and3A_725 = vector.broadcast %and3A_724 : i32 to vector<128x1xi32>
    %and3A_726 = arith.andi %and3A_723, %and3A_725 : vector<128x1xi32>
    %add3A_727 = arith.addi %add3A_722, %and3A_726 : vector<128x1xi32>
    %le3A_728 = vector.broadcast %add3A_727 : vector<128x1xi32> to vector<128x1024xi32>
    %le3A_729 = arith.cmpi sle, %concatenate3A, %le3A_728 : vector<128x1024xi32>
    %convert_element_type3A_730 = arith.extui %le3A_729 : vector<128x1024xi1> to vector<128x1024xi32>
    %convert_element_type3A_731 = arith.sitofp %convert_element_type3A_730 : vector<128x1024xi32> to vector<128x1024xf32>
    %dot_general3A_732 = arith.constant dense<0.000000e+00> : vector<128x1xf32>
    %dot_general3A_733 = tpu.matmul %convert_element_type3A_731, %broadcast_in_dim3A_220, %dot_general3A_732 {dimension_numbers = #tpu.dot_dimension_numbers<[1], [1], [0], [0], [0, 0, 1, 0], [], []>, transpose_lhs_hint = false} : vector<128x1024xf32>, vector<1x1024xf32>, vector<128x1xf32> -> vector<128x1xf32>
    %ge3A_734 = arith.constant 1.280000e+02 : f32
    %ge3A_735 = vector.broadcast %ge3A_734 : f32 to vector<128x1xf32>
    %ge3A_736 = arith.cmpf oge, %dot_general3A_733, %ge3A_735 : vector<128x1xf32>
    %select_n3A_737 = arith.select %ge3A_736, %add3A_727, %select_n3A_711 : vector<128x1xi1>, vector<128x1xi32>
    %add3A_738 = arith.constant 1 : i32
    %add3A_739 = vector.broadcast %add3A_738 : i32 to vector<128x1xi32>
    %add3A_740 = arith.addi %add3A_727, %add3A_739 : vector<128x1xi32>
    %select_n3A_741 = arith.select %ge3A_736, %select_n3A_715, %add3A_740 : vector<128x1xi1>, vector<128x1xi32>
    %shift_right_arithmetic3A_742 = arith.constant 1 : i32
    %shift_right_arithmetic3A_743 = vector.broadcast %shift_right_arithmetic3A_742 : i32 to vector<128x1xi32>
    %shift_right_arithmetic3A_744 = arith.shrsi %select_n3A_741, %shift_right_arithmetic3A_743 : vector<128x1xi32>
    %shift_right_arithmetic3A_745 = arith.constant 1 : i32
    %shift_right_arithmetic3A_746 = vector.broadcast %shift_right_arithmetic3A_745 : i32 to vector<128x1xi32>
    %shift_right_arithmetic3A_747 = arith.shrsi %select_n3A_737, %shift_right_arithmetic3A_746 : vector<128x1xi32>
    %add3A_748 = arith.addi %shift_right_arithmetic3A_744, %shift_right_arithmetic3A_747 : vector<128x1xi32>
    %and3A_749 = arith.andi %select_n3A_741, %select_n3A_737 : vector<128x1xi32>
    %and3A_750 = arith.constant 1 : i32
    %and3A_751 = vector.broadcast %and3A_750 : i32 to vector<128x1xi32>
    %and3A_752 = arith.andi %and3A_749, %and3A_751 : vector<128x1xi32>
    %add3A_753 = arith.addi %add3A_748, %and3A_752 : vector<128x1xi32>
    %le3A_754 = vector.broadcast %add3A_753 : vector<128x1xi32> to vector<128x1024xi32>
    %le3A_755 = arith.cmpi sle, %concatenate3A, %le3A_754 : vector<128x1024xi32>
    %convert_element_type3A_756 = arith.extui %le3A_755 : vector<128x1024xi1> to vector<128x1024xi32>
    %convert_element_type3A_757 = arith.sitofp %convert_element_type3A_756 : vector<128x1024xi32> to vector<128x1024xf32>
    %dot_general3A_758 = arith.constant dense<0.000000e+00> : vector<128x1xf32>
    %dot_general3A_759 = tpu.matmul %convert_element_type3A_757, %broadcast_in_dim3A_220, %dot_general3A_758 {dimension_numbers = #tpu.dot_dimension_numbers<[1], [1], [0], [0], [0, 0, 1, 0], [], []>, transpose_lhs_hint = false} : vector<128x1024xf32>, vector<1x1024xf32>, vector<128x1xf32> -> vector<128x1xf32>
    %ge3A_760 = arith.constant 1.280000e+02 : f32
    %ge3A_761 = vector.broadcast %ge3A_760 : f32 to vector<128x1xf32>
    %ge3A_762 = arith.cmpf oge, %dot_general3A_759, %ge3A_761 : vector<128x1xf32>
    %select_n3A_763 = arith.select %ge3A_762, %add3A_753, %select_n3A_737 : vector<128x1xi1>, vector<128x1xi32>
    %add3A_764 = arith.constant 1 : i32
    %add3A_765 = vector.broadcast %add3A_764 : i32 to vector<128x1xi32>
    %add3A_766 = arith.addi %add3A_753, %add3A_765 : vector<128x1xi32>
    %select_n3A_767 = arith.select %ge3A_762, %select_n3A_741, %add3A_766 : vector<128x1xi1>, vector<128x1xi32>
    %shift_right_arithmetic3A_768 = arith.constant 1 : i32
    %shift_right_arithmetic3A_769 = vector.broadcast %shift_right_arithmetic3A_768 : i32 to vector<128x1xi32>
    %shift_right_arithmetic3A_770 = arith.shrsi %select_n3A_767, %shift_right_arithmetic3A_769 : vector<128x1xi32>
    %shift_right_arithmetic3A_771 = arith.constant 1 : i32
    %shift_right_arithmetic3A_772 = vector.broadcast %shift_right_arithmetic3A_771 : i32 to vector<128x1xi32>
    %shift_right_arithmetic3A_773 = arith.shrsi %select_n3A_763, %shift_right_arithmetic3A_772 : vector<128x1xi32>
    %add3A_774 = arith.addi %shift_right_arithmetic3A_770, %shift_right_arithmetic3A_773 : vector<128x1xi32>
    %and3A_775 = arith.andi %select_n3A_767, %select_n3A_763 : vector<128x1xi32>
    %and3A_776 = arith.constant 1 : i32
    %and3A_777 = vector.broadcast %and3A_776 : i32 to vector<128x1xi32>
    %and3A_778 = arith.andi %and3A_775, %and3A_777 : vector<128x1xi32>
    %add3A_779 = arith.addi %add3A_774, %and3A_778 : vector<128x1xi32>
    %le3A_780 = vector.broadcast %add3A_779 : vector<128x1xi32> to vector<128x1024xi32>
    %le3A_781 = arith.cmpi sle, %concatenate3A, %le3A_780 : vector<128x1024xi32>
    %convert_element_type3A_782 = arith.extui %le3A_781 : vector<128x1024xi1> to vector<128x1024xi32>
    %convert_element_type3A_783 = arith.sitofp %convert_element_type3A_782 : vector<128x1024xi32> to vector<128x1024xf32>
    %dot_general3A_784 = arith.constant dense<0.000000e+00> : vector<128x1xf32>
    %dot_general3A_785 = tpu.matmul %convert_element_type3A_783, %broadcast_in_dim3A_220, %dot_general3A_784 {dimension_numbers = #tpu.dot_dimension_numbers<[1], [1], [0], [0], [0, 0, 1, 0], [], []>, transpose_lhs_hint = false} : vector<128x1024xf32>, vector<1x1024xf32>, vector<128x1xf32> -> vector<128x1xf32>
    %ge3A_786 = arith.constant 1.280000e+02 : f32
    %ge3A_787 = vector.broadcast %ge3A_786 : f32 to vector<128x1xf32>
    %ge3A_788 = arith.cmpf oge, %dot_general3A_785, %ge3A_787 : vector<128x1xf32>
    %select_n3A_789 = arith.select %ge3A_788, %add3A_779, %select_n3A_763 : vector<128x1xi1>, vector<128x1xi32>
    %add3A_790 = arith.constant 1 : i32
    %add3A_791 = vector.broadcast %add3A_790 : i32 to vector<128x1xi32>
    %add3A_792 = arith.addi %add3A_779, %add3A_791 : vector<128x1xi32>
    %select_n3A_793 = arith.select %ge3A_788, %select_n3A_767, %add3A_792 : vector<128x1xi1>, vector<128x1xi32>
    %shift_right_arithmetic3A_794 = arith.constant 1 : i32
    %shift_right_arithmetic3A_795 = vector.broadcast %shift_right_arithmetic3A_794 : i32 to vector<128x1xi32>
    %shift_right_arithmetic3A_796 = arith.shrsi %select_n3A_793, %shift_right_arithmetic3A_795 : vector<128x1xi32>
    %shift_right_arithmetic3A_797 = arith.constant 1 : i32
    %shift_right_arithmetic3A_798 = vector.broadcast %shift_right_arithmetic3A_797 : i32 to vector<128x1xi32>
    %shift_right_arithmetic3A_799 = arith.shrsi %select_n3A_789, %shift_right_arithmetic3A_798 : vector<128x1xi32>
    %add3A_800 = arith.addi %shift_right_arithmetic3A_796, %shift_right_arithmetic3A_799 : vector<128x1xi32>
    %and3A_801 = arith.andi %select_n3A_793, %select_n3A_789 : vector<128x1xi32>
    %and3A_802 = arith.constant 1 : i32
    %and3A_803 = vector.broadcast %and3A_802 : i32 to vector<128x1xi32>
    %and3A_804 = arith.andi %and3A_801, %and3A_803 : vector<128x1xi32>
    %add3A_805 = arith.addi %add3A_800, %and3A_804 : vector<128x1xi32>
    %le3A_806 = vector.broadcast %add3A_805 : vector<128x1xi32> to vector<128x1024xi32>
    %le3A_807 = arith.cmpi sle, %concatenate3A, %le3A_806 : vector<128x1024xi32>
    %convert_element_type3A_808 = arith.extui %le3A_807 : vector<128x1024xi1> to vector<128x1024xi32>
    %convert_element_type3A_809 = arith.sitofp %convert_element_type3A_808 : vector<128x1024xi32> to vector<128x1024xf32>
    %dot_general3A_810 = arith.constant dense<0.000000e+00> : vector<128x1xf32>
    %dot_general3A_811 = tpu.matmul %convert_element_type3A_809, %broadcast_in_dim3A_220, %dot_general3A_810 {dimension_numbers = #tpu.dot_dimension_numbers<[1], [1], [0], [0], [0, 0, 1, 0], [], []>, transpose_lhs_hint = false} : vector<128x1024xf32>, vector<1x1024xf32>, vector<128x1xf32> -> vector<128x1xf32>
    %ge3A_812 = arith.constant 1.280000e+02 : f32
    %ge3A_813 = vector.broadcast %ge3A_812 : f32 to vector<128x1xf32>
    %ge3A_814 = arith.cmpf oge, %dot_general3A_811, %ge3A_813 : vector<128x1xf32>
    %select_n3A_815 = arith.select %ge3A_814, %add3A_805, %select_n3A_789 : vector<128x1xi1>, vector<128x1xi32>
    %add3A_816 = arith.constant 1 : i32
    %add3A_817 = vector.broadcast %add3A_816 : i32 to vector<128x1xi32>
    %add3A_818 = arith.addi %add3A_805, %add3A_817 : vector<128x1xi32>
    %select_n3A_819 = arith.select %ge3A_814, %select_n3A_793, %add3A_818 : vector<128x1xi1>, vector<128x1xi32>
    %shift_right_arithmetic3A_820 = arith.constant 1 : i32
    %shift_right_arithmetic3A_821 = vector.broadcast %shift_right_arithmetic3A_820 : i32 to vector<128x1xi32>
    %shift_right_arithmetic3A_822 = arith.shrsi %select_n3A_819, %shift_right_arithmetic3A_821 : vector<128x1xi32>
    %shift_right_arithmetic3A_823 = arith.constant 1 : i32
    %shift_right_arithmetic3A_824 = vector.broadcast %shift_right_arithmetic3A_823 : i32 to vector<128x1xi32>
    %shift_right_arithmetic3A_825 = arith.shrsi %select_n3A_815, %shift_right_arithmetic3A_824 : vector<128x1xi32>
    %add3A_826 = arith.addi %shift_right_arithmetic3A_822, %shift_right_arithmetic3A_825 : vector<128x1xi32>
    %and3A_827 = arith.andi %select_n3A_819, %select_n3A_815 : vector<128x1xi32>
    %and3A_828 = arith.constant 1 : i32
    %and3A_829 = vector.broadcast %and3A_828 : i32 to vector<128x1xi32>
    %and3A_830 = arith.andi %and3A_827, %and3A_829 : vector<128x1xi32>
    %add3A_831 = arith.addi %add3A_826, %and3A_830 : vector<128x1xi32>
    %le3A_832 = vector.broadcast %add3A_831 : vector<128x1xi32> to vector<128x1024xi32>
    %le3A_833 = arith.cmpi sle, %concatenate3A, %le3A_832 : vector<128x1024xi32>
    %convert_element_type3A_834 = arith.extui %le3A_833 : vector<128x1024xi1> to vector<128x1024xi32>
    %convert_element_type3A_835 = arith.sitofp %convert_element_type3A_834 : vector<128x1024xi32> to vector<128x1024xf32>
    %dot_general3A_836 = arith.constant dense<0.000000e+00> : vector<128x1xf32>
    %dot_general3A_837 = tpu.matmul %convert_element_type3A_835, %broadcast_in_dim3A_220, %dot_general3A_836 {dimension_numbers = #tpu.dot_dimension_numbers<[1], [1], [0], [0], [0, 0, 1, 0], [], []>, transpose_lhs_hint = false} : vector<128x1024xf32>, vector<1x1024xf32>, vector<128x1xf32> -> vector<128x1xf32>
    %ge3A_838 = arith.constant 1.280000e+02 : f32
    %ge3A_839 = vector.broadcast %ge3A_838 : f32 to vector<128x1xf32>
    %ge3A_840 = arith.cmpf oge, %dot_general3A_837, %ge3A_839 : vector<128x1xf32>
    %select_n3A_841 = arith.select %ge3A_840, %add3A_831, %select_n3A_815 : vector<128x1xi1>, vector<128x1xi32>
    %add3A_842 = arith.constant 1 : i32
    %add3A_843 = vector.broadcast %add3A_842 : i32 to vector<128x1xi32>
    %add3A_844 = arith.addi %add3A_831, %add3A_843 : vector<128x1xi32>
    %select_n3A_845 = arith.select %ge3A_840, %select_n3A_819, %add3A_844 : vector<128x1xi1>, vector<128x1xi32>
    %shift_right_arithmetic3A_846 = arith.constant 1 : i32
    %shift_right_arithmetic3A_847 = vector.broadcast %shift_right_arithmetic3A_846 : i32 to vector<128x1xi32>
    %shift_right_arithmetic3A_848 = arith.shrsi %select_n3A_845, %shift_right_arithmetic3A_847 : vector<128x1xi32>
    %shift_right_arithmetic3A_849 = arith.constant 1 : i32
    %shift_right_arithmetic3A_850 = vector.broadcast %shift_right_arithmetic3A_849 : i32 to vector<128x1xi32>
    %shift_right_arithmetic3A_851 = arith.shrsi %select_n3A_841, %shift_right_arithmetic3A_850 : vector<128x1xi32>
    %add3A_852 = arith.addi %shift_right_arithmetic3A_848, %shift_right_arithmetic3A_851 : vector<128x1xi32>
    %and3A_853 = arith.andi %select_n3A_845, %select_n3A_841 : vector<128x1xi32>
    %and3A_854 = arith.constant 1 : i32
    %and3A_855 = vector.broadcast %and3A_854 : i32 to vector<128x1xi32>
    %and3A_856 = arith.andi %and3A_853, %and3A_855 : vector<128x1xi32>
    %add3A_857 = arith.addi %add3A_852, %and3A_856 : vector<128x1xi32>
    %le3A_858 = vector.broadcast %add3A_857 : vector<128x1xi32> to vector<128x1024xi32>
    %le3A_859 = arith.cmpi sle, %concatenate3A, %le3A_858 : vector<128x1024xi32>
    %convert_element_type3A_860 = arith.extui %le3A_859 : vector<128x1024xi1> to vector<128x1024xi32>
    %convert_element_type3A_861 = arith.sitofp %convert_element_type3A_860 : vector<128x1024xi32> to vector<128x1024xf32>
    %dot_general3A_862 = arith.constant dense<0.000000e+00> : vector<128x1xf32>
    %dot_general3A_863 = tpu.matmul %convert_element_type3A_861, %broadcast_in_dim3A_220, %dot_general3A_862 {dimension_numbers = #tpu.dot_dimension_numbers<[1], [1], [0], [0], [0, 0, 1, 0], [], []>, transpose_lhs_hint = false} : vector<128x1024xf32>, vector<1x1024xf32>, vector<128x1xf32> -> vector<128x1xf32>
    %ge3A_864 = arith.constant 1.280000e+02 : f32
    %ge3A_865 = vector.broadcast %ge3A_864 : f32 to vector<128x1xf32>
    %ge3A_866 = arith.cmpf oge, %dot_general3A_863, %ge3A_865 : vector<128x1xf32>
    %select_n3A_867 = arith.select %ge3A_866, %add3A_857, %select_n3A_841 : vector<128x1xi1>, vector<128x1xi32>
    %add3A_868 = arith.constant 1 : i32
    %add3A_869 = vector.broadcast %add3A_868 : i32 to vector<128x1xi32>
    %add3A_870 = arith.addi %add3A_857, %add3A_869 : vector<128x1xi32>
    %select_n3A_871 = arith.select %ge3A_866, %select_n3A_845, %add3A_870 : vector<128x1xi1>, vector<128x1xi32>
    %shift_right_arithmetic3A_872 = arith.constant 1 : i32
    %shift_right_arithmetic3A_873 = vector.broadcast %shift_right_arithmetic3A_872 : i32 to vector<128x1xi32>
    %shift_right_arithmetic3A_874 = arith.shrsi %select_n3A_871, %shift_right_arithmetic3A_873 : vector<128x1xi32>
    %shift_right_arithmetic3A_875 = arith.constant 1 : i32
    %shift_right_arithmetic3A_876 = vector.broadcast %shift_right_arithmetic3A_875 : i32 to vector<128x1xi32>
    %shift_right_arithmetic3A_877 = arith.shrsi %select_n3A_867, %shift_right_arithmetic3A_876 : vector<128x1xi32>
    %add3A_878 = arith.addi %shift_right_arithmetic3A_874, %shift_right_arithmetic3A_877 : vector<128x1xi32>
    %and3A_879 = arith.andi %select_n3A_871, %select_n3A_867 : vector<128x1xi32>
    %and3A_880 = arith.constant 1 : i32
    %and3A_881 = vector.broadcast %and3A_880 : i32 to vector<128x1xi32>
    %and3A_882 = arith.andi %and3A_879, %and3A_881 : vector<128x1xi32>
    %add3A_883 = arith.addi %add3A_878, %and3A_882 : vector<128x1xi32>
    %le3A_884 = vector.broadcast %add3A_883 : vector<128x1xi32> to vector<128x1024xi32>
    %le3A_885 = arith.cmpi sle, %concatenate3A, %le3A_884 : vector<128x1024xi32>
    %convert_element_type3A_886 = arith.extui %le3A_885 : vector<128x1024xi1> to vector<128x1024xi32>
    %convert_element_type3A_887 = arith.sitofp %convert_element_type3A_886 : vector<128x1024xi32> to vector<128x1024xf32>
    %dot_general3A_888 = arith.constant dense<0.000000e+00> : vector<128x1xf32>
    %dot_general3A_889 = tpu.matmul %convert_element_type3A_887, %broadcast_in_dim3A_220, %dot_general3A_888 {dimension_numbers = #tpu.dot_dimension_numbers<[1], [1], [0], [0], [0, 0, 1, 0], [], []>, transpose_lhs_hint = false} : vector<128x1024xf32>, vector<1x1024xf32>, vector<128x1xf32> -> vector<128x1xf32>
    %ge3A_890 = arith.constant 1.280000e+02 : f32
    %ge3A_891 = vector.broadcast %ge3A_890 : f32 to vector<128x1xf32>
    %ge3A_892 = arith.cmpf oge, %dot_general3A_889, %ge3A_891 : vector<128x1xf32>
    %select_n3A_893 = arith.select %ge3A_892, %add3A_883, %select_n3A_867 : vector<128x1xi1>, vector<128x1xi32>
    %add3A_894 = arith.constant 1 : i32
    %add3A_895 = vector.broadcast %add3A_894 : i32 to vector<128x1xi32>
    %add3A_896 = arith.addi %add3A_883, %add3A_895 : vector<128x1xi32>
    %select_n3A_897 = arith.select %ge3A_892, %select_n3A_871, %add3A_896 : vector<128x1xi1>, vector<128x1xi32>
    %shift_right_arithmetic3A_898 = arith.constant 1 : i32
    %shift_right_arithmetic3A_899 = vector.broadcast %shift_right_arithmetic3A_898 : i32 to vector<128x1xi32>
    %shift_right_arithmetic3A_900 = arith.shrsi %select_n3A_897, %shift_right_arithmetic3A_899 : vector<128x1xi32>
    %shift_right_arithmetic3A_901 = arith.constant 1 : i32
    %shift_right_arithmetic3A_902 = vector.broadcast %shift_right_arithmetic3A_901 : i32 to vector<128x1xi32>
    %shift_right_arithmetic3A_903 = arith.shrsi %select_n3A_893, %shift_right_arithmetic3A_902 : vector<128x1xi32>
    %add3A_904 = arith.addi %shift_right_arithmetic3A_900, %shift_right_arithmetic3A_903 : vector<128x1xi32>
    %and3A_905 = arith.andi %select_n3A_897, %select_n3A_893 : vector<128x1xi32>
    %and3A_906 = arith.constant 1 : i32
    %and3A_907 = vector.broadcast %and3A_906 : i32 to vector<128x1xi32>
    %and3A_908 = arith.andi %and3A_905, %and3A_907 : vector<128x1xi32>
    %add3A_909 = arith.addi %add3A_904, %and3A_908 : vector<128x1xi32>
    %le3A_910 = vector.broadcast %add3A_909 : vector<128x1xi32> to vector<128x1024xi32>
    %le3A_911 = arith.cmpi sle, %concatenate3A, %le3A_910 : vector<128x1024xi32>
    %convert_element_type3A_912 = arith.extui %le3A_911 : vector<128x1024xi1> to vector<128x1024xi32>
    %convert_element_type3A_913 = arith.sitofp %convert_element_type3A_912 : vector<128x1024xi32> to vector<128x1024xf32>
    %dot_general3A_914 = arith.constant dense<0.000000e+00> : vector<128x1xf32>
    %dot_general3A_915 = tpu.matmul %convert_element_type3A_913, %broadcast_in_dim3A_220, %dot_general3A_914 {dimension_numbers = #tpu.dot_dimension_numbers<[1], [1], [0], [0], [0, 0, 1, 0], [], []>, transpose_lhs_hint = false} : vector<128x1024xf32>, vector<1x1024xf32>, vector<128x1xf32> -> vector<128x1xf32>
    %ge3A_916 = arith.constant 1.280000e+02 : f32
    %ge3A_917 = vector.broadcast %ge3A_916 : f32 to vector<128x1xf32>
    %ge3A_918 = arith.cmpf oge, %dot_general3A_915, %ge3A_917 : vector<128x1xf32>
    %select_n3A_919 = arith.select %ge3A_918, %add3A_909, %select_n3A_893 : vector<128x1xi1>, vector<128x1xi32>
    %add3A_920 = arith.constant 1 : i32
    %add3A_921 = vector.broadcast %add3A_920 : i32 to vector<128x1xi32>
    %add3A_922 = arith.addi %add3A_909, %add3A_921 : vector<128x1xi32>
    %select_n3A_923 = arith.select %ge3A_918, %select_n3A_897, %add3A_922 : vector<128x1xi1>, vector<128x1xi32>
    %shift_right_arithmetic3A_924 = arith.constant 1 : i32
    %shift_right_arithmetic3A_925 = vector.broadcast %shift_right_arithmetic3A_924 : i32 to vector<128x1xi32>
    %shift_right_arithmetic3A_926 = arith.shrsi %select_n3A_923, %shift_right_arithmetic3A_925 : vector<128x1xi32>
    %shift_right_arithmetic3A_927 = arith.constant 1 : i32
    %shift_right_arithmetic3A_928 = vector.broadcast %shift_right_arithmetic3A_927 : i32 to vector<128x1xi32>
    %shift_right_arithmetic3A_929 = arith.shrsi %select_n3A_919, %shift_right_arithmetic3A_928 : vector<128x1xi32>
    %add3A_930 = arith.addi %shift_right_arithmetic3A_926, %shift_right_arithmetic3A_929 : vector<128x1xi32>
    %and3A_931 = arith.andi %select_n3A_923, %select_n3A_919 : vector<128x1xi32>
    %and3A_932 = arith.constant 1 : i32
    %and3A_933 = vector.broadcast %and3A_932 : i32 to vector<128x1xi32>
    %and3A_934 = arith.andi %and3A_931, %and3A_933 : vector<128x1xi32>
    %add3A_935 = arith.addi %add3A_930, %and3A_934 : vector<128x1xi32>
    %le3A_936 = vector.broadcast %add3A_935 : vector<128x1xi32> to vector<128x1024xi32>
    %le3A_937 = arith.cmpi sle, %concatenate3A, %le3A_936 : vector<128x1024xi32>
    %convert_element_type3A_938 = arith.extui %le3A_937 : vector<128x1024xi1> to vector<128x1024xi32>
    %convert_element_type3A_939 = arith.sitofp %convert_element_type3A_938 : vector<128x1024xi32> to vector<128x1024xf32>
    %dot_general3A_940 = arith.constant dense<0.000000e+00> : vector<128x1xf32>
    %dot_general3A_941 = tpu.matmul %convert_element_type3A_939, %broadcast_in_dim3A_220, %dot_general3A_940 {dimension_numbers = #tpu.dot_dimension_numbers<[1], [1], [0], [0], [0, 0, 1, 0], [], []>, transpose_lhs_hint = false} : vector<128x1024xf32>, vector<1x1024xf32>, vector<128x1xf32> -> vector<128x1xf32>
    %ge3A_942 = arith.constant 1.280000e+02 : f32
    %ge3A_943 = vector.broadcast %ge3A_942 : f32 to vector<128x1xf32>
    %ge3A_944 = arith.cmpf oge, %dot_general3A_941, %ge3A_943 : vector<128x1xf32>
    %select_n3A_945 = arith.select %ge3A_944, %add3A_935, %select_n3A_919 : vector<128x1xi1>, vector<128x1xi32>
    %add3A_946 = arith.constant 1 : i32
    %add3A_947 = vector.broadcast %add3A_946 : i32 to vector<128x1xi32>
    %add3A_948 = arith.addi %add3A_935, %add3A_947 : vector<128x1xi32>
    %select_n3A_949 = arith.select %ge3A_944, %select_n3A_923, %add3A_948 : vector<128x1xi1>, vector<128x1xi32>
    %shift_right_arithmetic3A_950 = arith.constant 1 : i32
    %shift_right_arithmetic3A_951 = vector.broadcast %shift_right_arithmetic3A_950 : i32 to vector<128x1xi32>
    %shift_right_arithmetic3A_952 = arith.shrsi %select_n3A_949, %shift_right_arithmetic3A_951 : vector<128x1xi32>
    %shift_right_arithmetic3A_953 = arith.constant 1 : i32
    %shift_right_arithmetic3A_954 = vector.broadcast %shift_right_arithmetic3A_953 : i32 to vector<128x1xi32>
    %shift_right_arithmetic3A_955 = arith.shrsi %select_n3A_945, %shift_right_arithmetic3A_954 : vector<128x1xi32>
    %add3A_956 = arith.addi %shift_right_arithmetic3A_952, %shift_right_arithmetic3A_955 : vector<128x1xi32>
    %and3A_957 = arith.andi %select_n3A_949, %select_n3A_945 : vector<128x1xi32>
    %and3A_958 = arith.constant 1 : i32
    %and3A_959 = vector.broadcast %and3A_958 : i32 to vector<128x1xi32>
    %and3A_960 = arith.andi %and3A_957, %and3A_959 : vector<128x1xi32>
    %add3A_961 = arith.addi %add3A_956, %and3A_960 : vector<128x1xi32>
    %le3A_962 = vector.broadcast %add3A_961 : vector<128x1xi32> to vector<128x1024xi32>
    %le3A_963 = arith.cmpi sle, %concatenate3A, %le3A_962 : vector<128x1024xi32>
    %convert_element_type3A_964 = arith.extui %le3A_963 : vector<128x1024xi1> to vector<128x1024xi32>
    %convert_element_type3A_965 = arith.sitofp %convert_element_type3A_964 : vector<128x1024xi32> to vector<128x1024xf32>
    %dot_general3A_966 = arith.constant dense<0.000000e+00> : vector<128x1xf32>
    %dot_general3A_967 = tpu.matmul %convert_element_type3A_965, %broadcast_in_dim3A_220, %dot_general3A_966 {dimension_numbers = #tpu.dot_dimension_numbers<[1], [1], [0], [0], [0, 0, 1, 0], [], []>, transpose_lhs_hint = false} : vector<128x1024xf32>, vector<1x1024xf32>, vector<128x1xf32> -> vector<128x1xf32>
    %ge3A_968 = arith.constant 1.280000e+02 : f32
    %ge3A_969 = vector.broadcast %ge3A_968 : f32 to vector<128x1xf32>
    %ge3A_970 = arith.cmpf oge, %dot_general3A_967, %ge3A_969 : vector<128x1xf32>
    %select_n3A_971 = arith.select %ge3A_970, %add3A_961, %select_n3A_945 : vector<128x1xi1>, vector<128x1xi32>
    %add3A_972 = arith.constant 1 : i32
    %add3A_973 = vector.broadcast %add3A_972 : i32 to vector<128x1xi32>
    %add3A_974 = arith.addi %add3A_961, %add3A_973 : vector<128x1xi32>
    %select_n3A_975 = arith.select %ge3A_970, %select_n3A_949, %add3A_974 : vector<128x1xi1>, vector<128x1xi32>
    %shift_right_arithmetic3A_976 = arith.constant 1 : i32
    %shift_right_arithmetic3A_977 = vector.broadcast %shift_right_arithmetic3A_976 : i32 to vector<128x1xi32>
    %shift_right_arithmetic3A_978 = arith.shrsi %select_n3A_975, %shift_right_arithmetic3A_977 : vector<128x1xi32>
    %shift_right_arithmetic3A_979 = arith.constant 1 : i32
    %shift_right_arithmetic3A_980 = vector.broadcast %shift_right_arithmetic3A_979 : i32 to vector<128x1xi32>
    %shift_right_arithmetic3A_981 = arith.shrsi %select_n3A_971, %shift_right_arithmetic3A_980 : vector<128x1xi32>
    %add3A_982 = arith.addi %shift_right_arithmetic3A_978, %shift_right_arithmetic3A_981 : vector<128x1xi32>
    %and3A_983 = arith.andi %select_n3A_975, %select_n3A_971 : vector<128x1xi32>
    %and3A_984 = arith.constant 1 : i32
    %and3A_985 = vector.broadcast %and3A_984 : i32 to vector<128x1xi32>
    %and3A_986 = arith.andi %and3A_983, %and3A_985 : vector<128x1xi32>
    %add3A_987 = arith.addi %add3A_982, %and3A_986 : vector<128x1xi32>
    %le3A_988 = vector.broadcast %add3A_987 : vector<128x1xi32> to vector<128x1024xi32>
    %le3A_989 = arith.cmpi sle, %concatenate3A, %le3A_988 : vector<128x1024xi32>
    %convert_element_type3A_990 = arith.extui %le3A_989 : vector<128x1024xi1> to vector<128x1024xi32>
    %convert_element_type3A_991 = arith.sitofp %convert_element_type3A_990 : vector<128x1024xi32> to vector<128x1024xf32>
    %dot_general3A_992 = arith.constant dense<0.000000e+00> : vector<128x1xf32>
    %dot_general3A_993 = tpu.matmul %convert_element_type3A_991, %broadcast_in_dim3A_220, %dot_general3A_992 {dimension_numbers = #tpu.dot_dimension_numbers<[1], [1], [0], [0], [0, 0, 1, 0], [], []>, transpose_lhs_hint = false} : vector<128x1024xf32>, vector<1x1024xf32>, vector<128x1xf32> -> vector<128x1xf32>
    %ge3A_994 = arith.constant 1.280000e+02 : f32
    %ge3A_995 = vector.broadcast %ge3A_994 : f32 to vector<128x1xf32>
    %ge3A_996 = arith.cmpf oge, %dot_general3A_993, %ge3A_995 : vector<128x1xf32>
    %select_n3A_997 = arith.select %ge3A_996, %add3A_987, %select_n3A_971 : vector<128x1xi1>, vector<128x1xi32>
    %add3A_998 = arith.constant 1 : i32
    %add3A_999 = vector.broadcast %add3A_998 : i32 to vector<128x1xi32>
    %add3A_1000 = arith.addi %add3A_987, %add3A_999 : vector<128x1xi32>
    %select_n3A_1001 = arith.select %ge3A_996, %select_n3A_975, %add3A_1000 : vector<128x1xi1>, vector<128x1xi32>
    %shift_right_arithmetic3A_1002 = arith.constant 1 : i32
    %shift_right_arithmetic3A_1003 = vector.broadcast %shift_right_arithmetic3A_1002 : i32 to vector<128x1xi32>
    %shift_right_arithmetic3A_1004 = arith.shrsi %select_n3A_1001, %shift_right_arithmetic3A_1003 : vector<128x1xi32>
    %shift_right_arithmetic3A_1005 = arith.constant 1 : i32
    %shift_right_arithmetic3A_1006 = vector.broadcast %shift_right_arithmetic3A_1005 : i32 to vector<128x1xi32>
    %shift_right_arithmetic3A_1007 = arith.shrsi %select_n3A_997, %shift_right_arithmetic3A_1006 : vector<128x1xi32>
    %add3A_1008 = arith.addi %shift_right_arithmetic3A_1004, %shift_right_arithmetic3A_1007 : vector<128x1xi32>
    %and3A_1009 = arith.andi %select_n3A_1001, %select_n3A_997 : vector<128x1xi32>
    %and3A_1010 = arith.constant 1 : i32
    %and3A_1011 = vector.broadcast %and3A_1010 : i32 to vector<128x1xi32>
    %and3A_1012 = arith.andi %and3A_1009, %and3A_1011 : vector<128x1xi32>
    %add3A_1013 = arith.addi %add3A_1008, %and3A_1012 : vector<128x1xi32>
    %le3A_1014 = vector.broadcast %add3A_1013 : vector<128x1xi32> to vector<128x1024xi32>
    %le3A_1015 = arith.cmpi sle, %concatenate3A, %le3A_1014 : vector<128x1024xi32>
    %convert_element_type3A_1016 = arith.extui %le3A_1015 : vector<128x1024xi1> to vector<128x1024xi32>
    %convert_element_type3A_1017 = arith.sitofp %convert_element_type3A_1016 : vector<128x1024xi32> to vector<128x1024xf32>
    %dot_general3A_1018 = arith.constant dense<0.000000e+00> : vector<128x1xf32>
    %dot_general3A_1019 = tpu.matmul %convert_element_type3A_1017, %broadcast_in_dim3A_220, %dot_general3A_1018 {dimension_numbers = #tpu.dot_dimension_numbers<[1], [1], [0], [0], [0, 0, 1, 0], [], []>, transpose_lhs_hint = false} : vector<128x1024xf32>, vector<1x1024xf32>, vector<128x1xf32> -> vector<128x1xf32>
    %ge3A_1020 = arith.constant 1.280000e+02 : f32
    %ge3A_1021 = vector.broadcast %ge3A_1020 : f32 to vector<128x1xf32>
    %ge3A_1022 = arith.cmpf oge, %dot_general3A_1019, %ge3A_1021 : vector<128x1xf32>
    %select_n3A_1023 = arith.select %ge3A_1022, %add3A_1013, %select_n3A_997 : vector<128x1xi1>, vector<128x1xi32>
    %add3A_1024 = arith.constant 1 : i32
    %add3A_1025 = vector.broadcast %add3A_1024 : i32 to vector<128x1xi32>
    %add3A_1026 = arith.addi %add3A_1013, %add3A_1025 : vector<128x1xi32>
    %select_n3A_1027 = arith.select %ge3A_1022, %select_n3A_1001, %add3A_1026 : vector<128x1xi1>, vector<128x1xi32>
    %shift_right_arithmetic3A_1028 = arith.constant 1 : i32
    %shift_right_arithmetic3A_1029 = vector.broadcast %shift_right_arithmetic3A_1028 : i32 to vector<128x1xi32>
    %shift_right_arithmetic3A_1030 = arith.shrsi %select_n3A_1027, %shift_right_arithmetic3A_1029 : vector<128x1xi32>
    %shift_right_arithmetic3A_1031 = arith.constant 1 : i32
    %shift_right_arithmetic3A_1032 = vector.broadcast %shift_right_arithmetic3A_1031 : i32 to vector<128x1xi32>
    %shift_right_arithmetic3A_1033 = arith.shrsi %select_n3A_1023, %shift_right_arithmetic3A_1032 : vector<128x1xi32>
    %add3A_1034 = arith.addi %shift_right_arithmetic3A_1030, %shift_right_arithmetic3A_1033 : vector<128x1xi32>
    %and3A_1035 = arith.andi %select_n3A_1027, %select_n3A_1023 : vector<128x1xi32>
    %and3A_1036 = arith.constant 1 : i32
    %and3A_1037 = vector.broadcast %and3A_1036 : i32 to vector<128x1xi32>
    %and3A_1038 = arith.andi %and3A_1035, %and3A_1037 : vector<128x1xi32>
    %add3A_1039 = arith.addi %add3A_1034, %and3A_1038 : vector<128x1xi32>
    %le3A_1040 = vector.broadcast %add3A_1039 : vector<128x1xi32> to vector<128x1024xi32>
    %le3A_1041 = arith.cmpi sle, %concatenate3A, %le3A_1040 : vector<128x1024xi32>
    %convert_element_type3A_1042 = arith.extui %le3A_1041 : vector<128x1024xi1> to vector<128x1024xi32>
    %convert_element_type3A_1043 = arith.sitofp %convert_element_type3A_1042 : vector<128x1024xi32> to vector<128x1024xf32>
    %dot_general3A_1044 = arith.constant dense<0.000000e+00> : vector<128x1xf32>
    %dot_general3A_1045 = tpu.matmul %convert_element_type3A_1043, %broadcast_in_dim3A_220, %dot_general3A_1044 {dimension_numbers = #tpu.dot_dimension_numbers<[1], [1], [0], [0], [0, 0, 1, 0], [], []>, transpose_lhs_hint = false} : vector<128x1024xf32>, vector<1x1024xf32>, vector<128x1xf32> -> vector<128x1xf32>
    %ge3A_1046 = arith.constant 1.280000e+02 : f32
    %ge3A_1047 = vector.broadcast %ge3A_1046 : f32 to vector<128x1xf32>
    %ge3A_1048 = arith.cmpf oge, %dot_general3A_1045, %ge3A_1047 : vector<128x1xf32>
    %add3A_1049 = arith.constant 1 : i32
    %add3A_1050 = vector.broadcast %add3A_1049 : i32 to vector<128x1xi32>
    %add3A_1051 = arith.addi %add3A_1039, %add3A_1050 : vector<128x1xi32>
    %select_n3A_1052 = arith.select %ge3A_1048, %select_n3A_1027, %add3A_1051 : vector<128x1xi1>, vector<128x1xi32>
    %lt3A = vector.broadcast %select_n3A_1052 : vector<128x1xi32> to vector<128x1024xi32>
    %lt3A_1053 = arith.cmpi slt, %concatenate3A, %lt3A : vector<128x1024xi32>
    %convert_element_type3A_1054 = arith.extui %lt3A_1053 : vector<128x1024xi1> to vector<128x1024xi32>
    %convert_element_type3A_1055 = arith.sitofp %convert_element_type3A_1054 : vector<128x1024xi32> to vector<128x1024xf32>
    %eq3A_1056 = vector.broadcast %select_n3A_1052 : vector<128x1xi32> to vector<128x1024xi32>
    %eq3A_1057 = arith.cmpi eq, %concatenate3A, %eq3A_1056 : vector<128x1024xi32>
    %convert_element_type3A_1058 = arith.extui %eq3A_1057 : vector<128x1024xi1> to vector<128x1024xi32>
    %convert_element_type3A_1059 = arith.sitofp %convert_element_type3A_1058 : vector<128x1024xi32> to vector<128x1024xf32>
    %dot_general3A_1060 = arith.constant dense<0.000000e+00> : vector<128x1xf32>
    %dot_general3A_1061 = tpu.matmul %convert_element_type3A_1055, %broadcast_in_dim3A_220, %dot_general3A_1060 {dimension_numbers = #tpu.dot_dimension_numbers<[1], [1], [0], [0], [0, 0, 1, 0], [], []>, transpose_lhs_hint = false} : vector<128x1024xf32>, vector<1x1024xf32>, vector<128x1xf32> -> vector<128x1xf32>
    %sub3A_1062 = arith.constant 1.280000e+02 : f32
    %sub3A_1063 = vector.broadcast %sub3A_1062 : f32 to vector<128x1xf32>
    %sub3A_1064 = arith.subf %sub3A_1063, %dot_general3A_1061 : vector<128x1xf32>
    %broadcast_in_dim3A_1065 = arith.constant 0.000000e+00 : f32
    %broadcast_in_dim3A_1066 = vector.broadcast %broadcast_in_dim3A_1065 : f32 to vector<128x1xf32>
    %slice3A_1067 = vector.extract_strided_slice %convert_element_type3A_1059 {offsets = [0, 0], sizes = [128, 1023], strides = [1, 1]} : vector<128x1024xf32> to vector<128x1023xf32>
    %concatenate3A_1068 = tpu.concatenate %broadcast_in_dim3A_1066, %slice3A_1067 in 1 : vector<128x1xf32>, vector<128x1023xf32> -> vector<128x1024xf32>
    %add3A_1069 = arith.addf %convert_element_type3A_1059, %concatenate3A_1068 : vector<128x1024xf32>
    %broadcast_in_dim3A_1070 = arith.constant 0.000000e+00 : f32
    %broadcast_in_dim3A_1071 = vector.broadcast %broadcast_in_dim3A_1070 : f32 to vector<128x2xf32>
    %slice3A_1072 = vector.extract_strided_slice %add3A_1069 {offsets = [0, 0], sizes = [128, 1022], strides = [1, 1]} : vector<128x1024xf32> to vector<128x1022xf32>
    %concatenate3A_1073 = tpu.concatenate %broadcast_in_dim3A_1071, %slice3A_1072 in 1 : vector<128x2xf32>, vector<128x1022xf32> -> vector<128x1024xf32>
    %add3A_1074 = arith.addf %add3A_1069, %concatenate3A_1073 : vector<128x1024xf32>
    %broadcast_in_dim3A_1075 = arith.constant 0.000000e+00 : f32
    %broadcast_in_dim3A_1076 = vector.broadcast %broadcast_in_dim3A_1075 : f32 to vector<128x4xf32>
    %slice3A_1077 = vector.extract_strided_slice %add3A_1074 {offsets = [0, 0], sizes = [128, 1020], strides = [1, 1]} : vector<128x1024xf32> to vector<128x1020xf32>
    %concatenate3A_1078 = tpu.concatenate %broadcast_in_dim3A_1076, %slice3A_1077 in 1 : vector<128x4xf32>, vector<128x1020xf32> -> vector<128x1024xf32>
    %add3A_1079 = arith.addf %add3A_1074, %concatenate3A_1078 : vector<128x1024xf32>
    %broadcast_in_dim3A_1080 = arith.constant 0.000000e+00 : f32
    %broadcast_in_dim3A_1081 = vector.broadcast %broadcast_in_dim3A_1080 : f32 to vector<128x8xf32>
    %slice3A_1082 = vector.extract_strided_slice %add3A_1079 {offsets = [0, 0], sizes = [128, 1016], strides = [1, 1]} : vector<128x1024xf32> to vector<128x1016xf32>
    %concatenate3A_1083 = tpu.concatenate %broadcast_in_dim3A_1081, %slice3A_1082 in 1 : vector<128x8xf32>, vector<128x1016xf32> -> vector<128x1024xf32>
    %add3A_1084 = arith.addf %add3A_1079, %concatenate3A_1083 : vector<128x1024xf32>
    %broadcast_in_dim3A_1085 = arith.constant 0.000000e+00 : f32
    %broadcast_in_dim3A_1086 = vector.broadcast %broadcast_in_dim3A_1085 : f32 to vector<128x16xf32>
    %slice3A_1087 = vector.extract_strided_slice %add3A_1084 {offsets = [0, 0], sizes = [128, 1008], strides = [1, 1]} : vector<128x1024xf32> to vector<128x1008xf32>
    %concatenate3A_1088 = tpu.concatenate %broadcast_in_dim3A_1086, %slice3A_1087 in 1 : vector<128x16xf32>, vector<128x1008xf32> -> vector<128x1024xf32>
    %add3A_1089 = arith.addf %add3A_1084, %concatenate3A_1088 : vector<128x1024xf32>
    %broadcast_in_dim3A_1090 = arith.constant 0.000000e+00 : f32
    %broadcast_in_dim3A_1091 = vector.broadcast %broadcast_in_dim3A_1090 : f32 to vector<128x32xf32>
    %slice3A_1092 = vector.extract_strided_slice %add3A_1089 {offsets = [0, 0], sizes = [128, 992], strides = [1, 1]} : vector<128x1024xf32> to vector<128x992xf32>
    %concatenate3A_1093 = tpu.concatenate %broadcast_in_dim3A_1091, %slice3A_1092 in 1 : vector<128x32xf32>, vector<128x992xf32> -> vector<128x1024xf32>
    %add3A_1094 = arith.addf %add3A_1089, %concatenate3A_1093 : vector<128x1024xf32>
    %broadcast_in_dim3A_1095 = arith.constant 0.000000e+00 : f32
    %broadcast_in_dim3A_1096 = vector.broadcast %broadcast_in_dim3A_1095 : f32 to vector<128x64xf32>
    %slice3A_1097 = vector.extract_strided_slice %add3A_1094 {offsets = [0, 0], sizes = [128, 960], strides = [1, 1]} : vector<128x1024xf32> to vector<128x960xf32>
    %concatenate3A_1098 = tpu.concatenate %broadcast_in_dim3A_1096, %slice3A_1097 in 1 : vector<128x64xf32>, vector<128x960xf32> -> vector<128x1024xf32>
    %add3A_1099 = arith.addf %add3A_1094, %concatenate3A_1098 : vector<128x1024xf32>
    %broadcast_in_dim3A_1100 = arith.constant 0.000000e+00 : f32
    %broadcast_in_dim3A_1101 = vector.broadcast %broadcast_in_dim3A_1100 : f32 to vector<128x128xf32>
    %slice3A_1102 = vector.extract_strided_slice %add3A_1099 {offsets = [0, 0], sizes = [128, 896], strides = [1, 1]} : vector<128x1024xf32> to vector<128x896xf32>
    %concatenate3A_1103 = tpu.concatenate %broadcast_in_dim3A_1101, %slice3A_1102 in 1 : vector<128x128xf32>, vector<128x896xf32> -> vector<128x1024xf32>
    %add3A_1104 = arith.addf %add3A_1099, %concatenate3A_1103 : vector<128x1024xf32>
    %broadcast_in_dim3A_1105 = arith.constant 0.000000e+00 : f32
    %broadcast_in_dim3A_1106 = vector.broadcast %broadcast_in_dim3A_1105 : f32 to vector<128x256xf32>
    %slice3A_1107 = vector.extract_strided_slice %add3A_1104 {offsets = [0, 0], sizes = [128, 768], strides = [1, 1]} : vector<128x1024xf32> to vector<128x768xf32>
    %concatenate3A_1108 = tpu.concatenate %broadcast_in_dim3A_1106, %slice3A_1107 in 1 : vector<128x256xf32>, vector<128x768xf32> -> vector<128x1024xf32>
    %add3A_1109 = arith.addf %add3A_1104, %concatenate3A_1108 : vector<128x1024xf32>
    %broadcast_in_dim3A_1110 = arith.constant 0.000000e+00 : f32
    %broadcast_in_dim3A_1111 = vector.broadcast %broadcast_in_dim3A_1110 : f32 to vector<128x512xf32>
    %slice3A_1112 = vector.extract_strided_slice %add3A_1109 {offsets = [0, 0], sizes = [128, 512], strides = [1, 1]} : vector<128x1024xf32> to vector<128x512xf32>
    %concatenate3A_1113 = tpu.concatenate %broadcast_in_dim3A_1111, %slice3A_1112 in 1 : vector<128x512xf32>, vector<128x512xf32> -> vector<128x1024xf32>
    %add3A_1114 = arith.addf %add3A_1109, %concatenate3A_1113 : vector<128x1024xf32>
    %sub3A_1115 = arith.subf %add3A_1114, %convert_element_type3A_1059 : vector<128x1024xf32>
    %lt3A_1116 = vector.broadcast %sub3A_1064 : vector<128x1xf32> to vector<128x1024xf32>
    %lt3A_1117 = arith.cmpf olt, %sub3A_1115, %lt3A_1116 : vector<128x1024xf32>
    %convert_element_type3A_1118 = arith.extui %lt3A_1117 : vector<128x1024xi1> to vector<128x1024xi32>
    %convert_element_type3A_1119 = arith.sitofp %convert_element_type3A_1118 : vector<128x1024xi32> to vector<128x1024xf32>
    %mul3A_1120 = arith.mulf %convert_element_type3A_1059, %convert_element_type3A_1119 : vector<128x1024xf32>
    %add3A_1121 = arith.addf %convert_element_type3A_1055, %mul3A_1120 : vector<128x1024xf32>
    %broadcast_in_dim3A_1122 = arith.constant 0.000000e+00 : f32
    %broadcast_in_dim3A_1123 = vector.broadcast %broadcast_in_dim3A_1122 : f32 to vector<128x1xf32>
    %slice3A_1124 = vector.extract_strided_slice %add3A_1121 {offsets = [0, 0], sizes = [128, 1023], strides = [1, 1]} : vector<128x1024xf32> to vector<128x1023xf32>
    %concatenate3A_1125 = tpu.concatenate %broadcast_in_dim3A_1123, %slice3A_1124 in 1 : vector<128x1xf32>, vector<128x1023xf32> -> vector<128x1024xf32>
    %add3A_1126 = arith.addf %add3A_1121, %concatenate3A_1125 : vector<128x1024xf32>
    %broadcast_in_dim3A_1127 = arith.constant 0.000000e+00 : f32
    %broadcast_in_dim3A_1128 = vector.broadcast %broadcast_in_dim3A_1127 : f32 to vector<128x2xf32>
    %slice3A_1129 = vector.extract_strided_slice %add3A_1126 {offsets = [0, 0], sizes = [128, 1022], strides = [1, 1]} : vector<128x1024xf32> to vector<128x1022xf32>
    %concatenate3A_1130 = tpu.concatenate %broadcast_in_dim3A_1128, %slice3A_1129 in 1 : vector<128x2xf32>, vector<128x1022xf32> -> vector<128x1024xf32>
    %add3A_1131 = arith.addf %add3A_1126, %concatenate3A_1130 : vector<128x1024xf32>
    %broadcast_in_dim3A_1132 = arith.constant 0.000000e+00 : f32
    %broadcast_in_dim3A_1133 = vector.broadcast %broadcast_in_dim3A_1132 : f32 to vector<128x4xf32>
    %slice3A_1134 = vector.extract_strided_slice %add3A_1131 {offsets = [0, 0], sizes = [128, 1020], strides = [1, 1]} : vector<128x1024xf32> to vector<128x1020xf32>
    %concatenate3A_1135 = tpu.concatenate %broadcast_in_dim3A_1133, %slice3A_1134 in 1 : vector<128x4xf32>, vector<128x1020xf32> -> vector<128x1024xf32>
    %add3A_1136 = arith.addf %add3A_1131, %concatenate3A_1135 : vector<128x1024xf32>
    %broadcast_in_dim3A_1137 = arith.constant 0.000000e+00 : f32
    %broadcast_in_dim3A_1138 = vector.broadcast %broadcast_in_dim3A_1137 : f32 to vector<128x8xf32>
    %slice3A_1139 = vector.extract_strided_slice %add3A_1136 {offsets = [0, 0], sizes = [128, 1016], strides = [1, 1]} : vector<128x1024xf32> to vector<128x1016xf32>
    %concatenate3A_1140 = tpu.concatenate %broadcast_in_dim3A_1138, %slice3A_1139 in 1 : vector<128x8xf32>, vector<128x1016xf32> -> vector<128x1024xf32>
    %add3A_1141 = arith.addf %add3A_1136, %concatenate3A_1140 : vector<128x1024xf32>
    %broadcast_in_dim3A_1142 = arith.constant 0.000000e+00 : f32
    %broadcast_in_dim3A_1143 = vector.broadcast %broadcast_in_dim3A_1142 : f32 to vector<128x16xf32>
    %slice3A_1144 = vector.extract_strided_slice %add3A_1141 {offsets = [0, 0], sizes = [128, 1008], strides = [1, 1]} : vector<128x1024xf32> to vector<128x1008xf32>
    %concatenate3A_1145 = tpu.concatenate %broadcast_in_dim3A_1143, %slice3A_1144 in 1 : vector<128x16xf32>, vector<128x1008xf32> -> vector<128x1024xf32>
    %add3A_1146 = arith.addf %add3A_1141, %concatenate3A_1145 : vector<128x1024xf32>
    %broadcast_in_dim3A_1147 = arith.constant 0.000000e+00 : f32
    %broadcast_in_dim3A_1148 = vector.broadcast %broadcast_in_dim3A_1147 : f32 to vector<128x32xf32>
    %slice3A_1149 = vector.extract_strided_slice %add3A_1146 {offsets = [0, 0], sizes = [128, 992], strides = [1, 1]} : vector<128x1024xf32> to vector<128x992xf32>
    %concatenate3A_1150 = tpu.concatenate %broadcast_in_dim3A_1148, %slice3A_1149 in 1 : vector<128x32xf32>, vector<128x992xf32> -> vector<128x1024xf32>
    %add3A_1151 = arith.addf %add3A_1146, %concatenate3A_1150 : vector<128x1024xf32>
    %broadcast_in_dim3A_1152 = arith.constant 0.000000e+00 : f32
    %broadcast_in_dim3A_1153 = vector.broadcast %broadcast_in_dim3A_1152 : f32 to vector<128x64xf32>
    %slice3A_1154 = vector.extract_strided_slice %add3A_1151 {offsets = [0, 0], sizes = [128, 960], strides = [1, 1]} : vector<128x1024xf32> to vector<128x960xf32>
    %concatenate3A_1155 = tpu.concatenate %broadcast_in_dim3A_1153, %slice3A_1154 in 1 : vector<128x64xf32>, vector<128x960xf32> -> vector<128x1024xf32>
    %add3A_1156 = arith.addf %add3A_1151, %concatenate3A_1155 : vector<128x1024xf32>
    %broadcast_in_dim3A_1157 = arith.constant 0.000000e+00 : f32
    %broadcast_in_dim3A_1158 = vector.broadcast %broadcast_in_dim3A_1157 : f32 to vector<128x128xf32>
    %slice3A_1159 = vector.extract_strided_slice %add3A_1156 {offsets = [0, 0], sizes = [128, 896], strides = [1, 1]} : vector<128x1024xf32> to vector<128x896xf32>
    %concatenate3A_1160 = tpu.concatenate %broadcast_in_dim3A_1158, %slice3A_1159 in 1 : vector<128x128xf32>, vector<128x896xf32> -> vector<128x1024xf32>
    %add3A_1161 = arith.addf %add3A_1156, %concatenate3A_1160 : vector<128x1024xf32>
    %broadcast_in_dim3A_1162 = arith.constant 0.000000e+00 : f32
    %broadcast_in_dim3A_1163 = vector.broadcast %broadcast_in_dim3A_1162 : f32 to vector<128x256xf32>
    %slice3A_1164 = vector.extract_strided_slice %add3A_1161 {offsets = [0, 0], sizes = [128, 768], strides = [1, 1]} : vector<128x1024xf32> to vector<128x768xf32>
    %concatenate3A_1165 = tpu.concatenate %broadcast_in_dim3A_1163, %slice3A_1164 in 1 : vector<128x256xf32>, vector<128x768xf32> -> vector<128x1024xf32>
    %add3A_1166 = arith.addf %add3A_1161, %concatenate3A_1165 : vector<128x1024xf32>
    %broadcast_in_dim3A_1167 = arith.constant 0.000000e+00 : f32
    %broadcast_in_dim3A_1168 = vector.broadcast %broadcast_in_dim3A_1167 : f32 to vector<128x512xf32>
    %slice3A_1169 = vector.extract_strided_slice %add3A_1166 {offsets = [0, 0], sizes = [128, 512], strides = [1, 1]} : vector<128x1024xf32> to vector<128x512xf32>
    %concatenate3A_1170 = tpu.concatenate %broadcast_in_dim3A_1168, %slice3A_1169 in 1 : vector<128x512xf32>, vector<128x512xf32> -> vector<128x1024xf32>
    %add3A_1171 = arith.addf %add3A_1166, %concatenate3A_1170 : vector<128x1024xf32>
    %sub3A_1172 = arith.subf %add3A_1171, %add3A_1121 : vector<128x1024xf32>
    %gt3A = arith.constant 5.000000e-01 : f32
    %gt3A_1173 = vector.broadcast %gt3A : f32 to vector<128x1024xf32>
    %gt3A_1174 = arith.cmpf ogt, %add3A_1121, %gt3A_1173 : vector<128x1024xf32>
    %convert_element_type3A_1175 = arith.fptosi %sub3A_1172 : vector<128x1024xf32> to vector<128x1024xi32>
    %jit3A = arith.constant -1 : i32
    %broadcast_in_dim3A_1176 = vector.broadcast %jit3A : i32 to vector<128x1024xi32>
    %select_n3A_1177 = arith.select %gt3A_1174, %convert_element_type3A_1175, %broadcast_in_dim3A_1176 : vector<128x1024xi1>, vector<128x1024xi32>
    %swap3A = arith.constant 0 : index
    %swap3A_1178 = arith.constant 0 : index
    %swap3A_1179 = arith.constant 0 : index
    %swap3A_1180 = vector.load %arg4[%swap3A, %swap3A_1178, %swap3A_1179] : memref<1x128x1024xi32, #tpu.memory_space<vmem>>, vector<1x128x1024xi32>
    %swap3A_1181 = vector.shape_cast %swap3A_1180 : vector<1x128x1024xi32> to vector<128x1024xi32>
    %swap3A_1182 = vector.shape_cast %select_n3A_1177 : vector<128x1024xi32> to vector<1x128x1024xi32>
    tpu.vector_store %arg4[%swap3A, %swap3A_1178, %swap3A_1179], %swap3A_1182 {strides = array<i32>} : memref<1x128x1024xi32, #tpu.memory_space<vmem>>, vector<1x128x1024xi32>,
    return
  }
  func.func @transform_0(%arg0: i32, %arg1: i32) -> (i32, i32, i32) {
    %c0_i32 = arith.constant 0 : i32
    %c0_i32_0 = arith.constant 0 : i32
    %c0_i32_1 = arith.constant 0 : i32
    return %arg0, %c0_i32, %c0_i32_0 : i32, i32, i32
  }
  func.func @transform_1(%arg0: i32, %arg1: i32) -> (i32, i32, i32) {
    %c0_i32 = arith.constant 0 : i32
    %c0_i32_0 = arith.constant 0 : i32
    return %arg0, %arg1, %c0_i32 : i32, i32, i32
  }
  func.func @transform_2(%arg0: i32, %arg1: i32) -> (i32, i32, i32) {
    %c0_i32 = arith.constant 0 : i32
    %c0_i32_0 = arith.constant 0 : i32
    return %arg0, %arg1, %c0_i32 : i32, i32, i32
  }
  func.func @transform_3(%arg0: i32, %arg1: i32) -> (i32, i32, i32) {
    %c0_i32 = arith.constant 0 : i32
    %c0_i32_0 = arith.constant 0 : i32
    %c0_i32_1 = arith.constant 0 : i32
    return %arg0, %c0_i32, %c0_i32_0 : i32, i32, i32
  }
}

module attributes {stable_mosaic.version = 14 : i64} {
  func.func @_prep_body(%arg0: i32, %arg1: memref<1x128x128xf32, #tpu.memory_space<vmem>>, %arg2: memref<1x128x128xf32, #tpu.memory_space<vmem>>, %arg3: memref<1x128x128xf32, #tpu.memory_space<vmem>>, %arg4: memref<1x128x128xf32, #tpu.memory_space<vmem>>, %arg5: memref<1x1x128xf32, #tpu.memory_space<vmem>>, %arg6: memref<1x1x128xf32, #tpu.memory_space<vmem>>, %arg7: memref<1x1x128xf32, #tpu.memory_space<vmem>>, %arg8: memref<1x128x128xf32, #tpu.memory_space<vmem>>, %arg9: memref<1x128x128xf32, #tpu.memory_space<vmem>>, %arg10: memref<1x8x128xf32, #tpu.memory_space<vmem>>) attributes {dimension_semantics = [#tpu.dimension_semantics<arbitrary>], iteration_bounds = array<i64: 4>, scalar_prefetch = 0 : i64, scratch_operands = 0 : i64, tpu.core_type = #tpu.core_type<tc>, window_params = [{transform_indices = @transform_0, window_bounds = array<i64: 1, 128, 128>}, {transform_indices = @transform_1, window_bounds = array<i64: 1, 128, 128>}, {transform_indices = @transform_2, window_bounds = array<i64: 1, 128, 128>}, {transform_indices = @transform_3, window_bounds = array<i64: 1, 128, 128>}, {transform_indices = @transform_4, window_bounds = array<i64: 1, 1, 128>}, {transform_indices = @transform_5, window_bounds = array<i64: 1, 1, 128>}, {transform_indices = @transform_6, window_bounds = array<i64: 1, 1, 128>}, {transform_indices = @transform_7, window_bounds = array<i64: 1, 128, 128>}, {transform_indices = @transform_8, window_bounds = array<i64: 1, 128, 128>}, {transform_indices = @transform_9, window_bounds = array<i64: 1, 8, 128>}]} {
    %get3A = arith.constant 0 : index
    %get3A_0 = arith.constant 0 : index
    %get3A_1 = arith.constant 0 : index
    %get3A_2 = vector.load %arg4[%get3A, %get3A_0, %get3A_1] : memref<1x128x128xf32, #tpu.memory_space<vmem>>, vector<1x128x128xf32>
    %get3A_3 = vector.shape_cast %get3A_2 : vector<1x128x128xf32> to vector<128x128xf32>
    %get3A_4 = arith.constant 0 : index
    %get3A_5 = arith.constant 0 : index
    %get3A_6 = arith.constant 0 : index
    %get3A_7 = vector.load %arg2[%get3A_4, %get3A_5, %get3A_6] : memref<1x128x128xf32, #tpu.memory_space<vmem>>, vector<1x128x128xf32>
    %get3A_8 = vector.shape_cast %get3A_7 : vector<1x128x128xf32> to vector<128x128xf32>
    %dot_general3A = arith.constant dense<0.000000e+00> : vector<128x128xf32>
    %dot_general3A_9 = tpu.matmul %get3A_8, %get3A_3, %dot_general3A {dimension_numbers = #tpu.dot_dimension_numbers<[1], [0], [0], [1], [0, 0, 1, 1], [], []>, transpose_lhs_hint = false} : vector<128x128xf32>, vector<128x128xf32>, vector<128x128xf32> -> vector<128x128xf32>
    %swap3A = arith.constant 0 : index
    %swap3A_10 = arith.constant 0 : index
    %swap3A_11 = arith.constant 0 : index
    %swap3A_12 = vector.load %arg8[%swap3A, %swap3A_10, %swap3A_11] : memref<1x128x128xf32, #tpu.memory_space<vmem>>, vector<1x128x128xf32>
    %swap3A_13 = vector.shape_cast %swap3A_12 : vector<1x128x128xf32> to vector<128x128xf32>
    %swap3A_14 = vector.shape_cast %dot_general3A_9 : vector<128x128xf32> to vector<1x128x128xf32>
    tpu.vector_store %arg8[%swap3A, %swap3A_10, %swap3A_11], %swap3A_14 {strides = array<i32>} : memref<1x128x128xf32, #tpu.memory_space<vmem>>, vector<1x128x128xf32>,
    %get3A_15 = arith.constant 0 : index
    %get3A_16 = arith.constant 0 : index
    %get3A_17 = arith.constant 0 : index
    %get3A_18 = vector.load %arg3[%get3A_15, %get3A_16, %get3A_17] : memref<1x128x128xf32, #tpu.memory_space<vmem>>, vector<1x128x128xf32>
    %get3A_19 = vector.shape_cast %get3A_18 : vector<1x128x128xf32> to vector<128x128xf32>
    %dot_general3A_20 = arith.constant dense<0.000000e+00> : vector<128x128xf32>
    %dot_general3A_21 = tpu.matmul %get3A_19, %get3A_3, %dot_general3A_20 {dimension_numbers = #tpu.dot_dimension_numbers<[1], [0], [0], [1], [0, 0, 1, 1], [], []>, transpose_lhs_hint = false} : vector<128x128xf32>, vector<128x128xf32>, vector<128x128xf32> -> vector<128x128xf32>
    %swap3A_22 = arith.constant 0 : index
    %swap3A_23 = arith.constant 0 : index
    %swap3A_24 = arith.constant 0 : index
    %swap3A_25 = vector.load %arg9[%swap3A_22, %swap3A_23, %swap3A_24] : memref<1x128x128xf32, #tpu.memory_space<vmem>>, vector<1x128x128xf32>
    %swap3A_26 = vector.shape_cast %swap3A_25 : vector<1x128x128xf32> to vector<128x128xf32>
    %swap3A_27 = vector.shape_cast %dot_general3A_21 : vector<128x128xf32> to vector<1x128x128xf32>
    tpu.vector_store %arg9[%swap3A_22, %swap3A_23, %swap3A_24], %swap3A_27 {strides = array<i32>} : memref<1x128x128xf32, #tpu.memory_space<vmem>>, vector<1x128x128xf32>,
    %broadcast_in_dim3A = arith.constant 1.000000e+00 : f32
    %broadcast_in_dim3A_28 = vector.broadcast %broadcast_in_dim3A : f32 to vector<1x128xf32>
    %get3A_29 = arith.constant 0 : index
    %get3A_30 = arith.constant 0 : index
    %get3A_31 = arith.constant 0 : index
    %get3A_32 = vector.load %arg1[%get3A_29, %get3A_30, %get3A_31] : memref<1x128x128xf32, #tpu.memory_space<vmem>>, vector<1x128x128xf32>
    %get3A_33 = vector.shape_cast %get3A_32 : vector<1x128x128xf32> to vector<128x128xf32>
    %dot_general3A_34 = arith.constant dense<0.000000e+00> : vector<1x128xf32>
    %dot_general3A_35 = tpu.matmul %broadcast_in_dim3A_28, %get3A_33, %dot_general3A_34 {dimension_numbers = #tpu.dot_dimension_numbers<[1], [1], [0], [0], [0, 0, 1, 0], [], []>, transpose_lhs_hint = false} : vector<1x128xf32>, vector<128x128xf32>, vector<1x128xf32> -> vector<1x128xf32>
    %get3A_36 = arith.constant 0 : index
    %get3A_37 = arith.constant 0 : index
    %get3A_38 = arith.constant 0 : index
    %get3A_39 = vector.load %arg3[%get3A_36, %get3A_37, %get3A_38] : memref<1x128x128xf32, #tpu.memory_space<vmem>>, vector<1x128x128xf32>
    %get3A_40 = vector.shape_cast %get3A_39 : vector<1x128x128xf32> to vector<128x128xf32>
    %dot_general3A_41 = arith.constant dense<0.000000e+00> : vector<1x128xf32>
    %dot_general3A_42 = tpu.matmul %broadcast_in_dim3A_28, %get3A_40, %dot_general3A_41 {dimension_numbers = #tpu.dot_dimension_numbers<[1], [1], [0], [0], [0, 0, 1, 0], [], []>, transpose_lhs_hint = false} : vector<1x128xf32>, vector<128x128xf32>, vector<1x128xf32> -> vector<1x128xf32>
    %get3A_43 = arith.constant 0 : index
    %get3A_44 = arith.constant 0 : index
    %get3A_45 = arith.constant 0 : index
    %get3A_46 = vector.load %arg5[%get3A_43, %get3A_44, %get3A_45] : memref<1x1x128xf32, #tpu.memory_space<vmem>>, vector<1x1x128xf32>
    %get3A_47 = vector.shape_cast %get3A_46 : vector<1x1x128xf32> to vector<1x128xf32>
    %get3A_48 = arith.constant 0 : index
    %get3A_49 = arith.constant 0 : index
    %get3A_50 = arith.constant 0 : index
    %get3A_51 = vector.load %arg6[%get3A_48, %get3A_49, %get3A_50] : memref<1x1x128xf32, #tpu.memory_space<vmem>>, vector<1x1x128xf32>
    %get3A_52 = vector.shape_cast %get3A_51 : vector<1x1x128xf32> to vector<1x128xf32>
    %add3A = arith.addf %get3A_47, %get3A_52 : vector<1x128xf32>
    %dot_general3A_53 = arith.constant dense<0.000000e+00> : vector<1x128xf32>
    %dot_general3A_54 = tpu.matmul %add3A, %get3A_3, %dot_general3A_53 {dimension_numbers = #tpu.dot_dimension_numbers<[1], [0], [0], [1], [0, 0, 1, 1], [], []>, transpose_lhs_hint = false} : vector<1x128xf32>, vector<128x128xf32>, vector<1x128xf32> -> vector<1x128xf32>
    %get3A_55 = arith.constant 0 : index
    %get3A_56 = arith.constant 0 : index
    %get3A_57 = arith.constant 0 : index
    %get3A_58 = vector.load %arg7[%get3A_55, %get3A_56, %get3A_57] : memref<1x1x128xf32, #tpu.memory_space<vmem>>, vector<1x1x128xf32>
    %get3A_59 = vector.shape_cast %get3A_58 : vector<1x1x128xf32> to vector<1x128xf32>
    %add3A_60 = arith.addf %dot_general3A_54, %get3A_59 : vector<1x128xf32>
    %broadcast_in_dim3A_61 = arith.constant 0.000000e+00 : f32
    %broadcast_in_dim3A_62 = vector.broadcast %broadcast_in_dim3A_61 : f32 to vector<5x128xf32>
    %concatenate3A = tpu.concatenate %dot_general3A_35, %dot_general3A_42, %add3A_60, %broadcast_in_dim3A_62 in 0 : vector<1x128xf32>, vector<1x128xf32>, vector<1x128xf32>, vector<5x128xf32> -> vector<8x128xf32>
    %swap3A_63 = arith.constant 0 : index
    %swap3A_64 = arith.constant 0 : index
    %swap3A_65 = arith.constant 0 : index
    %swap3A_66 = vector.load %arg10[%swap3A_63, %swap3A_64, %swap3A_65] : memref<1x8x128xf32, #tpu.memory_space<vmem>>, vector<1x8x128xf32>
    %swap3A_67 = vector.shape_cast %swap3A_66 : vector<1x8x128xf32> to vector<8x128xf32>
    %swap3A_68 = vector.shape_cast %concatenate3A : vector<8x128xf32> to vector<1x8x128xf32>
    tpu.vector_store %arg10[%swap3A_63, %swap3A_64, %swap3A_65], %swap3A_68 {strides = array<i32>} : memref<1x8x128xf32, #tpu.memory_space<vmem>>, vector<1x8x128xf32>,
    return
  }
  func.func @transform_0(%arg0: i32) -> (i32, i32, i32) {
    %c0_i32 = arith.constant 0 : i32
    %c0_i32_0 = arith.constant 0 : i32
    %c0_i32_1 = arith.constant 0 : i32
    return %arg0, %c0_i32, %c0_i32_0 : i32, i32, i32
  }
  func.func @transform_1(%arg0: i32) -> (i32, i32, i32) {
    %c0_i32 = arith.constant 0 : i32
    %c0_i32_0 = arith.constant 0 : i32
    %c0_i32_1 = arith.constant 0 : i32
    return %arg0, %c0_i32, %c0_i32_0 : i32, i32, i32
  }
  func.func @transform_2(%arg0: i32) -> (i32, i32, i32) {
    %c0_i32 = arith.constant 0 : i32
    %c0_i32_0 = arith.constant 0 : i32
    %c0_i32_1 = arith.constant 0 : i32
    return %arg0, %c0_i32, %c0_i32_0 : i32, i32, i32
  }
  func.func @transform_3(%arg0: i32) -> (i32, i32, i32) {
    %c0_i32 = arith.constant 0 : i32
    %c0_i32_0 = arith.constant 0 : i32
    %c0_i32_1 = arith.constant 0 : i32
    return %arg0, %c0_i32, %c0_i32_0 : i32, i32, i32
  }
  func.func @transform_4(%arg0: i32) -> (i32, i32, i32) {
    %c0_i32 = arith.constant 0 : i32
    %c0_i32_0 = arith.constant 0 : i32
    %c0_i32_1 = arith.constant 0 : i32
    return %arg0, %c0_i32, %c0_i32_0 : i32, i32, i32
  }
  func.func @transform_5(%arg0: i32) -> (i32, i32, i32) {
    %c0_i32 = arith.constant 0 : i32
    %c0_i32_0 = arith.constant 0 : i32
    %c0_i32_1 = arith.constant 0 : i32
    return %arg0, %c0_i32, %c0_i32_0 : i32, i32, i32
  }
  func.func @transform_6(%arg0: i32) -> (i32, i32, i32) {
    %c0_i32 = arith.constant 0 : i32
    %c0_i32_0 = arith.constant 0 : i32
    %c0_i32_1 = arith.constant 0 : i32
    return %arg0, %c0_i32, %c0_i32_0 : i32, i32, i32
  }
  func.func @transform_7(%arg0: i32) -> (i32, i32, i32) {
    %c0_i32 = arith.constant 0 : i32
    %c0_i32_0 = arith.constant 0 : i32
    %c0_i32_1 = arith.constant 0 : i32
    return %arg0, %c0_i32, %c0_i32_0 : i32, i32, i32
  }
  func.func @transform_8(%arg0: i32) -> (i32, i32, i32) {
    %c0_i32 = arith.constant 0 : i32
    %c0_i32_0 = arith.constant 0 : i32
    %c0_i32_1 = arith.constant 0 : i32
    return %arg0, %c0_i32, %c0_i32_0 : i32, i32, i32
  }
  func.func @transform_9(%arg0: i32) -> (i32, i32, i32) {
    %c0_i32 = arith.constant 0 : i32
    %c0_i32_0 = arith.constant 0 : i32
    %c0_i32_1 = arith.constant 0 : i32
    return %arg0, %c0_i32, %c0_i32_0 : i32, i32, i32
  }
}

module attributes {stable_mosaic.version = 14 : i64} {
  func.func @_layer_body(%arg0: i32, %arg1: i32, %arg2: memref<1x1024x128xf32, #tpu.memory_space<vmem>>, %arg3: memref<1x128x128xf32, #tpu.memory_space<vmem>>, %arg4: memref<1x128x3xf32, #tpu.memory_space<vmem>>, %arg5: memref<1x24x128xf32, #tpu.memory_space<vmem>>, %arg6: memref<1x128x128xi32, #tpu.memory_space<vmem>>, %arg7: memref<1x128x1024xi32, #tpu.memory_space<vmem>>, %arg8: memref<128x128xf32, #tpu.memory_space<vmem>>, %arg9: memref<128x128xf32, #tpu.memory_space<vmem>>, %arg10: memref<8x128xf32, #tpu.memory_space<vmem>>, %arg11: memref<3x128xf32, #tpu.memory_space<vmem>>, %arg12: memref<1x128xf32, #tpu.memory_space<vmem>>, %arg13: memref<1x1xf32, #tpu.memory_space<vmem>>, %arg14: memref<1x128x128xf32, #tpu.memory_space<vmem>>) attributes {dimension_semantics = [#tpu.dimension_semantics<arbitrary>, #tpu.dimension_semantics<arbitrary>], iteration_bounds = array<i64: 2, 8>, scalar_prefetch = 0 : i64, scratch_operands = 0 : i64, tpu.core_type = #tpu.core_type<tc>, window_params = [{transform_indices = @transform_0, window_bounds = array<i64: 1, 1024, 128>}, {transform_indices = @transform_1, window_bounds = array<i64: 1, 128, 128>}, {transform_indices = @transform_2, window_bounds = array<i64: 1, 128, 3>}, {transform_indices = @transform_3, window_bounds = array<i64: 1, 24, 128>}, {transform_indices = @transform_4, window_bounds = array<i64: 1, 128, 128>}, {transform_indices = @transform_5, window_bounds = array<i64: 1, 128, 1024>}, {pipeline_mode = #tpu.pipeline_mode<synchronous>, transform_indices = @transform_6, window_bounds = array<i64: 128, 128>}, {pipeline_mode = #tpu.pipeline_mode<synchronous>, transform_indices = @transform_7, window_bounds = array<i64: 128, 128>}, {pipeline_mode = #tpu.pipeline_mode<synchronous>, transform_indices = @transform_8, window_bounds = array<i64: 8, 128>}, {pipeline_mode = #tpu.pipeline_mode<synchronous>, transform_indices = @transform_9, window_bounds = array<i64: 3, 128>}, {pipeline_mode = #tpu.pipeline_mode<synchronous>, transform_indices = @transform_10, window_bounds = array<i64: 1, 128>}, {pipeline_mode = #tpu.pipeline_mode<synchronous>, transform_indices = @transform_11, window_bounds = array<i64: 1, 1>}, {transform_indices = @transform_12, window_bounds = array<i64: 1, 128, 128>}]} {
    %get3A = arith.constant 0 : index
    %get3A_0 = arith.constant 0 : index
    %get3A_1 = arith.constant 0 : index
    %get3A_2 = vector.load %arg2[%get3A, %get3A_0, %get3A_1] : memref<1x1024x128xf32, #tpu.memory_space<vmem>>, vector<1x1024x128xf32>
    %get3A_3 = vector.shape_cast %get3A_2 : vector<1x1024x128xf32> to vector<1024x128xf32>
    %get3A_4 = arith.constant 0 : index
    %get3A_5 = arith.constant 0 : index
    %get3A_6 = vector.load %arg8[%get3A_4, %get3A_5] : memref<128x128xf32, #tpu.memory_space<vmem>>, vector<128x128xf32>
    %dot_general3A = arith.constant dense<0.000000e+00> : vector<1024x128xf32>
    %dot_general3A_7 = tpu.matmul %get3A_3, %get3A_6, %dot_general3A {dimension_numbers = #tpu.dot_dimension_numbers<[1], [0], [0], [1], [0, 0, 1, 1], [], []>, transpose_lhs_hint = false} : vector<1024x128xf32>, vector<128x128xf32>, vector<1024x128xf32> -> vector<1024x128xf32>
    %get3A_8 = arith.constant 0 : index
    %get3A_9 = arith.constant 0 : index
    %get3A_10 = vector.load %arg10[%get3A_8, %get3A_9] : memref<8x128xf32, #tpu.memory_space<vmem>>, vector<1x128xf32>
    %get3A_11 = arith.constant 1 : index
    %get3A_12 = arith.constant 0 : index
    %get3A_13 = vector.load %arg10[%get3A_11, %get3A_12] : memref<8x128xf32, #tpu.memory_space<vmem>>, vector<1x128xf32>
    %get3A_14 = arith.constant 2 : index
    %get3A_15 = arith.constant 0 : index
    %get3A_16 = vector.load %arg10[%get3A_14, %get3A_15] : memref<8x128xf32, #tpu.memory_space<vmem>>, vector<1x128xf32>
    %get3A_17 = arith.constant 0 : index
    %get3A_18 = arith.constant 0 : index
    %get3A_19 = arith.constant 0 : index
    %get3A_20 = vector.load %arg6[%get3A_17, %get3A_18, %get3A_19] : memref<1x128x128xi32, #tpu.memory_space<vmem>>, vector<1x128x128xi32>
    %get3A_21 = vector.shape_cast %get3A_20 : vector<1x128x128xi32> to vector<128x128xi32>
    %shift_right_arithmetic3A = arith.constant 7 : i32
    %shift_right_arithmetic3A_22 = vector.broadcast %shift_right_arithmetic3A : i32 to vector<128x128xi32>
    %shift_right_arithmetic3A_23 = arith.shrsi %get3A_21, %shift_right_arithmetic3A_22 : vector<128x128xi32>
    %and3A = arith.constant 127 : i32
    %and3A_24 = vector.broadcast %and3A : i32 to vector<128x128xi32>
    %and3A_25 = arith.andi %get3A_21, %and3A_24 : vector<128x128xi32>
    %get3A_26 = arith.constant 0 : index
    %get3A_27 = arith.constant 0 : index
    %get3A_28 = arith.constant 0 : index
    %get3A_29 = vector.load %arg5[%get3A_26, %get3A_27, %get3A_28] : memref<1x24x128xf32, #tpu.memory_space<vmem>>, vector<1x24x128xf32>
    %get3A_30 = vector.shape_cast %get3A_29 : vector<1x24x128xf32> to vector<24x128xf32>
    %broadcast_in_dim3A = arith.constant 0.000000e+00 : f32
    %broadcast_in_dim3A_31 = vector.broadcast %broadcast_in_dim3A : f32 to vector<128x128xf32>
    %broadcast_in_dim3A_32 = arith.constant 0.000000e+00 : f32
    %broadcast_in_dim3A_33 = vector.broadcast %broadcast_in_dim3A_32 : f32 to vector<128x128xf32>
    %broadcast_in_dim3A_34 = arith.constant 0.000000e+00 : f32
    %broadcast_in_dim3A_35 = vector.broadcast %broadcast_in_dim3A_34 : f32 to vector<128x128xf32>
    %broadcast_in_dim3A_36 = arith.constant 0.000000e+00 : f32
    %broadcast_in_dim3A_37 = vector.broadcast %broadcast_in_dim3A_36 : f32 to vector<128x128xf32>
    %eq3A = arith.constant 0 : i32
    %eq3A_38 = vector.broadcast %eq3A : i32 to vector<128x128xi32>
    %eq3A_39 = arith.cmpi eq, %shift_right_arithmetic3A_23, %eq3A_38 : vector<128x128xi32>
    %slice3A = vector.extract_strided_slice %get3A_3 {offsets = [0, 0], sizes = [128, 128], strides = [1, 1]} : vector<1024x128xf32> to vector<128x128xf32>
    %dot_general3A_40 = arith.constant dense<0.000000e+00> : vector<1x128xf32>
    %dot_general3A_41 = tpu.matmul %get3A_10, %slice3A, %dot_general3A_40 {dimension_numbers = #tpu.dot_dimension_numbers<[1], [1], [0], [0], [0, 0, 1, 0], [], []>, transpose_lhs_hint = false} : vector<1x128xf32>, vector<128x128xf32>, vector<1x128xf32> -> vector<1x128xf32>
    %broadcast_in_dim3A_42 = vector.shape_cast %dot_general3A_41 : vector<1x128xf32> to vector<1x128xf32>
    %broadcast_in_dim3A_43 = vector.broadcast %broadcast_in_dim3A_42 : vector<1x128xf32> to vector<128x128xf32>
    %lt3A = arith.constant 0 : i32
    %lt3A_44 = vector.broadcast %lt3A : i32 to vector<128x128xi32>
    %lt3A_45 = arith.cmpi slt, %and3A_25, %lt3A_44 : vector<128x128xi32>
    %add3A = arith.constant 128 : i32
    %add3A_46 = vector.broadcast %add3A : i32 to vector<128x128xi32>
    %add3A_47 = arith.addi %and3A_25, %add3A_46 : vector<128x128xi32>
    %select_n3A = arith.select %lt3A_45, %add3A_47, %and3A_25 : vector<128x128xi1>, vector<128x128xi32>
    %reshape3A = vector.shape_cast %select_n3A : vector<128x128xi32> to vector<128x128x1xi32>
    %gather3A = vector.shape_cast %reshape3A : vector<128x128x1xi32> to vector<128x128xi32>
    %gather3A_48 = tpu.dynamic_gather %broadcast_in_dim3A_43[%gather3A] in [1] : vector<128x128xf32>, vector<128x128xi32> -> vector<128x128xf32>
    %jit3A = arith.constant 0.000000e+00 : f32
    %broadcast_in_dim3A_49 = vector.broadcast %jit3A : f32 to vector<128x128xf32>
    %select_n3A_50 = arith.select %eq3A_39, %gather3A_48, %broadcast_in_dim3A_49 : vector<128x128xi1>, vector<128x128xf32>
    %add3A_51 = arith.addf %broadcast_in_dim3A_31, %select_n3A_50 : vector<128x128xf32>
    %slice3A_52 = vector.extract_strided_slice %get3A_30 {offsets = [0, 0], sizes = [1, 128], strides = [1, 1]} : vector<24x128xf32> to vector<1x128xf32>
    %broadcast_in_dim3A_53 = vector.shape_cast %slice3A_52 : vector<1x128xf32> to vector<1x128xf32>
    %broadcast_in_dim3A_54 = vector.broadcast %broadcast_in_dim3A_53 : vector<1x128xf32> to vector<128x128xf32>
    %lt3A_55 = arith.constant 0 : i32
    %lt3A_56 = vector.broadcast %lt3A_55 : i32 to vector<128x128xi32>
    %lt3A_57 = arith.cmpi slt, %and3A_25, %lt3A_56 : vector<128x128xi32>
    %add3A_58 = arith.constant 128 : i32
    %add3A_59 = vector.broadcast %add3A_58 : i32 to vector<128x128xi32>
    %add3A_60 = arith.addi %and3A_25, %add3A_59 : vector<128x128xi32>
    %select_n3A_61 = arith.select %lt3A_57, %add3A_60, %and3A_25 : vector<128x128xi1>, vector<128x128xi32>
    %reshape3A_62 = vector.shape_cast %select_n3A_61 : vector<128x128xi32> to vector<128x128x1xi32>
    %gather3A_63 = vector.shape_cast %reshape3A_62 : vector<128x128x1xi32> to vector<128x128xi32>
    %gather3A_64 = tpu.dynamic_gather %broadcast_in_dim3A_54[%gather3A_63] in [1] : vector<128x128xf32>, vector<128x128xi32> -> vector<128x128xf32>
    %jit3A_65 = arith.constant 0.000000e+00 : f32
    %broadcast_in_dim3A_66 = vector.broadcast %jit3A_65 : f32 to vector<128x128xf32>
    %select_n3A_67 = arith.select %eq3A_39, %gather3A_64, %broadcast_in_dim3A_66 : vector<128x128xi1>, vector<128x128xf32>
    %add3A_68 = arith.addf %broadcast_in_dim3A_33, %select_n3A_67 : vector<128x128xf32>
    %slice3A_69 = vector.extract_strided_slice %get3A_30 {offsets = [8, 0], sizes = [1, 128], strides = [1, 1]} : vector<24x128xf32> to vector<1x128xf32>
    %broadcast_in_dim3A_70 = vector.shape_cast %slice3A_69 : vector<1x128xf32> to vector<1x128xf32>
    %broadcast_in_dim3A_71 = vector.broadcast %broadcast_in_dim3A_70 : vector<1x128xf32> to vector<128x128xf32>
    %lt3A_72 = arith.constant 0 : i32
    %lt3A_73 = vector.broadcast %lt3A_72 : i32 to vector<128x128xi32>
    %lt3A_74 = arith.cmpi slt, %and3A_25, %lt3A_73 : vector<128x128xi32>
    %add3A_75 = arith.constant 128 : i32
    %add3A_76 = vector.broadcast %add3A_75 : i32 to vector<128x128xi32>
    %add3A_77 = arith.addi %and3A_25, %add3A_76 : vector<128x128xi32>
    %select_n3A_78 = arith.select %lt3A_74, %add3A_77, %and3A_25 : vector<128x128xi1>, vector<128x128xi32>
    %reshape3A_79 = vector.shape_cast %select_n3A_78 : vector<128x128xi32> to vector<128x128x1xi32>
    %gather3A_80 = vector.shape_cast %reshape3A_79 : vector<128x128x1xi32> to vector<128x128xi32>
    %gather3A_81 = tpu.dynamic_gather %broadcast_in_dim3A_71[%gather3A_80] in [1] : vector<128x128xf32>, vector<128x128xi32> -> vector<128x128xf32>
    %jit3A_82 = arith.constant 0.000000e+00 : f32
    %broadcast_in_dim3A_83 = vector.broadcast %jit3A_82 : f32 to vector<128x128xf32>
    %select_n3A_84 = arith.select %eq3A_39, %gather3A_81, %broadcast_in_dim3A_83 : vector<128x128xi1>, vector<128x128xf32>
    %add3A_85 = arith.addf %broadcast_in_dim3A_35, %select_n3A_84 : vector<128x128xf32>
    %slice3A_86 = vector.extract_strided_slice %get3A_30 {offsets = [16, 0], sizes = [1, 128], strides = [1, 1]} : vector<24x128xf32> to vector<1x128xf32>
    %broadcast_in_dim3A_87 = vector.shape_cast %slice3A_86 : vector<1x128xf32> to vector<1x128xf32>
    %broadcast_in_dim3A_88 = vector.broadcast %broadcast_in_dim3A_87 : vector<1x128xf32> to vector<128x128xf32>
    %lt3A_89 = arith.constant 0 : i32
    %lt3A_90 = vector.broadcast %lt3A_89 : i32 to vector<128x128xi32>
    %lt3A_91 = arith.cmpi slt, %and3A_25, %lt3A_90 : vector<128x128xi32>
    %add3A_92 = arith.constant 128 : i32
    %add3A_93 = vector.broadcast %add3A_92 : i32 to vector<128x128xi32>
    %add3A_94 = arith.addi %and3A_25, %add3A_93 : vector<128x128xi32>
    %select_n3A_95 = arith.select %lt3A_91, %add3A_94, %and3A_25 : vector<128x128xi1>, vector<128x128xi32>
    %reshape3A_96 = vector.shape_cast %select_n3A_95 : vector<128x128xi32> to vector<128x128x1xi32>
    %gather3A_97 = vector.shape_cast %reshape3A_96 : vector<128x128x1xi32> to vector<128x128xi32>
    %gather3A_98 = tpu.dynamic_gather %broadcast_in_dim3A_88[%gather3A_97] in [1] : vector<128x128xf32>, vector<128x128xi32> -> vector<128x128xf32>
    %jit3A_99 = arith.constant 0.000000e+00 : f32
    %broadcast_in_dim3A_100 = vector.broadcast %jit3A_99 : f32 to vector<128x128xf32>
    %select_n3A_101 = arith.select %eq3A_39, %gather3A_98, %broadcast_in_dim3A_100 : vector<128x128xi1>, vector<128x128xf32>
    %add3A_102 = arith.addf %broadcast_in_dim3A_37, %select_n3A_101 : vector<128x128xf32>
    %eq3A_103 = arith.constant 1 : i32
    %eq3A_104 = vector.broadcast %eq3A_103 : i32 to vector<128x128xi32>
    %eq3A_105 = arith.cmpi eq, %shift_right_arithmetic3A_23, %eq3A_104 : vector<128x128xi32>
    %slice3A_106 = vector.extract_strided_slice %get3A_3 {offsets = [128, 0], sizes = [128, 128], strides = [1, 1]} : vector<1024x128xf32> to vector<128x128xf32>
    %dot_general3A_107 = arith.constant dense<0.000000e+00> : vector<1x128xf32>
    %dot_general3A_108 = tpu.matmul %get3A_10, %slice3A_106, %dot_general3A_107 {dimension_numbers = #tpu.dot_dimension_numbers<[1], [1], [0], [0], [0, 0, 1, 0], [], []>, transpose_lhs_hint = false} : vector<1x128xf32>, vector<128x128xf32>, vector<1x128xf32> -> vector<1x128xf32>
    %broadcast_in_dim3A_109 = vector.shape_cast %dot_general3A_108 : vector<1x128xf32> to vector<1x128xf32>
    %broadcast_in_dim3A_110 = vector.broadcast %broadcast_in_dim3A_109 : vector<1x128xf32> to vector<128x128xf32>
    %lt3A_111 = arith.constant 0 : i32
    %lt3A_112 = vector.broadcast %lt3A_111 : i32 to vector<128x128xi32>
    %lt3A_113 = arith.cmpi slt, %and3A_25, %lt3A_112 : vector<128x128xi32>
    %add3A_114 = arith.constant 128 : i32
    %add3A_115 = vector.broadcast %add3A_114 : i32 to vector<128x128xi32>
    %add3A_116 = arith.addi %and3A_25, %add3A_115 : vector<128x128xi32>
    %select_n3A_117 = arith.select %lt3A_113, %add3A_116, %and3A_25 : vector<128x128xi1>, vector<128x128xi32>
    %reshape3A_118 = vector.shape_cast %select_n3A_117 : vector<128x128xi32> to vector<128x128x1xi32>
    %gather3A_119 = vector.shape_cast %reshape3A_118 : vector<128x128x1xi32> to vector<128x128xi32>
    %gather3A_120 = tpu.dynamic_gather %broadcast_in_dim3A_110[%gather3A_119] in [1] : vector<128x128xf32>, vector<128x128xi32> -> vector<128x128xf32>
    %jit3A_121 = arith.constant 0.000000e+00 : f32
    %broadcast_in_dim3A_122 = vector.broadcast %jit3A_121 : f32 to vector<128x128xf32>
    %select_n3A_123 = arith.select %eq3A_105, %gather3A_120, %broadcast_in_dim3A_122 : vector<128x128xi1>, vector<128x128xf32>
    %add3A_124 = arith.addf %add3A_51, %select_n3A_123 : vector<128x128xf32>
    %slice3A_125 = vector.extract_strided_slice %get3A_30 {offsets = [1, 0], sizes = [1, 128], strides = [1, 1]} : vector<24x128xf32> to vector<1x128xf32>
    %broadcast_in_dim3A_126 = vector.shape_cast %slice3A_125 : vector<1x128xf32> to vector<1x128xf32>
    %broadcast_in_dim3A_127 = vector.broadcast %broadcast_in_dim3A_126 : vector<1x128xf32> to vector<128x128xf32>
    %lt3A_128 = arith.constant 0 : i32
    %lt3A_129 = vector.broadcast %lt3A_128 : i32 to vector<128x128xi32>
    %lt3A_130 = arith.cmpi slt, %and3A_25, %lt3A_129 : vector<128x128xi32>
    %add3A_131 = arith.constant 128 : i32
    %add3A_132 = vector.broadcast %add3A_131 : i32 to vector<128x128xi32>
    %add3A_133 = arith.addi %and3A_25, %add3A_132 : vector<128x128xi32>
    %select_n3A_134 = arith.select %lt3A_130, %add3A_133, %and3A_25 : vector<128x128xi1>, vector<128x128xi32>
    %reshape3A_135 = vector.shape_cast %select_n3A_134 : vector<128x128xi32> to vector<128x128x1xi32>
    %gather3A_136 = vector.shape_cast %reshape3A_135 : vector<128x128x1xi32> to vector<128x128xi32>
    %gather3A_137 = tpu.dynamic_gather %broadcast_in_dim3A_127[%gather3A_136] in [1] : vector<128x128xf32>, vector<128x128xi32> -> vector<128x128xf32>
    %jit3A_138 = arith.constant 0.000000e+00 : f32
    %broadcast_in_dim3A_139 = vector.broadcast %jit3A_138 : f32 to vector<128x128xf32>
    %select_n3A_140 = arith.select %eq3A_105, %gather3A_137, %broadcast_in_dim3A_139 : vector<128x128xi1>, vector<128x128xf32>
    %add3A_141 = arith.addf %add3A_68, %select_n3A_140 : vector<128x128xf32>
    %slice3A_142 = vector.extract_strided_slice %get3A_30 {offsets = [9, 0], sizes = [1, 128], strides = [1, 1]} : vector<24x128xf32> to vector<1x128xf32>
    %broadcast_in_dim3A_143 = vector.shape_cast %slice3A_142 : vector<1x128xf32> to vector<1x128xf32>
    %broadcast_in_dim3A_144 = vector.broadcast %broadcast_in_dim3A_143 : vector<1x128xf32> to vector<128x128xf32>
    %lt3A_145 = arith.constant 0 : i32
    %lt3A_146 = vector.broadcast %lt3A_145 : i32 to vector<128x128xi32>
    %lt3A_147 = arith.cmpi slt, %and3A_25, %lt3A_146 : vector<128x128xi32>
    %add3A_148 = arith.constant 128 : i32
    %add3A_149 = vector.broadcast %add3A_148 : i32 to vector<128x128xi32>
    %add3A_150 = arith.addi %and3A_25, %add3A_149 : vector<128x128xi32>
    %select_n3A_151 = arith.select %lt3A_147, %add3A_150, %and3A_25 : vector<128x128xi1>, vector<128x128xi32>
    %reshape3A_152 = vector.shape_cast %select_n3A_151 : vector<128x128xi32> to vector<128x128x1xi32>
    %gather3A_153 = vector.shape_cast %reshape3A_152 : vector<128x128x1xi32> to vector<128x128xi32>
    %gather3A_154 = tpu.dynamic_gather %broadcast_in_dim3A_144[%gather3A_153] in [1] : vector<128x128xf32>, vector<128x128xi32> -> vector<128x128xf32>
    %jit3A_155 = arith.constant 0.000000e+00 : f32
    %broadcast_in_dim3A_156 = vector.broadcast %jit3A_155 : f32 to vector<128x128xf32>
    %select_n3A_157 = arith.select %eq3A_105, %gather3A_154, %broadcast_in_dim3A_156 : vector<128x128xi1>, vector<128x128xf32>
    %add3A_158 = arith.addf %add3A_85, %select_n3A_157 : vector<128x128xf32>
    %slice3A_159 = vector.extract_strided_slice %get3A_30 {offsets = [17, 0], sizes = [1, 128], strides = [1, 1]} : vector<24x128xf32> to vector<1x128xf32>
    %broadcast_in_dim3A_160 = vector.shape_cast %slice3A_159 : vector<1x128xf32> to vector<1x128xf32>
    %broadcast_in_dim3A_161 = vector.broadcast %broadcast_in_dim3A_160 : vector<1x128xf32> to vector<128x128xf32>
    %lt3A_162 = arith.constant 0 : i32
    %lt3A_163 = vector.broadcast %lt3A_162 : i32 to vector<128x128xi32>
    %lt3A_164 = arith.cmpi slt, %and3A_25, %lt3A_163 : vector<128x128xi32>
    %add3A_165 = arith.constant 128 : i32
    %add3A_166 = vector.broadcast %add3A_165 : i32 to vector<128x128xi32>
    %add3A_167 = arith.addi %and3A_25, %add3A_166 : vector<128x128xi32>
    %select_n3A_168 = arith.select %lt3A_164, %add3A_167, %and3A_25 : vector<128x128xi1>, vector<128x128xi32>
    %reshape3A_169 = vector.shape_cast %select_n3A_168 : vector<128x128xi32> to vector<128x128x1xi32>
    %gather3A_170 = vector.shape_cast %reshape3A_169 : vector<128x128x1xi32> to vector<128x128xi32>
    %gather3A_171 = tpu.dynamic_gather %broadcast_in_dim3A_161[%gather3A_170] in [1] : vector<128x128xf32>, vector<128x128xi32> -> vector<128x128xf32>
    %jit3A_172 = arith.constant 0.000000e+00 : f32
    %broadcast_in_dim3A_173 = vector.broadcast %jit3A_172 : f32 to vector<128x128xf32>
    %select_n3A_174 = arith.select %eq3A_105, %gather3A_171, %broadcast_in_dim3A_173 : vector<128x128xi1>, vector<128x128xf32>
    %add3A_175 = arith.addf %add3A_102, %select_n3A_174 : vector<128x128xf32>
    %eq3A_176 = arith.constant 2 : i32
    %eq3A_177 = vector.broadcast %eq3A_176 : i32 to vector<128x128xi32>
    %eq3A_178 = arith.cmpi eq, %shift_right_arithmetic3A_23, %eq3A_177 : vector<128x128xi32>
    %slice3A_179 = vector.extract_strided_slice %get3A_3 {offsets = [256, 0], sizes = [128, 128], strides = [1, 1]} : vector<1024x128xf32> to vector<128x128xf32>
    %dot_general3A_180 = arith.constant dense<0.000000e+00> : vector<1x128xf32>
    %dot_general3A_181 = tpu.matmul %get3A_10, %slice3A_179, %dot_general3A_180 {dimension_numbers = #tpu.dot_dimension_numbers<[1], [1], [0], [0], [0, 0, 1, 0], [], []>, transpose_lhs_hint = false} : vector<1x128xf32>, vector<128x128xf32>, vector<1x128xf32> -> vector<1x128xf32>
    %broadcast_in_dim3A_182 = vector.shape_cast %dot_general3A_181 : vector<1x128xf32> to vector<1x128xf32>
    %broadcast_in_dim3A_183 = vector.broadcast %broadcast_in_dim3A_182 : vector<1x128xf32> to vector<128x128xf32>
    %lt3A_184 = arith.constant 0 : i32
    %lt3A_185 = vector.broadcast %lt3A_184 : i32 to vector<128x128xi32>
    %lt3A_186 = arith.cmpi slt, %and3A_25, %lt3A_185 : vector<128x128xi32>
    %add3A_187 = arith.constant 128 : i32
    %add3A_188 = vector.broadcast %add3A_187 : i32 to vector<128x128xi32>
    %add3A_189 = arith.addi %and3A_25, %add3A_188 : vector<128x128xi32>
    %select_n3A_190 = arith.select %lt3A_186, %add3A_189, %and3A_25 : vector<128x128xi1>, vector<128x128xi32>
    %reshape3A_191 = vector.shape_cast %select_n3A_190 : vector<128x128xi32> to vector<128x128x1xi32>
    %gather3A_192 = vector.shape_cast %reshape3A_191 : vector<128x128x1xi32> to vector<128x128xi32>
    %gather3A_193 = tpu.dynamic_gather %broadcast_in_dim3A_183[%gather3A_192] in [1] : vector<128x128xf32>, vector<128x128xi32> -> vector<128x128xf32>
    %jit3A_194 = arith.constant 0.000000e+00 : f32
    %broadcast_in_dim3A_195 = vector.broadcast %jit3A_194 : f32 to vector<128x128xf32>
    %select_n3A_196 = arith.select %eq3A_178, %gather3A_193, %broadcast_in_dim3A_195 : vector<128x128xi1>, vector<128x128xf32>
    %add3A_197 = arith.addf %add3A_124, %select_n3A_196 : vector<128x128xf32>
    %slice3A_198 = vector.extract_strided_slice %get3A_30 {offsets = [2, 0], sizes = [1, 128], strides = [1, 1]} : vector<24x128xf32> to vector<1x128xf32>
    %broadcast_in_dim3A_199 = vector.shape_cast %slice3A_198 : vector<1x128xf32> to vector<1x128xf32>
    %broadcast_in_dim3A_200 = vector.broadcast %broadcast_in_dim3A_199 : vector<1x128xf32> to vector<128x128xf32>
    %lt3A_201 = arith.constant 0 : i32
    %lt3A_202 = vector.broadcast %lt3A_201 : i32 to vector<128x128xi32>
    %lt3A_203 = arith.cmpi slt, %and3A_25, %lt3A_202 : vector<128x128xi32>
    %add3A_204 = arith.constant 128 : i32
    %add3A_205 = vector.broadcast %add3A_204 : i32 to vector<128x128xi32>
    %add3A_206 = arith.addi %and3A_25, %add3A_205 : vector<128x128xi32>
    %select_n3A_207 = arith.select %lt3A_203, %add3A_206, %and3A_25 : vector<128x128xi1>, vector<128x128xi32>
    %reshape3A_208 = vector.shape_cast %select_n3A_207 : vector<128x128xi32> to vector<128x128x1xi32>
    %gather3A_209 = vector.shape_cast %reshape3A_208 : vector<128x128x1xi32> to vector<128x128xi32>
    %gather3A_210 = tpu.dynamic_gather %broadcast_in_dim3A_200[%gather3A_209] in [1] : vector<128x128xf32>, vector<128x128xi32> -> vector<128x128xf32>
    %jit3A_211 = arith.constant 0.000000e+00 : f32
    %broadcast_in_dim3A_212 = vector.broadcast %jit3A_211 : f32 to vector<128x128xf32>
    %select_n3A_213 = arith.select %eq3A_178, %gather3A_210, %broadcast_in_dim3A_212 : vector<128x128xi1>, vector<128x128xf32>
    %add3A_214 = arith.addf %add3A_141, %select_n3A_213 : vector<128x128xf32>
    %slice3A_215 = vector.extract_strided_slice %get3A_30 {offsets = [10, 0], sizes = [1, 128], strides = [1, 1]} : vector<24x128xf32> to vector<1x128xf32>
    %broadcast_in_dim3A_216 = vector.shape_cast %slice3A_215 : vector<1x128xf32> to vector<1x128xf32>
    %broadcast_in_dim3A_217 = vector.broadcast %broadcast_in_dim3A_216 : vector<1x128xf32> to vector<128x128xf32>
    %lt3A_218 = arith.constant 0 : i32
    %lt3A_219 = vector.broadcast %lt3A_218 : i32 to vector<128x128xi32>
    %lt3A_220 = arith.cmpi slt, %and3A_25, %lt3A_219 : vector<128x128xi32>
    %add3A_221 = arith.constant 128 : i32
    %add3A_222 = vector.broadcast %add3A_221 : i32 to vector<128x128xi32>
    %add3A_223 = arith.addi %and3A_25, %add3A_222 : vector<128x128xi32>
    %select_n3A_224 = arith.select %lt3A_220, %add3A_223, %and3A_25 : vector<128x128xi1>, vector<128x128xi32>
    %reshape3A_225 = vector.shape_cast %select_n3A_224 : vector<128x128xi32> to vector<128x128x1xi32>
    %gather3A_226 = vector.shape_cast %reshape3A_225 : vector<128x128x1xi32> to vector<128x128xi32>
    %gather3A_227 = tpu.dynamic_gather %broadcast_in_dim3A_217[%gather3A_226] in [1] : vector<128x128xf32>, vector<128x128xi32> -> vector<128x128xf32>
    %jit3A_228 = arith.constant 0.000000e+00 : f32
    %broadcast_in_dim3A_229 = vector.broadcast %jit3A_228 : f32 to vector<128x128xf32>
    %select_n3A_230 = arith.select %eq3A_178, %gather3A_227, %broadcast_in_dim3A_229 : vector<128x128xi1>, vector<128x128xf32>
    %add3A_231 = arith.addf %add3A_158, %select_n3A_230 : vector<128x128xf32>
    %slice3A_232 = vector.extract_strided_slice %get3A_30 {offsets = [18, 0], sizes = [1, 128], strides = [1, 1]} : vector<24x128xf32> to vector<1x128xf32>
    %broadcast_in_dim3A_233 = vector.shape_cast %slice3A_232 : vector<1x128xf32> to vector<1x128xf32>
    %broadcast_in_dim3A_234 = vector.broadcast %broadcast_in_dim3A_233 : vector<1x128xf32> to vector<128x128xf32>
    %lt3A_235 = arith.constant 0 : i32
    %lt3A_236 = vector.broadcast %lt3A_235 : i32 to vector<128x128xi32>
    %lt3A_237 = arith.cmpi slt, %and3A_25, %lt3A_236 : vector<128x128xi32>
    %add3A_238 = arith.constant 128 : i32
    %add3A_239 = vector.broadcast %add3A_238 : i32 to vector<128x128xi32>
    %add3A_240 = arith.addi %and3A_25, %add3A_239 : vector<128x128xi32>
    %select_n3A_241 = arith.select %lt3A_237, %add3A_240, %and3A_25 : vector<128x128xi1>, vector<128x128xi32>
    %reshape3A_242 = vector.shape_cast %select_n3A_241 : vector<128x128xi32> to vector<128x128x1xi32>
    %gather3A_243 = vector.shape_cast %reshape3A_242 : vector<128x128x1xi32> to vector<128x128xi32>
    %gather3A_244 = tpu.dynamic_gather %broadcast_in_dim3A_234[%gather3A_243] in [1] : vector<128x128xf32>, vector<128x128xi32> -> vector<128x128xf32>
    %jit3A_245 = arith.constant 0.000000e+00 : f32
    %broadcast_in_dim3A_246 = vector.broadcast %jit3A_245 : f32 to vector<128x128xf32>
    %select_n3A_247 = arith.select %eq3A_178, %gather3A_244, %broadcast_in_dim3A_246 : vector<128x128xi1>, vector<128x128xf32>
    %add3A_248 = arith.addf %add3A_175, %select_n3A_247 : vector<128x128xf32>
    %eq3A_249 = arith.constant 3 : i32
    %eq3A_250 = vector.broadcast %eq3A_249 : i32 to vector<128x128xi32>
    %eq3A_251 = arith.cmpi eq, %shift_right_arithmetic3A_23, %eq3A_250 : vector<128x128xi32>
    %slice3A_252 = vector.extract_strided_slice %get3A_3 {offsets = [384, 0], sizes = [128, 128], strides = [1, 1]} : vector<1024x128xf32> to vector<128x128xf32>
    %dot_general3A_253 = arith.constant dense<0.000000e+00> : vector<1x128xf32>
    %dot_general3A_254 = tpu.matmul %get3A_10, %slice3A_252, %dot_general3A_253 {dimension_numbers = #tpu.dot_dimension_numbers<[1], [1], [0], [0], [0, 0, 1, 0], [], []>, transpose_lhs_hint = false} : vector<1x128xf32>, vector<128x128xf32>, vector<1x128xf32> -> vector<1x128xf32>
    %broadcast_in_dim3A_255 = vector.shape_cast %dot_general3A_254 : vector<1x128xf32> to vector<1x128xf32>
    %broadcast_in_dim3A_256 = vector.broadcast %broadcast_in_dim3A_255 : vector<1x128xf32> to vector<128x128xf32>
    %lt3A_257 = arith.constant 0 : i32
    %lt3A_258 = vector.broadcast %lt3A_257 : i32 to vector<128x128xi32>
    %lt3A_259 = arith.cmpi slt, %and3A_25, %lt3A_258 : vector<128x128xi32>
    %add3A_260 = arith.constant 128 : i32
    %add3A_261 = vector.broadcast %add3A_260 : i32 to vector<128x128xi32>
    %add3A_262 = arith.addi %and3A_25, %add3A_261 : vector<128x128xi32>
    %select_n3A_263 = arith.select %lt3A_259, %add3A_262, %and3A_25 : vector<128x128xi1>, vector<128x128xi32>
    %reshape3A_264 = vector.shape_cast %select_n3A_263 : vector<128x128xi32> to vector<128x128x1xi32>
    %gather3A_265 = vector.shape_cast %reshape3A_264 : vector<128x128x1xi32> to vector<128x128xi32>
    %gather3A_266 = tpu.dynamic_gather %broadcast_in_dim3A_256[%gather3A_265] in [1] : vector<128x128xf32>, vector<128x128xi32> -> vector<128x128xf32>
    %jit3A_267 = arith.constant 0.000000e+00 : f32
    %broadcast_in_dim3A_268 = vector.broadcast %jit3A_267 : f32 to vector<128x128xf32>
    %select_n3A_269 = arith.select %eq3A_251, %gather3A_266, %broadcast_in_dim3A_268 : vector<128x128xi1>, vector<128x128xf32>
    %add3A_270 = arith.addf %add3A_197, %select_n3A_269 : vector<128x128xf32>
    %slice3A_271 = vector.extract_strided_slice %get3A_30 {offsets = [3, 0], sizes = [1, 128], strides = [1, 1]} : vector<24x128xf32> to vector<1x128xf32>
    %broadcast_in_dim3A_272 = vector.shape_cast %slice3A_271 : vector<1x128xf32> to vector<1x128xf32>
    %broadcast_in_dim3A_273 = vector.broadcast %broadcast_in_dim3A_272 : vector<1x128xf32> to vector<128x128xf32>
    %lt3A_274 = arith.constant 0 : i32
    %lt3A_275 = vector.broadcast %lt3A_274 : i32 to vector<128x128xi32>
    %lt3A_276 = arith.cmpi slt, %and3A_25, %lt3A_275 : vector<128x128xi32>
    %add3A_277 = arith.constant 128 : i32
    %add3A_278 = vector.broadcast %add3A_277 : i32 to vector<128x128xi32>
    %add3A_279 = arith.addi %and3A_25, %add3A_278 : vector<128x128xi32>
    %select_n3A_280 = arith.select %lt3A_276, %add3A_279, %and3A_25 : vector<128x128xi1>, vector<128x128xi32>
    %reshape3A_281 = vector.shape_cast %select_n3A_280 : vector<128x128xi32> to vector<128x128x1xi32>
    %gather3A_282 = vector.shape_cast %reshape3A_281 : vector<128x128x1xi32> to vector<128x128xi32>
    %gather3A_283 = tpu.dynamic_gather %broadcast_in_dim3A_273[%gather3A_282] in [1] : vector<128x128xf32>, vector<128x128xi32> -> vector<128x128xf32>
    %jit3A_284 = arith.constant 0.000000e+00 : f32
    %broadcast_in_dim3A_285 = vector.broadcast %jit3A_284 : f32 to vector<128x128xf32>
    %select_n3A_286 = arith.select %eq3A_251, %gather3A_283, %broadcast_in_dim3A_285 : vector<128x128xi1>, vector<128x128xf32>
    %add3A_287 = arith.addf %add3A_214, %select_n3A_286 : vector<128x128xf32>
    %slice3A_288 = vector.extract_strided_slice %get3A_30 {offsets = [11, 0], sizes = [1, 128], strides = [1, 1]} : vector<24x128xf32> to vector<1x128xf32>
    %broadcast_in_dim3A_289 = vector.shape_cast %slice3A_288 : vector<1x128xf32> to vector<1x128xf32>
    %broadcast_in_dim3A_290 = vector.broadcast %broadcast_in_dim3A_289 : vector<1x128xf32> to vector<128x128xf32>
    %lt3A_291 = arith.constant 0 : i32
    %lt3A_292 = vector.broadcast %lt3A_291 : i32 to vector<128x128xi32>
    %lt3A_293 = arith.cmpi slt, %and3A_25, %lt3A_292 : vector<128x128xi32>
    %add3A_294 = arith.constant 128 : i32
    %add3A_295 = vector.broadcast %add3A_294 : i32 to vector<128x128xi32>
    %add3A_296 = arith.addi %and3A_25, %add3A_295 : vector<128x128xi32>
    %select_n3A_297 = arith.select %lt3A_293, %add3A_296, %and3A_25 : vector<128x128xi1>, vector<128x128xi32>
    %reshape3A_298 = vector.shape_cast %select_n3A_297 : vector<128x128xi32> to vector<128x128x1xi32>
    %gather3A_299 = vector.shape_cast %reshape3A_298 : vector<128x128x1xi32> to vector<128x128xi32>
    %gather3A_300 = tpu.dynamic_gather %broadcast_in_dim3A_290[%gather3A_299] in [1] : vector<128x128xf32>, vector<128x128xi32> -> vector<128x128xf32>
    %jit3A_301 = arith.constant 0.000000e+00 : f32
    %broadcast_in_dim3A_302 = vector.broadcast %jit3A_301 : f32 to vector<128x128xf32>
    %select_n3A_303 = arith.select %eq3A_251, %gather3A_300, %broadcast_in_dim3A_302 : vector<128x128xi1>, vector<128x128xf32>
    %add3A_304 = arith.addf %add3A_231, %select_n3A_303 : vector<128x128xf32>
    %slice3A_305 = vector.extract_strided_slice %get3A_30 {offsets = [19, 0], sizes = [1, 128], strides = [1, 1]} : vector<24x128xf32> to vector<1x128xf32>
    %broadcast_in_dim3A_306 = vector.shape_cast %slice3A_305 : vector<1x128xf32> to vector<1x128xf32>
    %broadcast_in_dim3A_307 = vector.broadcast %broadcast_in_dim3A_306 : vector<1x128xf32> to vector<128x128xf32>
    %lt3A_308 = arith.constant 0 : i32
    %lt3A_309 = vector.broadcast %lt3A_308 : i32 to vector<128x128xi32>
    %lt3A_310 = arith.cmpi slt, %and3A_25, %lt3A_309 : vector<128x128xi32>
    %add3A_311 = arith.constant 128 : i32
    %add3A_312 = vector.broadcast %add3A_311 : i32 to vector<128x128xi32>
    %add3A_313 = arith.addi %and3A_25, %add3A_312 : vector<128x128xi32>
    %select_n3A_314 = arith.select %lt3A_310, %add3A_313, %and3A_25 : vector<128x128xi1>, vector<128x128xi32>
    %reshape3A_315 = vector.shape_cast %select_n3A_314 : vector<128x128xi32> to vector<128x128x1xi32>
    %gather3A_316 = vector.shape_cast %reshape3A_315 : vector<128x128x1xi32> to vector<128x128xi32>
    %gather3A_317 = tpu.dynamic_gather %broadcast_in_dim3A_307[%gather3A_316] in [1] : vector<128x128xf32>, vector<128x128xi32> -> vector<128x128xf32>
    %jit3A_318 = arith.constant 0.000000e+00 : f32
    %broadcast_in_dim3A_319 = vector.broadcast %jit3A_318 : f32 to vector<128x128xf32>
    %select_n3A_320 = arith.select %eq3A_251, %gather3A_317, %broadcast_in_dim3A_319 : vector<128x128xi1>, vector<128x128xf32>
    %add3A_321 = arith.addf %add3A_248, %select_n3A_320 : vector<128x128xf32>
    %eq3A_322 = arith.constant 4 : i32
    %eq3A_323 = vector.broadcast %eq3A_322 : i32 to vector<128x128xi32>
    %eq3A_324 = arith.cmpi eq, %shift_right_arithmetic3A_23, %eq3A_323 : vector<128x128xi32>
    %slice3A_325 = vector.extract_strided_slice %get3A_3 {offsets = [512, 0], sizes = [128, 128], strides = [1, 1]} : vector<1024x128xf32> to vector<128x128xf32>
    %dot_general3A_326 = arith.constant dense<0.000000e+00> : vector<1x128xf32>
    %dot_general3A_327 = tpu.matmul %get3A_10, %slice3A_325, %dot_general3A_326 {dimension_numbers = #tpu.dot_dimension_numbers<[1], [1], [0], [0], [0, 0, 1, 0], [], []>, transpose_lhs_hint = false} : vector<1x128xf32>, vector<128x128xf32>, vector<1x128xf32> -> vector<1x128xf32>
    %broadcast_in_dim3A_328 = vector.shape_cast %dot_general3A_327 : vector<1x128xf32> to vector<1x128xf32>
    %broadcast_in_dim3A_329 = vector.broadcast %broadcast_in_dim3A_328 : vector<1x128xf32> to vector<128x128xf32>
    %lt3A_330 = arith.constant 0 : i32
    %lt3A_331 = vector.broadcast %lt3A_330 : i32 to vector<128x128xi32>
    %lt3A_332 = arith.cmpi slt, %and3A_25, %lt3A_331 : vector<128x128xi32>
    %add3A_333 = arith.constant 128 : i32
    %add3A_334 = vector.broadcast %add3A_333 : i32 to vector<128x128xi32>
    %add3A_335 = arith.addi %and3A_25, %add3A_334 : vector<128x128xi32>
    %select_n3A_336 = arith.select %lt3A_332, %add3A_335, %and3A_25 : vector<128x128xi1>, vector<128x128xi32>
    %reshape3A_337 = vector.shape_cast %select_n3A_336 : vector<128x128xi32> to vector<128x128x1xi32>
    %gather3A_338 = vector.shape_cast %reshape3A_337 : vector<128x128x1xi32> to vector<128x128xi32>
    %gather3A_339 = tpu.dynamic_gather %broadcast_in_dim3A_329[%gather3A_338] in [1] : vector<128x128xf32>, vector<128x128xi32> -> vector<128x128xf32>
    %jit3A_340 = arith.constant 0.000000e+00 : f32
    %broadcast_in_dim3A_341 = vector.broadcast %jit3A_340 : f32 to vector<128x128xf32>
    %select_n3A_342 = arith.select %eq3A_324, %gather3A_339, %broadcast_in_dim3A_341 : vector<128x128xi1>, vector<128x128xf32>
    %add3A_343 = arith.addf %add3A_270, %select_n3A_342 : vector<128x128xf32>
    %slice3A_344 = vector.extract_strided_slice %get3A_30 {offsets = [4, 0], sizes = [1, 128], strides = [1, 1]} : vector<24x128xf32> to vector<1x128xf32>
    %broadcast_in_dim3A_345 = vector.shape_cast %slice3A_344 : vector<1x128xf32> to vector<1x128xf32>
    %broadcast_in_dim3A_346 = vector.broadcast %broadcast_in_dim3A_345 : vector<1x128xf32> to vector<128x128xf32>
    %lt3A_347 = arith.constant 0 : i32
    %lt3A_348 = vector.broadcast %lt3A_347 : i32 to vector<128x128xi32>
    %lt3A_349 = arith.cmpi slt, %and3A_25, %lt3A_348 : vector<128x128xi32>
    %add3A_350 = arith.constant 128 : i32
    %add3A_351 = vector.broadcast %add3A_350 : i32 to vector<128x128xi32>
    %add3A_352 = arith.addi %and3A_25, %add3A_351 : vector<128x128xi32>
    %select_n3A_353 = arith.select %lt3A_349, %add3A_352, %and3A_25 : vector<128x128xi1>, vector<128x128xi32>
    %reshape3A_354 = vector.shape_cast %select_n3A_353 : vector<128x128xi32> to vector<128x128x1xi32>
    %gather3A_355 = vector.shape_cast %reshape3A_354 : vector<128x128x1xi32> to vector<128x128xi32>
    %gather3A_356 = tpu.dynamic_gather %broadcast_in_dim3A_346[%gather3A_355] in [1] : vector<128x128xf32>, vector<128x128xi32> -> vector<128x128xf32>
    %jit3A_357 = arith.constant 0.000000e+00 : f32
    %broadcast_in_dim3A_358 = vector.broadcast %jit3A_357 : f32 to vector<128x128xf32>
    %select_n3A_359 = arith.select %eq3A_324, %gather3A_356, %broadcast_in_dim3A_358 : vector<128x128xi1>, vector<128x128xf32>
    %add3A_360 = arith.addf %add3A_287, %select_n3A_359 : vector<128x128xf32>
    %slice3A_361 = vector.extract_strided_slice %get3A_30 {offsets = [12, 0], sizes = [1, 128], strides = [1, 1]} : vector<24x128xf32> to vector<1x128xf32>
    %broadcast_in_dim3A_362 = vector.shape_cast %slice3A_361 : vector<1x128xf32> to vector<1x128xf32>
    %broadcast_in_dim3A_363 = vector.broadcast %broadcast_in_dim3A_362 : vector<1x128xf32> to vector<128x128xf32>
    %lt3A_364 = arith.constant 0 : i32
    %lt3A_365 = vector.broadcast %lt3A_364 : i32 to vector<128x128xi32>
    %lt3A_366 = arith.cmpi slt, %and3A_25, %lt3A_365 : vector<128x128xi32>
    %add3A_367 = arith.constant 128 : i32
    %add3A_368 = vector.broadcast %add3A_367 : i32 to vector<128x128xi32>
    %add3A_369 = arith.addi %and3A_25, %add3A_368 : vector<128x128xi32>
    %select_n3A_370 = arith.select %lt3A_366, %add3A_369, %and3A_25 : vector<128x128xi1>, vector<128x128xi32>
    %reshape3A_371 = vector.shape_cast %select_n3A_370 : vector<128x128xi32> to vector<128x128x1xi32>
    %gather3A_372 = vector.shape_cast %reshape3A_371 : vector<128x128x1xi32> to vector<128x128xi32>
    %gather3A_373 = tpu.dynamic_gather %broadcast_in_dim3A_363[%gather3A_372] in [1] : vector<128x128xf32>, vector<128x128xi32> -> vector<128x128xf32>
    %jit3A_374 = arith.constant 0.000000e+00 : f32
    %broadcast_in_dim3A_375 = vector.broadcast %jit3A_374 : f32 to vector<128x128xf32>
    %select_n3A_376 = arith.select %eq3A_324, %gather3A_373, %broadcast_in_dim3A_375 : vector<128x128xi1>, vector<128x128xf32>
    %add3A_377 = arith.addf %add3A_304, %select_n3A_376 : vector<128x128xf32>
    %slice3A_378 = vector.extract_strided_slice %get3A_30 {offsets = [20, 0], sizes = [1, 128], strides = [1, 1]} : vector<24x128xf32> to vector<1x128xf32>
    %broadcast_in_dim3A_379 = vector.shape_cast %slice3A_378 : vector<1x128xf32> to vector<1x128xf32>
    %broadcast_in_dim3A_380 = vector.broadcast %broadcast_in_dim3A_379 : vector<1x128xf32> to vector<128x128xf32>
    %lt3A_381 = arith.constant 0 : i32
    %lt3A_382 = vector.broadcast %lt3A_381 : i32 to vector<128x128xi32>
    %lt3A_383 = arith.cmpi slt, %and3A_25, %lt3A_382 : vector<128x128xi32>
    %add3A_384 = arith.constant 128 : i32
    %add3A_385 = vector.broadcast %add3A_384 : i32 to vector<128x128xi32>
    %add3A_386 = arith.addi %and3A_25, %add3A_385 : vector<128x128xi32>
    %select_n3A_387 = arith.select %lt3A_383, %add3A_386, %and3A_25 : vector<128x128xi1>, vector<128x128xi32>
    %reshape3A_388 = vector.shape_cast %select_n3A_387 : vector<128x128xi32> to vector<128x128x1xi32>
    %gather3A_389 = vector.shape_cast %reshape3A_388 : vector<128x128x1xi32> to vector<128x128xi32>
    %gather3A_390 = tpu.dynamic_gather %broadcast_in_dim3A_380[%gather3A_389] in [1] : vector<128x128xf32>, vector<128x128xi32> -> vector<128x128xf32>
    %jit3A_391 = arith.constant 0.000000e+00 : f32
    %broadcast_in_dim3A_392 = vector.broadcast %jit3A_391 : f32 to vector<128x128xf32>
    %select_n3A_393 = arith.select %eq3A_324, %gather3A_390, %broadcast_in_dim3A_392 : vector<128x128xi1>, vector<128x128xf32>
    %add3A_394 = arith.addf %add3A_321, %select_n3A_393 : vector<128x128xf32>
    %eq3A_395 = arith.constant 5 : i32
    %eq3A_396 = vector.broadcast %eq3A_395 : i32 to vector<128x128xi32>
    %eq3A_397 = arith.cmpi eq, %shift_right_arithmetic3A_23, %eq3A_396 : vector<128x128xi32>
    %slice3A_398 = vector.extract_strided_slice %get3A_3 {offsets = [640, 0], sizes = [128, 128], strides = [1, 1]} : vector<1024x128xf32> to vector<128x128xf32>
    %dot_general3A_399 = arith.constant dense<0.000000e+00> : vector<1x128xf32>
    %dot_general3A_400 = tpu.matmul %get3A_10, %slice3A_398, %dot_general3A_399 {dimension_numbers = #tpu.dot_dimension_numbers<[1], [1], [0], [0], [0, 0, 1, 0], [], []>, transpose_lhs_hint = false} : vector<1x128xf32>, vector<128x128xf32>, vector<1x128xf32> -> vector<1x128xf32>
    %broadcast_in_dim3A_401 = vector.shape_cast %dot_general3A_400 : vector<1x128xf32> to vector<1x128xf32>
    %broadcast_in_dim3A_402 = vector.broadcast %broadcast_in_dim3A_401 : vector<1x128xf32> to vector<128x128xf32>
    %lt3A_403 = arith.constant 0 : i32
    %lt3A_404 = vector.broadcast %lt3A_403 : i32 to vector<128x128xi32>
    %lt3A_405 = arith.cmpi slt, %and3A_25, %lt3A_404 : vector<128x128xi32>
    %add3A_406 = arith.constant 128 : i32
    %add3A_407 = vector.broadcast %add3A_406 : i32 to vector<128x128xi32>
    %add3A_408 = arith.addi %and3A_25, %add3A_407 : vector<128x128xi32>
    %select_n3A_409 = arith.select %lt3A_405, %add3A_408, %and3A_25 : vector<128x128xi1>, vector<128x128xi32>
    %reshape3A_410 = vector.shape_cast %select_n3A_409 : vector<128x128xi32> to vector<128x128x1xi32>
    %gather3A_411 = vector.shape_cast %reshape3A_410 : vector<128x128x1xi32> to vector<128x128xi32>
    %gather3A_412 = tpu.dynamic_gather %broadcast_in_dim3A_402[%gather3A_411] in [1] : vector<128x128xf32>, vector<128x128xi32> -> vector<128x128xf32>
    %jit3A_413 = arith.constant 0.000000e+00 : f32
    %broadcast_in_dim3A_414 = vector.broadcast %jit3A_413 : f32 to vector<128x128xf32>
    %select_n3A_415 = arith.select %eq3A_397, %gather3A_412, %broadcast_in_dim3A_414 : vector<128x128xi1>, vector<128x128xf32>
    %add3A_416 = arith.addf %add3A_343, %select_n3A_415 : vector<128x128xf32>
    %slice3A_417 = vector.extract_strided_slice %get3A_30 {offsets = [5, 0], sizes = [1, 128], strides = [1, 1]} : vector<24x128xf32> to vector<1x128xf32>
    %broadcast_in_dim3A_418 = vector.shape_cast %slice3A_417 : vector<1x128xf32> to vector<1x128xf32>
    %broadcast_in_dim3A_419 = vector.broadcast %broadcast_in_dim3A_418 : vector<1x128xf32> to vector<128x128xf32>
    %lt3A_420 = arith.constant 0 : i32
    %lt3A_421 = vector.broadcast %lt3A_420 : i32 to vector<128x128xi32>
    %lt3A_422 = arith.cmpi slt, %and3A_25, %lt3A_421 : vector<128x128xi32>
    %add3A_423 = arith.constant 128 : i32
    %add3A_424 = vector.broadcast %add3A_423 : i32 to vector<128x128xi32>
    %add3A_425 = arith.addi %and3A_25, %add3A_424 : vector<128x128xi32>
    %select_n3A_426 = arith.select %lt3A_422, %add3A_425, %and3A_25 : vector<128x128xi1>, vector<128x128xi32>
    %reshape3A_427 = vector.shape_cast %select_n3A_426 : vector<128x128xi32> to vector<128x128x1xi32>
    %gather3A_428 = vector.shape_cast %reshape3A_427 : vector<128x128x1xi32> to vector<128x128xi32>
    %gather3A_429 = tpu.dynamic_gather %broadcast_in_dim3A_419[%gather3A_428] in [1] : vector<128x128xf32>, vector<128x128xi32> -> vector<128x128xf32>
    %jit3A_430 = arith.constant 0.000000e+00 : f32
    %broadcast_in_dim3A_431 = vector.broadcast %jit3A_430 : f32 to vector<128x128xf32>
    %select_n3A_432 = arith.select %eq3A_397, %gather3A_429, %broadcast_in_dim3A_431 : vector<128x128xi1>, vector<128x128xf32>
    %add3A_433 = arith.addf %add3A_360, %select_n3A_432 : vector<128x128xf32>
    %slice3A_434 = vector.extract_strided_slice %get3A_30 {offsets = [13, 0], sizes = [1, 128], strides = [1, 1]} : vector<24x128xf32> to vector<1x128xf32>
    %broadcast_in_dim3A_435 = vector.shape_cast %slice3A_434 : vector<1x128xf32> to vector<1x128xf32>
    %broadcast_in_dim3A_436 = vector.broadcast %broadcast_in_dim3A_435 : vector<1x128xf32> to vector<128x128xf32>
    %lt3A_437 = arith.constant 0 : i32
    %lt3A_438 = vector.broadcast %lt3A_437 : i32 to vector<128x128xi32>
    %lt3A_439 = arith.cmpi slt, %and3A_25, %lt3A_438 : vector<128x128xi32>
    %add3A_440 = arith.constant 128 : i32
    %add3A_441 = vector.broadcast %add3A_440 : i32 to vector<128x128xi32>
    %add3A_442 = arith.addi %and3A_25, %add3A_441 : vector<128x128xi32>
    %select_n3A_443 = arith.select %lt3A_439, %add3A_442, %and3A_25 : vector<128x128xi1>, vector<128x128xi32>
    %reshape3A_444 = vector.shape_cast %select_n3A_443 : vector<128x128xi32> to vector<128x128x1xi32>
    %gather3A_445 = vector.shape_cast %reshape3A_444 : vector<128x128x1xi32> to vector<128x128xi32>
    %gather3A_446 = tpu.dynamic_gather %broadcast_in_dim3A_436[%gather3A_445] in [1] : vector<128x128xf32>, vector<128x128xi32> -> vector<128x128xf32>
    %jit3A_447 = arith.constant 0.000000e+00 : f32
    %broadcast_in_dim3A_448 = vector.broadcast %jit3A_447 : f32 to vector<128x128xf32>
    %select_n3A_449 = arith.select %eq3A_397, %gather3A_446, %broadcast_in_dim3A_448 : vector<128x128xi1>, vector<128x128xf32>
    %add3A_450 = arith.addf %add3A_377, %select_n3A_449 : vector<128x128xf32>
    %slice3A_451 = vector.extract_strided_slice %get3A_30 {offsets = [21, 0], sizes = [1, 128], strides = [1, 1]} : vector<24x128xf32> to vector<1x128xf32>
    %broadcast_in_dim3A_452 = vector.shape_cast %slice3A_451 : vector<1x128xf32> to vector<1x128xf32>
    %broadcast_in_dim3A_453 = vector.broadcast %broadcast_in_dim3A_452 : vector<1x128xf32> to vector<128x128xf32>
    %lt3A_454 = arith.constant 0 : i32
    %lt3A_455 = vector.broadcast %lt3A_454 : i32 to vector<128x128xi32>
    %lt3A_456 = arith.cmpi slt, %and3A_25, %lt3A_455 : vector<128x128xi32>
    %add3A_457 = arith.constant 128 : i32
    %add3A_458 = vector.broadcast %add3A_457 : i32 to vector<128x128xi32>
    %add3A_459 = arith.addi %and3A_25, %add3A_458 : vector<128x128xi32>
    %select_n3A_460 = arith.select %lt3A_456, %add3A_459, %and3A_25 : vector<128x128xi1>, vector<128x128xi32>
    %reshape3A_461 = vector.shape_cast %select_n3A_460 : vector<128x128xi32> to vector<128x128x1xi32>
    %gather3A_462 = vector.shape_cast %reshape3A_461 : vector<128x128x1xi32> to vector<128x128xi32>
    %gather3A_463 = tpu.dynamic_gather %broadcast_in_dim3A_453[%gather3A_462] in [1] : vector<128x128xf32>, vector<128x128xi32> -> vector<128x128xf32>
    %jit3A_464 = arith.constant 0.000000e+00 : f32
    %broadcast_in_dim3A_465 = vector.broadcast %jit3A_464 : f32 to vector<128x128xf32>
    %select_n3A_466 = arith.select %eq3A_397, %gather3A_463, %broadcast_in_dim3A_465 : vector<128x128xi1>, vector<128x128xf32>
    %add3A_467 = arith.addf %add3A_394, %select_n3A_466 : vector<128x128xf32>
    %eq3A_468 = arith.constant 6 : i32
    %eq3A_469 = vector.broadcast %eq3A_468 : i32 to vector<128x128xi32>
    %eq3A_470 = arith.cmpi eq, %shift_right_arithmetic3A_23, %eq3A_469 : vector<128x128xi32>
    %slice3A_471 = vector.extract_strided_slice %get3A_3 {offsets = [768, 0], sizes = [128, 128], strides = [1, 1]} : vector<1024x128xf32> to vector<128x128xf32>
    %dot_general3A_472 = arith.constant dense<0.000000e+00> : vector<1x128xf32>
    %dot_general3A_473 = tpu.matmul %get3A_10, %slice3A_471, %dot_general3A_472 {dimension_numbers = #tpu.dot_dimension_numbers<[1], [1], [0], [0], [0, 0, 1, 0], [], []>, transpose_lhs_hint = false} : vector<1x128xf32>, vector<128x128xf32>, vector<1x128xf32> -> vector<1x128xf32>
    %broadcast_in_dim3A_474 = vector.shape_cast %dot_general3A_473 : vector<1x128xf32> to vector<1x128xf32>
    %broadcast_in_dim3A_475 = vector.broadcast %broadcast_in_dim3A_474 : vector<1x128xf32> to vector<128x128xf32>
    %lt3A_476 = arith.constant 0 : i32
    %lt3A_477 = vector.broadcast %lt3A_476 : i32 to vector<128x128xi32>
    %lt3A_478 = arith.cmpi slt, %and3A_25, %lt3A_477 : vector<128x128xi32>
    %add3A_479 = arith.constant 128 : i32
    %add3A_480 = vector.broadcast %add3A_479 : i32 to vector<128x128xi32>
    %add3A_481 = arith.addi %and3A_25, %add3A_480 : vector<128x128xi32>
    %select_n3A_482 = arith.select %lt3A_478, %add3A_481, %and3A_25 : vector<128x128xi1>, vector<128x128xi32>
    %reshape3A_483 = vector.shape_cast %select_n3A_482 : vector<128x128xi32> to vector<128x128x1xi32>
    %gather3A_484 = vector.shape_cast %reshape3A_483 : vector<128x128x1xi32> to vector<128x128xi32>
    %gather3A_485 = tpu.dynamic_gather %broadcast_in_dim3A_475[%gather3A_484] in [1] : vector<128x128xf32>, vector<128x128xi32> -> vector<128x128xf32>
    %jit3A_486 = arith.constant 0.000000e+00 : f32
    %broadcast_in_dim3A_487 = vector.broadcast %jit3A_486 : f32 to vector<128x128xf32>
    %select_n3A_488 = arith.select %eq3A_470, %gather3A_485, %broadcast_in_dim3A_487 : vector<128x128xi1>, vector<128x128xf32>
    %add3A_489 = arith.addf %add3A_416, %select_n3A_488 : vector<128x128xf32>
    %slice3A_490 = vector.extract_strided_slice %get3A_30 {offsets = [6, 0], sizes = [1, 128], strides = [1, 1]} : vector<24x128xf32> to vector<1x128xf32>
    %broadcast_in_dim3A_491 = vector.shape_cast %slice3A_490 : vector<1x128xf32> to vector<1x128xf32>
    %broadcast_in_dim3A_492 = vector.broadcast %broadcast_in_dim3A_491 : vector<1x128xf32> to vector<128x128xf32>
    %lt3A_493 = arith.constant 0 : i32
    %lt3A_494 = vector.broadcast %lt3A_493 : i32 to vector<128x128xi32>
    %lt3A_495 = arith.cmpi slt, %and3A_25, %lt3A_494 : vector<128x128xi32>
    %add3A_496 = arith.constant 128 : i32
    %add3A_497 = vector.broadcast %add3A_496 : i32 to vector<128x128xi32>
    %add3A_498 = arith.addi %and3A_25, %add3A_497 : vector<128x128xi32>
    %select_n3A_499 = arith.select %lt3A_495, %add3A_498, %and3A_25 : vector<128x128xi1>, vector<128x128xi32>
    %reshape3A_500 = vector.shape_cast %select_n3A_499 : vector<128x128xi32> to vector<128x128x1xi32>
    %gather3A_501 = vector.shape_cast %reshape3A_500 : vector<128x128x1xi32> to vector<128x128xi32>
    %gather3A_502 = tpu.dynamic_gather %broadcast_in_dim3A_492[%gather3A_501] in [1] : vector<128x128xf32>, vector<128x128xi32> -> vector<128x128xf32>
    %jit3A_503 = arith.constant 0.000000e+00 : f32
    %broadcast_in_dim3A_504 = vector.broadcast %jit3A_503 : f32 to vector<128x128xf32>
    %select_n3A_505 = arith.select %eq3A_470, %gather3A_502, %broadcast_in_dim3A_504 : vector<128x128xi1>, vector<128x128xf32>
    %add3A_506 = arith.addf %add3A_433, %select_n3A_505 : vector<128x128xf32>
    %slice3A_507 = vector.extract_strided_slice %get3A_30 {offsets = [14, 0], sizes = [1, 128], strides = [1, 1]} : vector<24x128xf32> to vector<1x128xf32>
    %broadcast_in_dim3A_508 = vector.shape_cast %slice3A_507 : vector<1x128xf32> to vector<1x128xf32>
    %broadcast_in_dim3A_509 = vector.broadcast %broadcast_in_dim3A_508 : vector<1x128xf32> to vector<128x128xf32>
    %lt3A_510 = arith.constant 0 : i32
    %lt3A_511 = vector.broadcast %lt3A_510 : i32 to vector<128x128xi32>
    %lt3A_512 = arith.cmpi slt, %and3A_25, %lt3A_511 : vector<128x128xi32>
    %add3A_513 = arith.constant 128 : i32
    %add3A_514 = vector.broadcast %add3A_513 : i32 to vector<128x128xi32>
    %add3A_515 = arith.addi %and3A_25, %add3A_514 : vector<128x128xi32>
    %select_n3A_516 = arith.select %lt3A_512, %add3A_515, %and3A_25 : vector<128x128xi1>, vector<128x128xi32>
    %reshape3A_517 = vector.shape_cast %select_n3A_516 : vector<128x128xi32> to vector<128x128x1xi32>
    %gather3A_518 = vector.shape_cast %reshape3A_517 : vector<128x128x1xi32> to vector<128x128xi32>
    %gather3A_519 = tpu.dynamic_gather %broadcast_in_dim3A_509[%gather3A_518] in [1] : vector<128x128xf32>, vector<128x128xi32> -> vector<128x128xf32>
    %jit3A_520 = arith.constant 0.000000e+00 : f32
    %broadcast_in_dim3A_521 = vector.broadcast %jit3A_520 : f32 to vector<128x128xf32>
    %select_n3A_522 = arith.select %eq3A_470, %gather3A_519, %broadcast_in_dim3A_521 : vector<128x128xi1>, vector<128x128xf32>
    %add3A_523 = arith.addf %add3A_450, %select_n3A_522 : vector<128x128xf32>
    %slice3A_524 = vector.extract_strided_slice %get3A_30 {offsets = [22, 0], sizes = [1, 128], strides = [1, 1]} : vector<24x128xf32> to vector<1x128xf32>
    %broadcast_in_dim3A_525 = vector.shape_cast %slice3A_524 : vector<1x128xf32> to vector<1x128xf32>
    %broadcast_in_dim3A_526 = vector.broadcast %broadcast_in_dim3A_525 : vector<1x128xf32> to vector<128x128xf32>
    %lt3A_527 = arith.constant 0 : i32
    %lt3A_528 = vector.broadcast %lt3A_527 : i32 to vector<128x128xi32>
    %lt3A_529 = arith.cmpi slt, %and3A_25, %lt3A_528 : vector<128x128xi32>
    %add3A_530 = arith.constant 128 : i32
    %add3A_531 = vector.broadcast %add3A_530 : i32 to vector<128x128xi32>
    %add3A_532 = arith.addi %and3A_25, %add3A_531 : vector<128x128xi32>
    %select_n3A_533 = arith.select %lt3A_529, %add3A_532, %and3A_25 : vector<128x128xi1>, vector<128x128xi32>
    %reshape3A_534 = vector.shape_cast %select_n3A_533 : vector<128x128xi32> to vector<128x128x1xi32>
    %gather3A_535 = vector.shape_cast %reshape3A_534 : vector<128x128x1xi32> to vector<128x128xi32>
    %gather3A_536 = tpu.dynamic_gather %broadcast_in_dim3A_526[%gather3A_535] in [1] : vector<128x128xf32>, vector<128x128xi32> -> vector<128x128xf32>
    %jit3A_537 = arith.constant 0.000000e+00 : f32
    %broadcast_in_dim3A_538 = vector.broadcast %jit3A_537 : f32 to vector<128x128xf32>
    %select_n3A_539 = arith.select %eq3A_470, %gather3A_536, %broadcast_in_dim3A_538 : vector<128x128xi1>, vector<128x128xf32>
    %add3A_540 = arith.addf %add3A_467, %select_n3A_539 : vector<128x128xf32>
    %eq3A_541 = arith.constant 7 : i32
    %eq3A_542 = vector.broadcast %eq3A_541 : i32 to vector<128x128xi32>
    %eq3A_543 = arith.cmpi eq, %shift_right_arithmetic3A_23, %eq3A_542 : vector<128x128xi32>
    %slice3A_544 = vector.extract_strided_slice %get3A_3 {offsets = [896, 0], sizes = [128, 128], strides = [1, 1]} : vector<1024x128xf32> to vector<128x128xf32>
    %dot_general3A_545 = arith.constant dense<0.000000e+00> : vector<1x128xf32>
    %dot_general3A_546 = tpu.matmul %get3A_10, %slice3A_544, %dot_general3A_545 {dimension_numbers = #tpu.dot_dimension_numbers<[1], [1], [0], [0], [0, 0, 1, 0], [], []>, transpose_lhs_hint = false} : vector<1x128xf32>, vector<128x128xf32>, vector<1x128xf32> -> vector<1x128xf32>
    %broadcast_in_dim3A_547 = vector.shape_cast %dot_general3A_546 : vector<1x128xf32> to vector<1x128xf32>
    %broadcast_in_dim3A_548 = vector.broadcast %broadcast_in_dim3A_547 : vector<1x128xf32> to vector<128x128xf32>
    %lt3A_549 = arith.constant 0 : i32
    %lt3A_550 = vector.broadcast %lt3A_549 : i32 to vector<128x128xi32>
    %lt3A_551 = arith.cmpi slt, %and3A_25, %lt3A_550 : vector<128x128xi32>
    %add3A_552 = arith.constant 128 : i32
    %add3A_553 = vector.broadcast %add3A_552 : i32 to vector<128x128xi32>
    %add3A_554 = arith.addi %and3A_25, %add3A_553 : vector<128x128xi32>
    %select_n3A_555 = arith.select %lt3A_551, %add3A_554, %and3A_25 : vector<128x128xi1>, vector<128x128xi32>
    %reshape3A_556 = vector.shape_cast %select_n3A_555 : vector<128x128xi32> to vector<128x128x1xi32>
    %gather3A_557 = vector.shape_cast %reshape3A_556 : vector<128x128x1xi32> to vector<128x128xi32>
    %gather3A_558 = tpu.dynamic_gather %broadcast_in_dim3A_548[%gather3A_557] in [1] : vector<128x128xf32>, vector<128x128xi32> -> vector<128x128xf32>
    %jit3A_559 = arith.constant 0.000000e+00 : f32
    %broadcast_in_dim3A_560 = vector.broadcast %jit3A_559 : f32 to vector<128x128xf32>
    %select_n3A_561 = arith.select %eq3A_543, %gather3A_558, %broadcast_in_dim3A_560 : vector<128x128xi1>, vector<128x128xf32>
    %add3A_562 = arith.addf %add3A_489, %select_n3A_561 : vector<128x128xf32>
    %slice3A_563 = vector.extract_strided_slice %get3A_30 {offsets = [7, 0], sizes = [1, 128], strides = [1, 1]} : vector<24x128xf32> to vector<1x128xf32>
    %broadcast_in_dim3A_564 = vector.shape_cast %slice3A_563 : vector<1x128xf32> to vector<1x128xf32>
    %broadcast_in_dim3A_565 = vector.broadcast %broadcast_in_dim3A_564 : vector<1x128xf32> to vector<128x128xf32>
    %lt3A_566 = arith.constant 0 : i32
    %lt3A_567 = vector.broadcast %lt3A_566 : i32 to vector<128x128xi32>
    %lt3A_568 = arith.cmpi slt, %and3A_25, %lt3A_567 : vector<128x128xi32>
    %add3A_569 = arith.constant 128 : i32
    %add3A_570 = vector.broadcast %add3A_569 : i32 to vector<128x128xi32>
    %add3A_571 = arith.addi %and3A_25, %add3A_570 : vector<128x128xi32>
    %select_n3A_572 = arith.select %lt3A_568, %add3A_571, %and3A_25 : vector<128x128xi1>, vector<128x128xi32>
    %reshape3A_573 = vector.shape_cast %select_n3A_572 : vector<128x128xi32> to vector<128x128x1xi32>
    %gather3A_574 = vector.shape_cast %reshape3A_573 : vector<128x128x1xi32> to vector<128x128xi32>
    %gather3A_575 = tpu.dynamic_gather %broadcast_in_dim3A_565[%gather3A_574] in [1] : vector<128x128xf32>, vector<128x128xi32> -> vector<128x128xf32>
    %jit3A_576 = arith.constant 0.000000e+00 : f32
    %broadcast_in_dim3A_577 = vector.broadcast %jit3A_576 : f32 to vector<128x128xf32>
    %select_n3A_578 = arith.select %eq3A_543, %gather3A_575, %broadcast_in_dim3A_577 : vector<128x128xi1>, vector<128x128xf32>
    %add3A_579 = arith.addf %add3A_506, %select_n3A_578 : vector<128x128xf32>
    %slice3A_580 = vector.extract_strided_slice %get3A_30 {offsets = [15, 0], sizes = [1, 128], strides = [1, 1]} : vector<24x128xf32> to vector<1x128xf32>
    %broadcast_in_dim3A_581 = vector.shape_cast %slice3A_580 : vector<1x128xf32> to vector<1x128xf32>
    %broadcast_in_dim3A_582 = vector.broadcast %broadcast_in_dim3A_581 : vector<1x128xf32> to vector<128x128xf32>
    %lt3A_583 = arith.constant 0 : i32
    %lt3A_584 = vector.broadcast %lt3A_583 : i32 to vector<128x128xi32>
    %lt3A_585 = arith.cmpi slt, %and3A_25, %lt3A_584 : vector<128x128xi32>
    %add3A_586 = arith.constant 128 : i32
    %add3A_587 = vector.broadcast %add3A_586 : i32 to vector<128x128xi32>
    %add3A_588 = arith.addi %and3A_25, %add3A_587 : vector<128x128xi32>
    %select_n3A_589 = arith.select %lt3A_585, %add3A_588, %and3A_25 : vector<128x128xi1>, vector<128x128xi32>
    %reshape3A_590 = vector.shape_cast %select_n3A_589 : vector<128x128xi32> to vector<128x128x1xi32>
    %gather3A_591 = vector.shape_cast %reshape3A_590 : vector<128x128x1xi32> to vector<128x128xi32>
    %gather3A_592 = tpu.dynamic_gather %broadcast_in_dim3A_582[%gather3A_591] in [1] : vector<128x128xf32>, vector<128x128xi32> -> vector<128x128xf32>
    %jit3A_593 = arith.constant 0.000000e+00 : f32
    %broadcast_in_dim3A_594 = vector.broadcast %jit3A_593 : f32 to vector<128x128xf32>
    %select_n3A_595 = arith.select %eq3A_543, %gather3A_592, %broadcast_in_dim3A_594 : vector<128x128xi1>, vector<128x128xf32>
    %add3A_596 = arith.addf %add3A_523, %select_n3A_595 : vector<128x128xf32>
    %slice3A_597 = vector.extract_strided_slice %get3A_30 {offsets = [23, 0], sizes = [1, 128], strides = [1, 1]} : vector<24x128xf32> to vector<1x128xf32>
    %broadcast_in_dim3A_598 = vector.shape_cast %slice3A_597 : vector<1x128xf32> to vector<1x128xf32>
    %broadcast_in_dim3A_599 = vector.broadcast %broadcast_in_dim3A_598 : vector<1x128xf32> to vector<128x128xf32>
    %lt3A_600 = arith.constant 0 : i32
    %lt3A_601 = vector.broadcast %lt3A_600 : i32 to vector<128x128xi32>
    %lt3A_602 = arith.cmpi slt, %and3A_25, %lt3A_601 : vector<128x128xi32>
    %add3A_603 = arith.constant 128 : i32
    %add3A_604 = vector.broadcast %add3A_603 : i32 to vector<128x128xi32>
    %add3A_605 = arith.addi %and3A_25, %add3A_604 : vector<128x128xi32>
    %select_n3A_606 = arith.select %lt3A_602, %add3A_605, %and3A_25 : vector<128x128xi1>, vector<128x128xi32>
    %reshape3A_607 = vector.shape_cast %select_n3A_606 : vector<128x128xi32> to vector<128x128x1xi32>
    %gather3A_608 = vector.shape_cast %reshape3A_607 : vector<128x128x1xi32> to vector<128x128xi32>
    %gather3A_609 = tpu.dynamic_gather %broadcast_in_dim3A_599[%gather3A_608] in [1] : vector<128x128xf32>, vector<128x128xi32> -> vector<128x128xf32>
    %jit3A_610 = arith.constant 0.000000e+00 : f32
    %broadcast_in_dim3A_611 = vector.broadcast %jit3A_610 : f32 to vector<128x128xf32>
    %select_n3A_612 = arith.select %eq3A_543, %gather3A_609, %broadcast_in_dim3A_611 : vector<128x128xi1>, vector<128x128xf32>
    %add3A_613 = arith.addf %add3A_540, %select_n3A_612 : vector<128x128xf32>
    %get3A_614 = arith.constant 0 : index
    %get3A_615 = arith.constant 0 : index
    %get3A_616 = arith.constant 0 : index
    %get3A_617 = vector.load %arg4[%get3A_614, %get3A_615, %get3A_616] : memref<1x128x3xf32, #tpu.memory_space<vmem>>, vector<1x128x3xf32>
    %get3A_618 = vector.shape_cast %get3A_617 : vector<1x128x3xf32> to vector<128x3xf32>
    %slice3A_619 = vector.extract_strided_slice %get3A_618 {offsets = [0, 0], sizes = [128, 1], strides = [1, 1]} : vector<128x3xf32> to vector<128x1xf32>
    %sub3A = vector.broadcast %slice3A_619 : vector<128x1xf32> to vector<128x128xf32>
    %sub3A_620 = arith.subf %sub3A, %add3A_579 : vector<128x128xf32>
    %convert_element_type3A = arith.truncf %sub3A_620 : vector<128x128xf32> to vector<128x128xbf16>
    %slice3A_621 = vector.extract_strided_slice %get3A_618 {offsets = [0, 1], sizes = [128, 1], strides = [1, 1]} : vector<128x3xf32> to vector<128x1xf32>
    %sub3A_622 = vector.broadcast %slice3A_621 : vector<128x1xf32> to vector<128x128xf32>
    %sub3A_623 = arith.subf %sub3A_622, %add3A_596 : vector<128x128xf32>
    %convert_element_type3A_624 = arith.truncf %sub3A_623 : vector<128x128xf32> to vector<128x128xbf16>
    %slice3A_625 = vector.extract_strided_slice %get3A_618 {offsets = [0, 2], sizes = [128, 1], strides = [1, 1]} : vector<128x3xf32> to vector<128x1xf32>
    %sub3A_626 = vector.broadcast %slice3A_625 : vector<128x1xf32> to vector<128x128xf32>
    %sub3A_627 = arith.subf %sub3A_626, %add3A_613 : vector<128x128xf32>
    %convert_element_type3A_628 = arith.truncf %sub3A_627 : vector<128x128xf32> to vector<128x128xbf16>
    %get3A_629 = arith.constant 0 : index
    %get3A_630 = arith.constant 0 : index
    %get3A_631 = vector.load %arg11[%get3A_629, %get3A_630] : memref<3x128xf32, #tpu.memory_space<vmem>>, vector<3x128xf32>
    %convert_element_type3A_632 = arith.truncf %get3A_631 : vector<3x128xf32> to vector<3x128xbf16>
    %get3A_633 = arith.constant 0 : index
    %get3A_634 = arith.constant 0 : index
    %get3A_635 = vector.load %arg12[%get3A_633, %get3A_634] : memref<1x128xf32, #tpu.memory_space<vmem>>, vector<1x128xf32>
    %convert_element_type3A_636 = arith.truncf %get3A_635 : vector<1x128xf32> to vector<1x128xbf16>
    %squeeze3A = vector.shape_cast %convert_element_type3A_636 : vector<1x128xbf16> to vector<128xbf16>
    %broadcast_in_dim3A_637 = vector.shape_cast %squeeze3A : vector<128xbf16> to vector<1x1x128xbf16>
    %broadcast_in_dim3A_638 = vector.shape_cast %convert_element_type3A_628 : vector<128x128xbf16> to vector<128x128x1xbf16>
    %slice3A_639 = vector.extract_strided_slice %convert_element_type3A_632 {offsets = [2, 0], sizes = [1, 128], strides = [1, 1]} : vector<3x128xbf16> to vector<1x128xbf16>
    %squeeze3A_640 = vector.shape_cast %slice3A_639 : vector<1x128xbf16> to vector<128xbf16>
    %broadcast_in_dim3A_641 = vector.shape_cast %squeeze3A_640 : vector<128xbf16> to vector<1x1x128xbf16>
    %mul3A = vector.broadcast %broadcast_in_dim3A_638 : vector<128x128x1xbf16> to vector<128x128x128xbf16>
    %mul3A_642 = vector.broadcast %broadcast_in_dim3A_641 : vector<1x1x128xbf16> to vector<128x128x128xbf16>
    %mul3A_643 = arith.mulf %mul3A, %mul3A_642 : vector<128x128x128xbf16>
    %add3A_644 = vector.broadcast %broadcast_in_dim3A_637 : vector<1x1x128xbf16> to vector<128x128x128xbf16>
    %add3A_645 = arith.addf %add3A_644, %mul3A_643 : vector<128x128x128xbf16>
    %broadcast_in_dim3A_646 = vector.shape_cast %convert_element_type3A_624 : vector<128x128xbf16> to vector<128x128x1xbf16>
    %slice3A_647 = vector.extract_strided_slice %convert_element_type3A_632 {offsets = [1, 0], sizes = [1, 128], strides = [1, 1]} : vector<3x128xbf16> to vector<1x128xbf16>
    %squeeze3A_648 = vector.shape_cast %slice3A_647 : vector<1x128xbf16> to vector<128xbf16>
    %broadcast_in_dim3A_649 = vector.shape_cast %squeeze3A_648 : vector<128xbf16> to vector<1x1x128xbf16>
    %mul3A_650 = vector.broadcast %broadcast_in_dim3A_646 : vector<128x128x1xbf16> to vector<128x128x128xbf16>
    %mul3A_651 = vector.broadcast %broadcast_in_dim3A_649 : vector<1x1x128xbf16> to vector<128x128x128xbf16>
    %mul3A_652 = arith.mulf %mul3A_650, %mul3A_651 : vector<128x128x128xbf16>
    %add3A_653 = arith.addf %add3A_645, %mul3A_652 : vector<128x128x128xbf16>
    %broadcast_in_dim3A_654 = vector.shape_cast %convert_element_type3A : vector<128x128xbf16> to vector<128x128x1xbf16>
    %slice3A_655 = vector.extract_strided_slice %convert_element_type3A_632 {offsets = [0, 0], sizes = [1, 128], strides = [1, 1]} : vector<3x128xbf16> to vector<1x128xbf16>
    %squeeze3A_656 = vector.shape_cast %slice3A_655 : vector<1x128xbf16> to vector<128xbf16>
    %broadcast_in_dim3A_657 = vector.shape_cast %squeeze3A_656 : vector<128xbf16> to vector<1x1x128xbf16>
    %mul3A_658 = vector.broadcast %broadcast_in_dim3A_654 : vector<128x128x1xbf16> to vector<128x128x128xbf16>
    %mul3A_659 = vector.broadcast %broadcast_in_dim3A_657 : vector<1x1x128xbf16> to vector<128x128x128xbf16>
    %mul3A_660 = arith.mulf %mul3A_658, %mul3A_659 : vector<128x128x128xbf16>
    %add3A_661 = arith.addf %add3A_653, %mul3A_660 : vector<128x128x128xbf16>
    %max3A = arith.constant 0.000000e+00 : bf16
    %max3A_662 = vector.broadcast %max3A : bf16 to vector<128x128x128xbf16>
    %max3A_663 = arith.maximumf %add3A_661, %max3A_662 : vector<128x128x128xbf16>
    %convert_element_type3A_664 = arith.truncf %get3A_13 : vector<1x128xf32> to vector<1x128xbf16>
    %squeeze3A_665 = vector.shape_cast %convert_element_type3A_664 : vector<1x128xbf16> to vector<128xbf16>
    %broadcast_in_dim3A_666 = vector.shape_cast %squeeze3A_665 : vector<128xbf16> to vector<1x1x128xbf16>
    %mul3A_667 = vector.broadcast %broadcast_in_dim3A_666 : vector<1x1x128xbf16> to vector<128x128x128xbf16>
    %mul3A_668 = arith.mulf %max3A_663, %mul3A_667 : vector<128x128x128xbf16>
    %convert_element_type3A_669 = arith.extf %mul3A_668 : vector<128x128x128xbf16> to vector<128x128x128xf32>
    %reduce_sum3A = arith.constant dense<0.000000e+00> : vector<128x128xf32>
    %reduce_sum3A_670 = vector.multi_reduction <add>, %convert_element_type3A_669, %reduce_sum3A [2] : vector<128x128x128xf32> to vector<128x128xf32>
    %sub3A_671 = arith.subf %reduce_sum3A_670, %add3A_562 : vector<128x128xf32>
    %reduce_max3A = arith.constant dense<0xFF800000> : vector<128xf32>
    %reduce_max3A_672 = vector.multi_reduction <maximumf>, %sub3A_671, %reduce_max3A [1] : vector<128x128xf32> to vector<128xf32>
    %broadcast_in_dim3A_673 = vector.shape_cast %reduce_max3A_672 : vector<128xf32> to vector<128x1xf32>
    %sub3A_674 = vector.broadcast %broadcast_in_dim3A_673 : vector<128x1xf32> to vector<128x128xf32>
    %sub3A_675 = arith.subf %sub3A_671, %sub3A_674 : vector<128x128xf32>
    %exp3A = math.exp %sub3A_675 : vector<128x128xf32>
    %reduce_sum3A_676 = arith.constant dense<0.000000e+00> : vector<128xf32>
    %reduce_sum3A_677 = vector.multi_reduction <add>, %exp3A, %reduce_sum3A_676 [1] : vector<128x128xf32> to vector<128xf32>
    %broadcast_in_dim3A_678 = vector.shape_cast %reduce_sum3A_677 : vector<128xf32> to vector<128x1xf32>
    %div3A = vector.broadcast %broadcast_in_dim3A_678 : vector<128x1xf32> to vector<128x128xf32>
    %div3A_679 = arith.divf %exp3A, %div3A : vector<128x128xf32>
    %convert_element_type3A_680 = arith.truncf %div3A_679 : vector<128x128xf32> to vector<128x128xbf16>
    %broadcast_in_dim3A_681 = vector.shape_cast %convert_element_type3A_680 : vector<128x128xbf16> to vector<128x128x1xbf16>
    %mul3A_682 = vector.broadcast %broadcast_in_dim3A_681 : vector<128x128x1xbf16> to vector<128x128x128xbf16>
    %mul3A_683 = arith.mulf %mul3A_682, %max3A_663 : vector<128x128x128xbf16>
    %convert_element_type3A_684 = arith.extf %mul3A_683 : vector<128x128x128xbf16> to vector<128x128x128xf32>
    %reduce_sum3A_685 = arith.constant dense<0.000000e+00> : vector<128x128xf32>
    %reduce_sum3A_686 = vector.multi_reduction <add>, %convert_element_type3A_684, %reduce_sum3A_685 [1] : vector<128x128x128xf32> to vector<128x128xf32>
    %get3A_687 = arith.constant 0 : index
    %get3A_688 = arith.constant 0 : index
    %get3A_689 = arith.constant 0 : index
    %get3A_690 = vector.load %arg7[%get3A_687, %get3A_688, %get3A_689] : memref<1x128x1024xi32, #tpu.memory_space<vmem>>, vector<1x128x1024xi32>
    %get3A_691 = vector.shape_cast %get3A_690 : vector<1x128x1024xi32> to vector<128x1024xi32>
    %broadcast_in_dim3A_692 = arith.constant 0.000000e+00 : f32
    %broadcast_in_dim3A_693 = vector.broadcast %broadcast_in_dim3A_692 : f32 to vector<128x128xf32>
    %slice3A_694 = vector.extract_strided_slice %get3A_691 {offsets = [0, 0], sizes = [128, 128], strides = [1, 1]} : vector<128x1024xi32> to vector<128x128xi32>
    %ge3A = arith.constant 0 : i32
    %ge3A_695 = vector.broadcast %ge3A : i32 to vector<128x128xi32>
    %ge3A_696 = arith.cmpi sge, %slice3A_694, %ge3A_695 : vector<128x128xi32>
    %max3A_697 = arith.constant 0 : i32
    %max3A_698 = vector.broadcast %max3A_697 : i32 to vector<128x128xi32>
    %max3A_699 = arith.maxsi %slice3A_694, %max3A_698 : vector<128x128xi32>
    %lt3A_700 = arith.constant 0 : i32
    %lt3A_701 = vector.broadcast %lt3A_700 : i32 to vector<128x128xi32>
    %lt3A_702 = arith.cmpi slt, %max3A_699, %lt3A_701 : vector<128x128xi32>
    %add3A_703 = arith.constant 128 : i32
    %add3A_704 = vector.broadcast %add3A_703 : i32 to vector<128x128xi32>
    %add3A_705 = arith.addi %max3A_699, %add3A_704 : vector<128x128xi32>
    %select_n3A_706 = arith.select %lt3A_702, %add3A_705, %max3A_699 : vector<128x128xi1>, vector<128x128xi32>
    %reshape3A_707 = vector.shape_cast %select_n3A_706 : vector<128x128xi32> to vector<128x128x1xi32>
    %gather3A_708 = vector.shape_cast %reshape3A_707 : vector<128x128x1xi32> to vector<128x128xi32>
    %gather3A_709 = tpu.dynamic_gather %div3A_679[%gather3A_708] in [1] : vector<128x128xf32>, vector<128x128xi32> -> vector<128x128xf32>
    %jit3A_710 = arith.constant 0.000000e+00 : f32
    %broadcast_in_dim3A_711 = vector.broadcast %jit3A_710 : f32 to vector<128x128xf32>
    %select_n3A_712 = arith.select %ge3A_696, %gather3A_709, %broadcast_in_dim3A_711 : vector<128x128xi1>, vector<128x128xf32>
    %slice3A_713 = vector.extract_strided_slice %dot_general3A_7 {offsets = [0, 0], sizes = [128, 128], strides = [1, 1]} : vector<1024x128xf32> to vector<128x128xf32>
    %dot_general3A_714 = arith.constant dense<0.000000e+00> : vector<128x128xf32>
    %dot_general3A_715 = tpu.matmul %select_n3A_712, %slice3A_713, %dot_general3A_714 {dimension_numbers = #tpu.dot_dimension_numbers<[1], [0], [0], [1], [0, 0, 1, 1], [], []>, transpose_lhs_hint = false} : vector<128x128xf32>, vector<128x128xf32>, vector<128x128xf32> -> vector<128x128xf32>
    %add3A_716 = arith.addf %broadcast_in_dim3A_693, %dot_general3A_715 : vector<128x128xf32>
    %slice3A_717 = vector.extract_strided_slice %get3A_691 {offsets = [0, 128], sizes = [128, 128], strides = [1, 1]} : vector<128x1024xi32> to vector<128x128xi32>
    %ge3A_718 = arith.constant 0 : i32
    %ge3A_719 = vector.broadcast %ge3A_718 : i32 to vector<128x128xi32>
    %ge3A_720 = arith.cmpi sge, %slice3A_717, %ge3A_719 : vector<128x128xi32>
    %max3A_721 = arith.constant 0 : i32
    %max3A_722 = vector.broadcast %max3A_721 : i32 to vector<128x128xi32>
    %max3A_723 = arith.maxsi %slice3A_717, %max3A_722 : vector<128x128xi32>
    %lt3A_724 = arith.constant 0 : i32
    %lt3A_725 = vector.broadcast %lt3A_724 : i32 to vector<128x128xi32>
    %lt3A_726 = arith.cmpi slt, %max3A_723, %lt3A_725 : vector<128x128xi32>
    %add3A_727 = arith.constant 128 : i32
    %add3A_728 = vector.broadcast %add3A_727 : i32 to vector<128x128xi32>
    %add3A_729 = arith.addi %max3A_723, %add3A_728 : vector<128x128xi32>
    %select_n3A_730 = arith.select %lt3A_726, %add3A_729, %max3A_723 : vector<128x128xi1>, vector<128x128xi32>
    %reshape3A_731 = vector.shape_cast %select_n3A_730 : vector<128x128xi32> to vector<128x128x1xi32>
    %gather3A_732 = vector.shape_cast %reshape3A_731 : vector<128x128x1xi32> to vector<128x128xi32>
    %gather3A_733 = tpu.dynamic_gather %div3A_679[%gather3A_732] in [1] : vector<128x128xf32>, vector<128x128xi32> -> vector<128x128xf32>
    %jit3A_734 = arith.constant 0.000000e+00 : f32
    %broadcast_in_dim3A_735 = vector.broadcast %jit3A_734 : f32 to vector<128x128xf32>
    %select_n3A_736 = arith.select %ge3A_720, %gather3A_733, %broadcast_in_dim3A_735 : vector<128x128xi1>, vector<128x128xf32>
    %slice3A_737 = vector.extract_strided_slice %dot_general3A_7 {offsets = [128, 0], sizes = [128, 128], strides = [1, 1]} : vector<1024x128xf32> to vector<128x128xf32>
    %dot_general3A_738 = arith.constant dense<0.000000e+00> : vector<128x128xf32>
    %dot_general3A_739 = tpu.matmul %select_n3A_736, %slice3A_737, %dot_general3A_738 {dimension_numbers = #tpu.dot_dimension_numbers<[1], [0], [0], [1], [0, 0, 1, 1], [], []>, transpose_lhs_hint = false} : vector<128x128xf32>, vector<128x128xf32>, vector<128x128xf32> -> vector<128x128xf32>
    %add3A_740 = arith.addf %add3A_716, %dot_general3A_739 : vector<128x128xf32>
    %slice3A_741 = vector.extract_strided_slice %get3A_691 {offsets = [0, 256], sizes = [128, 128], strides = [1, 1]} : vector<128x1024xi32> to vector<128x128xi32>
    %ge3A_742 = arith.constant 0 : i32
    %ge3A_743 = vector.broadcast %ge3A_742 : i32 to vector<128x128xi32>
    %ge3A_744 = arith.cmpi sge, %slice3A_741, %ge3A_743 : vector<128x128xi32>
    %max3A_745 = arith.constant 0 : i32
    %max3A_746 = vector.broadcast %max3A_745 : i32 to vector<128x128xi32>
    %max3A_747 = arith.maxsi %slice3A_741, %max3A_746 : vector<128x128xi32>
    %lt3A_748 = arith.constant 0 : i32
    %lt3A_749 = vector.broadcast %lt3A_748 : i32 to vector<128x128xi32>
    %lt3A_750 = arith.cmpi slt, %max3A_747, %lt3A_749 : vector<128x128xi32>
    %add3A_751 = arith.constant 128 : i32
    %add3A_752 = vector.broadcast %add3A_751 : i32 to vector<128x128xi32>
    %add3A_753 = arith.addi %max3A_747, %add3A_752 : vector<128x128xi32>
    %select_n3A_754 = arith.select %lt3A_750, %add3A_753, %max3A_747 : vector<128x128xi1>, vector<128x128xi32>
    %reshape3A_755 = vector.shape_cast %select_n3A_754 : vector<128x128xi32> to vector<128x128x1xi32>
    %gather3A_756 = vector.shape_cast %reshape3A_755 : vector<128x128x1xi32> to vector<128x128xi32>
    %gather3A_757 = tpu.dynamic_gather %div3A_679[%gather3A_756] in [1] : vector<128x128xf32>, vector<128x128xi32> -> vector<128x128xf32>
    %jit3A_758 = arith.constant 0.000000e+00 : f32
    %broadcast_in_dim3A_759 = vector.broadcast %jit3A_758 : f32 to vector<128x128xf32>
    %select_n3A_760 = arith.select %ge3A_744, %gather3A_757, %broadcast_in_dim3A_759 : vector<128x128xi1>, vector<128x128xf32>
    %slice3A_761 = vector.extract_strided_slice %dot_general3A_7 {offsets = [256, 0], sizes = [128, 128], strides = [1, 1]} : vector<1024x128xf32> to vector<128x128xf32>
    %dot_general3A_762 = arith.constant dense<0.000000e+00> : vector<128x128xf32>
    %dot_general3A_763 = tpu.matmul %select_n3A_760, %slice3A_761, %dot_general3A_762 {dimension_numbers = #tpu.dot_dimension_numbers<[1], [0], [0], [1], [0, 0, 1, 1], [], []>, transpose_lhs_hint = false} : vector<128x128xf32>, vector<128x128xf32>, vector<128x128xf32> -> vector<128x128xf32>
    %add3A_764 = arith.addf %add3A_740, %dot_general3A_763 : vector<128x128xf32>
    %slice3A_765 = vector.extract_strided_slice %get3A_691 {offsets = [0, 384], sizes = [128, 128], strides = [1, 1]} : vector<128x1024xi32> to vector<128x128xi32>
    %ge3A_766 = arith.constant 0 : i32
    %ge3A_767 = vector.broadcast %ge3A_766 : i32 to vector<128x128xi32>
    %ge3A_768 = arith.cmpi sge, %slice3A_765, %ge3A_767 : vector<128x128xi32>
    %max3A_769 = arith.constant 0 : i32
    %max3A_770 = vector.broadcast %max3A_769 : i32 to vector<128x128xi32>
    %max3A_771 = arith.maxsi %slice3A_765, %max3A_770 : vector<128x128xi32>
    %lt3A_772 = arith.constant 0 : i32
    %lt3A_773 = vector.broadcast %lt3A_772 : i32 to vector<128x128xi32>
    %lt3A_774 = arith.cmpi slt, %max3A_771, %lt3A_773 : vector<128x128xi32>
    %add3A_775 = arith.constant 128 : i32
    %add3A_776 = vector.broadcast %add3A_775 : i32 to vector<128x128xi32>
    %add3A_777 = arith.addi %max3A_771, %add3A_776 : vector<128x128xi32>
    %select_n3A_778 = arith.select %lt3A_774, %add3A_777, %max3A_771 : vector<128x128xi1>, vector<128x128xi32>
    %reshape3A_779 = vector.shape_cast %select_n3A_778 : vector<128x128xi32> to vector<128x128x1xi32>
    %gather3A_780 = vector.shape_cast %reshape3A_779 : vector<128x128x1xi32> to vector<128x128xi32>
    %gather3A_781 = tpu.dynamic_gather %div3A_679[%gather3A_780] in [1] : vector<128x128xf32>, vector<128x128xi32> -> vector<128x128xf32>
    %jit3A_782 = arith.constant 0.000000e+00 : f32
    %broadcast_in_dim3A_783 = vector.broadcast %jit3A_782 : f32 to vector<128x128xf32>
    %select_n3A_784 = arith.select %ge3A_768, %gather3A_781, %broadcast_in_dim3A_783 : vector<128x128xi1>, vector<128x128xf32>
    %slice3A_785 = vector.extract_strided_slice %dot_general3A_7 {offsets = [384, 0], sizes = [128, 128], strides = [1, 1]} : vector<1024x128xf32> to vector<128x128xf32>
    %dot_general3A_786 = arith.constant dense<0.000000e+00> : vector<128x128xf32>
    %dot_general3A_787 = tpu.matmul %select_n3A_784, %slice3A_785, %dot_general3A_786 {dimension_numbers = #tpu.dot_dimension_numbers<[1], [0], [0], [1], [0, 0, 1, 1], [], []>, transpose_lhs_hint = false} : vector<128x128xf32>, vector<128x128xf32>, vector<128x128xf32> -> vector<128x128xf32>
    %add3A_788 = arith.addf %add3A_764, %dot_general3A_787 : vector<128x128xf32>
    %slice3A_789 = vector.extract_strided_slice %get3A_691 {offsets = [0, 512], sizes = [128, 128], strides = [1, 1]} : vector<128x1024xi32> to vector<128x128xi32>
    %ge3A_790 = arith.constant 0 : i32
    %ge3A_791 = vector.broadcast %ge3A_790 : i32 to vector<128x128xi32>
    %ge3A_792 = arith.cmpi sge, %slice3A_789, %ge3A_791 : vector<128x128xi32>
    %max3A_793 = arith.constant 0 : i32
    %max3A_794 = vector.broadcast %max3A_793 : i32 to vector<128x128xi32>
    %max3A_795 = arith.maxsi %slice3A_789, %max3A_794 : vector<128x128xi32>
    %lt3A_796 = arith.constant 0 : i32
    %lt3A_797 = vector.broadcast %lt3A_796 : i32 to vector<128x128xi32>
    %lt3A_798 = arith.cmpi slt, %max3A_795, %lt3A_797 : vector<128x128xi32>
    %add3A_799 = arith.constant 128 : i32
    %add3A_800 = vector.broadcast %add3A_799 : i32 to vector<128x128xi32>
    %add3A_801 = arith.addi %max3A_795, %add3A_800 : vector<128x128xi32>
    %select_n3A_802 = arith.select %lt3A_798, %add3A_801, %max3A_795 : vector<128x128xi1>, vector<128x128xi32>
    %reshape3A_803 = vector.shape_cast %select_n3A_802 : vector<128x128xi32> to vector<128x128x1xi32>
    %gather3A_804 = vector.shape_cast %reshape3A_803 : vector<128x128x1xi32> to vector<128x128xi32>
    %gather3A_805 = tpu.dynamic_gather %div3A_679[%gather3A_804] in [1] : vector<128x128xf32>, vector<128x128xi32> -> vector<128x128xf32>
    %jit3A_806 = arith.constant 0.000000e+00 : f32
    %broadcast_in_dim3A_807 = vector.broadcast %jit3A_806 : f32 to vector<128x128xf32>
    %select_n3A_808 = arith.select %ge3A_792, %gather3A_805, %broadcast_in_dim3A_807 : vector<128x128xi1>, vector<128x128xf32>
    %slice3A_809 = vector.extract_strided_slice %dot_general3A_7 {offsets = [512, 0], sizes = [128, 128], strides = [1, 1]} : vector<1024x128xf32> to vector<128x128xf32>
    %dot_general3A_810 = arith.constant dense<0.000000e+00> : vector<128x128xf32>
    %dot_general3A_811 = tpu.matmul %select_n3A_808, %slice3A_809, %dot_general3A_810 {dimension_numbers = #tpu.dot_dimension_numbers<[1], [0], [0], [1], [0, 0, 1, 1], [], []>, transpose_lhs_hint = false} : vector<128x128xf32>, vector<128x128xf32>, vector<128x128xf32> -> vector<128x128xf32>
    %add3A_812 = arith.addf %add3A_788, %dot_general3A_811 : vector<128x128xf32>
    %slice3A_813 = vector.extract_strided_slice %get3A_691 {offsets = [0, 640], sizes = [128, 128], strides = [1, 1]} : vector<128x1024xi32> to vector<128x128xi32>
    %ge3A_814 = arith.constant 0 : i32
    %ge3A_815 = vector.broadcast %ge3A_814 : i32 to vector<128x128xi32>
    %ge3A_816 = arith.cmpi sge, %slice3A_813, %ge3A_815 : vector<128x128xi32>
    %max3A_817 = arith.constant 0 : i32
    %max3A_818 = vector.broadcast %max3A_817 : i32 to vector<128x128xi32>
    %max3A_819 = arith.maxsi %slice3A_813, %max3A_818 : vector<128x128xi32>
    %lt3A_820 = arith.constant 0 : i32
    %lt3A_821 = vector.broadcast %lt3A_820 : i32 to vector<128x128xi32>
    %lt3A_822 = arith.cmpi slt, %max3A_819, %lt3A_821 : vector<128x128xi32>
    %add3A_823 = arith.constant 128 : i32
    %add3A_824 = vector.broadcast %add3A_823 : i32 to vector<128x128xi32>
    %add3A_825 = arith.addi %max3A_819, %add3A_824 : vector<128x128xi32>
    %select_n3A_826 = arith.select %lt3A_822, %add3A_825, %max3A_819 : vector<128x128xi1>, vector<128x128xi32>
    %reshape3A_827 = vector.shape_cast %select_n3A_826 : vector<128x128xi32> to vector<128x128x1xi32>
    %gather3A_828 = vector.shape_cast %reshape3A_827 : vector<128x128x1xi32> to vector<128x128xi32>
    %gather3A_829 = tpu.dynamic_gather %div3A_679[%gather3A_828] in [1] : vector<128x128xf32>, vector<128x128xi32> -> vector<128x128xf32>
    %jit3A_830 = arith.constant 0.000000e+00 : f32
    %broadcast_in_dim3A_831 = vector.broadcast %jit3A_830 : f32 to vector<128x128xf32>
    %select_n3A_832 = arith.select %ge3A_816, %gather3A_829, %broadcast_in_dim3A_831 : vector<128x128xi1>, vector<128x128xf32>
    %slice3A_833 = vector.extract_strided_slice %dot_general3A_7 {offsets = [640, 0], sizes = [128, 128], strides = [1, 1]} : vector<1024x128xf32> to vector<128x128xf32>
    %dot_general3A_834 = arith.constant dense<0.000000e+00> : vector<128x128xf32>
    %dot_general3A_835 = tpu.matmul %select_n3A_832, %slice3A_833, %dot_general3A_834 {dimension_numbers = #tpu.dot_dimension_numbers<[1], [0], [0], [1], [0, 0, 1, 1], [], []>, transpose_lhs_hint = false} : vector<128x128xf32>, vector<128x128xf32>, vector<128x128xf32> -> vector<128x128xf32>
    %add3A_836 = arith.addf %add3A_812, %dot_general3A_835 : vector<128x128xf32>
    %slice3A_837 = vector.extract_strided_slice %get3A_691 {offsets = [0, 768], sizes = [128, 128], strides = [1, 1]} : vector<128x1024xi32> to vector<128x128xi32>
    %ge3A_838 = arith.constant 0 : i32
    %ge3A_839 = vector.broadcast %ge3A_838 : i32 to vector<128x128xi32>
    %ge3A_840 = arith.cmpi sge, %slice3A_837, %ge3A_839 : vector<128x128xi32>
    %max3A_841 = arith.constant 0 : i32
    %max3A_842 = vector.broadcast %max3A_841 : i32 to vector<128x128xi32>
    %max3A_843 = arith.maxsi %slice3A_837, %max3A_842 : vector<128x128xi32>
    %lt3A_844 = arith.constant 0 : i32
    %lt3A_845 = vector.broadcast %lt3A_844 : i32 to vector<128x128xi32>
    %lt3A_846 = arith.cmpi slt, %max3A_843, %lt3A_845 : vector<128x128xi32>
    %add3A_847 = arith.constant 128 : i32
    %add3A_848 = vector.broadcast %add3A_847 : i32 to vector<128x128xi32>
    %add3A_849 = arith.addi %max3A_843, %add3A_848 : vector<128x128xi32>
    %select_n3A_850 = arith.select %lt3A_846, %add3A_849, %max3A_843 : vector<128x128xi1>, vector<128x128xi32>
    %reshape3A_851 = vector.shape_cast %select_n3A_850 : vector<128x128xi32> to vector<128x128x1xi32>
    %gather3A_852 = vector.shape_cast %reshape3A_851 : vector<128x128x1xi32> to vector<128x128xi32>
    %gather3A_853 = tpu.dynamic_gather %div3A_679[%gather3A_852] in [1] : vector<128x128xf32>, vector<128x128xi32> -> vector<128x128xf32>
    %jit3A_854 = arith.constant 0.000000e+00 : f32
    %broadcast_in_dim3A_855 = vector.broadcast %jit3A_854 : f32 to vector<128x128xf32>
    %select_n3A_856 = arith.select %ge3A_840, %gather3A_853, %broadcast_in_dim3A_855 : vector<128x128xi1>, vector<128x128xf32>
    %slice3A_857 = vector.extract_strided_slice %dot_general3A_7 {offsets = [768, 0], sizes = [128, 128], strides = [1, 1]} : vector<1024x128xf32> to vector<128x128xf32>
    %dot_general3A_858 = arith.constant dense<0.000000e+00> : vector<128x128xf32>
    %dot_general3A_859 = tpu.matmul %select_n3A_856, %slice3A_857, %dot_general3A_858 {dimension_numbers = #tpu.dot_dimension_numbers<[1], [0], [0], [1], [0, 0, 1, 1], [], []>, transpose_lhs_hint = false} : vector<128x128xf32>, vector<128x128xf32>, vector<128x128xf32> -> vector<128x128xf32>
    %add3A_860 = arith.addf %add3A_836, %dot_general3A_859 : vector<128x128xf32>
    %slice3A_861 = vector.extract_strided_slice %get3A_691 {offsets = [0, 896], sizes = [128, 128], strides = [1, 1]} : vector<128x1024xi32> to vector<128x128xi32>
    %ge3A_862 = arith.constant 0 : i32
    %ge3A_863 = vector.broadcast %ge3A_862 : i32 to vector<128x128xi32>
    %ge3A_864 = arith.cmpi sge, %slice3A_861, %ge3A_863 : vector<128x128xi32>
    %max3A_865 = arith.constant 0 : i32
    %max3A_866 = vector.broadcast %max3A_865 : i32 to vector<128x128xi32>
    %max3A_867 = arith.maxsi %slice3A_861, %max3A_866 : vector<128x128xi32>
    %lt3A_868 = arith.constant 0 : i32
    %lt3A_869 = vector.broadcast %lt3A_868 : i32 to vector<128x128xi32>
    %lt3A_870 = arith.cmpi slt, %max3A_867, %lt3A_869 : vector<128x128xi32>
    %add3A_871 = arith.constant 128 : i32
    %add3A_872 = vector.broadcast %add3A_871 : i32 to vector<128x128xi32>
    %add3A_873 = arith.addi %max3A_867, %add3A_872 : vector<128x128xi32>
    %select_n3A_874 = arith.select %lt3A_870, %add3A_873, %max3A_867 : vector<128x128xi1>, vector<128x128xi32>
    %reshape3A_875 = vector.shape_cast %select_n3A_874 : vector<128x128xi32> to vector<128x128x1xi32>
    %gather3A_876 = vector.shape_cast %reshape3A_875 : vector<128x128x1xi32> to vector<128x128xi32>
    %gather3A_877 = tpu.dynamic_gather %div3A_679[%gather3A_876] in [1] : vector<128x128xf32>, vector<128x128xi32> -> vector<128x128xf32>
    %jit3A_878 = arith.constant 0.000000e+00 : f32
    %broadcast_in_dim3A_879 = vector.broadcast %jit3A_878 : f32 to vector<128x128xf32>
    %select_n3A_880 = arith.select %ge3A_864, %gather3A_877, %broadcast_in_dim3A_879 : vector<128x128xi1>, vector<128x128xf32>
    %slice3A_881 = vector.extract_strided_slice %dot_general3A_7 {offsets = [896, 0], sizes = [128, 128], strides = [1, 1]} : vector<1024x128xf32> to vector<128x128xf32>
    %dot_general3A_882 = arith.constant dense<0.000000e+00> : vector<128x128xf32>
    %dot_general3A_883 = tpu.matmul %select_n3A_880, %slice3A_881, %dot_general3A_882 {dimension_numbers = #tpu.dot_dimension_numbers<[1], [0], [0], [1], [0, 0, 1, 1], [], []>, transpose_lhs_hint = false} : vector<128x128xf32>, vector<128x128xf32>, vector<128x128xf32> -> vector<128x128xf32>
    %add3A_884 = arith.addf %add3A_860, %dot_general3A_883 : vector<128x128xf32>
    %get3A_885 = arith.constant 0 : index
    %get3A_886 = arith.constant 0 : index
    %get3A_887 = vector.load %arg9[%get3A_885, %get3A_886] : memref<128x128xf32, #tpu.memory_space<vmem>>, vector<128x128xf32>
    %dot_general3A_888 = arith.constant dense<0.000000e+00> : vector<128x128xf32>
    %dot_general3A_889 = tpu.matmul %reduce_sum3A_686, %get3A_887, %dot_general3A_888 {dimension_numbers = #tpu.dot_dimension_numbers<[1], [0], [0], [1], [0, 0, 1, 1], [], []>, transpose_lhs_hint = false} : vector<128x128xf32>, vector<128x128xf32>, vector<128x128xf32> -> vector<128x128xf32>
    %add3A_890 = arith.addf %add3A_884, %dot_general3A_889 : vector<128x128xf32>
    %add3A_891 = vector.broadcast %get3A_16 : vector<1x128xf32> to vector<128x128xf32>
    %add3A_892 = arith.addf %add3A_890, %add3A_891 : vector<128x128xf32>
    %get3A_893 = arith.constant 0 : index
    %get3A_894 = arith.constant 0 : index
    %get3A_895 = arith.constant 0 : index
    %get3A_896 = vector.load %arg3[%get3A_893, %get3A_894, %get3A_895] : memref<1x128x128xf32, #tpu.memory_space<vmem>>, vector<1x128x128xf32>
    %get3A_897 = vector.shape_cast %get3A_896 : vector<1x128x128xf32> to vector<128x128xf32>
    %get3A_898 = arith.constant 0 : index
    %get3A_899 = arith.constant 0 : index
    %get3A_900 = vector.load %arg13[%get3A_898, %get3A_899] : memref<1x1xf32, #tpu.memory_space<vmem>>, vector<1x1xf32>
    %mul3A_901 = vector.broadcast %get3A_900 : vector<1x1xf32> to vector<128x128xf32>
    %mul3A_902 = arith.mulf %mul3A_901, %add3A_892 : vector<128x128xf32>
    %add3A_903 = arith.addf %get3A_897, %mul3A_902 : vector<128x128xf32>
    %swap3A = arith.constant 0 : index
    %swap3A_904 = arith.constant 0 : index
    %swap3A_905 = arith.constant 0 : index
    %swap3A_906 = vector.load %arg14[%swap3A, %swap3A_904, %swap3A_905] : memref<1x128x128xf32, #tpu.memory_space<vmem>>, vector<1x128x128xf32>
    %swap3A_907 = vector.shape_cast %swap3A_906 : vector<1x128x128xf32> to vector<128x128xf32>
    %swap3A_908 = vector.shape_cast %add3A_903 : vector<128x128xf32> to vector<1x128x128xf32>
    tpu.vector_store %arg14[%swap3A, %swap3A_904, %swap3A_905], %swap3A_908 {strides = array<i32>} : memref<1x128x128xf32, #tpu.memory_space<vmem>>, vector<1x128x128xf32>,
    return
  }
  func.func @transform_0(%arg0: i32, %arg1: i32) -> (i32, i32, i32) {
    %c0_i32 = arith.constant 0 : i32
    %c0_i32_0 = arith.constant 0 : i32
    %c0_i32_1 = arith.constant 0 : i32
    return %arg0, %c0_i32, %c0_i32_0 : i32, i32, i32
  }
  func.func @transform_1(%arg0: i32, %arg1: i32) -> (i32, i32, i32) {
    %c0_i32 = arith.constant 0 : i32
    %c0_i32_0 = arith.constant 0 : i32
    return %arg0, %arg1, %c0_i32 : i32, i32, i32
  }
  func.func @transform_2(%arg0: i32, %arg1: i32) -> (i32, i32, i32) {
    %c0_i32 = arith.constant 0 : i32
    %c0_i32_0 = arith.constant 0 : i32
    return %arg0, %arg1, %c0_i32 : i32, i32, i32
  }
  func.func @transform_3(%arg0: i32, %arg1: i32) -> (i32, i32, i32) {
    %c0_i32 = arith.constant 0 : i32
    %c0_i32_0 = arith.constant 0 : i32
    %c0_i32_1 = arith.constant 0 : i32
    return %arg0, %c0_i32, %c0_i32_0 : i32, i32, i32
  }
  func.func @transform_4(%arg0: i32, %arg1: i32) -> (i32, i32, i32) {
    %c0_i32 = arith.constant 0 : i32
    %c0_i32_0 = arith.constant 0 : i32
    return %arg0, %arg1, %c0_i32 : i32, i32, i32
  }
  func.func @transform_5(%arg0: i32, %arg1: i32) -> (i32, i32, i32) {
    %c0_i32 = arith.constant 0 : i32
    %c0_i32_0 = arith.constant 0 : i32
    return %arg0, %arg1, %c0_i32 : i32, i32, i32
  }
  func.func @transform_6(%arg0: i32, %arg1: i32) -> (i32, i32) {
    %c0_i32 = arith.constant 0 : i32
    %c0_i32_0 = arith.constant 0 : i32
    %c0_i32_1 = arith.constant 0 : i32
    return %c0_i32, %c0_i32_0 : i32, i32
  }
  func.func @transform_7(%arg0: i32, %arg1: i32) -> (i32, i32) {
    %c0_i32 = arith.constant 0 : i32
    %c0_i32_0 = arith.constant 0 : i32
    %c0_i32_1 = arith.constant 0 : i32
    return %c0_i32, %c0_i32_0 : i32, i32
  }
  func.func @transform_8(%arg0: i32, %arg1: i32) -> (i32, i32) {
    %c0_i32 = arith.constant 0 : i32
    %c0_i32_0 = arith.constant 0 : i32
    %c0_i32_1 = arith.constant 0 : i32
    return %c0_i32, %c0_i32_0 : i32, i32
  }
  func.func @transform_9(%arg0: i32, %arg1: i32) -> (i32, i32) {
    %c0_i32 = arith.constant 0 : i32
    %c0_i32_0 = arith.constant 0 : i32
    %c0_i32_1 = arith.constant 0 : i32
    return %c0_i32, %c0_i32_0 : i32, i32
  }
  func.func @transform_10(%arg0: i32, %arg1: i32) -> (i32, i32) {
    %c0_i32 = arith.constant 0 : i32
    %c0_i32_0 = arith.constant 0 : i32
    %c0_i32_1 = arith.constant 0 : i32
    return %c0_i32, %c0_i32_0 : i32, i32
  }
  func.func @transform_11(%arg0: i32, %arg1: i32) -> (i32, i32) {
    %c0_i32 = arith.constant 0 : i32
    %c0_i32_0 = arith.constant 0 : i32
    %c0_i32_1 = arith.constant 0 : i32
    return %c0_i32, %c0_i32_0 : i32, i32
  }
  func.func @transform_12(%arg0: i32, %arg1: i32) -> (i32, i32, i32) {
    %c0_i32 = arith.constant 0 : i32
    %c0_i32_0 = arith.constant 0 : i32
    return %arg0, %arg1, %c0_i32 : i32, i32, i32
  }
}

module attributes {stable_mosaic.version = 14 : i64} {
  func.func @_layer_body(%arg0: i32, %arg1: i32, %arg2: memref<1x1024x128xf32, #tpu.memory_space<vmem>>, %arg3: memref<1x128x128xf32, #tpu.memory_space<vmem>>, %arg4: memref<1x128x3xf32, #tpu.memory_space<vmem>>, %arg5: memref<1x24x128xf32, #tpu.memory_space<vmem>>, %arg6: memref<1x128x128xi32, #tpu.memory_space<vmem>>, %arg7: memref<1x128x1024xi32, #tpu.memory_space<vmem>>, %arg8: memref<128x128xf32, #tpu.memory_space<vmem>>, %arg9: memref<128x128xf32, #tpu.memory_space<vmem>>, %arg10: memref<8x128xf32, #tpu.memory_space<vmem>>, %arg11: memref<3x128xf32, #tpu.memory_space<vmem>>, %arg12: memref<1x128xf32, #tpu.memory_space<vmem>>, %arg13: memref<1x1xf32, #tpu.memory_space<vmem>>, %arg14: memref<1x128x128xf32, #tpu.memory_space<vmem>>) attributes {dimension_semantics = [#tpu.dimension_semantics<arbitrary>, #tpu.dimension_semantics<arbitrary>], iteration_bounds = array<i64: 2, 8>, scalar_prefetch = 0 : i64, scratch_operands = 0 : i64, tpu.core_type = #tpu.core_type<tc>, window_params = [{transform_indices = @transform_0, window_bounds = array<i64: 1, 1024, 128>}, {transform_indices = @transform_1, window_bounds = array<i64: 1, 128, 128>}, {transform_indices = @transform_2, window_bounds = array<i64: 1, 128, 3>}, {transform_indices = @transform_3, window_bounds = array<i64: 1, 24, 128>}, {transform_indices = @transform_4, window_bounds = array<i64: 1, 128, 128>}, {transform_indices = @transform_5, window_bounds = array<i64: 1, 128, 1024>}, {pipeline_mode = #tpu.pipeline_mode<synchronous>, transform_indices = @transform_6, window_bounds = array<i64: 128, 128>}, {pipeline_mode = #tpu.pipeline_mode<synchronous>, transform_indices = @transform_7, window_bounds = array<i64: 128, 128>}, {pipeline_mode = #tpu.pipeline_mode<synchronous>, transform_indices = @transform_8, window_bounds = array<i64: 8, 128>}, {pipeline_mode = #tpu.pipeline_mode<synchronous>, transform_indices = @transform_9, window_bounds = array<i64: 3, 128>}, {pipeline_mode = #tpu.pipeline_mode<synchronous>, transform_indices = @transform_10, window_bounds = array<i64: 1, 128>}, {pipeline_mode = #tpu.pipeline_mode<synchronous>, transform_indices = @transform_11, window_bounds = array<i64: 1, 1>}, {transform_indices = @transform_12, window_bounds = array<i64: 1, 128, 128>}]} {
    %get3A = arith.constant 0 : index
    %get3A_0 = arith.constant 0 : index
    %get3A_1 = arith.constant 0 : index
    %get3A_2 = vector.load %arg2[%get3A, %get3A_0, %get3A_1] : memref<1x1024x128xf32, #tpu.memory_space<vmem>>, vector<1x1024x128xf32>
    %get3A_3 = vector.shape_cast %get3A_2 : vector<1x1024x128xf32> to vector<1024x128xf32>
    %get3A_4 = arith.constant 0 : index
    %get3A_5 = arith.constant 0 : index
    %get3A_6 = vector.load %arg8[%get3A_4, %get3A_5] : memref<128x128xf32, #tpu.memory_space<vmem>>, vector<128x128xf32>
    %dot_general3A = arith.constant dense<0.000000e+00> : vector<1024x128xf32>
    %dot_general3A_7 = tpu.matmul %get3A_3, %get3A_6, %dot_general3A {dimension_numbers = #tpu.dot_dimension_numbers<[1], [0], [0], [1], [0, 0, 1, 1], [], []>, transpose_lhs_hint = false} : vector<1024x128xf32>, vector<128x128xf32>, vector<1024x128xf32> -> vector<1024x128xf32>
    %get3A_8 = arith.constant 0 : index
    %get3A_9 = arith.constant 0 : index
    %get3A_10 = vector.load %arg10[%get3A_8, %get3A_9] : memref<8x128xf32, #tpu.memory_space<vmem>>, vector<1x128xf32>
    %get3A_11 = arith.constant 1 : index
    %get3A_12 = arith.constant 0 : index
    %get3A_13 = vector.load %arg10[%get3A_11, %get3A_12] : memref<8x128xf32, #tpu.memory_space<vmem>>, vector<1x128xf32>
    %get3A_14 = arith.constant 2 : index
    %get3A_15 = arith.constant 0 : index
    %get3A_16 = vector.load %arg10[%get3A_14, %get3A_15] : memref<8x128xf32, #tpu.memory_space<vmem>>, vector<1x128xf32>
    %get3A_17 = arith.constant 0 : index
    %get3A_18 = arith.constant 0 : index
    %get3A_19 = arith.constant 0 : index
    %get3A_20 = vector.load %arg6[%get3A_17, %get3A_18, %get3A_19] : memref<1x128x128xi32, #tpu.memory_space<vmem>>, vector<1x128x128xi32>
    %get3A_21 = vector.shape_cast %get3A_20 : vector<1x128x128xi32> to vector<128x128xi32>
    %shift_right_arithmetic3A = arith.constant 7 : i32
    %shift_right_arithmetic3A_22 = vector.broadcast %shift_right_arithmetic3A : i32 to vector<128x128xi32>
    %shift_right_arithmetic3A_23 = arith.shrsi %get3A_21, %shift_right_arithmetic3A_22 : vector<128x128xi32>
    %and3A = arith.constant 127 : i32
    %and3A_24 = vector.broadcast %and3A : i32 to vector<128x128xi32>
    %and3A_25 = arith.andi %get3A_21, %and3A_24 : vector<128x128xi32>
    %get3A_26 = arith.constant 0 : index
    %get3A_27 = arith.constant 0 : index
    %get3A_28 = arith.constant 0 : index
    %get3A_29 = vector.load %arg5[%get3A_26, %get3A_27, %get3A_28] : memref<1x24x128xf32, #tpu.memory_space<vmem>>, vector<1x24x128xf32>
    %get3A_30 = vector.shape_cast %get3A_29 : vector<1x24x128xf32> to vector<24x128xf32>
    %broadcast_in_dim3A = arith.constant 0.000000e+00 : f32
    %broadcast_in_dim3A_31 = vector.broadcast %broadcast_in_dim3A : f32 to vector<128x128xf32>
    %broadcast_in_dim3A_32 = arith.constant 0.000000e+00 : f32
    %broadcast_in_dim3A_33 = vector.broadcast %broadcast_in_dim3A_32 : f32 to vector<128x128xf32>
    %broadcast_in_dim3A_34 = arith.constant 0.000000e+00 : f32
    %broadcast_in_dim3A_35 = vector.broadcast %broadcast_in_dim3A_34 : f32 to vector<128x128xf32>
    %broadcast_in_dim3A_36 = arith.constant 0.000000e+00 : f32
    %broadcast_in_dim3A_37 = vector.broadcast %broadcast_in_dim3A_36 : f32 to vector<128x128xf32>
    %eq3A = arith.constant 0 : i32
    %eq3A_38 = vector.broadcast %eq3A : i32 to vector<128x128xi32>
    %eq3A_39 = arith.cmpi eq, %shift_right_arithmetic3A_23, %eq3A_38 : vector<128x128xi32>
    %slice3A = vector.extract_strided_slice %get3A_3 {offsets = [0, 0], sizes = [128, 128], strides = [1, 1]} : vector<1024x128xf32> to vector<128x128xf32>
    %dot_general3A_40 = arith.constant dense<0.000000e+00> : vector<1x128xf32>
    %dot_general3A_41 = tpu.matmul %get3A_10, %slice3A, %dot_general3A_40 {dimension_numbers = #tpu.dot_dimension_numbers<[1], [1], [0], [0], [0, 0, 1, 0], [], []>, transpose_lhs_hint = false} : vector<1x128xf32>, vector<128x128xf32>, vector<1x128xf32> -> vector<1x128xf32>
    %broadcast_in_dim3A_42 = vector.shape_cast %dot_general3A_41 : vector<1x128xf32> to vector<1x128xf32>
    %broadcast_in_dim3A_43 = vector.broadcast %broadcast_in_dim3A_42 : vector<1x128xf32> to vector<128x128xf32>
    %lt3A = arith.constant 0 : i32
    %lt3A_44 = vector.broadcast %lt3A : i32 to vector<128x128xi32>
    %lt3A_45 = arith.cmpi slt, %and3A_25, %lt3A_44 : vector<128x128xi32>
    %add3A = arith.constant 128 : i32
    %add3A_46 = vector.broadcast %add3A : i32 to vector<128x128xi32>
    %add3A_47 = arith.addi %and3A_25, %add3A_46 : vector<128x128xi32>
    %select_n3A = arith.select %lt3A_45, %add3A_47, %and3A_25 : vector<128x128xi1>, vector<128x128xi32>
    %reshape3A = vector.shape_cast %select_n3A : vector<128x128xi32> to vector<128x128x1xi32>
    %gather3A = vector.shape_cast %reshape3A : vector<128x128x1xi32> to vector<128x128xi32>
    %gather3A_48 = tpu.dynamic_gather %broadcast_in_dim3A_43[%gather3A] in [1] : vector<128x128xf32>, vector<128x128xi32> -> vector<128x128xf32>
    %jit3A = arith.constant 0.000000e+00 : f32
    %broadcast_in_dim3A_49 = vector.broadcast %jit3A : f32 to vector<128x128xf32>
    %select_n3A_50 = arith.select %eq3A_39, %gather3A_48, %broadcast_in_dim3A_49 : vector<128x128xi1>, vector<128x128xf32>
    %add3A_51 = arith.addf %broadcast_in_dim3A_31, %select_n3A_50 : vector<128x128xf32>
    %slice3A_52 = vector.extract_strided_slice %get3A_30 {offsets = [0, 0], sizes = [1, 128], strides = [1, 1]} : vector<24x128xf32> to vector<1x128xf32>
    %broadcast_in_dim3A_53 = vector.shape_cast %slice3A_52 : vector<1x128xf32> to vector<1x128xf32>
    %broadcast_in_dim3A_54 = vector.broadcast %broadcast_in_dim3A_53 : vector<1x128xf32> to vector<128x128xf32>
    %lt3A_55 = arith.constant 0 : i32
    %lt3A_56 = vector.broadcast %lt3A_55 : i32 to vector<128x128xi32>
    %lt3A_57 = arith.cmpi slt, %and3A_25, %lt3A_56 : vector<128x128xi32>
    %add3A_58 = arith.constant 128 : i32
    %add3A_59 = vector.broadcast %add3A_58 : i32 to vector<128x128xi32>
    %add3A_60 = arith.addi %and3A_25, %add3A_59 : vector<128x128xi32>
    %select_n3A_61 = arith.select %lt3A_57, %add3A_60, %and3A_25 : vector<128x128xi1>, vector<128x128xi32>
    %reshape3A_62 = vector.shape_cast %select_n3A_61 : vector<128x128xi32> to vector<128x128x1xi32>
    %gather3A_63 = vector.shape_cast %reshape3A_62 : vector<128x128x1xi32> to vector<128x128xi32>
    %gather3A_64 = tpu.dynamic_gather %broadcast_in_dim3A_54[%gather3A_63] in [1] : vector<128x128xf32>, vector<128x128xi32> -> vector<128x128xf32>
    %jit3A_65 = arith.constant 0.000000e+00 : f32
    %broadcast_in_dim3A_66 = vector.broadcast %jit3A_65 : f32 to vector<128x128xf32>
    %select_n3A_67 = arith.select %eq3A_39, %gather3A_64, %broadcast_in_dim3A_66 : vector<128x128xi1>, vector<128x128xf32>
    %add3A_68 = arith.addf %broadcast_in_dim3A_33, %select_n3A_67 : vector<128x128xf32>
    %slice3A_69 = vector.extract_strided_slice %get3A_30 {offsets = [8, 0], sizes = [1, 128], strides = [1, 1]} : vector<24x128xf32> to vector<1x128xf32>
    %broadcast_in_dim3A_70 = vector.shape_cast %slice3A_69 : vector<1x128xf32> to vector<1x128xf32>
    %broadcast_in_dim3A_71 = vector.broadcast %broadcast_in_dim3A_70 : vector<1x128xf32> to vector<128x128xf32>
    %lt3A_72 = arith.constant 0 : i32
    %lt3A_73 = vector.broadcast %lt3A_72 : i32 to vector<128x128xi32>
    %lt3A_74 = arith.cmpi slt, %and3A_25, %lt3A_73 : vector<128x128xi32>
    %add3A_75 = arith.constant 128 : i32
    %add3A_76 = vector.broadcast %add3A_75 : i32 to vector<128x128xi32>
    %add3A_77 = arith.addi %and3A_25, %add3A_76 : vector<128x128xi32>
    %select_n3A_78 = arith.select %lt3A_74, %add3A_77, %and3A_25 : vector<128x128xi1>, vector<128x128xi32>
    %reshape3A_79 = vector.shape_cast %select_n3A_78 : vector<128x128xi32> to vector<128x128x1xi32>
    %gather3A_80 = vector.shape_cast %reshape3A_79 : vector<128x128x1xi32> to vector<128x128xi32>
    %gather3A_81 = tpu.dynamic_gather %broadcast_in_dim3A_71[%gather3A_80] in [1] : vector<128x128xf32>, vector<128x128xi32> -> vector<128x128xf32>
    %jit3A_82 = arith.constant 0.000000e+00 : f32
    %broadcast_in_dim3A_83 = vector.broadcast %jit3A_82 : f32 to vector<128x128xf32>
    %select_n3A_84 = arith.select %eq3A_39, %gather3A_81, %broadcast_in_dim3A_83 : vector<128x128xi1>, vector<128x128xf32>
    %add3A_85 = arith.addf %broadcast_in_dim3A_35, %select_n3A_84 : vector<128x128xf32>
    %slice3A_86 = vector.extract_strided_slice %get3A_30 {offsets = [16, 0], sizes = [1, 128], strides = [1, 1]} : vector<24x128xf32> to vector<1x128xf32>
    %broadcast_in_dim3A_87 = vector.shape_cast %slice3A_86 : vector<1x128xf32> to vector<1x128xf32>
    %broadcast_in_dim3A_88 = vector.broadcast %broadcast_in_dim3A_87 : vector<1x128xf32> to vector<128x128xf32>
    %lt3A_89 = arith.constant 0 : i32
    %lt3A_90 = vector.broadcast %lt3A_89 : i32 to vector<128x128xi32>
    %lt3A_91 = arith.cmpi slt, %and3A_25, %lt3A_90 : vector<128x128xi32>
    %add3A_92 = arith.constant 128 : i32
    %add3A_93 = vector.broadcast %add3A_92 : i32 to vector<128x128xi32>
    %add3A_94 = arith.addi %and3A_25, %add3A_93 : vector<128x128xi32>
    %select_n3A_95 = arith.select %lt3A_91, %add3A_94, %and3A_25 : vector<128x128xi1>, vector<128x128xi32>
    %reshape3A_96 = vector.shape_cast %select_n3A_95 : vector<128x128xi32> to vector<128x128x1xi32>
    %gather3A_97 = vector.shape_cast %reshape3A_96 : vector<128x128x1xi32> to vector<128x128xi32>
    %gather3A_98 = tpu.dynamic_gather %broadcast_in_dim3A_88[%gather3A_97] in [1] : vector<128x128xf32>, vector<128x128xi32> -> vector<128x128xf32>
    %jit3A_99 = arith.constant 0.000000e+00 : f32
    %broadcast_in_dim3A_100 = vector.broadcast %jit3A_99 : f32 to vector<128x128xf32>
    %select_n3A_101 = arith.select %eq3A_39, %gather3A_98, %broadcast_in_dim3A_100 : vector<128x128xi1>, vector<128x128xf32>
    %add3A_102 = arith.addf %broadcast_in_dim3A_37, %select_n3A_101 : vector<128x128xf32>
    %eq3A_103 = arith.constant 1 : i32
    %eq3A_104 = vector.broadcast %eq3A_103 : i32 to vector<128x128xi32>
    %eq3A_105 = arith.cmpi eq, %shift_right_arithmetic3A_23, %eq3A_104 : vector<128x128xi32>
    %slice3A_106 = vector.extract_strided_slice %get3A_3 {offsets = [128, 0], sizes = [128, 128], strides = [1, 1]} : vector<1024x128xf32> to vector<128x128xf32>
    %dot_general3A_107 = arith.constant dense<0.000000e+00> : vector<1x128xf32>
    %dot_general3A_108 = tpu.matmul %get3A_10, %slice3A_106, %dot_general3A_107 {dimension_numbers = #tpu.dot_dimension_numbers<[1], [1], [0], [0], [0, 0, 1, 0], [], []>, transpose_lhs_hint = false} : vector<1x128xf32>, vector<128x128xf32>, vector<1x128xf32> -> vector<1x128xf32>
    %broadcast_in_dim3A_109 = vector.shape_cast %dot_general3A_108 : vector<1x128xf32> to vector<1x128xf32>
    %broadcast_in_dim3A_110 = vector.broadcast %broadcast_in_dim3A_109 : vector<1x128xf32> to vector<128x128xf32>
    %lt3A_111 = arith.constant 0 : i32
    %lt3A_112 = vector.broadcast %lt3A_111 : i32 to vector<128x128xi32>
    %lt3A_113 = arith.cmpi slt, %and3A_25, %lt3A_112 : vector<128x128xi32>
    %add3A_114 = arith.constant 128 : i32
    %add3A_115 = vector.broadcast %add3A_114 : i32 to vector<128x128xi32>
    %add3A_116 = arith.addi %and3A_25, %add3A_115 : vector<128x128xi32>
    %select_n3A_117 = arith.select %lt3A_113, %add3A_116, %and3A_25 : vector<128x128xi1>, vector<128x128xi32>
    %reshape3A_118 = vector.shape_cast %select_n3A_117 : vector<128x128xi32> to vector<128x128x1xi32>
    %gather3A_119 = vector.shape_cast %reshape3A_118 : vector<128x128x1xi32> to vector<128x128xi32>
    %gather3A_120 = tpu.dynamic_gather %broadcast_in_dim3A_110[%gather3A_119] in [1] : vector<128x128xf32>, vector<128x128xi32> -> vector<128x128xf32>
    %jit3A_121 = arith.constant 0.000000e+00 : f32
    %broadcast_in_dim3A_122 = vector.broadcast %jit3A_121 : f32 to vector<128x128xf32>
    %select_n3A_123 = arith.select %eq3A_105, %gather3A_120, %broadcast_in_dim3A_122 : vector<128x128xi1>, vector<128x128xf32>
    %add3A_124 = arith.addf %add3A_51, %select_n3A_123 : vector<128x128xf32>
    %slice3A_125 = vector.extract_strided_slice %get3A_30 {offsets = [1, 0], sizes = [1, 128], strides = [1, 1]} : vector<24x128xf32> to vector<1x128xf32>
    %broadcast_in_dim3A_126 = vector.shape_cast %slice3A_125 : vector<1x128xf32> to vector<1x128xf32>
    %broadcast_in_dim3A_127 = vector.broadcast %broadcast_in_dim3A_126 : vector<1x128xf32> to vector<128x128xf32>
    %lt3A_128 = arith.constant 0 : i32
    %lt3A_129 = vector.broadcast %lt3A_128 : i32 to vector<128x128xi32>
    %lt3A_130 = arith.cmpi slt, %and3A_25, %lt3A_129 : vector<128x128xi32>
    %add3A_131 = arith.constant 128 : i32
    %add3A_132 = vector.broadcast %add3A_131 : i32 to vector<128x128xi32>
    %add3A_133 = arith.addi %and3A_25, %add3A_132 : vector<128x128xi32>
    %select_n3A_134 = arith.select %lt3A_130, %add3A_133, %and3A_25 : vector<128x128xi1>, vector<128x128xi32>
    %reshape3A_135 = vector.shape_cast %select_n3A_134 : vector<128x128xi32> to vector<128x128x1xi32>
    %gather3A_136 = vector.shape_cast %reshape3A_135 : vector<128x128x1xi32> to vector<128x128xi32>
    %gather3A_137 = tpu.dynamic_gather %broadcast_in_dim3A_127[%gather3A_136] in [1] : vector<128x128xf32>, vector<128x128xi32> -> vector<128x128xf32>
    %jit3A_138 = arith.constant 0.000000e+00 : f32
    %broadcast_in_dim3A_139 = vector.broadcast %jit3A_138 : f32 to vector<128x128xf32>
    %select_n3A_140 = arith.select %eq3A_105, %gather3A_137, %broadcast_in_dim3A_139 : vector<128x128xi1>, vector<128x128xf32>
    %add3A_141 = arith.addf %add3A_68, %select_n3A_140 : vector<128x128xf32>
    %slice3A_142 = vector.extract_strided_slice %get3A_30 {offsets = [9, 0], sizes = [1, 128], strides = [1, 1]} : vector<24x128xf32> to vector<1x128xf32>
    %broadcast_in_dim3A_143 = vector.shape_cast %slice3A_142 : vector<1x128xf32> to vector<1x128xf32>
    %broadcast_in_dim3A_144 = vector.broadcast %broadcast_in_dim3A_143 : vector<1x128xf32> to vector<128x128xf32>
    %lt3A_145 = arith.constant 0 : i32
    %lt3A_146 = vector.broadcast %lt3A_145 : i32 to vector<128x128xi32>
    %lt3A_147 = arith.cmpi slt, %and3A_25, %lt3A_146 : vector<128x128xi32>
    %add3A_148 = arith.constant 128 : i32
    %add3A_149 = vector.broadcast %add3A_148 : i32 to vector<128x128xi32>
    %add3A_150 = arith.addi %and3A_25, %add3A_149 : vector<128x128xi32>
    %select_n3A_151 = arith.select %lt3A_147, %add3A_150, %and3A_25 : vector<128x128xi1>, vector<128x128xi32>
    %reshape3A_152 = vector.shape_cast %select_n3A_151 : vector<128x128xi32> to vector<128x128x1xi32>
    %gather3A_153 = vector.shape_cast %reshape3A_152 : vector<128x128x1xi32> to vector<128x128xi32>
    %gather3A_154 = tpu.dynamic_gather %broadcast_in_dim3A_144[%gather3A_153] in [1] : vector<128x128xf32>, vector<128x128xi32> -> vector<128x128xf32>
    %jit3A_155 = arith.constant 0.000000e+00 : f32
    %broadcast_in_dim3A_156 = vector.broadcast %jit3A_155 : f32 to vector<128x128xf32>
    %select_n3A_157 = arith.select %eq3A_105, %gather3A_154, %broadcast_in_dim3A_156 : vector<128x128xi1>, vector<128x128xf32>
    %add3A_158 = arith.addf %add3A_85, %select_n3A_157 : vector<128x128xf32>
    %slice3A_159 = vector.extract_strided_slice %get3A_30 {offsets = [17, 0], sizes = [1, 128], strides = [1, 1]} : vector<24x128xf32> to vector<1x128xf32>
    %broadcast_in_dim3A_160 = vector.shape_cast %slice3A_159 : vector<1x128xf32> to vector<1x128xf32>
    %broadcast_in_dim3A_161 = vector.broadcast %broadcast_in_dim3A_160 : vector<1x128xf32> to vector<128x128xf32>
    %lt3A_162 = arith.constant 0 : i32
    %lt3A_163 = vector.broadcast %lt3A_162 : i32 to vector<128x128xi32>
    %lt3A_164 = arith.cmpi slt, %and3A_25, %lt3A_163 : vector<128x128xi32>
    %add3A_165 = arith.constant 128 : i32
    %add3A_166 = vector.broadcast %add3A_165 : i32 to vector<128x128xi32>
    %add3A_167 = arith.addi %and3A_25, %add3A_166 : vector<128x128xi32>
    %select_n3A_168 = arith.select %lt3A_164, %add3A_167, %and3A_25 : vector<128x128xi1>, vector<128x128xi32>
    %reshape3A_169 = vector.shape_cast %select_n3A_168 : vector<128x128xi32> to vector<128x128x1xi32>
    %gather3A_170 = vector.shape_cast %reshape3A_169 : vector<128x128x1xi32> to vector<128x128xi32>
    %gather3A_171 = tpu.dynamic_gather %broadcast_in_dim3A_161[%gather3A_170] in [1] : vector<128x128xf32>, vector<128x128xi32> -> vector<128x128xf32>
    %jit3A_172 = arith.constant 0.000000e+00 : f32
    %broadcast_in_dim3A_173 = vector.broadcast %jit3A_172 : f32 to vector<128x128xf32>
    %select_n3A_174 = arith.select %eq3A_105, %gather3A_171, %broadcast_in_dim3A_173 : vector<128x128xi1>, vector<128x128xf32>
    %add3A_175 = arith.addf %add3A_102, %select_n3A_174 : vector<128x128xf32>
    %eq3A_176 = arith.constant 2 : i32
    %eq3A_177 = vector.broadcast %eq3A_176 : i32 to vector<128x128xi32>
    %eq3A_178 = arith.cmpi eq, %shift_right_arithmetic3A_23, %eq3A_177 : vector<128x128xi32>
    %slice3A_179 = vector.extract_strided_slice %get3A_3 {offsets = [256, 0], sizes = [128, 128], strides = [1, 1]} : vector<1024x128xf32> to vector<128x128xf32>
    %dot_general3A_180 = arith.constant dense<0.000000e+00> : vector<1x128xf32>
    %dot_general3A_181 = tpu.matmul %get3A_10, %slice3A_179, %dot_general3A_180 {dimension_numbers = #tpu.dot_dimension_numbers<[1], [1], [0], [0], [0, 0, 1, 0], [], []>, transpose_lhs_hint = false} : vector<1x128xf32>, vector<128x128xf32>, vector<1x128xf32> -> vector<1x128xf32>
    %broadcast_in_dim3A_182 = vector.shape_cast %dot_general3A_181 : vector<1x128xf32> to vector<1x128xf32>
    %broadcast_in_dim3A_183 = vector.broadcast %broadcast_in_dim3A_182 : vector<1x128xf32> to vector<128x128xf32>
    %lt3A_184 = arith.constant 0 : i32
    %lt3A_185 = vector.broadcast %lt3A_184 : i32 to vector<128x128xi32>
    %lt3A_186 = arith.cmpi slt, %and3A_25, %lt3A_185 : vector<128x128xi32>
    %add3A_187 = arith.constant 128 : i32
    %add3A_188 = vector.broadcast %add3A_187 : i32 to vector<128x128xi32>
    %add3A_189 = arith.addi %and3A_25, %add3A_188 : vector<128x128xi32>
    %select_n3A_190 = arith.select %lt3A_186, %add3A_189, %and3A_25 : vector<128x128xi1>, vector<128x128xi32>
    %reshape3A_191 = vector.shape_cast %select_n3A_190 : vector<128x128xi32> to vector<128x128x1xi32>
    %gather3A_192 = vector.shape_cast %reshape3A_191 : vector<128x128x1xi32> to vector<128x128xi32>
    %gather3A_193 = tpu.dynamic_gather %broadcast_in_dim3A_183[%gather3A_192] in [1] : vector<128x128xf32>, vector<128x128xi32> -> vector<128x128xf32>
    %jit3A_194 = arith.constant 0.000000e+00 : f32
    %broadcast_in_dim3A_195 = vector.broadcast %jit3A_194 : f32 to vector<128x128xf32>
    %select_n3A_196 = arith.select %eq3A_178, %gather3A_193, %broadcast_in_dim3A_195 : vector<128x128xi1>, vector<128x128xf32>
    %add3A_197 = arith.addf %add3A_124, %select_n3A_196 : vector<128x128xf32>
    %slice3A_198 = vector.extract_strided_slice %get3A_30 {offsets = [2, 0], sizes = [1, 128], strides = [1, 1]} : vector<24x128xf32> to vector<1x128xf32>
    %broadcast_in_dim3A_199 = vector.shape_cast %slice3A_198 : vector<1x128xf32> to vector<1x128xf32>
    %broadcast_in_dim3A_200 = vector.broadcast %broadcast_in_dim3A_199 : vector<1x128xf32> to vector<128x128xf32>
    %lt3A_201 = arith.constant 0 : i32
    %lt3A_202 = vector.broadcast %lt3A_201 : i32 to vector<128x128xi32>
    %lt3A_203 = arith.cmpi slt, %and3A_25, %lt3A_202 : vector<128x128xi32>
    %add3A_204 = arith.constant 128 : i32
    %add3A_205 = vector.broadcast %add3A_204 : i32 to vector<128x128xi32>
    %add3A_206 = arith.addi %and3A_25, %add3A_205 : vector<128x128xi32>
    %select_n3A_207 = arith.select %lt3A_203, %add3A_206, %and3A_25 : vector<128x128xi1>, vector<128x128xi32>
    %reshape3A_208 = vector.shape_cast %select_n3A_207 : vector<128x128xi32> to vector<128x128x1xi32>
    %gather3A_209 = vector.shape_cast %reshape3A_208 : vector<128x128x1xi32> to vector<128x128xi32>
    %gather3A_210 = tpu.dynamic_gather %broadcast_in_dim3A_200[%gather3A_209] in [1] : vector<128x128xf32>, vector<128x128xi32> -> vector<128x128xf32>
    %jit3A_211 = arith.constant 0.000000e+00 : f32
    %broadcast_in_dim3A_212 = vector.broadcast %jit3A_211 : f32 to vector<128x128xf32>
    %select_n3A_213 = arith.select %eq3A_178, %gather3A_210, %broadcast_in_dim3A_212 : vector<128x128xi1>, vector<128x128xf32>
    %add3A_214 = arith.addf %add3A_141, %select_n3A_213 : vector<128x128xf32>
    %slice3A_215 = vector.extract_strided_slice %get3A_30 {offsets = [10, 0], sizes = [1, 128], strides = [1, 1]} : vector<24x128xf32> to vector<1x128xf32>
    %broadcast_in_dim3A_216 = vector.shape_cast %slice3A_215 : vector<1x128xf32> to vector<1x128xf32>
    %broadcast_in_dim3A_217 = vector.broadcast %broadcast_in_dim3A_216 : vector<1x128xf32> to vector<128x128xf32>
    %lt3A_218 = arith.constant 0 : i32
    %lt3A_219 = vector.broadcast %lt3A_218 : i32 to vector<128x128xi32>
    %lt3A_220 = arith.cmpi slt, %and3A_25, %lt3A_219 : vector<128x128xi32>
    %add3A_221 = arith.constant 128 : i32
    %add3A_222 = vector.broadcast %add3A_221 : i32 to vector<128x128xi32>
    %add3A_223 = arith.addi %and3A_25, %add3A_222 : vector<128x128xi32>
    %select_n3A_224 = arith.select %lt3A_220, %add3A_223, %and3A_25 : vector<128x128xi1>, vector<128x128xi32>
    %reshape3A_225 = vector.shape_cast %select_n3A_224 : vector<128x128xi32> to vector<128x128x1xi32>
    %gather3A_226 = vector.shape_cast %reshape3A_225 : vector<128x128x1xi32> to vector<128x128xi32>
    %gather3A_227 = tpu.dynamic_gather %broadcast_in_dim3A_217[%gather3A_226] in [1] : vector<128x128xf32>, vector<128x128xi32> -> vector<128x128xf32>
    %jit3A_228 = arith.constant 0.000000e+00 : f32
    %broadcast_in_dim3A_229 = vector.broadcast %jit3A_228 : f32 to vector<128x128xf32>
    %select_n3A_230 = arith.select %eq3A_178, %gather3A_227, %broadcast_in_dim3A_229 : vector<128x128xi1>, vector<128x128xf32>
    %add3A_231 = arith.addf %add3A_158, %select_n3A_230 : vector<128x128xf32>
    %slice3A_232 = vector.extract_strided_slice %get3A_30 {offsets = [18, 0], sizes = [1, 128], strides = [1, 1]} : vector<24x128xf32> to vector<1x128xf32>
    %broadcast_in_dim3A_233 = vector.shape_cast %slice3A_232 : vector<1x128xf32> to vector<1x128xf32>
    %broadcast_in_dim3A_234 = vector.broadcast %broadcast_in_dim3A_233 : vector<1x128xf32> to vector<128x128xf32>
    %lt3A_235 = arith.constant 0 : i32
    %lt3A_236 = vector.broadcast %lt3A_235 : i32 to vector<128x128xi32>
    %lt3A_237 = arith.cmpi slt, %and3A_25, %lt3A_236 : vector<128x128xi32>
    %add3A_238 = arith.constant 128 : i32
    %add3A_239 = vector.broadcast %add3A_238 : i32 to vector<128x128xi32>
    %add3A_240 = arith.addi %and3A_25, %add3A_239 : vector<128x128xi32>
    %select_n3A_241 = arith.select %lt3A_237, %add3A_240, %and3A_25 : vector<128x128xi1>, vector<128x128xi32>
    %reshape3A_242 = vector.shape_cast %select_n3A_241 : vector<128x128xi32> to vector<128x128x1xi32>
    %gather3A_243 = vector.shape_cast %reshape3A_242 : vector<128x128x1xi32> to vector<128x128xi32>
    %gather3A_244 = tpu.dynamic_gather %broadcast_in_dim3A_234[%gather3A_243] in [1] : vector<128x128xf32>, vector<128x128xi32> -> vector<128x128xf32>
    %jit3A_245 = arith.constant 0.000000e+00 : f32
    %broadcast_in_dim3A_246 = vector.broadcast %jit3A_245 : f32 to vector<128x128xf32>
    %select_n3A_247 = arith.select %eq3A_178, %gather3A_244, %broadcast_in_dim3A_246 : vector<128x128xi1>, vector<128x128xf32>
    %add3A_248 = arith.addf %add3A_175, %select_n3A_247 : vector<128x128xf32>
    %eq3A_249 = arith.constant 3 : i32
    %eq3A_250 = vector.broadcast %eq3A_249 : i32 to vector<128x128xi32>
    %eq3A_251 = arith.cmpi eq, %shift_right_arithmetic3A_23, %eq3A_250 : vector<128x128xi32>
    %slice3A_252 = vector.extract_strided_slice %get3A_3 {offsets = [384, 0], sizes = [128, 128], strides = [1, 1]} : vector<1024x128xf32> to vector<128x128xf32>
    %dot_general3A_253 = arith.constant dense<0.000000e+00> : vector<1x128xf32>
    %dot_general3A_254 = tpu.matmul %get3A_10, %slice3A_252, %dot_general3A_253 {dimension_numbers = #tpu.dot_dimension_numbers<[1], [1], [0], [0], [0, 0, 1, 0], [], []>, transpose_lhs_hint = false} : vector<1x128xf32>, vector<128x128xf32>, vector<1x128xf32> -> vector<1x128xf32>
    %broadcast_in_dim3A_255 = vector.shape_cast %dot_general3A_254 : vector<1x128xf32> to vector<1x128xf32>
    %broadcast_in_dim3A_256 = vector.broadcast %broadcast_in_dim3A_255 : vector<1x128xf32> to vector<128x128xf32>
    %lt3A_257 = arith.constant 0 : i32
    %lt3A_258 = vector.broadcast %lt3A_257 : i32 to vector<128x128xi32>
    %lt3A_259 = arith.cmpi slt, %and3A_25, %lt3A_258 : vector<128x128xi32>
    %add3A_260 = arith.constant 128 : i32
    %add3A_261 = vector.broadcast %add3A_260 : i32 to vector<128x128xi32>
    %add3A_262 = arith.addi %and3A_25, %add3A_261 : vector<128x128xi32>
    %select_n3A_263 = arith.select %lt3A_259, %add3A_262, %and3A_25 : vector<128x128xi1>, vector<128x128xi32>
    %reshape3A_264 = vector.shape_cast %select_n3A_263 : vector<128x128xi32> to vector<128x128x1xi32>
    %gather3A_265 = vector.shape_cast %reshape3A_264 : vector<128x128x1xi32> to vector<128x128xi32>
    %gather3A_266 = tpu.dynamic_gather %broadcast_in_dim3A_256[%gather3A_265] in [1] : vector<128x128xf32>, vector<128x128xi32> -> vector<128x128xf32>
    %jit3A_267 = arith.constant 0.000000e+00 : f32
    %broadcast_in_dim3A_268 = vector.broadcast %jit3A_267 : f32 to vector<128x128xf32>
    %select_n3A_269 = arith.select %eq3A_251, %gather3A_266, %broadcast_in_dim3A_268 : vector<128x128xi1>, vector<128x128xf32>
    %add3A_270 = arith.addf %add3A_197, %select_n3A_269 : vector<128x128xf32>
    %slice3A_271 = vector.extract_strided_slice %get3A_30 {offsets = [3, 0], sizes = [1, 128], strides = [1, 1]} : vector<24x128xf32> to vector<1x128xf32>
    %broadcast_in_dim3A_272 = vector.shape_cast %slice3A_271 : vector<1x128xf32> to vector<1x128xf32>
    %broadcast_in_dim3A_273 = vector.broadcast %broadcast_in_dim3A_272 : vector<1x128xf32> to vector<128x128xf32>
    %lt3A_274 = arith.constant 0 : i32
    %lt3A_275 = vector.broadcast %lt3A_274 : i32 to vector<128x128xi32>
    %lt3A_276 = arith.cmpi slt, %and3A_25, %lt3A_275 : vector<128x128xi32>
    %add3A_277 = arith.constant 128 : i32
    %add3A_278 = vector.broadcast %add3A_277 : i32 to vector<128x128xi32>
    %add3A_279 = arith.addi %and3A_25, %add3A_278 : vector<128x128xi32>
    %select_n3A_280 = arith.select %lt3A_276, %add3A_279, %and3A_25 : vector<128x128xi1>, vector<128x128xi32>
    %reshape3A_281 = vector.shape_cast %select_n3A_280 : vector<128x128xi32> to vector<128x128x1xi32>
    %gather3A_282 = vector.shape_cast %reshape3A_281 : vector<128x128x1xi32> to vector<128x128xi32>
    %gather3A_283 = tpu.dynamic_gather %broadcast_in_dim3A_273[%gather3A_282] in [1] : vector<128x128xf32>, vector<128x128xi32> -> vector<128x128xf32>
    %jit3A_284 = arith.constant 0.000000e+00 : f32
    %broadcast_in_dim3A_285 = vector.broadcast %jit3A_284 : f32 to vector<128x128xf32>
    %select_n3A_286 = arith.select %eq3A_251, %gather3A_283, %broadcast_in_dim3A_285 : vector<128x128xi1>, vector<128x128xf32>
    %add3A_287 = arith.addf %add3A_214, %select_n3A_286 : vector<128x128xf32>
    %slice3A_288 = vector.extract_strided_slice %get3A_30 {offsets = [11, 0], sizes = [1, 128], strides = [1, 1]} : vector<24x128xf32> to vector<1x128xf32>
    %broadcast_in_dim3A_289 = vector.shape_cast %slice3A_288 : vector<1x128xf32> to vector<1x128xf32>
    %broadcast_in_dim3A_290 = vector.broadcast %broadcast_in_dim3A_289 : vector<1x128xf32> to vector<128x128xf32>
    %lt3A_291 = arith.constant 0 : i32
    %lt3A_292 = vector.broadcast %lt3A_291 : i32 to vector<128x128xi32>
    %lt3A_293 = arith.cmpi slt, %and3A_25, %lt3A_292 : vector<128x128xi32>
    %add3A_294 = arith.constant 128 : i32
    %add3A_295 = vector.broadcast %add3A_294 : i32 to vector<128x128xi32>
    %add3A_296 = arith.addi %and3A_25, %add3A_295 : vector<128x128xi32>
    %select_n3A_297 = arith.select %lt3A_293, %add3A_296, %and3A_25 : vector<128x128xi1>, vector<128x128xi32>
    %reshape3A_298 = vector.shape_cast %select_n3A_297 : vector<128x128xi32> to vector<128x128x1xi32>
    %gather3A_299 = vector.shape_cast %reshape3A_298 : vector<128x128x1xi32> to vector<128x128xi32>
    %gather3A_300 = tpu.dynamic_gather %broadcast_in_dim3A_290[%gather3A_299] in [1] : vector<128x128xf32>, vector<128x128xi32> -> vector<128x128xf32>
    %jit3A_301 = arith.constant 0.000000e+00 : f32
    %broadcast_in_dim3A_302 = vector.broadcast %jit3A_301 : f32 to vector<128x128xf32>
    %select_n3A_303 = arith.select %eq3A_251, %gather3A_300, %broadcast_in_dim3A_302 : vector<128x128xi1>, vector<128x128xf32>
    %add3A_304 = arith.addf %add3A_231, %select_n3A_303 : vector<128x128xf32>
    %slice3A_305 = vector.extract_strided_slice %get3A_30 {offsets = [19, 0], sizes = [1, 128], strides = [1, 1]} : vector<24x128xf32> to vector<1x128xf32>
    %broadcast_in_dim3A_306 = vector.shape_cast %slice3A_305 : vector<1x128xf32> to vector<1x128xf32>
    %broadcast_in_dim3A_307 = vector.broadcast %broadcast_in_dim3A_306 : vector<1x128xf32> to vector<128x128xf32>
    %lt3A_308 = arith.constant 0 : i32
    %lt3A_309 = vector.broadcast %lt3A_308 : i32 to vector<128x128xi32>
    %lt3A_310 = arith.cmpi slt, %and3A_25, %lt3A_309 : vector<128x128xi32>
    %add3A_311 = arith.constant 128 : i32
    %add3A_312 = vector.broadcast %add3A_311 : i32 to vector<128x128xi32>
    %add3A_313 = arith.addi %and3A_25, %add3A_312 : vector<128x128xi32>
    %select_n3A_314 = arith.select %lt3A_310, %add3A_313, %and3A_25 : vector<128x128xi1>, vector<128x128xi32>
    %reshape3A_315 = vector.shape_cast %select_n3A_314 : vector<128x128xi32> to vector<128x128x1xi32>
    %gather3A_316 = vector.shape_cast %reshape3A_315 : vector<128x128x1xi32> to vector<128x128xi32>
    %gather3A_317 = tpu.dynamic_gather %broadcast_in_dim3A_307[%gather3A_316] in [1] : vector<128x128xf32>, vector<128x128xi32> -> vector<128x128xf32>
    %jit3A_318 = arith.constant 0.000000e+00 : f32
    %broadcast_in_dim3A_319 = vector.broadcast %jit3A_318 : f32 to vector<128x128xf32>
    %select_n3A_320 = arith.select %eq3A_251, %gather3A_317, %broadcast_in_dim3A_319 : vector<128x128xi1>, vector<128x128xf32>
    %add3A_321 = arith.addf %add3A_248, %select_n3A_320 : vector<128x128xf32>
    %eq3A_322 = arith.constant 4 : i32
    %eq3A_323 = vector.broadcast %eq3A_322 : i32 to vector<128x128xi32>
    %eq3A_324 = arith.cmpi eq, %shift_right_arithmetic3A_23, %eq3A_323 : vector<128x128xi32>
    %slice3A_325 = vector.extract_strided_slice %get3A_3 {offsets = [512, 0], sizes = [128, 128], strides = [1, 1]} : vector<1024x128xf32> to vector<128x128xf32>
    %dot_general3A_326 = arith.constant dense<0.000000e+00> : vector<1x128xf32>
    %dot_general3A_327 = tpu.matmul %get3A_10, %slice3A_325, %dot_general3A_326 {dimension_numbers = #tpu.dot_dimension_numbers<[1], [1], [0], [0], [0, 0, 1, 0], [], []>, transpose_lhs_hint = false} : vector<1x128xf32>, vector<128x128xf32>, vector<1x128xf32> -> vector<1x128xf32>
    %broadcast_in_dim3A_328 = vector.shape_cast %dot_general3A_327 : vector<1x128xf32> to vector<1x128xf32>
    %broadcast_in_dim3A_329 = vector.broadcast %broadcast_in_dim3A_328 : vector<1x128xf32> to vector<128x128xf32>
    %lt3A_330 = arith.constant 0 : i32
    %lt3A_331 = vector.broadcast %lt3A_330 : i32 to vector<128x128xi32>
    %lt3A_332 = arith.cmpi slt, %and3A_25, %lt3A_331 : vector<128x128xi32>
    %add3A_333 = arith.constant 128 : i32
    %add3A_334 = vector.broadcast %add3A_333 : i32 to vector<128x128xi32>
    %add3A_335 = arith.addi %and3A_25, %add3A_334 : vector<128x128xi32>
    %select_n3A_336 = arith.select %lt3A_332, %add3A_335, %and3A_25 : vector<128x128xi1>, vector<128x128xi32>
    %reshape3A_337 = vector.shape_cast %select_n3A_336 : vector<128x128xi32> to vector<128x128x1xi32>
    %gather3A_338 = vector.shape_cast %reshape3A_337 : vector<128x128x1xi32> to vector<128x128xi32>
    %gather3A_339 = tpu.dynamic_gather %broadcast_in_dim3A_329[%gather3A_338] in [1] : vector<128x128xf32>, vector<128x128xi32> -> vector<128x128xf32>
    %jit3A_340 = arith.constant 0.000000e+00 : f32
    %broadcast_in_dim3A_341 = vector.broadcast %jit3A_340 : f32 to vector<128x128xf32>
    %select_n3A_342 = arith.select %eq3A_324, %gather3A_339, %broadcast_in_dim3A_341 : vector<128x128xi1>, vector<128x128xf32>
    %add3A_343 = arith.addf %add3A_270, %select_n3A_342 : vector<128x128xf32>
    %slice3A_344 = vector.extract_strided_slice %get3A_30 {offsets = [4, 0], sizes = [1, 128], strides = [1, 1]} : vector<24x128xf32> to vector<1x128xf32>
    %broadcast_in_dim3A_345 = vector.shape_cast %slice3A_344 : vector<1x128xf32> to vector<1x128xf32>
    %broadcast_in_dim3A_346 = vector.broadcast %broadcast_in_dim3A_345 : vector<1x128xf32> to vector<128x128xf32>
    %lt3A_347 = arith.constant 0 : i32
    %lt3A_348 = vector.broadcast %lt3A_347 : i32 to vector<128x128xi32>
    %lt3A_349 = arith.cmpi slt, %and3A_25, %lt3A_348 : vector<128x128xi32>
    %add3A_350 = arith.constant 128 : i32
    %add3A_351 = vector.broadcast %add3A_350 : i32 to vector<128x128xi32>
    %add3A_352 = arith.addi %and3A_25, %add3A_351 : vector<128x128xi32>
    %select_n3A_353 = arith.select %lt3A_349, %add3A_352, %and3A_25 : vector<128x128xi1>, vector<128x128xi32>
    %reshape3A_354 = vector.shape_cast %select_n3A_353 : vector<128x128xi32> to vector<128x128x1xi32>
    %gather3A_355 = vector.shape_cast %reshape3A_354 : vector<128x128x1xi32> to vector<128x128xi32>
    %gather3A_356 = tpu.dynamic_gather %broadcast_in_dim3A_346[%gather3A_355] in [1] : vector<128x128xf32>, vector<128x128xi32> -> vector<128x128xf32>
    %jit3A_357 = arith.constant 0.000000e+00 : f32
    %broadcast_in_dim3A_358 = vector.broadcast %jit3A_357 : f32 to vector<128x128xf32>
    %select_n3A_359 = arith.select %eq3A_324, %gather3A_356, %broadcast_in_dim3A_358 : vector<128x128xi1>, vector<128x128xf32>
    %add3A_360 = arith.addf %add3A_287, %select_n3A_359 : vector<128x128xf32>
    %slice3A_361 = vector.extract_strided_slice %get3A_30 {offsets = [12, 0], sizes = [1, 128], strides = [1, 1]} : vector<24x128xf32> to vector<1x128xf32>
    %broadcast_in_dim3A_362 = vector.shape_cast %slice3A_361 : vector<1x128xf32> to vector<1x128xf32>
    %broadcast_in_dim3A_363 = vector.broadcast %broadcast_in_dim3A_362 : vector<1x128xf32> to vector<128x128xf32>
    %lt3A_364 = arith.constant 0 : i32
    %lt3A_365 = vector.broadcast %lt3A_364 : i32 to vector<128x128xi32>
    %lt3A_366 = arith.cmpi slt, %and3A_25, %lt3A_365 : vector<128x128xi32>
    %add3A_367 = arith.constant 128 : i32
    %add3A_368 = vector.broadcast %add3A_367 : i32 to vector<128x128xi32>
    %add3A_369 = arith.addi %and3A_25, %add3A_368 : vector<128x128xi32>
    %select_n3A_370 = arith.select %lt3A_366, %add3A_369, %and3A_25 : vector<128x128xi1>, vector<128x128xi32>
    %reshape3A_371 = vector.shape_cast %select_n3A_370 : vector<128x128xi32> to vector<128x128x1xi32>
    %gather3A_372 = vector.shape_cast %reshape3A_371 : vector<128x128x1xi32> to vector<128x128xi32>
    %gather3A_373 = tpu.dynamic_gather %broadcast_in_dim3A_363[%gather3A_372] in [1] : vector<128x128xf32>, vector<128x128xi32> -> vector<128x128xf32>
    %jit3A_374 = arith.constant 0.000000e+00 : f32
    %broadcast_in_dim3A_375 = vector.broadcast %jit3A_374 : f32 to vector<128x128xf32>
    %select_n3A_376 = arith.select %eq3A_324, %gather3A_373, %broadcast_in_dim3A_375 : vector<128x128xi1>, vector<128x128xf32>
    %add3A_377 = arith.addf %add3A_304, %select_n3A_376 : vector<128x128xf32>
    %slice3A_378 = vector.extract_strided_slice %get3A_30 {offsets = [20, 0], sizes = [1, 128], strides = [1, 1]} : vector<24x128xf32> to vector<1x128xf32>
    %broadcast_in_dim3A_379 = vector.shape_cast %slice3A_378 : vector<1x128xf32> to vector<1x128xf32>
    %broadcast_in_dim3A_380 = vector.broadcast %broadcast_in_dim3A_379 : vector<1x128xf32> to vector<128x128xf32>
    %lt3A_381 = arith.constant 0 : i32
    %lt3A_382 = vector.broadcast %lt3A_381 : i32 to vector<128x128xi32>
    %lt3A_383 = arith.cmpi slt, %and3A_25, %lt3A_382 : vector<128x128xi32>
    %add3A_384 = arith.constant 128 : i32
    %add3A_385 = vector.broadcast %add3A_384 : i32 to vector<128x128xi32>
    %add3A_386 = arith.addi %and3A_25, %add3A_385 : vector<128x128xi32>
    %select_n3A_387 = arith.select %lt3A_383, %add3A_386, %and3A_25 : vector<128x128xi1>, vector<128x128xi32>
    %reshape3A_388 = vector.shape_cast %select_n3A_387 : vector<128x128xi32> to vector<128x128x1xi32>
    %gather3A_389 = vector.shape_cast %reshape3A_388 : vector<128x128x1xi32> to vector<128x128xi32>
    %gather3A_390 = tpu.dynamic_gather %broadcast_in_dim3A_380[%gather3A_389] in [1] : vector<128x128xf32>, vector<128x128xi32> -> vector<128x128xf32>
    %jit3A_391 = arith.constant 0.000000e+00 : f32
    %broadcast_in_dim3A_392 = vector.broadcast %jit3A_391 : f32 to vector<128x128xf32>
    %select_n3A_393 = arith.select %eq3A_324, %gather3A_390, %broadcast_in_dim3A_392 : vector<128x128xi1>, vector<128x128xf32>
    %add3A_394 = arith.addf %add3A_321, %select_n3A_393 : vector<128x128xf32>
    %eq3A_395 = arith.constant 5 : i32
    %eq3A_396 = vector.broadcast %eq3A_395 : i32 to vector<128x128xi32>
    %eq3A_397 = arith.cmpi eq, %shift_right_arithmetic3A_23, %eq3A_396 : vector<128x128xi32>
    %slice3A_398 = vector.extract_strided_slice %get3A_3 {offsets = [640, 0], sizes = [128, 128], strides = [1, 1]} : vector<1024x128xf32> to vector<128x128xf32>
    %dot_general3A_399 = arith.constant dense<0.000000e+00> : vector<1x128xf32>
    %dot_general3A_400 = tpu.matmul %get3A_10, %slice3A_398, %dot_general3A_399 {dimension_numbers = #tpu.dot_dimension_numbers<[1], [1], [0], [0], [0, 0, 1, 0], [], []>, transpose_lhs_hint = false} : vector<1x128xf32>, vector<128x128xf32>, vector<1x128xf32> -> vector<1x128xf32>
    %broadcast_in_dim3A_401 = vector.shape_cast %dot_general3A_400 : vector<1x128xf32> to vector<1x128xf32>
    %broadcast_in_dim3A_402 = vector.broadcast %broadcast_in_dim3A_401 : vector<1x128xf32> to vector<128x128xf32>
    %lt3A_403 = arith.constant 0 : i32
    %lt3A_404 = vector.broadcast %lt3A_403 : i32 to vector<128x128xi32>
    %lt3A_405 = arith.cmpi slt, %and3A_25, %lt3A_404 : vector<128x128xi32>
    %add3A_406 = arith.constant 128 : i32
    %add3A_407 = vector.broadcast %add3A_406 : i32 to vector<128x128xi32>
    %add3A_408 = arith.addi %and3A_25, %add3A_407 : vector<128x128xi32>
    %select_n3A_409 = arith.select %lt3A_405, %add3A_408, %and3A_25 : vector<128x128xi1>, vector<128x128xi32>
    %reshape3A_410 = vector.shape_cast %select_n3A_409 : vector<128x128xi32> to vector<128x128x1xi32>
    %gather3A_411 = vector.shape_cast %reshape3A_410 : vector<128x128x1xi32> to vector<128x128xi32>
    %gather3A_412 = tpu.dynamic_gather %broadcast_in_dim3A_402[%gather3A_411] in [1] : vector<128x128xf32>, vector<128x128xi32> -> vector<128x128xf32>
    %jit3A_413 = arith.constant 0.000000e+00 : f32
    %broadcast_in_dim3A_414 = vector.broadcast %jit3A_413 : f32 to vector<128x128xf32>
    %select_n3A_415 = arith.select %eq3A_397, %gather3A_412, %broadcast_in_dim3A_414 : vector<128x128xi1>, vector<128x128xf32>
    %add3A_416 = arith.addf %add3A_343, %select_n3A_415 : vector<128x128xf32>
    %slice3A_417 = vector.extract_strided_slice %get3A_30 {offsets = [5, 0], sizes = [1, 128], strides = [1, 1]} : vector<24x128xf32> to vector<1x128xf32>
    %broadcast_in_dim3A_418 = vector.shape_cast %slice3A_417 : vector<1x128xf32> to vector<1x128xf32>
    %broadcast_in_dim3A_419 = vector.broadcast %broadcast_in_dim3A_418 : vector<1x128xf32> to vector<128x128xf32>
    %lt3A_420 = arith.constant 0 : i32
    %lt3A_421 = vector.broadcast %lt3A_420 : i32 to vector<128x128xi32>
    %lt3A_422 = arith.cmpi slt, %and3A_25, %lt3A_421 : vector<128x128xi32>
    %add3A_423 = arith.constant 128 : i32
    %add3A_424 = vector.broadcast %add3A_423 : i32 to vector<128x128xi32>
    %add3A_425 = arith.addi %and3A_25, %add3A_424 : vector<128x128xi32>
    %select_n3A_426 = arith.select %lt3A_422, %add3A_425, %and3A_25 : vector<128x128xi1>, vector<128x128xi32>
    %reshape3A_427 = vector.shape_cast %select_n3A_426 : vector<128x128xi32> to vector<128x128x1xi32>
    %gather3A_428 = vector.shape_cast %reshape3A_427 : vector<128x128x1xi32> to vector<128x128xi32>
    %gather3A_429 = tpu.dynamic_gather %broadcast_in_dim3A_419[%gather3A_428] in [1] : vector<128x128xf32>, vector<128x128xi32> -> vector<128x128xf32>
    %jit3A_430 = arith.constant 0.000000e+00 : f32
    %broadcast_in_dim3A_431 = vector.broadcast %jit3A_430 : f32 to vector<128x128xf32>
    %select_n3A_432 = arith.select %eq3A_397, %gather3A_429, %broadcast_in_dim3A_431 : vector<128x128xi1>, vector<128x128xf32>
    %add3A_433 = arith.addf %add3A_360, %select_n3A_432 : vector<128x128xf32>
    %slice3A_434 = vector.extract_strided_slice %get3A_30 {offsets = [13, 0], sizes = [1, 128], strides = [1, 1]} : vector<24x128xf32> to vector<1x128xf32>
    %broadcast_in_dim3A_435 = vector.shape_cast %slice3A_434 : vector<1x128xf32> to vector<1x128xf32>
    %broadcast_in_dim3A_436 = vector.broadcast %broadcast_in_dim3A_435 : vector<1x128xf32> to vector<128x128xf32>
    %lt3A_437 = arith.constant 0 : i32
    %lt3A_438 = vector.broadcast %lt3A_437 : i32 to vector<128x128xi32>
    %lt3A_439 = arith.cmpi slt, %and3A_25, %lt3A_438 : vector<128x128xi32>
    %add3A_440 = arith.constant 128 : i32
    %add3A_441 = vector.broadcast %add3A_440 : i32 to vector<128x128xi32>
    %add3A_442 = arith.addi %and3A_25, %add3A_441 : vector<128x128xi32>
    %select_n3A_443 = arith.select %lt3A_439, %add3A_442, %and3A_25 : vector<128x128xi1>, vector<128x128xi32>
    %reshape3A_444 = vector.shape_cast %select_n3A_443 : vector<128x128xi32> to vector<128x128x1xi32>
    %gather3A_445 = vector.shape_cast %reshape3A_444 : vector<128x128x1xi32> to vector<128x128xi32>
    %gather3A_446 = tpu.dynamic_gather %broadcast_in_dim3A_436[%gather3A_445] in [1] : vector<128x128xf32>, vector<128x128xi32> -> vector<128x128xf32>
    %jit3A_447 = arith.constant 0.000000e+00 : f32
    %broadcast_in_dim3A_448 = vector.broadcast %jit3A_447 : f32 to vector<128x128xf32>
    %select_n3A_449 = arith.select %eq3A_397, %gather3A_446, %broadcast_in_dim3A_448 : vector<128x128xi1>, vector<128x128xf32>
    %add3A_450 = arith.addf %add3A_377, %select_n3A_449 : vector<128x128xf32>
    %slice3A_451 = vector.extract_strided_slice %get3A_30 {offsets = [21, 0], sizes = [1, 128], strides = [1, 1]} : vector<24x128xf32> to vector<1x128xf32>
    %broadcast_in_dim3A_452 = vector.shape_cast %slice3A_451 : vector<1x128xf32> to vector<1x128xf32>
    %broadcast_in_dim3A_453 = vector.broadcast %broadcast_in_dim3A_452 : vector<1x128xf32> to vector<128x128xf32>
    %lt3A_454 = arith.constant 0 : i32
    %lt3A_455 = vector.broadcast %lt3A_454 : i32 to vector<128x128xi32>
    %lt3A_456 = arith.cmpi slt, %and3A_25, %lt3A_455 : vector<128x128xi32>
    %add3A_457 = arith.constant 128 : i32
    %add3A_458 = vector.broadcast %add3A_457 : i32 to vector<128x128xi32>
    %add3A_459 = arith.addi %and3A_25, %add3A_458 : vector<128x128xi32>
    %select_n3A_460 = arith.select %lt3A_456, %add3A_459, %and3A_25 : vector<128x128xi1>, vector<128x128xi32>
    %reshape3A_461 = vector.shape_cast %select_n3A_460 : vector<128x128xi32> to vector<128x128x1xi32>
    %gather3A_462 = vector.shape_cast %reshape3A_461 : vector<128x128x1xi32> to vector<128x128xi32>
    %gather3A_463 = tpu.dynamic_gather %broadcast_in_dim3A_453[%gather3A_462] in [1] : vector<128x128xf32>, vector<128x128xi32> -> vector<128x128xf32>
    %jit3A_464 = arith.constant 0.000000e+00 : f32
    %broadcast_in_dim3A_465 = vector.broadcast %jit3A_464 : f32 to vector<128x128xf32>
    %select_n3A_466 = arith.select %eq3A_397, %gather3A_463, %broadcast_in_dim3A_465 : vector<128x128xi1>, vector<128x128xf32>
    %add3A_467 = arith.addf %add3A_394, %select_n3A_466 : vector<128x128xf32>
    %eq3A_468 = arith.constant 6 : i32
    %eq3A_469 = vector.broadcast %eq3A_468 : i32 to vector<128x128xi32>
    %eq3A_470 = arith.cmpi eq, %shift_right_arithmetic3A_23, %eq3A_469 : vector<128x128xi32>
    %slice3A_471 = vector.extract_strided_slice %get3A_3 {offsets = [768, 0], sizes = [128, 128], strides = [1, 1]} : vector<1024x128xf32> to vector<128x128xf32>
    %dot_general3A_472 = arith.constant dense<0.000000e+00> : vector<1x128xf32>
    %dot_general3A_473 = tpu.matmul %get3A_10, %slice3A_471, %dot_general3A_472 {dimension_numbers = #tpu.dot_dimension_numbers<[1], [1], [0], [0], [0, 0, 1, 0], [], []>, transpose_lhs_hint = false} : vector<1x128xf32>, vector<128x128xf32>, vector<1x128xf32> -> vector<1x128xf32>
    %broadcast_in_dim3A_474 = vector.shape_cast %dot_general3A_473 : vector<1x128xf32> to vector<1x128xf32>
    %broadcast_in_dim3A_475 = vector.broadcast %broadcast_in_dim3A_474 : vector<1x128xf32> to vector<128x128xf32>
    %lt3A_476 = arith.constant 0 : i32
    %lt3A_477 = vector.broadcast %lt3A_476 : i32 to vector<128x128xi32>
    %lt3A_478 = arith.cmpi slt, %and3A_25, %lt3A_477 : vector<128x128xi32>
    %add3A_479 = arith.constant 128 : i32
    %add3A_480 = vector.broadcast %add3A_479 : i32 to vector<128x128xi32>
    %add3A_481 = arith.addi %and3A_25, %add3A_480 : vector<128x128xi32>
    %select_n3A_482 = arith.select %lt3A_478, %add3A_481, %and3A_25 : vector<128x128xi1>, vector<128x128xi32>
    %reshape3A_483 = vector.shape_cast %select_n3A_482 : vector<128x128xi32> to vector<128x128x1xi32>
    %gather3A_484 = vector.shape_cast %reshape3A_483 : vector<128x128x1xi32> to vector<128x128xi32>
    %gather3A_485 = tpu.dynamic_gather %broadcast_in_dim3A_475[%gather3A_484] in [1] : vector<128x128xf32>, vector<128x128xi32> -> vector<128x128xf32>
    %jit3A_486 = arith.constant 0.000000e+00 : f32
    %broadcast_in_dim3A_487 = vector.broadcast %jit3A_486 : f32 to vector<128x128xf32>
    %select_n3A_488 = arith.select %eq3A_470, %gather3A_485, %broadcast_in_dim3A_487 : vector<128x128xi1>, vector<128x128xf32>
    %add3A_489 = arith.addf %add3A_416, %select_n3A_488 : vector<128x128xf32>
    %slice3A_490 = vector.extract_strided_slice %get3A_30 {offsets = [6, 0], sizes = [1, 128], strides = [1, 1]} : vector<24x128xf32> to vector<1x128xf32>
    %broadcast_in_dim3A_491 = vector.shape_cast %slice3A_490 : vector<1x128xf32> to vector<1x128xf32>
    %broadcast_in_dim3A_492 = vector.broadcast %broadcast_in_dim3A_491 : vector<1x128xf32> to vector<128x128xf32>
    %lt3A_493 = arith.constant 0 : i32
    %lt3A_494 = vector.broadcast %lt3A_493 : i32 to vector<128x128xi32>
    %lt3A_495 = arith.cmpi slt, %and3A_25, %lt3A_494 : vector<128x128xi32>
    %add3A_496 = arith.constant 128 : i32
    %add3A_497 = vector.broadcast %add3A_496 : i32 to vector<128x128xi32>
    %add3A_498 = arith.addi %and3A_25, %add3A_497 : vector<128x128xi32>
    %select_n3A_499 = arith.select %lt3A_495, %add3A_498, %and3A_25 : vector<128x128xi1>, vector<128x128xi32>
    %reshape3A_500 = vector.shape_cast %select_n3A_499 : vector<128x128xi32> to vector<128x128x1xi32>
    %gather3A_501 = vector.shape_cast %reshape3A_500 : vector<128x128x1xi32> to vector<128x128xi32>
    %gather3A_502 = tpu.dynamic_gather %broadcast_in_dim3A_492[%gather3A_501] in [1] : vector<128x128xf32>, vector<128x128xi32> -> vector<128x128xf32>
    %jit3A_503 = arith.constant 0.000000e+00 : f32
    %broadcast_in_dim3A_504 = vector.broadcast %jit3A_503 : f32 to vector<128x128xf32>
    %select_n3A_505 = arith.select %eq3A_470, %gather3A_502, %broadcast_in_dim3A_504 : vector<128x128xi1>, vector<128x128xf32>
    %add3A_506 = arith.addf %add3A_433, %select_n3A_505 : vector<128x128xf32>
    %slice3A_507 = vector.extract_strided_slice %get3A_30 {offsets = [14, 0], sizes = [1, 128], strides = [1, 1]} : vector<24x128xf32> to vector<1x128xf32>
    %broadcast_in_dim3A_508 = vector.shape_cast %slice3A_507 : vector<1x128xf32> to vector<1x128xf32>
    %broadcast_in_dim3A_509 = vector.broadcast %broadcast_in_dim3A_508 : vector<1x128xf32> to vector<128x128xf32>
    %lt3A_510 = arith.constant 0 : i32
    %lt3A_511 = vector.broadcast %lt3A_510 : i32 to vector<128x128xi32>
    %lt3A_512 = arith.cmpi slt, %and3A_25, %lt3A_511 : vector<128x128xi32>
    %add3A_513 = arith.constant 128 : i32
    %add3A_514 = vector.broadcast %add3A_513 : i32 to vector<128x128xi32>
    %add3A_515 = arith.addi %and3A_25, %add3A_514 : vector<128x128xi32>
    %select_n3A_516 = arith.select %lt3A_512, %add3A_515, %and3A_25 : vector<128x128xi1>, vector<128x128xi32>
    %reshape3A_517 = vector.shape_cast %select_n3A_516 : vector<128x128xi32> to vector<128x128x1xi32>
    %gather3A_518 = vector.shape_cast %reshape3A_517 : vector<128x128x1xi32> to vector<128x128xi32>
    %gather3A_519 = tpu.dynamic_gather %broadcast_in_dim3A_509[%gather3A_518] in [1] : vector<128x128xf32>, vector<128x128xi32> -> vector<128x128xf32>
    %jit3A_520 = arith.constant 0.000000e+00 : f32
    %broadcast_in_dim3A_521 = vector.broadcast %jit3A_520 : f32 to vector<128x128xf32>
    %select_n3A_522 = arith.select %eq3A_470, %gather3A_519, %broadcast_in_dim3A_521 : vector<128x128xi1>, vector<128x128xf32>
    %add3A_523 = arith.addf %add3A_450, %select_n3A_522 : vector<128x128xf32>
    %slice3A_524 = vector.extract_strided_slice %get3A_30 {offsets = [22, 0], sizes = [1, 128], strides = [1, 1]} : vector<24x128xf32> to vector<1x128xf32>
    %broadcast_in_dim3A_525 = vector.shape_cast %slice3A_524 : vector<1x128xf32> to vector<1x128xf32>
    %broadcast_in_dim3A_526 = vector.broadcast %broadcast_in_dim3A_525 : vector<1x128xf32> to vector<128x128xf32>
    %lt3A_527 = arith.constant 0 : i32
    %lt3A_528 = vector.broadcast %lt3A_527 : i32 to vector<128x128xi32>
    %lt3A_529 = arith.cmpi slt, %and3A_25, %lt3A_528 : vector<128x128xi32>
    %add3A_530 = arith.constant 128 : i32
    %add3A_531 = vector.broadcast %add3A_530 : i32 to vector<128x128xi32>
    %add3A_532 = arith.addi %and3A_25, %add3A_531 : vector<128x128xi32>
    %select_n3A_533 = arith.select %lt3A_529, %add3A_532, %and3A_25 : vector<128x128xi1>, vector<128x128xi32>
    %reshape3A_534 = vector.shape_cast %select_n3A_533 : vector<128x128xi32> to vector<128x128x1xi32>
    %gather3A_535 = vector.shape_cast %reshape3A_534 : vector<128x128x1xi32> to vector<128x128xi32>
    %gather3A_536 = tpu.dynamic_gather %broadcast_in_dim3A_526[%gather3A_535] in [1] : vector<128x128xf32>, vector<128x128xi32> -> vector<128x128xf32>
    %jit3A_537 = arith.constant 0.000000e+00 : f32
    %broadcast_in_dim3A_538 = vector.broadcast %jit3A_537 : f32 to vector<128x128xf32>
    %select_n3A_539 = arith.select %eq3A_470, %gather3A_536, %broadcast_in_dim3A_538 : vector<128x128xi1>, vector<128x128xf32>
    %add3A_540 = arith.addf %add3A_467, %select_n3A_539 : vector<128x128xf32>
    %eq3A_541 = arith.constant 7 : i32
    %eq3A_542 = vector.broadcast %eq3A_541 : i32 to vector<128x128xi32>
    %eq3A_543 = arith.cmpi eq, %shift_right_arithmetic3A_23, %eq3A_542 : vector<128x128xi32>
    %slice3A_544 = vector.extract_strided_slice %get3A_3 {offsets = [896, 0], sizes = [128, 128], strides = [1, 1]} : vector<1024x128xf32> to vector<128x128xf32>
    %dot_general3A_545 = arith.constant dense<0.000000e+00> : vector<1x128xf32>
    %dot_general3A_546 = tpu.matmul %get3A_10, %slice3A_544, %dot_general3A_545 {dimension_numbers = #tpu.dot_dimension_numbers<[1], [1], [0], [0], [0, 0, 1, 0], [], []>, transpose_lhs_hint = false} : vector<1x128xf32>, vector<128x128xf32>, vector<1x128xf32> -> vector<1x128xf32>
    %broadcast_in_dim3A_547 = vector.shape_cast %dot_general3A_546 : vector<1x128xf32> to vector<1x128xf32>
    %broadcast_in_dim3A_548 = vector.broadcast %broadcast_in_dim3A_547 : vector<1x128xf32> to vector<128x128xf32>
    %lt3A_549 = arith.constant 0 : i32
    %lt3A_550 = vector.broadcast %lt3A_549 : i32 to vector<128x128xi32>
    %lt3A_551 = arith.cmpi slt, %and3A_25, %lt3A_550 : vector<128x128xi32>
    %add3A_552 = arith.constant 128 : i32
    %add3A_553 = vector.broadcast %add3A_552 : i32 to vector<128x128xi32>
    %add3A_554 = arith.addi %and3A_25, %add3A_553 : vector<128x128xi32>
    %select_n3A_555 = arith.select %lt3A_551, %add3A_554, %and3A_25 : vector<128x128xi1>, vector<128x128xi32>
    %reshape3A_556 = vector.shape_cast %select_n3A_555 : vector<128x128xi32> to vector<128x128x1xi32>
    %gather3A_557 = vector.shape_cast %reshape3A_556 : vector<128x128x1xi32> to vector<128x128xi32>
    %gather3A_558 = tpu.dynamic_gather %broadcast_in_dim3A_548[%gather3A_557] in [1] : vector<128x128xf32>, vector<128x128xi32> -> vector<128x128xf32>
    %jit3A_559 = arith.constant 0.000000e+00 : f32
    %broadcast_in_dim3A_560 = vector.broadcast %jit3A_559 : f32 to vector<128x128xf32>
    %select_n3A_561 = arith.select %eq3A_543, %gather3A_558, %broadcast_in_dim3A_560 : vector<128x128xi1>, vector<128x128xf32>
    %add3A_562 = arith.addf %add3A_489, %select_n3A_561 : vector<128x128xf32>
    %slice3A_563 = vector.extract_strided_slice %get3A_30 {offsets = [7, 0], sizes = [1, 128], strides = [1, 1]} : vector<24x128xf32> to vector<1x128xf32>
    %broadcast_in_dim3A_564 = vector.shape_cast %slice3A_563 : vector<1x128xf32> to vector<1x128xf32>
    %broadcast_in_dim3A_565 = vector.broadcast %broadcast_in_dim3A_564 : vector<1x128xf32> to vector<128x128xf32>
    %lt3A_566 = arith.constant 0 : i32
    %lt3A_567 = vector.broadcast %lt3A_566 : i32 to vector<128x128xi32>
    %lt3A_568 = arith.cmpi slt, %and3A_25, %lt3A_567 : vector<128x128xi32>
    %add3A_569 = arith.constant 128 : i32
    %add3A_570 = vector.broadcast %add3A_569 : i32 to vector<128x128xi32>
    %add3A_571 = arith.addi %and3A_25, %add3A_570 : vector<128x128xi32>
    %select_n3A_572 = arith.select %lt3A_568, %add3A_571, %and3A_25 : vector<128x128xi1>, vector<128x128xi32>
    %reshape3A_573 = vector.shape_cast %select_n3A_572 : vector<128x128xi32> to vector<128x128x1xi32>
    %gather3A_574 = vector.shape_cast %reshape3A_573 : vector<128x128x1xi32> to vector<128x128xi32>
    %gather3A_575 = tpu.dynamic_gather %broadcast_in_dim3A_565[%gather3A_574] in [1] : vector<128x128xf32>, vector<128x128xi32> -> vector<128x128xf32>
    %jit3A_576 = arith.constant 0.000000e+00 : f32
    %broadcast_in_dim3A_577 = vector.broadcast %jit3A_576 : f32 to vector<128x128xf32>
    %select_n3A_578 = arith.select %eq3A_543, %gather3A_575, %broadcast_in_dim3A_577 : vector<128x128xi1>, vector<128x128xf32>
    %add3A_579 = arith.addf %add3A_506, %select_n3A_578 : vector<128x128xf32>
    %slice3A_580 = vector.extract_strided_slice %get3A_30 {offsets = [15, 0], sizes = [1, 128], strides = [1, 1]} : vector<24x128xf32> to vector<1x128xf32>
    %broadcast_in_dim3A_581 = vector.shape_cast %slice3A_580 : vector<1x128xf32> to vector<1x128xf32>
    %broadcast_in_dim3A_582 = vector.broadcast %broadcast_in_dim3A_581 : vector<1x128xf32> to vector<128x128xf32>
    %lt3A_583 = arith.constant 0 : i32
    %lt3A_584 = vector.broadcast %lt3A_583 : i32 to vector<128x128xi32>
    %lt3A_585 = arith.cmpi slt, %and3A_25, %lt3A_584 : vector<128x128xi32>
    %add3A_586 = arith.constant 128 : i32
    %add3A_587 = vector.broadcast %add3A_586 : i32 to vector<128x128xi32>
    %add3A_588 = arith.addi %and3A_25, %add3A_587 : vector<128x128xi32>
    %select_n3A_589 = arith.select %lt3A_585, %add3A_588, %and3A_25 : vector<128x128xi1>, vector<128x128xi32>
    %reshape3A_590 = vector.shape_cast %select_n3A_589 : vector<128x128xi32> to vector<128x128x1xi32>
    %gather3A_591 = vector.shape_cast %reshape3A_590 : vector<128x128x1xi32> to vector<128x128xi32>
    %gather3A_592 = tpu.dynamic_gather %broadcast_in_dim3A_582[%gather3A_591] in [1] : vector<128x128xf32>, vector<128x128xi32> -> vector<128x128xf32>
    %jit3A_593 = arith.constant 0.000000e+00 : f32
    %broadcast_in_dim3A_594 = vector.broadcast %jit3A_593 : f32 to vector<128x128xf32>
    %select_n3A_595 = arith.select %eq3A_543, %gather3A_592, %broadcast_in_dim3A_594 : vector<128x128xi1>, vector<128x128xf32>
    %add3A_596 = arith.addf %add3A_523, %select_n3A_595 : vector<128x128xf32>
    %slice3A_597 = vector.extract_strided_slice %get3A_30 {offsets = [23, 0], sizes = [1, 128], strides = [1, 1]} : vector<24x128xf32> to vector<1x128xf32>
    %broadcast_in_dim3A_598 = vector.shape_cast %slice3A_597 : vector<1x128xf32> to vector<1x128xf32>
    %broadcast_in_dim3A_599 = vector.broadcast %broadcast_in_dim3A_598 : vector<1x128xf32> to vector<128x128xf32>
    %lt3A_600 = arith.constant 0 : i32
    %lt3A_601 = vector.broadcast %lt3A_600 : i32 to vector<128x128xi32>
    %lt3A_602 = arith.cmpi slt, %and3A_25, %lt3A_601 : vector<128x128xi32>
    %add3A_603 = arith.constant 128 : i32
    %add3A_604 = vector.broadcast %add3A_603 : i32 to vector<128x128xi32>
    %add3A_605 = arith.addi %and3A_25, %add3A_604 : vector<128x128xi32>
    %select_n3A_606 = arith.select %lt3A_602, %add3A_605, %and3A_25 : vector<128x128xi1>, vector<128x128xi32>
    %reshape3A_607 = vector.shape_cast %select_n3A_606 : vector<128x128xi32> to vector<128x128x1xi32>
    %gather3A_608 = vector.shape_cast %reshape3A_607 : vector<128x128x1xi32> to vector<128x128xi32>
    %gather3A_609 = tpu.dynamic_gather %broadcast_in_dim3A_599[%gather3A_608] in [1] : vector<128x128xf32>, vector<128x128xi32> -> vector<128x128xf32>
    %jit3A_610 = arith.constant 0.000000e+00 : f32
    %broadcast_in_dim3A_611 = vector.broadcast %jit3A_610 : f32 to vector<128x128xf32>
    %select_n3A_612 = arith.select %eq3A_543, %gather3A_609, %broadcast_in_dim3A_611 : vector<128x128xi1>, vector<128x128xf32>
    %add3A_613 = arith.addf %add3A_540, %select_n3A_612 : vector<128x128xf32>
    %get3A_614 = arith.constant 0 : index
    %get3A_615 = arith.constant 0 : index
    %get3A_616 = arith.constant 0 : index
    %get3A_617 = vector.load %arg4[%get3A_614, %get3A_615, %get3A_616] : memref<1x128x3xf32, #tpu.memory_space<vmem>>, vector<1x128x3xf32>
    %get3A_618 = vector.shape_cast %get3A_617 : vector<1x128x3xf32> to vector<128x3xf32>
    %slice3A_619 = vector.extract_strided_slice %get3A_618 {offsets = [0, 0], sizes = [128, 1], strides = [1, 1]} : vector<128x3xf32> to vector<128x1xf32>
    %sub3A = vector.broadcast %slice3A_619 : vector<128x1xf32> to vector<128x128xf32>
    %sub3A_620 = arith.subf %sub3A, %add3A_579 : vector<128x128xf32>
    %convert_element_type3A = arith.truncf %sub3A_620 : vector<128x128xf32> to vector<128x128xbf16>
    %slice3A_621 = vector.extract_strided_slice %get3A_618 {offsets = [0, 1], sizes = [128, 1], strides = [1, 1]} : vector<128x3xf32> to vector<128x1xf32>
    %sub3A_622 = vector.broadcast %slice3A_621 : vector<128x1xf32> to vector<128x128xf32>
    %sub3A_623 = arith.subf %sub3A_622, %add3A_596 : vector<128x128xf32>
    %convert_element_type3A_624 = arith.truncf %sub3A_623 : vector<128x128xf32> to vector<128x128xbf16>
    %slice3A_625 = vector.extract_strided_slice %get3A_618 {offsets = [0, 2], sizes = [128, 1], strides = [1, 1]} : vector<128x3xf32> to vector<128x1xf32>
    %sub3A_626 = vector.broadcast %slice3A_625 : vector<128x1xf32> to vector<128x128xf32>
    %sub3A_627 = arith.subf %sub3A_626, %add3A_613 : vector<128x128xf32>
    %convert_element_type3A_628 = arith.truncf %sub3A_627 : vector<128x128xf32> to vector<128x128xbf16>
    %get3A_629 = arith.constant 0 : index
    %get3A_630 = arith.constant 0 : index
    %get3A_631 = vector.load %arg11[%get3A_629, %get3A_630] : memref<3x128xf32, #tpu.memory_space<vmem>>, vector<3x128xf32>
    %convert_element_type3A_632 = arith.truncf %get3A_631 : vector<3x128xf32> to vector<3x128xbf16>
    %get3A_633 = arith.constant 0 : index
    %get3A_634 = arith.constant 0 : index
    %get3A_635 = vector.load %arg12[%get3A_633, %get3A_634] : memref<1x128xf32, #tpu.memory_space<vmem>>, vector<1x128xf32>
    %convert_element_type3A_636 = arith.truncf %get3A_635 : vector<1x128xf32> to vector<1x128xbf16>
    %squeeze3A = vector.shape_cast %convert_element_type3A_636 : vector<1x128xbf16> to vector<128xbf16>
    %broadcast_in_dim3A_637 = vector.shape_cast %squeeze3A : vector<128xbf16> to vector<1x1x128xbf16>
    %broadcast_in_dim3A_638 = vector.shape_cast %convert_element_type3A_628 : vector<128x128xbf16> to vector<128x128x1xbf16>
    %slice3A_639 = vector.extract_strided_slice %convert_element_type3A_632 {offsets = [2, 0], sizes = [1, 128], strides = [1, 1]} : vector<3x128xbf16> to vector<1x128xbf16>
    %squeeze3A_640 = vector.shape_cast %slice3A_639 : vector<1x128xbf16> to vector<128xbf16>
    %broadcast_in_dim3A_641 = vector.shape_cast %squeeze3A_640 : vector<128xbf16> to vector<1x1x128xbf16>
    %mul3A = vector.broadcast %broadcast_in_dim3A_638 : vector<128x128x1xbf16> to vector<128x128x128xbf16>
    %mul3A_642 = vector.broadcast %broadcast_in_dim3A_641 : vector<1x1x128xbf16> to vector<128x128x128xbf16>
    %mul3A_643 = arith.mulf %mul3A, %mul3A_642 : vector<128x128x128xbf16>
    %add3A_644 = vector.broadcast %broadcast_in_dim3A_637 : vector<1x1x128xbf16> to vector<128x128x128xbf16>
    %add3A_645 = arith.addf %add3A_644, %mul3A_643 : vector<128x128x128xbf16>
    %broadcast_in_dim3A_646 = vector.shape_cast %convert_element_type3A_624 : vector<128x128xbf16> to vector<128x128x1xbf16>
    %slice3A_647 = vector.extract_strided_slice %convert_element_type3A_632 {offsets = [1, 0], sizes = [1, 128], strides = [1, 1]} : vector<3x128xbf16> to vector<1x128xbf16>
    %squeeze3A_648 = vector.shape_cast %slice3A_647 : vector<1x128xbf16> to vector<128xbf16>
    %broadcast_in_dim3A_649 = vector.shape_cast %squeeze3A_648 : vector<128xbf16> to vector<1x1x128xbf16>
    %mul3A_650 = vector.broadcast %broadcast_in_dim3A_646 : vector<128x128x1xbf16> to vector<128x128x128xbf16>
    %mul3A_651 = vector.broadcast %broadcast_in_dim3A_649 : vector<1x1x128xbf16> to vector<128x128x128xbf16>
    %mul3A_652 = arith.mulf %mul3A_650, %mul3A_651 : vector<128x128x128xbf16>
    %add3A_653 = arith.addf %add3A_645, %mul3A_652 : vector<128x128x128xbf16>
    %broadcast_in_dim3A_654 = vector.shape_cast %convert_element_type3A : vector<128x128xbf16> to vector<128x128x1xbf16>
    %slice3A_655 = vector.extract_strided_slice %convert_element_type3A_632 {offsets = [0, 0], sizes = [1, 128], strides = [1, 1]} : vector<3x128xbf16> to vector<1x128xbf16>
    %squeeze3A_656 = vector.shape_cast %slice3A_655 : vector<1x128xbf16> to vector<128xbf16>
    %broadcast_in_dim3A_657 = vector.shape_cast %squeeze3A_656 : vector<128xbf16> to vector<1x1x128xbf16>
    %mul3A_658 = vector.broadcast %broadcast_in_dim3A_654 : vector<128x128x1xbf16> to vector<128x128x128xbf16>
    %mul3A_659 = vector.broadcast %broadcast_in_dim3A_657 : vector<1x1x128xbf16> to vector<128x128x128xbf16>
    %mul3A_660 = arith.mulf %mul3A_658, %mul3A_659 : vector<128x128x128xbf16>
    %add3A_661 = arith.addf %add3A_653, %mul3A_660 : vector<128x128x128xbf16>
    %max3A = arith.constant 0.000000e+00 : bf16
    %max3A_662 = vector.broadcast %max3A : bf16 to vector<128x128x128xbf16>
    %max3A_663 = arith.maximumf %add3A_661, %max3A_662 : vector<128x128x128xbf16>
    %convert_element_type3A_664 = arith.truncf %get3A_13 : vector<1x128xf32> to vector<1x128xbf16>
    %squeeze3A_665 = vector.shape_cast %convert_element_type3A_664 : vector<1x128xbf16> to vector<128xbf16>
    %broadcast_in_dim3A_666 = vector.shape_cast %squeeze3A_665 : vector<128xbf16> to vector<1x1x128xbf16>
    %mul3A_667 = vector.broadcast %broadcast_in_dim3A_666 : vector<1x1x128xbf16> to vector<128x128x128xbf16>
    %mul3A_668 = arith.mulf %max3A_663, %mul3A_667 : vector<128x128x128xbf16>
    %convert_element_type3A_669 = arith.extf %mul3A_668 : vector<128x128x128xbf16> to vector<128x128x128xf32>
    %reduce_sum3A = arith.constant dense<0.000000e+00> : vector<128x128xf32>
    %reduce_sum3A_670 = vector.multi_reduction <add>, %convert_element_type3A_669, %reduce_sum3A [2] : vector<128x128x128xf32> to vector<128x128xf32>
    %sub3A_671 = arith.subf %reduce_sum3A_670, %add3A_562 : vector<128x128xf32>
    %reduce_max3A = arith.constant dense<0xFF800000> : vector<128xf32>
    %reduce_max3A_672 = vector.multi_reduction <maximumf>, %sub3A_671, %reduce_max3A [1] : vector<128x128xf32> to vector<128xf32>
    %broadcast_in_dim3A_673 = vector.shape_cast %reduce_max3A_672 : vector<128xf32> to vector<128x1xf32>
    %sub3A_674 = vector.broadcast %broadcast_in_dim3A_673 : vector<128x1xf32> to vector<128x128xf32>
    %sub3A_675 = arith.subf %sub3A_671, %sub3A_674 : vector<128x128xf32>
    %exp3A = math.exp %sub3A_675 : vector<128x128xf32>
    %reduce_sum3A_676 = arith.constant dense<0.000000e+00> : vector<128xf32>
    %reduce_sum3A_677 = vector.multi_reduction <add>, %exp3A, %reduce_sum3A_676 [1] : vector<128x128xf32> to vector<128xf32>
    %broadcast_in_dim3A_678 = vector.shape_cast %reduce_sum3A_677 : vector<128xf32> to vector<128x1xf32>
    %div3A = vector.broadcast %broadcast_in_dim3A_678 : vector<128x1xf32> to vector<128x128xf32>
    %div3A_679 = arith.divf %exp3A, %div3A : vector<128x128xf32>
    %convert_element_type3A_680 = arith.truncf %div3A_679 : vector<128x128xf32> to vector<128x128xbf16>
    %broadcast_in_dim3A_681 = vector.shape_cast %convert_element_type3A_680 : vector<128x128xbf16> to vector<128x128x1xbf16>
    %mul3A_682 = vector.broadcast %broadcast_in_dim3A_681 : vector<128x128x1xbf16> to vector<128x128x128xbf16>
    %mul3A_683 = arith.mulf %mul3A_682, %max3A_663 : vector<128x128x128xbf16>
    %convert_element_type3A_684 = arith.extf %mul3A_683 : vector<128x128x128xbf16> to vector<128x128x128xf32>
    %reduce_sum3A_685 = arith.constant dense<0.000000e+00> : vector<128x128xf32>
    %reduce_sum3A_686 = vector.multi_reduction <add>, %convert_element_type3A_684, %reduce_sum3A_685 [1] : vector<128x128x128xf32> to vector<128x128xf32>
    %get3A_687 = arith.constant 0 : index
    %get3A_688 = arith.constant 0 : index
    %get3A_689 = arith.constant 0 : index
    %get3A_690 = vector.load %arg7[%get3A_687, %get3A_688, %get3A_689] : memref<1x128x1024xi32, #tpu.memory_space<vmem>>, vector<1x128x1024xi32>
    %get3A_691 = vector.shape_cast %get3A_690 : vector<1x128x1024xi32> to vector<128x1024xi32>
    %broadcast_in_dim3A_692 = arith.constant 0.000000e+00 : f32
    %broadcast_in_dim3A_693 = vector.broadcast %broadcast_in_dim3A_692 : f32 to vector<128x128xf32>
    %slice3A_694 = vector.extract_strided_slice %get3A_691 {offsets = [0, 0], sizes = [128, 128], strides = [1, 1]} : vector<128x1024xi32> to vector<128x128xi32>
    %ge3A = arith.constant 0 : i32
    %ge3A_695 = vector.broadcast %ge3A : i32 to vector<128x128xi32>
    %ge3A_696 = arith.cmpi sge, %slice3A_694, %ge3A_695 : vector<128x128xi32>
    %max3A_697 = arith.constant 0 : i32
    %max3A_698 = vector.broadcast %max3A_697 : i32 to vector<128x128xi32>
    %max3A_699 = arith.maxsi %slice3A_694, %max3A_698 : vector<128x128xi32>
    %lt3A_700 = arith.constant 0 : i32
    %lt3A_701 = vector.broadcast %lt3A_700 : i32 to vector<128x128xi32>
    %lt3A_702 = arith.cmpi slt, %max3A_699, %lt3A_701 : vector<128x128xi32>
    %add3A_703 = arith.constant 128 : i32
    %add3A_704 = vector.broadcast %add3A_703 : i32 to vector<128x128xi32>
    %add3A_705 = arith.addi %max3A_699, %add3A_704 : vector<128x128xi32>
    %select_n3A_706 = arith.select %lt3A_702, %add3A_705, %max3A_699 : vector<128x128xi1>, vector<128x128xi32>
    %reshape3A_707 = vector.shape_cast %select_n3A_706 : vector<128x128xi32> to vector<128x128x1xi32>
    %gather3A_708 = vector.shape_cast %reshape3A_707 : vector<128x128x1xi32> to vector<128x128xi32>
    %gather3A_709 = tpu.dynamic_gather %div3A_679[%gather3A_708] in [1] : vector<128x128xf32>, vector<128x128xi32> -> vector<128x128xf32>
    %jit3A_710 = arith.constant 0.000000e+00 : f32
    %broadcast_in_dim3A_711 = vector.broadcast %jit3A_710 : f32 to vector<128x128xf32>
    %select_n3A_712 = arith.select %ge3A_696, %gather3A_709, %broadcast_in_dim3A_711 : vector<128x128xi1>, vector<128x128xf32>
    %slice3A_713 = vector.extract_strided_slice %dot_general3A_7 {offsets = [0, 0], sizes = [128, 128], strides = [1, 1]} : vector<1024x128xf32> to vector<128x128xf32>
    %dot_general3A_714 = arith.constant dense<0.000000e+00> : vector<128x128xf32>
    %dot_general3A_715 = tpu.matmul %select_n3A_712, %slice3A_713, %dot_general3A_714 {dimension_numbers = #tpu.dot_dimension_numbers<[1], [0], [0], [1], [0, 0, 1, 1], [], []>, transpose_lhs_hint = false} : vector<128x128xf32>, vector<128x128xf32>, vector<128x128xf32> -> vector<128x128xf32>
    %add3A_716 = arith.addf %broadcast_in_dim3A_693, %dot_general3A_715 : vector<128x128xf32>
    %slice3A_717 = vector.extract_strided_slice %get3A_691 {offsets = [0, 128], sizes = [128, 128], strides = [1, 1]} : vector<128x1024xi32> to vector<128x128xi32>
    %ge3A_718 = arith.constant 0 : i32
    %ge3A_719 = vector.broadcast %ge3A_718 : i32 to vector<128x128xi32>
    %ge3A_720 = arith.cmpi sge, %slice3A_717, %ge3A_719 : vector<128x128xi32>
    %max3A_721 = arith.constant 0 : i32
    %max3A_722 = vector.broadcast %max3A_721 : i32 to vector<128x128xi32>
    %max3A_723 = arith.maxsi %slice3A_717, %max3A_722 : vector<128x128xi32>
    %lt3A_724 = arith.constant 0 : i32
    %lt3A_725 = vector.broadcast %lt3A_724 : i32 to vector<128x128xi32>
    %lt3A_726 = arith.cmpi slt, %max3A_723, %lt3A_725 : vector<128x128xi32>
    %add3A_727 = arith.constant 128 : i32
    %add3A_728 = vector.broadcast %add3A_727 : i32 to vector<128x128xi32>
    %add3A_729 = arith.addi %max3A_723, %add3A_728 : vector<128x128xi32>
    %select_n3A_730 = arith.select %lt3A_726, %add3A_729, %max3A_723 : vector<128x128xi1>, vector<128x128xi32>
    %reshape3A_731 = vector.shape_cast %select_n3A_730 : vector<128x128xi32> to vector<128x128x1xi32>
    %gather3A_732 = vector.shape_cast %reshape3A_731 : vector<128x128x1xi32> to vector<128x128xi32>
    %gather3A_733 = tpu.dynamic_gather %div3A_679[%gather3A_732] in [1] : vector<128x128xf32>, vector<128x128xi32> -> vector<128x128xf32>
    %jit3A_734 = arith.constant 0.000000e+00 : f32
    %broadcast_in_dim3A_735 = vector.broadcast %jit3A_734 : f32 to vector<128x128xf32>
    %select_n3A_736 = arith.select %ge3A_720, %gather3A_733, %broadcast_in_dim3A_735 : vector<128x128xi1>, vector<128x128xf32>
    %slice3A_737 = vector.extract_strided_slice %dot_general3A_7 {offsets = [128, 0], sizes = [128, 128], strides = [1, 1]} : vector<1024x128xf32> to vector<128x128xf32>
    %dot_general3A_738 = arith.constant dense<0.000000e+00> : vector<128x128xf32>
    %dot_general3A_739 = tpu.matmul %select_n3A_736, %slice3A_737, %dot_general3A_738 {dimension_numbers = #tpu.dot_dimension_numbers<[1], [0], [0], [1], [0, 0, 1, 1], [], []>, transpose_lhs_hint = false} : vector<128x128xf32>, vector<128x128xf32>, vector<128x128xf32> -> vector<128x128xf32>
    %add3A_740 = arith.addf %add3A_716, %dot_general3A_739 : vector<128x128xf32>
    %slice3A_741 = vector.extract_strided_slice %get3A_691 {offsets = [0, 256], sizes = [128, 128], strides = [1, 1]} : vector<128x1024xi32> to vector<128x128xi32>
    %ge3A_742 = arith.constant 0 : i32
    %ge3A_743 = vector.broadcast %ge3A_742 : i32 to vector<128x128xi32>
    %ge3A_744 = arith.cmpi sge, %slice3A_741, %ge3A_743 : vector<128x128xi32>
    %max3A_745 = arith.constant 0 : i32
    %max3A_746 = vector.broadcast %max3A_745 : i32 to vector<128x128xi32>
    %max3A_747 = arith.maxsi %slice3A_741, %max3A_746 : vector<128x128xi32>
    %lt3A_748 = arith.constant 0 : i32
    %lt3A_749 = vector.broadcast %lt3A_748 : i32 to vector<128x128xi32>
    %lt3A_750 = arith.cmpi slt, %max3A_747, %lt3A_749 : vector<128x128xi32>
    %add3A_751 = arith.constant 128 : i32
    %add3A_752 = vector.broadcast %add3A_751 : i32 to vector<128x128xi32>
    %add3A_753 = arith.addi %max3A_747, %add3A_752 : vector<128x128xi32>
    %select_n3A_754 = arith.select %lt3A_750, %add3A_753, %max3A_747 : vector<128x128xi1>, vector<128x128xi32>
    %reshape3A_755 = vector.shape_cast %select_n3A_754 : vector<128x128xi32> to vector<128x128x1xi32>
    %gather3A_756 = vector.shape_cast %reshape3A_755 : vector<128x128x1xi32> to vector<128x128xi32>
    %gather3A_757 = tpu.dynamic_gather %div3A_679[%gather3A_756] in [1] : vector<128x128xf32>, vector<128x128xi32> -> vector<128x128xf32>
    %jit3A_758 = arith.constant 0.000000e+00 : f32
    %broadcast_in_dim3A_759 = vector.broadcast %jit3A_758 : f32 to vector<128x128xf32>
    %select_n3A_760 = arith.select %ge3A_744, %gather3A_757, %broadcast_in_dim3A_759 : vector<128x128xi1>, vector<128x128xf32>
    %slice3A_761 = vector.extract_strided_slice %dot_general3A_7 {offsets = [256, 0], sizes = [128, 128], strides = [1, 1]} : vector<1024x128xf32> to vector<128x128xf32>
    %dot_general3A_762 = arith.constant dense<0.000000e+00> : vector<128x128xf32>
    %dot_general3A_763 = tpu.matmul %select_n3A_760, %slice3A_761, %dot_general3A_762 {dimension_numbers = #tpu.dot_dimension_numbers<[1], [0], [0], [1], [0, 0, 1, 1], [], []>, transpose_lhs_hint = false} : vector<128x128xf32>, vector<128x128xf32>, vector<128x128xf32> -> vector<128x128xf32>
    %add3A_764 = arith.addf %add3A_740, %dot_general3A_763 : vector<128x128xf32>
    %slice3A_765 = vector.extract_strided_slice %get3A_691 {offsets = [0, 384], sizes = [128, 128], strides = [1, 1]} : vector<128x1024xi32> to vector<128x128xi32>
    %ge3A_766 = arith.constant 0 : i32
    %ge3A_767 = vector.broadcast %ge3A_766 : i32 to vector<128x128xi32>
    %ge3A_768 = arith.cmpi sge, %slice3A_765, %ge3A_767 : vector<128x128xi32>
    %max3A_769 = arith.constant 0 : i32
    %max3A_770 = vector.broadcast %max3A_769 : i32 to vector<128x128xi32>
    %max3A_771 = arith.maxsi %slice3A_765, %max3A_770 : vector<128x128xi32>
    %lt3A_772 = arith.constant 0 : i32
    %lt3A_773 = vector.broadcast %lt3A_772 : i32 to vector<128x128xi32>
    %lt3A_774 = arith.cmpi slt, %max3A_771, %lt3A_773 : vector<128x128xi32>
    %add3A_775 = arith.constant 128 : i32
    %add3A_776 = vector.broadcast %add3A_775 : i32 to vector<128x128xi32>
    %add3A_777 = arith.addi %max3A_771, %add3A_776 : vector<128x128xi32>
    %select_n3A_778 = arith.select %lt3A_774, %add3A_777, %max3A_771 : vector<128x128xi1>, vector<128x128xi32>
    %reshape3A_779 = vector.shape_cast %select_n3A_778 : vector<128x128xi32> to vector<128x128x1xi32>
    %gather3A_780 = vector.shape_cast %reshape3A_779 : vector<128x128x1xi32> to vector<128x128xi32>
    %gather3A_781 = tpu.dynamic_gather %div3A_679[%gather3A_780] in [1] : vector<128x128xf32>, vector<128x128xi32> -> vector<128x128xf32>
    %jit3A_782 = arith.constant 0.000000e+00 : f32
    %broadcast_in_dim3A_783 = vector.broadcast %jit3A_782 : f32 to vector<128x128xf32>
    %select_n3A_784 = arith.select %ge3A_768, %gather3A_781, %broadcast_in_dim3A_783 : vector<128x128xi1>, vector<128x128xf32>
    %slice3A_785 = vector.extract_strided_slice %dot_general3A_7 {offsets = [384, 0], sizes = [128, 128], strides = [1, 1]} : vector<1024x128xf32> to vector<128x128xf32>
    %dot_general3A_786 = arith.constant dense<0.000000e+00> : vector<128x128xf32>
    %dot_general3A_787 = tpu.matmul %select_n3A_784, %slice3A_785, %dot_general3A_786 {dimension_numbers = #tpu.dot_dimension_numbers<[1], [0], [0], [1], [0, 0, 1, 1], [], []>, transpose_lhs_hint = false} : vector<128x128xf32>, vector<128x128xf32>, vector<128x128xf32> -> vector<128x128xf32>
    %add3A_788 = arith.addf %add3A_764, %dot_general3A_787 : vector<128x128xf32>
    %slice3A_789 = vector.extract_strided_slice %get3A_691 {offsets = [0, 512], sizes = [128, 128], strides = [1, 1]} : vector<128x1024xi32> to vector<128x128xi32>
    %ge3A_790 = arith.constant 0 : i32
    %ge3A_791 = vector.broadcast %ge3A_790 : i32 to vector<128x128xi32>
    %ge3A_792 = arith.cmpi sge, %slice3A_789, %ge3A_791 : vector<128x128xi32>
    %max3A_793 = arith.constant 0 : i32
    %max3A_794 = vector.broadcast %max3A_793 : i32 to vector<128x128xi32>
    %max3A_795 = arith.maxsi %slice3A_789, %max3A_794 : vector<128x128xi32>
    %lt3A_796 = arith.constant 0 : i32
    %lt3A_797 = vector.broadcast %lt3A_796 : i32 to vector<128x128xi32>
    %lt3A_798 = arith.cmpi slt, %max3A_795, %lt3A_797 : vector<128x128xi32>
    %add3A_799 = arith.constant 128 : i32
    %add3A_800 = vector.broadcast %add3A_799 : i32 to vector<128x128xi32>
    %add3A_801 = arith.addi %max3A_795, %add3A_800 : vector<128x128xi32>
    %select_n3A_802 = arith.select %lt3A_798, %add3A_801, %max3A_795 : vector<128x128xi1>, vector<128x128xi32>
    %reshape3A_803 = vector.shape_cast %select_n3A_802 : vector<128x128xi32> to vector<128x128x1xi32>
    %gather3A_804 = vector.shape_cast %reshape3A_803 : vector<128x128x1xi32> to vector<128x128xi32>
    %gather3A_805 = tpu.dynamic_gather %div3A_679[%gather3A_804] in [1] : vector<128x128xf32>, vector<128x128xi32> -> vector<128x128xf32>
    %jit3A_806 = arith.constant 0.000000e+00 : f32
    %broadcast_in_dim3A_807 = vector.broadcast %jit3A_806 : f32 to vector<128x128xf32>
    %select_n3A_808 = arith.select %ge3A_792, %gather3A_805, %broadcast_in_dim3A_807 : vector<128x128xi1>, vector<128x128xf32>
    %slice3A_809 = vector.extract_strided_slice %dot_general3A_7 {offsets = [512, 0], sizes = [128, 128], strides = [1, 1]} : vector<1024x128xf32> to vector<128x128xf32>
    %dot_general3A_810 = arith.constant dense<0.000000e+00> : vector<128x128xf32>
    %dot_general3A_811 = tpu.matmul %select_n3A_808, %slice3A_809, %dot_general3A_810 {dimension_numbers = #tpu.dot_dimension_numbers<[1], [0], [0], [1], [0, 0, 1, 1], [], []>, transpose_lhs_hint = false} : vector<128x128xf32>, vector<128x128xf32>, vector<128x128xf32> -> vector<128x128xf32>
    %add3A_812 = arith.addf %add3A_788, %dot_general3A_811 : vector<128x128xf32>
    %slice3A_813 = vector.extract_strided_slice %get3A_691 {offsets = [0, 640], sizes = [128, 128], strides = [1, 1]} : vector<128x1024xi32> to vector<128x128xi32>
    %ge3A_814 = arith.constant 0 : i32
    %ge3A_815 = vector.broadcast %ge3A_814 : i32 to vector<128x128xi32>
    %ge3A_816 = arith.cmpi sge, %slice3A_813, %ge3A_815 : vector<128x128xi32>
    %max3A_817 = arith.constant 0 : i32
    %max3A_818 = vector.broadcast %max3A_817 : i32 to vector<128x128xi32>
    %max3A_819 = arith.maxsi %slice3A_813, %max3A_818 : vector<128x128xi32>
    %lt3A_820 = arith.constant 0 : i32
    %lt3A_821 = vector.broadcast %lt3A_820 : i32 to vector<128x128xi32>
    %lt3A_822 = arith.cmpi slt, %max3A_819, %lt3A_821 : vector<128x128xi32>
    %add3A_823 = arith.constant 128 : i32
    %add3A_824 = vector.broadcast %add3A_823 : i32 to vector<128x128xi32>
    %add3A_825 = arith.addi %max3A_819, %add3A_824 : vector<128x128xi32>
    %select_n3A_826 = arith.select %lt3A_822, %add3A_825, %max3A_819 : vector<128x128xi1>, vector<128x128xi32>
    %reshape3A_827 = vector.shape_cast %select_n3A_826 : vector<128x128xi32> to vector<128x128x1xi32>
    %gather3A_828 = vector.shape_cast %reshape3A_827 : vector<128x128x1xi32> to vector<128x128xi32>
    %gather3A_829 = tpu.dynamic_gather %div3A_679[%gather3A_828] in [1] : vector<128x128xf32>, vector<128x128xi32> -> vector<128x128xf32>
    %jit3A_830 = arith.constant 0.000000e+00 : f32
    %broadcast_in_dim3A_831 = vector.broadcast %jit3A_830 : f32 to vector<128x128xf32>
    %select_n3A_832 = arith.select %ge3A_816, %gather3A_829, %broadcast_in_dim3A_831 : vector<128x128xi1>, vector<128x128xf32>
    %slice3A_833 = vector.extract_strided_slice %dot_general3A_7 {offsets = [640, 0], sizes = [128, 128], strides = [1, 1]} : vector<1024x128xf32> to vector<128x128xf32>
    %dot_general3A_834 = arith.constant dense<0.000000e+00> : vector<128x128xf32>
    %dot_general3A_835 = tpu.matmul %select_n3A_832, %slice3A_833, %dot_general3A_834 {dimension_numbers = #tpu.dot_dimension_numbers<[1], [0], [0], [1], [0, 0, 1, 1], [], []>, transpose_lhs_hint = false} : vector<128x128xf32>, vector<128x128xf32>, vector<128x128xf32> -> vector<128x128xf32>
    %add3A_836 = arith.addf %add3A_812, %dot_general3A_835 : vector<128x128xf32>
    %slice3A_837 = vector.extract_strided_slice %get3A_691 {offsets = [0, 768], sizes = [128, 128], strides = [1, 1]} : vector<128x1024xi32> to vector<128x128xi32>
    %ge3A_838 = arith.constant 0 : i32
    %ge3A_839 = vector.broadcast %ge3A_838 : i32 to vector<128x128xi32>
    %ge3A_840 = arith.cmpi sge, %slice3A_837, %ge3A_839 : vector<128x128xi32>
    %max3A_841 = arith.constant 0 : i32
    %max3A_842 = vector.broadcast %max3A_841 : i32 to vector<128x128xi32>
    %max3A_843 = arith.maxsi %slice3A_837, %max3A_842 : vector<128x128xi32>
    %lt3A_844 = arith.constant 0 : i32
    %lt3A_845 = vector.broadcast %lt3A_844 : i32 to vector<128x128xi32>
    %lt3A_846 = arith.cmpi slt, %max3A_843, %lt3A_845 : vector<128x128xi32>
    %add3A_847 = arith.constant 128 : i32
    %add3A_848 = vector.broadcast %add3A_847 : i32 to vector<128x128xi32>
    %add3A_849 = arith.addi %max3A_843, %add3A_848 : vector<128x128xi32>
    %select_n3A_850 = arith.select %lt3A_846, %add3A_849, %max3A_843 : vector<128x128xi1>, vector<128x128xi32>
    %reshape3A_851 = vector.shape_cast %select_n3A_850 : vector<128x128xi32> to vector<128x128x1xi32>
    %gather3A_852 = vector.shape_cast %reshape3A_851 : vector<128x128x1xi32> to vector<128x128xi32>
    %gather3A_853 = tpu.dynamic_gather %div3A_679[%gather3A_852] in [1] : vector<128x128xf32>, vector<128x128xi32> -> vector<128x128xf32>
    %jit3A_854 = arith.constant 0.000000e+00 : f32
    %broadcast_in_dim3A_855 = vector.broadcast %jit3A_854 : f32 to vector<128x128xf32>
    %select_n3A_856 = arith.select %ge3A_840, %gather3A_853, %broadcast_in_dim3A_855 : vector<128x128xi1>, vector<128x128xf32>
    %slice3A_857 = vector.extract_strided_slice %dot_general3A_7 {offsets = [768, 0], sizes = [128, 128], strides = [1, 1]} : vector<1024x128xf32> to vector<128x128xf32>
    %dot_general3A_858 = arith.constant dense<0.000000e+00> : vector<128x128xf32>
    %dot_general3A_859 = tpu.matmul %select_n3A_856, %slice3A_857, %dot_general3A_858 {dimension_numbers = #tpu.dot_dimension_numbers<[1], [0], [0], [1], [0, 0, 1, 1], [], []>, transpose_lhs_hint = false} : vector<128x128xf32>, vector<128x128xf32>, vector<128x128xf32> -> vector<128x128xf32>
    %add3A_860 = arith.addf %add3A_836, %dot_general3A_859 : vector<128x128xf32>
    %slice3A_861 = vector.extract_strided_slice %get3A_691 {offsets = [0, 896], sizes = [128, 128], strides = [1, 1]} : vector<128x1024xi32> to vector<128x128xi32>
    %ge3A_862 = arith.constant 0 : i32
    %ge3A_863 = vector.broadcast %ge3A_862 : i32 to vector<128x128xi32>
    %ge3A_864 = arith.cmpi sge, %slice3A_861, %ge3A_863 : vector<128x128xi32>
    %max3A_865 = arith.constant 0 : i32
    %max3A_866 = vector.broadcast %max3A_865 : i32 to vector<128x128xi32>
    %max3A_867 = arith.maxsi %slice3A_861, %max3A_866 : vector<128x128xi32>
    %lt3A_868 = arith.constant 0 : i32
    %lt3A_869 = vector.broadcast %lt3A_868 : i32 to vector<128x128xi32>
    %lt3A_870 = arith.cmpi slt, %max3A_867, %lt3A_869 : vector<128x128xi32>
    %add3A_871 = arith.constant 128 : i32
    %add3A_872 = vector.broadcast %add3A_871 : i32 to vector<128x128xi32>
    %add3A_873 = arith.addi %max3A_867, %add3A_872 : vector<128x128xi32>
    %select_n3A_874 = arith.select %lt3A_870, %add3A_873, %max3A_867 : vector<128x128xi1>, vector<128x128xi32>
    %reshape3A_875 = vector.shape_cast %select_n3A_874 : vector<128x128xi32> to vector<128x128x1xi32>
    %gather3A_876 = vector.shape_cast %reshape3A_875 : vector<128x128x1xi32> to vector<128x128xi32>
    %gather3A_877 = tpu.dynamic_gather %div3A_679[%gather3A_876] in [1] : vector<128x128xf32>, vector<128x128xi32> -> vector<128x128xf32>
    %jit3A_878 = arith.constant 0.000000e+00 : f32
    %broadcast_in_dim3A_879 = vector.broadcast %jit3A_878 : f32 to vector<128x128xf32>
    %select_n3A_880 = arith.select %ge3A_864, %gather3A_877, %broadcast_in_dim3A_879 : vector<128x128xi1>, vector<128x128xf32>
    %slice3A_881 = vector.extract_strided_slice %dot_general3A_7 {offsets = [896, 0], sizes = [128, 128], strides = [1, 1]} : vector<1024x128xf32> to vector<128x128xf32>
    %dot_general3A_882 = arith.constant dense<0.000000e+00> : vector<128x128xf32>
    %dot_general3A_883 = tpu.matmul %select_n3A_880, %slice3A_881, %dot_general3A_882 {dimension_numbers = #tpu.dot_dimension_numbers<[1], [0], [0], [1], [0, 0, 1, 1], [], []>, transpose_lhs_hint = false} : vector<128x128xf32>, vector<128x128xf32>, vector<128x128xf32> -> vector<128x128xf32>
    %add3A_884 = arith.addf %add3A_860, %dot_general3A_883 : vector<128x128xf32>
    %get3A_885 = arith.constant 0 : index
    %get3A_886 = arith.constant 0 : index
    %get3A_887 = vector.load %arg9[%get3A_885, %get3A_886] : memref<128x128xf32, #tpu.memory_space<vmem>>, vector<128x128xf32>
    %dot_general3A_888 = arith.constant dense<0.000000e+00> : vector<128x128xf32>
    %dot_general3A_889 = tpu.matmul %reduce_sum3A_686, %get3A_887, %dot_general3A_888 {dimension_numbers = #tpu.dot_dimension_numbers<[1], [0], [0], [1], [0, 0, 1, 1], [], []>, transpose_lhs_hint = false} : vector<128x128xf32>, vector<128x128xf32>, vector<128x128xf32> -> vector<128x128xf32>
    %add3A_890 = arith.addf %add3A_884, %dot_general3A_889 : vector<128x128xf32>
    %add3A_891 = vector.broadcast %get3A_16 : vector<1x128xf32> to vector<128x128xf32>
    %add3A_892 = arith.addf %add3A_890, %add3A_891 : vector<128x128xf32>
    %get3A_893 = arith.constant 0 : index
    %get3A_894 = arith.constant 0 : index
    %get3A_895 = arith.constant 0 : index
    %get3A_896 = vector.load %arg3[%get3A_893, %get3A_894, %get3A_895] : memref<1x128x128xf32, #tpu.memory_space<vmem>>, vector<1x128x128xf32>
    %get3A_897 = vector.shape_cast %get3A_896 : vector<1x128x128xf32> to vector<128x128xf32>
    %get3A_898 = arith.constant 0 : index
    %get3A_899 = arith.constant 0 : index
    %get3A_900 = vector.load %arg13[%get3A_898, %get3A_899] : memref<1x1xf32, #tpu.memory_space<vmem>>, vector<1x1xf32>
    %mul3A_901 = vector.broadcast %get3A_900 : vector<1x1xf32> to vector<128x128xf32>
    %mul3A_902 = arith.mulf %mul3A_901, %add3A_892 : vector<128x128xf32>
    %add3A_903 = arith.addf %get3A_897, %mul3A_902 : vector<128x128xf32>
    %swap3A = arith.constant 0 : index
    %swap3A_904 = arith.constant 0 : index
    %swap3A_905 = arith.constant 0 : index
    %swap3A_906 = vector.load %arg14[%swap3A, %swap3A_904, %swap3A_905] : memref<1x128x128xf32, #tpu.memory_space<vmem>>, vector<1x128x128xf32>
    %swap3A_907 = vector.shape_cast %swap3A_906 : vector<1x128x128xf32> to vector<128x128xf32>
    %swap3A_908 = vector.shape_cast %add3A_903 : vector<128x128xf32> to vector<1x128x128xf32>
    tpu.vector_store %arg14[%swap3A, %swap3A_904, %swap3A_905], %swap3A_908 {strides = array<i32>} : memref<1x128x128xf32, #tpu.memory_space<vmem>>, vector<1x128x128xf32>,
    return
  }
  func.func @transform_0(%arg0: i32, %arg1: i32) -> (i32, i32, i32) {
    %c0_i32 = arith.constant 0 : i32
    %c0_i32_0 = arith.constant 0 : i32
    %c0_i32_1 = arith.constant 0 : i32
    return %arg0, %c0_i32, %c0_i32_0 : i32, i32, i32
  }
  func.func @transform_1(%arg0: i32, %arg1: i32) -> (i32, i32, i32) {
    %c0_i32 = arith.constant 0 : i32
    %c0_i32_0 = arith.constant 0 : i32
    return %arg0, %arg1, %c0_i32 : i32, i32, i32
  }
  func.func @transform_2(%arg0: i32, %arg1: i32) -> (i32, i32, i32) {
    %c0_i32 = arith.constant 0 : i32
    %c0_i32_0 = arith.constant 0 : i32
    return %arg0, %arg1, %c0_i32 : i32, i32, i32
  }
  func.func @transform_3(%arg0: i32, %arg1: i32) -> (i32, i32, i32) {
    %c0_i32 = arith.constant 0 : i32
    %c0_i32_0 = arith.constant 0 : i32
    %c0_i32_1 = arith.constant 0 : i32
    return %arg0, %c0_i32, %c0_i32_0 : i32, i32, i32
  }
  func.func @transform_4(%arg0: i32, %arg1: i32) -> (i32, i32, i32) {
    %c0_i32 = arith.constant 0 : i32
    %c0_i32_0 = arith.constant 0 : i32
    return %arg0, %arg1, %c0_i32 : i32, i32, i32
  }
  func.func @transform_5(%arg0: i32, %arg1: i32) -> (i32, i32, i32) {
    %c0_i32 = arith.constant 0 : i32
    %c0_i32_0 = arith.constant 0 : i32
    return %arg0, %arg1, %c0_i32 : i32, i32, i32
  }
  func.func @transform_6(%arg0: i32, %arg1: i32) -> (i32, i32) {
    %c0_i32 = arith.constant 0 : i32
    %c0_i32_0 = arith.constant 0 : i32
    %c0_i32_1 = arith.constant 0 : i32
    return %c0_i32, %c0_i32_0 : i32, i32
  }
  func.func @transform_7(%arg0: i32, %arg1: i32) -> (i32, i32) {
    %c0_i32 = arith.constant 0 : i32
    %c0_i32_0 = arith.constant 0 : i32
    %c0_i32_1 = arith.constant 0 : i32
    return %c0_i32, %c0_i32_0 : i32, i32
  }
  func.func @transform_8(%arg0: i32, %arg1: i32) -> (i32, i32) {
    %c0_i32 = arith.constant 0 : i32
    %c0_i32_0 = arith.constant 0 : i32
    %c0_i32_1 = arith.constant 0 : i32
    return %c0_i32, %c0_i32_0 : i32, i32
  }
  func.func @transform_9(%arg0: i32, %arg1: i32) -> (i32, i32) {
    %c0_i32 = arith.constant 0 : i32
    %c0_i32_0 = arith.constant 0 : i32
    %c0_i32_1 = arith.constant 0 : i32
    return %c0_i32, %c0_i32_0 : i32, i32
  }
  func.func @transform_10(%arg0: i32, %arg1: i32) -> (i32, i32) {
    %c0_i32 = arith.constant 0 : i32
    %c0_i32_0 = arith.constant 0 : i32
    %c0_i32_1 = arith.constant 0 : i32
    return %c0_i32, %c0_i32_0 : i32, i32
  }
  func.func @transform_11(%arg0: i32, %arg1: i32) -> (i32, i32) {
    %c0_i32 = arith.constant 0 : i32
    %c0_i32_0 = arith.constant 0 : i32
    %c0_i32_1 = arith.constant 0 : i32
    return %c0_i32, %c0_i32_0 : i32, i32
  }
  func.func @transform_12(%arg0: i32, %arg1: i32) -> (i32, i32, i32) {
    %c0_i32 = arith.constant 0 : i32
    %c0_i32_0 = arith.constant 0 : i32
    return %arg0, %arg1, %c0_i32 : i32, i32, i32
  }
}

</mosaic_0001>

<sc_bundles>
// kernel: kernel.9.cloned.1.call-start
scs
__scs_entry_jumppad:
0x0: {  	(pc) =	sbr.rel $0x88, $3  }
0x1: {  	(tag) =	ssettag $0x0;
	lr =	simm.s32 $0x1  }
0x2: {  	[smem:$0x3F77] =	sst lr;
	_ =	strace $0xD0000000  }
0x3: {  	_ = 	snop  }
0x4: {  	_ = 	snop  }
0x5: {  	_ = 	snop  }
0x6: {  	_ = 	snop  }
0x7: {  	_ = 	snop  }
__scs_overlays_trampoline_lowered:
0x8: {  	[smem:$0x3F86] =	sst s0  }
0x9: {  	[smem:$0x3F87] =	sst s1  }
0xa: {  	[smem:$0x3F88] =	sst s2  }
0xb: {  	[smem:$0x3F89] =	sst s3  }
0xc: {  	[smem:$0x3F8A] =	sst s4  }
0xd: {  	[smem:$0x3F8B] =	sst s5  }
0xe: {  	[smem:$0x3F8C] =	sst s6  }
0xf: {  	[smem:$0x3F8D] =	sst s7  }
0x10: {  	[smem:$0x3F8E] =	sst s8  }
0x11: {  	[smem:$0x3F8F] =	sst s9;
	s0 =	simm.s32 @!p0 $0x0  }
0x12: {  	s1 =	sld [smem:$0x3F75];
	s0 =	simm.s32 @p0 $0x1  }
0x13: {  	[smem:$0x3F90] =	sst s0;
	s0 =	simm.s32 @!p1 $0x0  }
0x14: {  	s2 =	sld [smem:$0x3F74];
	s0 =	simm.s32 @p1 $0x1  }
0x15: {  	[smem:$0x3F91] =	sst s0;
	s0 =	simm.s32 @!p2 $0x0  }
0x16: {  	s3 =	sld [smem:$0x3FDB];
	s0 =	simm.s32 @p2 $0x1  }
0x17: {  	s4 =	simm.s32 $0x1BF5;
	[smem:$0x3F93] =	sst s0  }
0x18: {  	s0 =	sld [smem:$0x3F76];
	_ =	swait.ge [sflag:s4], $0x0  }
0x19: {  	s7 =	sld [smem:$0x3F77]  }
0x1a: {  	s8 =	sadd.s32 $0xFFFFE003, lr  }
0x1b: {  	s9 =	sadd.s32 $0xFFFFFEF7, lr;
	s5 =	simm.s32 $0xFFFFFFFF;
	p2 =	slt.u32 s8, $0xFFFFF086  }
0x1c: {  	p1 =	slt.u32 s9, $0xF7A;
	s5 =	simm.s32 @!p2 $0x0  }
0x1d: {  	s5 =	simm.s32 @p1 $0x1;
	p0 =	seq.s32 s7, s2  }
0x1e: {  	s7 =	smul.u32 @!p0 $0xF7A, s2;
	p2 =	seq.s32 @!p0 s5, $0x0  }
0x1f: {  	s9 =	smul.u32 $0xF7A, s1;
	s8 =	simm.s32 @!p0 $0x1BF5;
	p2 =	por !p2, p0  }
0x20: {  	[sflag:s8] =	ssyncset.s32 @!p0 $0xFFFFF086;
	s6 =	sadd.s32 @!p0 s3, s7;
	s7 =	simm.s32 @!p0 $0x108  }
0x21: {  	s3 =	sadd.s32 s3, s9;
	s6 =	sadd.s32 @!p0 $0x88, s6;
	s7 =	simm.s32 @p2 $0x1082  }
0x22: {  	[simem:s7], [sflag:s8] =	dma.local @!p0 [hbm:s6], $0xF7A  }
0x23: {  	s9 =	sor.u32 $0xD0000000, s2;
	s6 =	simm.s32 $0x108;
	_ =	swait.ge @!p0 [sflag:s8], $0x0  }
0x24: {  	s3 =	sadd.s32 $0x88, s3;
	s6 =	simm.s32 @!p1 $0x1082;
	[sflag:s4] =	ssyncset.s32 $0xFFFFF086  }
0x25: {  	[simem:s6], [sflag:s4] =	dma.local [hbm:s3], $0xF7A  }
0x26: {  	[smem:$0x3F77] =	sst s1;
	(tag) =	ssettag s2;
	_ =	strace s9  }
0x27: {  	s1 =	sld [smem:$0x3F87]  }
0x28: {  	s2 =	sld [smem:$0x3F88]  }
0x29: {  	s4 =	sld [smem:$0x3F8A]  }
0x2a: {  	p0 =	seq.s32 s5, $0x0;
	s5 =	sld [smem:$0x3F8B]  }
0x2b: {  	s6 =	sld [smem:$0x3F8C]  }
0x2c: {  	s7 =	sld [smem:$0x3F8D]  }
0x2d: {  	s3 =	simm.s32 $0x108;
	s8 =	sld [smem:$0x3F8E]  }
0x2e: {  	s3 =	simm.s32 @!p0 $0x1082;
	s9 =	sld [smem:$0x3F8F]  }
0x2f: {  	lr =	sadd.s32 s0, s3;
	s0 =	sld [smem:$0x3F86]  }
0x30: {  	s3 =	sld [smem:$0x3F89]  }
0x31: {  	[smem:$0x3F92] =	sst s10  }
0x32: {  	s10 =	sld [smem:$0x3F90];
	_ =	sdelay $0x3  }
0x33: {  	p0 =	seq.s32 s10, $0x1;
	s10 =	sld [smem:$0x3F92];
	_ =	sdelay $0x3  }
0x34: {  	[smem:$0x3F92] =	sst s10  }
0x35: {  	s10 =	sld [smem:$0x3F91];
	_ =	sdelay $0x3  }
0x36: {  	p1 =	seq.s32 s10, $0x1;
	s10 =	sld [smem:$0x3F92];
	_ =	sdelay $0x3  }
0x37: {  	[smem:$0x3F92] =	sst s10  }
0x38: {  	s10 =	sld [smem:$0x3F93]  }
0x39: {  	_ = 	snop;
	(pc) =	sbr.ind lr, $3  }
0x3a: {  	_ = 	snop  }
0x3b: {  	_ = 	snop  }
0x3c: {  	p2 =	seq.s32 s10, $0x1;
	s10 =	sld [smem:$0x3F92]  }
0x3d: {  	_ =	shalt  }
0x3e: {  	_ =	shalt  }
0x3f: {  	_ =	shalt  }
0x40: {  	_ =	shalt  }
0x41: {  	_ =	shalt  }
0x42: {  	_ =	shalt  }
0x43: {  	_ =	shalt  }
0x44: {  	_ =	shalt  }
0x45: {  	_ =	shalt  }
0x46: {  	_ =	shalt  }
0x47: {  	_ =	shalt  }
0x48: {  	_ =	shalt  }
0x49: {  	_ =	shalt  }
0x4a: {  	_ =	shalt  }
0x4b: {  	_ =	shalt  }
0x4c: {  	_ =	shalt  }
0x4d: {  	_ =	shalt  }
0x4e: {  	_ =	shalt  }
0x4f: {  	_ =	shalt  }
0x50: {  	_ =	shalt  }
0x51: {  	_ =	shalt  }
0x52: {  	_ =	shalt  }
0x53: {  	_ =	shalt  }
0x54: {  	_ =	shalt  }
0x55: {  	_ =	shalt  }
0x56: {  	_ =	shalt  }
0x57: {  	_ =	shalt  }
0x58: {  	_ =	shalt  }
0x59: {  	_ =	shalt  }
0x5a: {  	_ =	shalt  }
0x5b: {  	_ =	shalt  }
0x5c: {  	_ =	shalt  }
0x5d: {  	_ =	shalt  }
0x5e: {  	_ =	shalt  }
0x5f: {  	_ =	shalt  }
0x60: {  	_ =	shalt  }
0x61: {  	_ =	shalt  }
0x62: {  	_ =	shalt  }
0x63: {  	_ =	shalt  }
0x64: {  	_ =	shalt  }
0x65: {  	_ =	shalt  }
0x66: {  	_ =	shalt  }
0x67: {  	_ =	shalt  }
0x68: {  	_ =	shalt  }
0x69: {  	_ =	shalt  }
0x6a: {  	_ =	shalt  }
0x6b: {  	_ =	shalt  }
0x6c: {  	_ =	shalt  }
0x6d: {  	_ =	shalt  }
0x6e: {  	_ =	shalt  }
0x6f: {  	_ =	shalt  }
0x70: {  	_ =	shalt  }
0x71: {  	_ =	shalt  }
0x72: {  	_ =	shalt  }
0x73: {  	_ =	shalt  }
0x74: {  	_ =	shalt  }
0x75: {  	_ =	shalt  }
0x76: {  	_ =	shalt  }
0x77: {  	_ =	shalt  }
0x78: {  	_ =	shalt  }
0x79: {  	_ =	shalt  }
0x7a: {  	_ =	shalt  }
0x7b: {  	_ =	shalt  }
0x7c: {  	_ =	shalt  }
0x7d: {  	_ =	shalt  }
0x7e: {  	_ =	shalt  }
0x7f: {  	_ =	shalt  }
0x80: {  	_ =	shalt  }
0x81: {  	_ =	shalt  }
0x82: {  	_ =	shalt  }
0x83: {  	_ =	shalt  }
0x84: {  	_ =	shalt  }
0x85: {  	_ =	shalt  }
0x86: {  	_ =	shalt  }
0x87: {  	_ =	shalt  }
.Lfunc_end0:
.L_simem_size_0:
called_computation_lowered:
.L_overlay_start_0:
0x88: {  	s2 =	sld [smem:$0x3FD9]  }
0x89: {  	s3 =	sld [smem:$0x3FFE];
	_ =	sdelay $0x1  }
0x8a: {  	s1 =	srdreg.scid  }
0x8b: {  	s0 =	sand.u32 $0x1, s1  }
0x8c: {  	s17 =	sshll.u32 s0, $0xA;
	s2 =	sadd.s32 s3, s2  }
0x8d: {  	s2 =	sadd.s32 s2, s17  }
0x8e: {  	[smem:$0x3F9E] =	sst s2  }
0x8f: {  	_ = 	snop  }
0x90: {  	s2 =	sld [smem:$0x3FD0];
	(tm) =	ssettm $0x1  }
0x91: {  	s18 =	sld [smem:$0x3FFB];
	_ =	sdelay $0x3  }
0x92: {  	_ =	strace s18  }
0x93: {  	s3 =	sld [smem:$0x3FFC];
	_ =	sdelay $0x3  }
0x94: {  	_ =	strace s3  }
0x95: {  	s3 =	sld [smem:$0x3FFD];
	_ =	sdelay $0x3  }
0x96: {  	_ =	strace s3  }
0x97: {  	_ =	strace $0x8FFFFFFF  }
0x98: {  	s19 =	sld [smem:$0x3FDB];
	_ =	sdelay $0x1  }
0x99: {  	s4 =	simm.s32 $_scs_section_size  }
0x9a: {  	s5 =	simm.s32 $_size__tile_overlayer_lowered;
	s6 =	simm.s32 $_tile_overlayer_lowered  }
0x9b: {  	s22 =	simm.s32 $0x1BFF;
	s21 =	sshll.u32 s6, $0x1;
	s3 =	sadd.s32 s4, s19  }
0x9c: {  	s7 =	simm.s32 $0x0;
	s20 =	sshll.u32 s5, $0x1;
	s5 =	sadd.s32 s21, s3  }
0x9d: {  	[timem:s7], [sflag:s22] =	dma.local [hbm:s5], s20  }
0x9e: {  	_ =	swait.ge [sflag:s22], s20  }
0x9f: {  	s4 =	ssub.s32 $0x0, s20;
	[sflag:s22] =	ssyncset.done $0x0  }
0xa0: {  	[sflag:s22] =	ssyncadd.s32 s4;
	_ =	sdelay $0x1  }
0xa1: {  	s23 =	simm.s32 $0x1B8B  }
0xa2: {  	_ =	swait.ge [sflag:s23], $0x1  }
0xa3: {  	[sflag:s23] =	ssyncset.done $0x0  }
0xa4: {  	s25 =	simm.s32 $0x1B8E;
	s24 =	sld [smem:$0x3FFE];
	[sflag:s23] =	ssyncadd.s32 $0xFFFFFFFF  }
0xa5: {  	s26 =	simm.s32 $execute0_lowered;
	[smem:$0x3FD2] =	sst s25  }
0xa6: {  	s5 =	sshll.u32 s26, $0x1;
	_ =	strace $0x80000046;
	[dreg:$0x1] =	wrdreg $0xFFFFFFFF  }
0xa7: {  	s28 =	simm.s32 $_size_execute0_lowered;
	s3 =	sadd.s32 s3, s5;
	[dreg:$0x0] =	wrdreg $0x0  }
0xa8: {  	s5 =	sshll.u32 s28, $0x1;
	[dreg:$0x2] =	wrdreg s3  }
0xa9: {  	[dreg:$0x3] =	wrdreg s5  }
0xaa: {  	[dreg:$0x4] =	wrdreg $0xC0  }
0xab: {  	_ =	task [dreg:s7], $0x5FFFF  }
0xac: {  	[dreg:$0x1] =	wrdreg $0xFFFFFFFF  }
0xad: {  	[dreg:$0x0] =	wrdreg $0x60  }
0xae: {  	[dreg:$0x2] =	wrdreg s24  }
0xaf: {  	[dreg:$0x3] =	wrdreg s2  }
0xb0: {  	[dreg:$0x4] =	wrdreg $0x9  }
0xb1: {  	_ =	task.clear_ibuf [dreg:s7], $0x5FFFF;
	_ =	strace $0x90000046  }
0xb2: {  	s29 =	simm.s32 $0x9;
	_ =	strace $0x80000048  }
0xb3: {  	_ =	swait.ge [sflag:s29], $0x1  }
0xb4: {  	[sflag:s29] =	ssyncadd.s32 $0xFFFFFFFF  }
0xb5: {  	_ =	strace $0x90000048  }
0xb6: {  	_ =	sfence  }
0xb7: {  	s30 =	sld [smem:$0x0];
	_ =	sdelay $0x2  }
0xb8: {  	s31 =	sshll.u32 s1, $0xD;
	s1 =	sshrl.u32 s1, $0x2  }
0xb9: {  	s3 =	sand.u32 $0x4000, s31;
	s1 =	sadd.s32 s1, s30  }
0xba: {  	s0 =	sor.u32 s3, s0;
	s1 =	sshll.u32 s1, $0x11  }
0xbb: {  	s0 =	sor.u32 s1, s0  }
0xbc: {  	s0 =	sadd.s32 $0x8F2B, s0  }
0xbd: {  	[sflag:s0] =	ssyncadd.remote.s32 $0x1  }
0xbe: {  	_ =	sfence.sel $0xFFFF  }
0xbf: {  	[dreg:$0x0] =	wrdreg $0xFFFFFFFF;
	(pc) =	sbr.abs _section_cstart, $3  }
0xc0: {  	[dreg:$0x1] =	wrdreg $0xFFFFFFFF  }
0xc1: {  	_ =	task.clear_ibuf [dreg:s7], $0x2FFFF;
	_ =	strace $0x9FFFFFFF  }
0xc2: {  	(tm) =	ssettm $0x7FFFFFFF  }
0xc3: {  	_ =	shalt  }
tec
execute0_lowered:
.L_overlay_start_1:
0x0: {  	(tag) =	ssettag $0x1  }
0x1: {  	s4 =	rddreg [dreg:$0x0]  }
0x2: {  	s1 =	rddreg [dreg:$0x1]  }
0x3: {  	s3 =	srdreg.scid;
	s0 =	rddreg [dreg:$0x2];
	s2 =	simm.s32 $0x0  }
0x4: {  	s8 =	simm.s32 $0x2000;
	s9 =	simm.s32 $0x0;
	s5 =	sand.u32 $0x1, s3  }
0x5: {  	[smem:$0x7FF] =	sst s2;
	s3 =	stileid.u32;
	s6 =	ssub.s32 $0x2, s5  }
0x6: {  	s4 =	sadd.s32 $0x5800, s4;
	_ =	strace $0x80000047;
	s7 =	sshrl.u32 s6, $0x1  }
0x7: {  	s31 =	sshll.u32 s3, $0x7;
	s5 =	sshll.u32 s5, $0x6;
	s6 =	ssub.s32 s6, s7  }
0x8: {  	v0 =	vlaneseq.u32;
	s5 =	sor.u32 s5, s31;
	s7 =	simm.s32 $0x1;
	s6 =	smax.u32 s6, $0x1  }
.LBB2_1:
0x9: {  	s10 =	simm.s32 $0x0  }
.LBB2_2:
0xa: {  	s11 =	sshll.u32 s10, $0x3  }
0xb: {  	s11 =	sadd.s32 s5, s11  }
0xc: {  	s12 =	sshll.u32 s11, $0x7  }
0xd: {  	s13 =	sadd.s32 s4, s12;
	s12 =	simm.s32 $0x0  }
0xe: {  	[tilespmem:s12], [sflag:$0x1] =	stream.linear.gather [hbm4b:s13+s12], $0x2000, $0x38;
	[tilespmem:$0x2400] =	vst v63  }
0xf: {  	_ =	swait.ge [sflag:s7], $0x2000  }
0x10: {  	[sflag:s7] =	ssyncset.done $0x0  }
0x11: {  	[sflag:s7] =	ssyncadd.s32 $0xFFFFE000  }
0x12: {  	v1 =	vld [tilespmem:s12+$0x0];
	_ =	sdelay $0x4  }
0x13: {  	vm0 =	vgt.s32 v1, $0x0  }
0x14: {  	s30 =	simm.s32 $0x0;
	vm1 =	vgt.s32 v1, $0xFFFFFFFF;
	v1 =	vnsel vm0, $0x0, v1  }
0x15: {  	v1 =	vadd.s32 s30, v1;
	_ =	sdelay $0x2  }
0x16: {  	s31 =	simm.s32 $0x0  }
0x17: {  	v2 =	vor.u32 s31, v0  }
0x18: {  	s13 =	simm.s32 $0x10;
	[tilespmem:v1+s8+$0x0] =	vst.idx.msk vm1, v2  }
0x19: {  	s14 =	simm.s32 $0x1;
	s15 =	simm.s32 $0x2;
	v1 =	vld [tilespmem:s13+$0x0]  }
.LBB2_3:
0x1a: {  	p0 =	sne.s32 s15, $0x1FF;
	_ =	sdelay $0x3  }
0x1b: {  	s16 =	sshrl.u32 s14, $0x6;
	s14 =	smov.u32 s15;
	vm0 =	vgt.s32 v1, $0x0  }
0x1c: {  	s17 =	sshll.u32 s16, $0x7;
	vm1 =	vgt.s32 v1, $0xFFFFFFFF;
	v1 =	vnsel vm0, $0x0, v1  }
0x1d: {  	v1 =	vadd.s32 s17, v1;
	_ =	sdelay $0x1  }
.Ltmp0:
0x1e: {  	s12 =	sadd.s32 $0x10, s12;
	s16 =	sshll.u32 s16, $0xA;
	(pc) =	sbr.rel @p0 .LBB2_3-.Ltmp0, $4  }
0x1f: {  	s16 =	ssub.s32 s12, s16  }
0x20: {  	v2 =	vor.u32 s16, v0  }
0x21: {  	s13 =	sadd.s32 $0x10, s13;
	[tilespmem:v1+s8+$0x0] =	vst.idx.msk vm1, v2  }
0x22: {  	s15 =	sadd.s32 $0x1, s15;
	v1 =	vld [tilespmem:s13+$0x0]  }
0x23: {  	_ =	sdelay $0x3  }
0x24: {  	s13 =	sshrl.u32 s14, $0x6;
	vm0 =	vgt.s32 v1, $0x0  }
0x25: {  	s14 =	sshll.u32 s13, $0x7;
	vm1 =	vgt.s32 v1, $0xFFFFFFFF;
	v1 =	vnsel vm0, $0x0, v1  }
0x26: {  	v1 =	vadd.s32 s14, v1;
	_ =	sdelay $0x1  }
0x27: {  	s12 =	sadd.s32 $0x10, s12;
	s13 =	sshll.u32 s13, $0xA  }
0x28: {  	s10 =	sadd.s32 $0x1, s10;
	s12 =	ssub.s32 s12, s13  }
0x29: {  	s11 =	sshll.u32 s11, $0x4;
	p0 =	sne.s32 s10, $0x8;
	v2 =	vor.u32 s12, v0  }
.Ltmp1:
0x2a: {  	s11 =	sadd.s32 s1, s11;
	[tilespmem:v1+s8+$0x0] =	vst.idx.msk vm1, v2;
	(pc) =	sbr.rel @p0 .LBB2_2-.Ltmp1, $4  }
0x2b: {  	[hbm4b:s11+s2] =	stream.linear.scatter [tilespmem:s8], [sflag:$0x1], $0x400, $0x38;
	[tilespmem:$0x2400] =	vst v63  }
0x2c: {  	_ =	swait.ge [sflag:s7], $0x400  }
0x2d: {  	[sflag:s7] =	ssyncset.done $0x0  }
0x2e: {  	[sflag:s7] =	ssyncadd.s32 $0xFFFFFC00  }
0x2f: {  	s9 =	sadd.s32 $0x1, s9  }
0x30: {  	p0 =	sne.s32 s9, s6  }
.Ltmp2:
0x31: {  	_ = 	snop;
	(pc) =	sbr.rel @p0 .LBB2_1-.Ltmp2, $1  }
0x32: {  	_ =	sdelay $0x3  }
0x33: {  	_ =	sfence.sel $0x180000  }
0x34: {  	[bflag:$0x0] =	sbarrier.arrive $0xFFFF  }
0x35: {  	p0 =	sne.s32 s3, $0x0;
	_ =	strace $0x90000047  }
0x36: {  	s0 =	sadd.s32 @!p0 $0x100000, s0;
	[bflag:$0x2] =	sbarrier.arrive $0xFFFF  }
0x37: {  	[sflag:s0] =	ssyncadd.tile.s32 @!p0 $0x1;
	_ =	shalt  }
.Lfunc_end2:
_tile_overlayer_lowered:
.L_overlay_start_2:
0x38: {  	(tag) =	ssettag $0x2  }
0x39: {  	s0 =	rddreg [dreg:$0x0];
	s2 =	stileid.u32  }
0x3a: {  	s1 =	rddreg [dreg:$0x1];
	p0 =	sne.s32 s2, $0x0  }
0x3b: {  	s3 =	rddreg [dreg:$0x2];
	[bflag:$0x3] =	sbarrier.arrive $0xFFFF;
	s2 =	simm.s32 @!p0 $0x1C01  }
0x3c: {  	[timem:s3], [sflag:s2] =	dma.local @!p0 [hbm:s0], s1  }
0x3d: {  	s0 =	simm.s32 @!p0 $0x1  }
0x3e: {  	_ =	swait.ge @!p0 [sflag:s0], s1  }
0x3f: {  	s1 =	ssub.s32 @!p0 $0x0, s1;
	[sflag:s0] =	ssyncset.done @!p0 $0x0  }
0x40: {  	[sflag:s0] =	ssyncadd.s32 @!p0 s1  }
0x41: {  	[bflag:$0x3] =	sbarrier.arrive $0xFFFF  }
0x42: {  	_ =	shalt  }

</sc_bundles>
